<compile_context>
chip_gen: v7x
topology: tpu7x:2x2x1
jax: 0.10.2.dev20260603
libtpu: 0.0.44.dev20260713+nightly
codegen_flags: <defaults>
</compile_context>

<pallas_src>
import jax
import jax.numpy as jnp
import numpy as _np
from jax import lax
from jax.experimental import pallas as pl
from jax.experimental.pallas import tpu as pltpu
from jax.experimental.pallas import tpu_sc as plsc

N = 50000
D = 128
R = 0.2
K = 64
C = 12500
H1 = 128
H2 = 128
EPS = 1e-5

_G = (N + 1023) // 1024
_NPAD = _G * 1024
_CROWS = (C + 127) // 128
_CPAD = _CROWS * 128
_BIG_I32 = 2**30


def _fps_body(pxyz_ref, out_ref, dists_ref):
    flat3 = (
        jax.lax.broadcasted_iota(jnp.int32, (_G, 8, 128), 0) * 1024
        + jax.lax.broadcasted_iota(jnp.int32, (_G, 8, 128), 1) * 128
        + jax.lax.broadcasted_iota(jnp.int32, (_G, 8, 128), 2)
    )
    dists_ref[...] = jnp.where(flat3 < N, jnp.inf, -jnp.inf).astype(jnp.float32)

    def body(i, carry):
        last, rowv = carry
        g = last // 1024
        s = (last // 128) % 8
        l = last % 128
        tile = pxyz_ref[:, pl.ds(g, 1)]
        s_io = jax.lax.broadcasted_iota(jnp.int32, (1, 8, 128), 1)
        l_io = jax.lax.broadcasted_iota(jnp.int32, (1, 8, 128), 2)
        sel = jnp.logical_and(s_io == s, l_io == l)
        lx = jnp.sum(jnp.where(sel, tile[0], 0.0))
        ly = jnp.sum(jnp.where(sel, tile[1], 0.0))
        lz = jnp.sum(jnp.where(sel, tile[2], 0.0))
        vmax = jnp.full((1, 8, 128), -jnp.inf, jnp.float32)
        vpl = jnp.zeros((1, 8, 128), jnp.int32)
        for gg in range(_G):
            dx = pxyz_ref[0, pl.ds(gg, 1)] - lx
            dy = pxyz_ref[1, pl.ds(gg, 1)] - ly
            dz = pxyz_ref[2, pl.ds(gg, 1)] - lz
            d = (dx * dx + dz * dz) + dy * dy
            nd = jnp.minimum(dists_ref[pl.ds(gg, 1)], d)
            dists_ref[pl.ds(gg, 1)] = nd
            upd = nd > vmax
            vmax = jnp.where(upd, nd, vmax)
            vpl = jnp.where(upd, gg, vpl)
        m = jnp.max(vmax)
        slot_flat = s_io * 128 + l_io
        nxt = jnp.min(jnp.where(vmax == m, vpl * 1024 + slot_flat, _BIG_I32))
        lane = i % 128
        rowv = jnp.where(lax.broadcasted_iota(jnp.int32, (1, 128), 1) == lane,
                         nxt, rowv)

        @pl.when(lane == 127)
        def _():
            out_ref[pl.ds(i // 128, 1), :] = rowv

        return nxt, rowv

    _, rowv = jax.lax.fori_loop(
        1, C, body, (jnp.int32(0), jnp.zeros((1, 128), jnp.int32)))
    out_ref[pl.ds(_CROWS - 1, 1), :] = rowv


def _fps_pallas(pos):
    pad = jnp.full((_NPAD - N, 3), 30.0, jnp.float32)
    pxyz = jnp.concatenate([pos, pad], axis=0).T.reshape(3, _G, 8, 128)
    out = pl.pallas_call(
        _fps_body,
        out_shape=jax.ShapeDtypeStruct((_CROWS, 128), jnp.int32),
        scratch_shapes=[pltpu.VMEM((_G, 8, 128), jnp.float32)],
    )(pxyz)
    return out.reshape(_CPAD)[:C]


_NSC = 32
_CPER = 392
_CPAD2 = _NSC * _CPER
_PCH = 12544
_NPAD3 = 4 * _PCH
_GC = 8
_CAPC = 4096
_NBB = 1024
_RR = float(_np.float32(0.2) * _np.float32(0.2))
_INF = float("inf")


def _ilist(x):
    return [x]


def _bq_body(px_h, py_h, pz_h, cx_h, cy_h, cz_h, oidx_h, ocnt_h,
             pxb, pyb, pzb, cbx, cby, cbz, cand_d, cand_i, cntb,
             hist, cum, bbd, bbi, orow, ocb):
    wid = lax.axis_index("s") * 2 + lax.axis_index("c")
    cbase = wid * _CPER
    pltpu.sync_copy(cx_h.at[pl.ds(cbase, _CPER)], cbx)
    pltpu.sync_copy(cy_h.at[pl.ds(cbase, _CPER)], cby)
    pltpu.sync_copy(cz_h.at[pl.ds(cbase, _CPER)], cbz)
    l16 = lax.iota(jnp.int32, 16)
    lane0 = l16 == 0
    zero16 = jnp.zeros((16,), jnp.int32)

    def splat_load(ref, i):
        return plsc.load_gather(ref, _ilist(zero16 + i))

    def group_loop(g, _):
        cntb[pl.ds(0, 16)] = zero16

        def chunk_loop(ch, _):
            off = ch * _PCH
            pltpu.sync_copy(px_h.at[pl.ds(off, _PCH)], pxb)
            pltpu.sync_copy(py_h.at[pl.ds(off, _PCH)], pyb)
            pltpu.sync_copy(pz_h.at[pl.ds(off, _PCH)], pzb)

            def cent_loop(cc, _):
                cl = g * _GC + cc
                cxv = splat_load(cbx, cl)
                cyv = splat_load(cby, cl)
                czv = splat_load(cbz, cl)
                cnt0 = splat_load(cntb, cc)

                def vec_loop(j, cnt):
                    ds_ = []
                    ms_ = []
                    pcs = []
                    for u in range(16):
                        b = j * 256 + u * 16
                        dx = pxb[pl.ds(b, 16)] - cxv
                        dy = pyb[pl.ds(b, 16)] - cyv
                        dz = pzb[pl.ds(b, 16)] - czv
                        d = (dx * dx + dz * dz) + dy * dy
                        m = d <= _RR
                        ds_.append(d)
                        ms_.append(m)
                        pcs.append(plsc.cumsum(m.astype(jnp.int32)))
                    for u in range(16):
                        b = j * 256 + u * 16
                        pos = jnp.minimum(cnt + pcs[u] - 1, _CAPC - 1) + cc * _CAPC
                        pid = off + b + l16
                        plsc.store_scatter(cand_d, _ilist(pos), ds_[u], mask=ms_[u])
                        plsc.store_scatter(cand_i, _ilist(pos), pid, mask=ms_[u])
                        cnt = cnt + plsc.all_reduce_population_count(ms_[u])
                    return cnt

                cnt = lax.fori_loop(0, _PCH // 256, vec_loop, cnt0)
                plsc.store_scatter(cntb, _ilist(zero16 + cc), cnt,
                                   mask=lane0)
                return 0

            lax.fori_loop(0, _GC, cent_loop, 0)
            return 0

        lax.fori_loop(0, 4, chunk_loop, 0)

        def select_loop(cc, _):
            cl = g * _GC + cc
            total = jnp.minimum(jnp.max(splat_load(cntb, cc)), _CAPC)
            nv = (total + 15) // 16
            cb = cc * _CAPC

            def hclr(k, _):
                hist[pl.ds(k * 16, 16)] = zero16
                return 0

            lax.fori_loop(0, 16, hclr, 0)

            def hsweep(j, _):
                b = cb + j * 16
                lm = (j * 16 + l16) < total
                d = jnp.where(lm, cand_d[pl.ds(b, 16)], 0.0)
                bk = jnp.minimum((d * 6400.0).astype(jnp.int32), 255)
                plsc.addupdate_scatter(hist, _ilist(bk),
                                       jnp.where(lm, 1, 0), mask=lm)
                return 0

            lax.fori_loop(0, nv, hsweep, 0)

            def csum(k, carry):
                s = plsc.cumsum(hist[pl.ds(k * 16, 16)]) + carry
                cum[pl.ds(k * 16, 16)] = s
                return jnp.max(s)

            lax.fori_loop(0, 16, csum, jnp.int32(0))

            def bstar_loop(k, carry):
                bs, lo = carry
                cv = cum[pl.ds(k * 16, 16)]
                bio = k * 16 + l16
                bs = jnp.minimum(bs, jnp.min(jnp.where(cv >= K, bio, 1024)))
                lo = jnp.maximum(lo, jnp.max(jnp.where(cv < K, cv, 0)))
                return bs, lo

            bstar, lo = lax.fori_loop(0, 16, bstar_loop,
                                      (jnp.int32(1024), jnp.int32(0)))
            need = jnp.where(bstar < 1024, K - lo, 0)

            def oclr(k, _):
                orow[pl.ds(k * 16, 16)] = zero16
                return 0

            lax.fori_loop(0, K // 16, oclr, 0)

            def ssweep(j, carry):
                osel, bbc = carry
                b = cb + j * 16
                lm = (j * 16 + l16) < total
                d = jnp.where(lm, cand_d[pl.ds(b, 16)], _INF)
                pid = cand_i[pl.ds(b, 16)]
                bk = jnp.minimum((d * 6400.0).astype(jnp.int32), 255)
                sm = lm & (bk < bstar)
                pc = plsc.cumsum(sm.astype(jnp.int32))
                pos = jnp.minimum(osel + pc - 1, K - 1)
                plsc.store_scatter(orow, _ilist(pos), pid, mask=sm)
                osel = osel + plsc.all_reduce_population_count(sm)
                bm = lm & (bk == bstar)
                pc2 = plsc.cumsum(bm.astype(jnp.int32))
                pos2 = jnp.minimum(bbc + pc2 - 1, _NBB - 1)
                plsc.store_scatter(bbd, _ilist(pos2), d, mask=bm)
                plsc.store_scatter(bbi, _ilist(pos2), pid, mask=bm)
                bbc = bbc + plsc.all_reduce_population_count(bm)
                return osel, bbc

            osel, bbc = lax.fori_loop(0, nv, ssweep, (zero16, zero16))
            nb = jnp.minimum(jnp.max(bbc), _NBB)
            nbv = (nb + 15) // 16

            def extract(_, osel):
                def minp(j, ms):
                    lm = (j * 16 + l16) < nb
                    v = jnp.where(lm, bbd[pl.ds(j * 16, 16)], _INF)
                    return jnp.minimum(ms, jnp.min(v))

                ms = lax.fori_loop(0, nbv, minp, jnp.float32(_INF))

                def idxp(j, ix):
                    lm = (j * 16 + l16) < nb
                    v = bbd[pl.ds(j * 16, 16)]
                    pid = bbi[pl.ds(j * 16, 16)]
                    sel = lm & (v == ms)
                    return jnp.minimum(ix, jnp.min(jnp.where(sel, pid, _BIG_I32)))

                ix = lax.fori_loop(0, nbv, idxp, jnp.int32(_BIG_I32))

                def markp(j, _):
                    b = j * 16
                    v = bbd[pl.ds(b, 16)]
                    pid = bbi[pl.ds(b, 16)]
                    hit = (v == ms) & (pid == ix)
                    bbd[pl.ds(b, 16)] = jnp.where(hit, _INF, v)
                    return 0

                lax.fori_loop(0, nbv, markp, 0)
                plsc.store_scatter(orow, _ilist(jnp.minimum(osel, K - 1)),
                                   zero16 + ix, mask=lane0)
                return osel + 1

            osel = lax.fori_loop(0, need, extract, osel)
            pltpu.sync_copy(orow, oidx_h.at[pl.ds((cbase + cl) * K, K)])
            plsc.store_scatter(ocb, _ilist(zero16 + cl),
                               jnp.minimum(osel, K), mask=lane0)
            return 0

        lax.fori_loop(0, _GC, select_loop, 0)
        return 0

    lax.fori_loop(0, _CPER // _GC, group_loop, 0)
    pltpu.sync_copy(ocb, ocnt_h.at[pl.ds(cbase, _CPER)])


def _ball_query_flat(pos, cpos):
    ppad = jnp.full((_NPAD3 - N,), 30.0, jnp.float32)
    px = jnp.concatenate([pos[:, 0], ppad])
    py = jnp.concatenate([pos[:, 1], ppad])
    pz = jnp.concatenate([pos[:, 2], ppad])
    cpad = jnp.full((_CPAD2 - C,), 50.0, jnp.float32)
    cx = jnp.concatenate([cpos[:, 0], cpad])
    cy = jnp.concatenate([cpos[:, 1], cpad])
    cz = jnp.concatenate([cpos[:, 2], cpad])
    mesh = plsc.VectorSubcoreMesh(
        core_axis_name="c", subcore_axis_name="s", num_cores=2, num_subcores=16
    )
    oidx, ocnt = pl.kernel(
        _bq_body,
        out_type=[
            jax.ShapeDtypeStruct((_CPAD2 * K,), jnp.int32),
            jax.ShapeDtypeStruct((_CPAD2,), jnp.int32),
        ],
        mesh=mesh,
        compiler_params=pltpu.CompilerParams(needs_layout_passes=False),
        scratch_types=[
            pltpu.VMEM((_PCH,), jnp.float32),
            pltpu.VMEM((_PCH,), jnp.float32),
            pltpu.VMEM((_PCH,), jnp.float32),
            pltpu.VMEM((_CPER,), jnp.float32),
            pltpu.VMEM((_CPER,), jnp.float32),
            pltpu.VMEM((_CPER,), jnp.float32),
            pltpu.VMEM((_GC * _CAPC,), jnp.float32),
            pltpu.VMEM((_GC * _CAPC,), jnp.int32),
            pltpu.VMEM((16,), jnp.int32),
            pltpu.VMEM((256,), jnp.int32),
            pltpu.VMEM((256,), jnp.int32),
            pltpu.VMEM((_NBB,), jnp.float32),
            pltpu.VMEM((_NBB,), jnp.int32),
            pltpu.VMEM((K,), jnp.int32),
            pltpu.VMEM((_CPER,), jnp.int32),
        ],
    )(px, py, pz, cx, cy, cz)
    return oidx, ocnt


_MROWS = 50176
_E = _CPAD2 * K
_EB = 784
_EPER = _E // _NSC


def _m1_body(xp_ref, w_ref, o_ref):
    o_ref[...] = jnp.dot(xp_ref[...], w_ref[...],
                         preferred_element_type=jnp.float32)


def _xw_pallas(x, pos, cpos_pad, W1):
    xp = jnp.concatenate([x, pos], axis=1)
    xp = jnp.pad(xp, ((0, _MROWS - N), (0, 5)))
    cp = jnp.pad(cpos_pad, ((0, 0), (D, 5)))
    allrows = jnp.concatenate([xp, cp], axis=0)
    w = jnp.pad(W1, ((0, 5), (0, 0)))
    nb = (_MROWS + _CPAD2) // 256
    out = pl.pallas_call(
        _m1_body,
        grid=(nb,),
        in_specs=[
            pl.BlockSpec((256, 136), lambda i: (i, 0)),
            pl.BlockSpec((136, H1), lambda i: (0, 0)),
        ],
        out_specs=pl.BlockSpec((256, H1), lambda i: (i, 0)),
        out_shape=jax.ShapeDtypeStruct((_MROWS + _CPAD2, H1), jnp.float32),
    )(allrows, w)
    return out[:_MROWS], out[_MROWS:]


def _gather_body(xw_h, idx_h, g_h, idxb, rowsb, sem):
    wid = lax.axis_index("s") * 2 + lax.axis_index("c")
    base = wid * _EPER

    def step(t, _):
        r0 = base + t * 128
        pltpu.sync_copy(idx_h.at[pl.ds(r0, 128)], idxb)
        pltpu.async_copy(xw_h.at[idxb], rowsb, sem).wait()
        pltpu.sync_copy(rowsb, g_h.at[pl.ds(r0, 128)])
        return 0

    lax.fori_loop(0, _EPER // 128, step, 0)


def _gather_sc(xw, nbr_flat):
    mesh = plsc.VectorSubcoreMesh(
        core_axis_name="c", subcore_axis_name="s", num_cores=2, num_subcores=16
    )
    return pl.kernel(
        _gather_body,
        out_type=[jax.ShapeDtypeStruct((_E, H1), jnp.float32)],
        mesh=mesh,
        compiler_params=pltpu.CompilerParams(needs_layout_passes=False),
        scratch_types=[
            pltpu.VMEM((128,), jnp.int32),
            pltpu.VMEM((128, H1), jnp.float32),
            pltpu.SemaphoreType.DMA,
        ],
    )(xw, nbr_flat)[0]


def _stats1_body(g_ref, cw_ref, cnt_ref, o_ref):
    i = pl.program_id(0)

    @pl.when(i == 0)
    def _():
        o_ref[...] = jnp.zeros((8, H1), jnp.float32)

    h1 = g_ref[...] - cw_ref[...][:, None, :]
    k_io = jax.lax.broadcasted_iota(jnp.int32, (16, K, H1), 1)
    mf = jnp.where(k_io < cnt_ref[...].astype(jnp.int32)[:, None, :], 1.0, 0.0)
    hm = h1 * mf
    s = jnp.sum(hm, axis=(0, 1)).reshape(1, H1)
    sq = jnp.sum(hm * h1, axis=(0, 1)).reshape(1, H1)
    c = jnp.sum(mf, axis=(0, 1)).reshape(1, H1)
    o_ref[pl.ds(0, 1), :] += s
    o_ref[pl.ds(1, 1), :] += sq
    o_ref[pl.ds(2, 1), :] += c


def _layer1_body(g_ref, cw_ref, cnt_ref, st_ref, w2_ref, gb_ref, h2_ref, o_ref):
    i = pl.program_id(0)

    @pl.when(i == 0)
    def _():
        o_ref[...] = jnp.zeros((8, H1), jnp.float32)

    cnt = jnp.maximum(st_ref[pl.ds(2, 1), :], 1.0)
    mean = st_ref[pl.ds(0, 1), :] / cnt
    var = st_ref[pl.ds(1, 1), :] / cnt - mean * mean
    inv = 1.0 / jnp.sqrt(var + EPS)
    h1 = g_ref[...] - cw_ref[...][:, None, :]
    hn = (h1 - mean[None]) * inv[None]
    hr = jnp.maximum(hn * gb_ref[pl.ds(0, 1), :][None] + gb_ref[pl.ds(1, 1), :][None], 0.0)
    h2 = jnp.dot(hr.reshape(16 * K, H1), w2_ref[...],
                 preferred_element_type=jnp.float32).reshape(16, K, H2)
    h2_ref[...] = h2
    k_io = jax.lax.broadcasted_iota(jnp.int32, (16, K, H2), 1)
    mf = jnp.where(k_io < cnt_ref[...].astype(jnp.int32)[:, None, :], 1.0, 0.0)
    hm = h2 * mf
    o_ref[pl.ds(0, 1), :] += jnp.sum(hm, axis=(0, 1)).reshape(1, H2)
    o_ref[pl.ds(1, 1), :] += jnp.sum(hm * h2, axis=(0, 1)).reshape(1, H2)


def _layer2_body(h2_ref, cnt_ref, st_ref, gb_ref, o_ref):
    cnt = jnp.maximum(st_ref[pl.ds(2, 1), :], 1.0)
    mean = st_ref[pl.ds(0, 1), :] / cnt
    var = st_ref[pl.ds(1, 1), :] / cnt - mean * mean
    inv = 1.0 / jnp.sqrt(var + EPS)
    hn = (h2_ref[...] - mean[None]) * inv[None]
    hr = jnp.maximum(hn * gb_ref[pl.ds(0, 1), :][None] + gb_ref[pl.ds(1, 1), :][None], 0.0)
    k_io = jax.lax.broadcasted_iota(jnp.int32, (16, K, H2), 1)
    msk = k_io < cnt_ref[...].astype(jnp.int32)[:, None, :]
    o_ref[...] = jnp.max(jnp.where(msk, hr, -jnp.inf), axis=1)


def _mlp_pallas(x, pos, cpos_pad, nbr_flat, cnt_pad, W1, g1, b1, W2, g2, b2):
    xw, cw = _xw_pallas(x, pos, cpos_pad, W1)
    g = _gather_sc(xw, nbr_flat)
    g3 = g.reshape(_CPAD2, K, H1)
    cntf = jnp.broadcast_to(cnt_pad.astype(jnp.float32)[:, None], (_CPAD2, H1))
    gb1 = jnp.stack([g1, b1])
    gb2 = jnp.stack([g2, b2])
    st1 = pl.pallas_call(
        _stats1_body,
        grid=(_EB,),
        in_specs=[
            pl.BlockSpec((16, K, H1), lambda i: (i, 0, 0)),
            pl.BlockSpec((16, H1), lambda i: (i, 0)),
            pl.BlockSpec((16, H1), lambda i: (i, 0)),
        ],
        out_specs=pl.BlockSpec((8, H1), lambda i: (0, 0)),
        out_shape=jax.ShapeDtypeStruct((8, H1), jnp.float32),
    )(g3, cw, cntf)
    h2, st2p = pl.pallas_call(
        _layer1_body,
        grid=(_EB,),
        in_specs=[
            pl.BlockSpec((16, K, H1), lambda i: (i, 0, 0)),
            pl.BlockSpec((16, H1), lambda i: (i, 0)),
            pl.BlockSpec((16, H1), lambda i: (i, 0)),
            pl.BlockSpec((8, H1), lambda i: (0, 0)),
            pl.BlockSpec((H1, H2), lambda i: (0, 0)),
            pl.BlockSpec((2, H1), lambda i: (0, 0)),
        ],
        out_specs=[
            pl.BlockSpec((16, K, H2), lambda i: (i, 0, 0)),
            pl.BlockSpec((8, H2), lambda i: (0, 0)),
        ],
        out_shape=[
            jax.ShapeDtypeStruct((_CPAD2, K, H2), jnp.float32),
            jax.ShapeDtypeStruct((8, H2), jnp.float32),
        ],
    )(g3, cw, cntf, st1, W2, gb1)
    st2 = jnp.concatenate([st2p[:2], st1[2:3]], axis=0)
    st2 = jnp.pad(st2, ((0, 5), (0, 0)))
    out = pl.pallas_call(
        _layer2_body,
        grid=(_EB,),
        in_specs=[
            pl.BlockSpec((16, K, H2), lambda i: (i, 0, 0)),
            pl.BlockSpec((16, H2), lambda i: (i, 0)),
            pl.BlockSpec((8, H2), lambda i: (0, 0)),
            pl.BlockSpec((2, H2), lambda i: (0, 0)),
        ],
        out_specs=pl.BlockSpec((16, H2), lambda i: (i, 0)),
        out_shape=jax.ShapeDtypeStruct((_CPAD2, H2), jnp.float32),
    )(h2, cntf, st2, gb2)
    return out


def kernel(x, pos, batch, W1, g1, b1, W2, g2, b2):
    idx = _fps_pallas(pos)
    cpos = pos[idx]
    nbr_flat, cnt_pad = _ball_query_flat(pos, cpos)
    cpos_pad = jnp.pad(cpos, ((0, _CPAD2 - C), (0, 0)))
    out = _mlp_pallas(x, pos, cpos_pad, nbr_flat, cnt_pad,
                      W1, g1, b1, W2, g2, b2)
    return out[:C], cpos, batch[idx]

# --- scband reference (transcript-rebuilt; emitter-appended) ---
"""Pipeline reference for scband-set-abstraction-8323646619921 (READ-ONLY COPY).

The authoritative reference and input builder live on the scoring server;
editing this copy changes nothing except your own understanding.
"""

import jax, jax.numpy as jnp
import numpy as np

N = 50000
D = 128
RATIO = 0.25
R = 0.2
K = 64
C = int(RATIO * N)
CHUNK = 250
H1 = 128
H2 = 128
EPS = 1e-5


def fps(pos, n_sample):
    n = pos.shape[0]
    dists = jnp.full((n,), jnp.inf, dtype=jnp.float32)
    idxs = jnp.zeros((n_sample,), dtype=jnp.int32)

    def body(i, carry):
        idxs, dists = carry
        last = pos[idxs[i - 1]]
        d = jnp.sum((pos - last) ** 2, axis=-1)
        dists = jnp.minimum(dists, d)
        nxt = jnp.argmax(dists).astype(jnp.int32)
        idxs = idxs.at[i].set(nxt)
        return (idxs, dists)

    idxs, _ = jax.lax.fori_loop(1, n_sample, body, (idxs, dists))
    return idxs


def radius_neighbors(pos, cpos, r, k):
    c = cpos.shape[0]

    def per_chunk(cp):
        d = jnp.sum((cp[:, None, :] - pos[None, :, :]) ** 2, axis=-1)
        dm = jnp.where(d <= r * r, d, jnp.inf)
        negv, idx = jax.lax.top_k(-dm, k)
        mask = negv > -jnp.inf
        idx = jnp.where(mask, idx, 0)
        return idx, mask

    cps = cpos.reshape(c // CHUNK, CHUNK, 3)
    idx, mask = jax.lax.map(per_chunk, cps)
    return idx.reshape(c, k), mask.reshape(c, k)


def bn_relu(h, gamma, beta, w):
    # BatchNorm1d in training mode: batch statistics over actual edges only
    cnt = jnp.maximum(jnp.sum(w), 1.0)
    mean = jnp.sum(h * w[:, None], axis=0) / cnt
    var = jnp.sum(((h - mean) ** 2) * w[:, None], axis=0) / cnt
    hn = (h - mean) / jnp.sqrt(var + EPS)
    return jax.nn.relu(hn * gamma + beta)


def setup_inputs(seed: int = 0):
    key = jax.random.key(seed)
    k1, k2, k3, k4 = jax.random.split(key, 4)
    x = jax.random.normal(k1, (N, D), dtype=jnp.float32)
    pos = jax.random.uniform(k2, (N, 3), dtype=jnp.float32)
    batch = jnp.zeros((N,), dtype=jnp.int32)
    W1 = jax.random.normal(k3, (D + 3, H1), dtype=jnp.float32) * 0.05
    W2 = jax.random.normal(k4, (H1, H2), dtype=jnp.float32) * 0.05
    g1 = jnp.ones((H1,), jnp.float32)
    b1 = jnp.zeros((H1,), jnp.float32)
    g2 = jnp.ones((H2,), jnp.float32)
    b2 = jnp.zeros((H2,), jnp.float32)
    return {"x": x, "pos": pos, "batch": batch, "W1": W1, "g1": g1, "b1": b1, "W2": W2, "g2": g2, "b2": b2}


def reference(x, pos, batch, W1, g1, b1, W2, g2, b2):
    idx = fps(pos, C)
    cpos = pos[idx]
    nbr_idx, nbr_mask = radius_neighbors(pos, cpos, R, K)
    # PointNetConv message: local_nn(concat([x_j, pos_j - pos_i])), max aggregation
    x_j = x[nbr_idx]                       # [C, K, D] gather
    rel = pos[nbr_idx] - cpos[:, None, :]  # [C, K, 3]
    msg = jnp.concatenate([x_j, rel], axis=-1).reshape(C * K, D + 3)
    mflat = nbr_mask.reshape(C * K).astype(jnp.float32)
    h = bn_relu(msg @ W1, g1, b1, mflat)
    h = bn_relu(h @ W2, g2, b2, mflat)
    h = h.reshape(C, K, H2)
    out = jnp.max(jnp.where(nbr_mask[:, :, None], h, -jnp.inf), axis=1)
    return out, cpos, batch[idx]

if __name__ == "__main__":
    import jax
    _d = setup_inputs()
    print(jax.jit(kernel)(*tuple(_d.values())))

</pallas_src>

<mosaic_0001>
#map = affine_map<(d0, d1) -> (0, 0)>
#map1 = affine_map<(d0, d1) -> (0)>
module attributes {stable_mosaic.version = 14 : i64} {
  func.func @_gather_body(%arg0: i32, %arg1: i32, %arg2: memref<50176x128xf32, #tpu.memory_space<hbm>>, %arg3: memref<802816xi32, #tpu.memory_space<hbm>>, %arg4: memref<802816x128xf32, #tpu.memory_space<hbm>>, %arg5: memref<128xi32, #tpu.memory_space<vmem>>, %arg6: memref<128x128xf32, #tpu.memory_space<vmem>>, %arg7: memref<!tpu.dma_semaphore, #tpu.memory_space<semaphore_mem>>) attributes {dimension_semantics = [#tpu.dimension_semantics<core_parallel>, #tpu.dimension_semantics<subcore_parallel>], iteration_bounds = array<i64: 2, 16>, scalar_prefetch = 0 : i64, scratch_operands = 3 : i64, tpu.core_type = #tpu.core_type<sc_vector_subcore>, window_params = [{transform_indices = #map}, {transform_indices = #map1}, {transform_indices = #map}]} {
    %mul3A = arith.constant 2 : i32
    %mul3A_0 = arith.muli %arg1, %mul3A : i32
    %add3A = arith.addi %mul3A_0, %arg0 : i32
    %mul3A_1 = arith.constant 25088 : i32
    %mul3A_2 = arith.muli %add3A, %mul3A_1 : i32
    %scan3A = arith.constant 0 : i32
    %scan3A_3 = arith.constant 0 : i32
    %scan3A_4 = arith.constant 196 : i32
    %scan3A_5 = arith.addi %scan3A_3, %scan3A_4 : i32
    %scan3A_6 = arith.constant 1 : i32
    %scan3A_7 = scf.for %scan3A_9 = %scan3A_3 to %scan3A_5 step %scan3A_6 iter_args(%scan3A_10 = %scan3A) -> (i32)  : i32 {
      %mul3A_11 = arith.constant 128 : i32
      %mul3A_12 = arith.muli %scan3A_9, %mul3A_11 : i32
      %add3A_13 = arith.addi %mul3A_2, %mul3A_12 : i32
      "tpu.region"() ({
        %run_scoped3A = tpu.sem_alloc : memref<!tpu.dma_semaphore, #tpu.memory_space<semaphore_mem>>
        %dma_start3A_19 = tpu.memref_slice %arg3[%add3A_13] : memref<802816xi32, #tpu.memory_space<hbm>> -> memref<128xi32, #tpu.memory_space<hbm>>
        %dma_start3A_20 = tpu.memref_slice %arg3[%add3A_13] : memref<802816xi32, #tpu.memory_space<hbm>> -> memref<128xi32, #tpu.memory_space<hbm>>
        tpu.enqueue_dma source(%dma_start3A_20 : memref<128xi32, #tpu.memory_space<hbm>>) target(%arg5 : memref<128xi32, #tpu.memory_space<vmem>>) target_semaphore(%run_scoped3A : memref<!tpu.dma_semaphore, #tpu.memory_space<semaphore_mem>>)
        %dma_wait3A_21 = tpu.memref_slice %arg3[%add3A_13] : memref<802816xi32, #tpu.memory_space<hbm>> -> memref<128xi32, #tpu.memory_space<hbm>>
        %dma_wait3A_22 = tpu.memref_slice %arg3[%add3A_13] : memref<802816xi32, #tpu.memory_space<hbm>> -> memref<128xi32, #tpu.memory_space<hbm>>
        tpu.wait_dma2 semaphore(%run_scoped3A : memref<!tpu.dma_semaphore, #tpu.memory_space<semaphore_mem>>) src(%dma_wait3A_22 : memref<128xi32, #tpu.memory_space<hbm>>) dst(%arg5 : memref<128xi32, #tpu.memory_space<vmem>>)
        tpu.yield
      }) : () -> ()
      %dma_start3A = arith.constant 0 : i32
      %dma_start3A_14 = arith.constant 0 : i32
      %dma_start3A_15 = tpu.memref_slice %arg2[%dma_start3A, %dma_start3A_14] : memref<50176x128xf32, #tpu.memory_space<hbm>> -> memref<50176x128xf32, #tpu.memory_space<hbm>>
      tpu.enqueue_indirect_dma source(%dma_start3A_15 : memref<50176x128xf32, #tpu.memory_space<hbm>>) target(%arg6 : memref<128x128xf32, #tpu.memory_space<vmem>>) offsets(%arg5 : memref<128xi32, #tpu.memory_space<vmem>>) semaphore(%arg7 : memref<!tpu.dma_semaphore, #tpu.memory_space<semaphore_mem>>)
      %dma_wait3A = arith.constant 0 : i32
      %dma_wait3A_16 = arith.constant 0 : i32
      %dma_wait3A_17 = tpu.memref_slice %arg2[%dma_wait3A, %dma_wait3A_16] : memref<50176x128xf32, #tpu.memory_space<hbm>> -> memref<50176x128xf32, #tpu.memory_space<hbm>>
      tpu.wait_indirect_dma semaphore(%arg7 : memref<!tpu.dma_semaphore, #tpu.memory_space<semaphore_mem>>) src(%dma_wait3A_17 : memref<50176x128xf32, #tpu.memory_space<hbm>>) dst(%arg6 : memref<128x128xf32, #tpu.memory_space<vmem>>)
      "tpu.region"() ({
        %run_scoped3A = tpu.sem_alloc : memref<!tpu.dma_semaphore, #tpu.memory_space<semaphore_mem>>
        %dma_start3A_19 = arith.constant 0 : i32
        %dma_start3A_20 = tpu.memref_slice %arg4[%add3A_13, %dma_start3A_19] : memref<802816x128xf32, #tpu.memory_space<hbm>> -> memref<128x128xf32, #tpu.memory_space<hbm>>
        %dma_start3A_21 = arith.constant 0 : i32
        %dma_start3A_22 = tpu.memref_slice %arg4[%add3A_13, %dma_start3A_21] : memref<802816x128xf32, #tpu.memory_space<hbm>> -> memref<128x128xf32, #tpu.memory_space<hbm>>
        tpu.enqueue_dma source(%arg6 : memref<128x128xf32, #tpu.memory_space<vmem>>) target(%dma_start3A_22 : memref<128x128xf32, #tpu.memory_space<hbm>>) target_semaphore(%run_scoped3A : memref<!tpu.dma_semaphore, #tpu.memory_space<semaphore_mem>>)
        %dma_wait3A_23 = arith.constant 0 : i32
        %dma_wait3A_24 = tpu.memref_slice %arg4[%add3A_13, %dma_wait3A_23] : memref<802816x128xf32, #tpu.memory_space<hbm>> -> memref<128x128xf32, #tpu.memory_space<hbm>>
        %dma_wait3A_25 = arith.constant 0 : i32
        %dma_wait3A_26 = tpu.memref_slice %arg4[%add3A_13, %dma_wait3A_25] : memref<802816x128xf32, #tpu.memory_space<hbm>> -> memref<128x128xf32, #tpu.memory_space<hbm>>
        tpu.wait_dma2 semaphore(%run_scoped3A : memref<!tpu.dma_semaphore, #tpu.memory_space<semaphore_mem>>) src(%arg6 : memref<128x128xf32, #tpu.memory_space<vmem>>) dst(%dma_wait3A_26 : memref<128x128xf32, #tpu.memory_space<hbm>>)
        tpu.yield
      }) : () -> ()
      %scan3A_18 = arith.constant 0 : i32
      scf.yield %scan3A_18 : i32
    }
    %scan3A_8 = arith.constant 196 : i32
    return
  }
}

#map = affine_map<(d0, d1) -> (0)>
module attributes {stable_mosaic.version = 14 : i64} {
  func.func @_bq_body(%arg0: i32, %arg1: i32, %arg2: memref<50176xf32, #tpu.memory_space<hbm>>, %arg3: memref<50176xf32, #tpu.memory_space<hbm>>, %arg4: memref<50176xf32, #tpu.memory_space<hbm>>, %arg5: memref<12544xf32, #tpu.memory_space<hbm>>, %arg6: memref<12544xf32, #tpu.memory_space<hbm>>, %arg7: memref<12544xf32, #tpu.memory_space<hbm>>, %arg8: memref<802816xi32, #tpu.memory_space<hbm>>, %arg9: memref<12544xi32, #tpu.memory_space<hbm>>, %arg10: memref<12544xf32, #tpu.memory_space<vmem>>, %arg11: memref<12544xf32, #tpu.memory_space<vmem>>, %arg12: memref<12544xf32, #tpu.memory_space<vmem>>, %arg13: memref<392xf32, #tpu.memory_space<vmem>>, %arg14: memref<392xf32, #tpu.memory_space<vmem>>, %arg15: memref<392xf32, #tpu.memory_space<vmem>>, %arg16: memref<32768xf32, #tpu.memory_space<vmem>>, %arg17: memref<32768xi32, #tpu.memory_space<vmem>>, %arg18: memref<16xi32, #tpu.memory_space<vmem>>, %arg19: memref<256xi32, #tpu.memory_space<vmem>>, %arg20: memref<256xi32, #tpu.memory_space<vmem>>, %arg21: memref<1024xf32, #tpu.memory_space<vmem>>, %arg22: memref<1024xi32, #tpu.memory_space<vmem>>, %arg23: memref<64xi32, #tpu.memory_space<vmem>>, %arg24: memref<392xi32, #tpu.memory_space<vmem>>) attributes {dimension_semantics = [#tpu.dimension_semantics<core_parallel>, #tpu.dimension_semantics<subcore_parallel>], iteration_bounds = array<i64: 2, 16>, scalar_prefetch = 0 : i64, scratch_operands = 15 : i64, tpu.core_type = #tpu.core_type<sc_vector_subcore>, window_params = [{transform_indices = #map}, {transform_indices = #map}, {transform_indices = #map}, {transform_indices = #map}, {transform_indices = #map}, {transform_indices = #map}, {transform_indices = #map}, {transform_indices = #map}]} {
    %mul3A = arith.constant 2 : i32
    %mul3A_0 = arith.muli %arg1, %mul3A : i32
    %add3A = arith.addi %mul3A_0, %arg0 : i32
    %mul3A_1 = arith.constant 392 : i32
    %mul3A_2 = arith.muli %add3A, %mul3A_1 : i32
    "tpu.region"() ({
      %run_scoped3A = tpu.sem_alloc : memref<!tpu.dma_semaphore, #tpu.memory_space<semaphore_mem>>
      %dma_start3A = tpu.memref_slice %arg5[%mul3A_2] : memref<12544xf32, #tpu.memory_space<hbm>> -> memref<392xf32, #tpu.memory_space<hbm>>
      %dma_start3A_12 = tpu.memref_slice %arg5[%mul3A_2] : memref<12544xf32, #tpu.memory_space<hbm>> -> memref<392xf32, #tpu.memory_space<hbm>>
      tpu.enqueue_dma source(%dma_start3A_12 : memref<392xf32, #tpu.memory_space<hbm>>) target(%arg13 : memref<392xf32, #tpu.memory_space<vmem>>) target_semaphore(%run_scoped3A : memref<!tpu.dma_semaphore, #tpu.memory_space<semaphore_mem>>)
      %dma_wait3A = tpu.memref_slice %arg5[%mul3A_2] : memref<12544xf32, #tpu.memory_space<hbm>> -> memref<392xf32, #tpu.memory_space<hbm>>
      %dma_wait3A_13 = tpu.memref_slice %arg5[%mul3A_2] : memref<12544xf32, #tpu.memory_space<hbm>> -> memref<392xf32, #tpu.memory_space<hbm>>
      tpu.wait_dma2 semaphore(%run_scoped3A : memref<!tpu.dma_semaphore, #tpu.memory_space<semaphore_mem>>) src(%dma_wait3A_13 : memref<392xf32, #tpu.memory_space<hbm>>) dst(%arg13 : memref<392xf32, #tpu.memory_space<vmem>>)
      tpu.yield
    }) : () -> ()
    "tpu.region"() ({
      %run_scoped3A = tpu.sem_alloc : memref<!tpu.dma_semaphore, #tpu.memory_space<semaphore_mem>>
      %dma_start3A = tpu.memref_slice %arg6[%mul3A_2] : memref<12544xf32, #tpu.memory_space<hbm>> -> memref<392xf32, #tpu.memory_space<hbm>>
      %dma_start3A_12 = tpu.memref_slice %arg6[%mul3A_2] : memref<12544xf32, #tpu.memory_space<hbm>> -> memref<392xf32, #tpu.memory_space<hbm>>
      tpu.enqueue_dma source(%dma_start3A_12 : memref<392xf32, #tpu.memory_space<hbm>>) target(%arg14 : memref<392xf32, #tpu.memory_space<vmem>>) target_semaphore(%run_scoped3A : memref<!tpu.dma_semaphore, #tpu.memory_space<semaphore_mem>>)
      %dma_wait3A = tpu.memref_slice %arg6[%mul3A_2] : memref<12544xf32, #tpu.memory_space<hbm>> -> memref<392xf32, #tpu.memory_space<hbm>>
      %dma_wait3A_13 = tpu.memref_slice %arg6[%mul3A_2] : memref<12544xf32, #tpu.memory_space<hbm>> -> memref<392xf32, #tpu.memory_space<hbm>>
      tpu.wait_dma2 semaphore(%run_scoped3A : memref<!tpu.dma_semaphore, #tpu.memory_space<semaphore_mem>>) src(%dma_wait3A_13 : memref<392xf32, #tpu.memory_space<hbm>>) dst(%arg14 : memref<392xf32, #tpu.memory_space<vmem>>)
      tpu.yield
    }) : () -> ()
    "tpu.region"() ({
      %run_scoped3A = tpu.sem_alloc : memref<!tpu.dma_semaphore, #tpu.memory_space<semaphore_mem>>
      %dma_start3A = tpu.memref_slice %arg7[%mul3A_2] : memref<12544xf32, #tpu.memory_space<hbm>> -> memref<392xf32, #tpu.memory_space<hbm>>
      %dma_start3A_12 = tpu.memref_slice %arg7[%mul3A_2] : memref<12544xf32, #tpu.memory_space<hbm>> -> memref<392xf32, #tpu.memory_space<hbm>>
      tpu.enqueue_dma source(%dma_start3A_12 : memref<392xf32, #tpu.memory_space<hbm>>) target(%arg15 : memref<392xf32, #tpu.memory_space<vmem>>) target_semaphore(%run_scoped3A : memref<!tpu.dma_semaphore, #tpu.memory_space<semaphore_mem>>)
      %dma_wait3A = tpu.memref_slice %arg7[%mul3A_2] : memref<12544xf32, #tpu.memory_space<hbm>> -> memref<392xf32, #tpu.memory_space<hbm>>
      %dma_wait3A_13 = tpu.memref_slice %arg7[%mul3A_2] : memref<12544xf32, #tpu.memory_space<hbm>> -> memref<392xf32, #tpu.memory_space<hbm>>
      tpu.wait_dma2 semaphore(%run_scoped3A : memref<!tpu.dma_semaphore, #tpu.memory_space<semaphore_mem>>) src(%dma_wait3A_13 : memref<392xf32, #tpu.memory_space<hbm>>) dst(%arg15 : memref<392xf32, #tpu.memory_space<vmem>>)
      tpu.yield
    }) : () -> ()
    %iota3A = tpu.iota {dimensions = array<i32: 0>} : vector<16xi32>
    %eq3A = arith.constant 0 : i32
    %eq3A_3 = vector.broadcast %eq3A : i32 to vector<16xi32>
    %eq3A_4 = arith.cmpi eq, %iota3A, %eq3A_3 : vector<16xi32>
    %broadcast_in_dim3A = arith.constant 0 : i32
    %broadcast_in_dim3A_5 = vector.broadcast %broadcast_in_dim3A : i32 to vector<16xi32>
    %scan3A = arith.constant 0 : i32
    %scan3A_6 = arith.constant 0 : i32
    %scan3A_7 = arith.constant 49 : i32
    %scan3A_8 = arith.addi %scan3A_6, %scan3A_7 : i32
    %scan3A_9 = arith.constant 1 : i32
    %scan3A_10 = scf.for %scan3A_12 = %scan3A_6 to %scan3A_8 step %scan3A_9 iter_args(%scan3A_13 = %scan3A) -> (i32)  : i32 {
      %swap3A = arith.constant 0 : index
      %swap3A_14 = tpu.vector_load %arg18[%swap3A] {strides = array<i32>} : memref<16xi32, #tpu.memory_space<vmem>>, vector<16xi32>,
      tpu.vector_store %arg18[%swap3A], %broadcast_in_dim3A_5 {strides = array<i32>} : memref<16xi32, #tpu.memory_space<vmem>>, vector<16xi32>,
      %scan3A_15 = arith.constant 0 : i32
      %scan3A_16 = arith.constant 0 : i32
      %scan3A_17 = arith.constant 4 : i32
      %scan3A_18 = arith.addi %scan3A_16, %scan3A_17 : i32
      %scan3A_19 = arith.constant 1 : i32
      %scan3A_20 = scf.for %scan3A_30 = %scan3A_16 to %scan3A_18 step %scan3A_19 iter_args(%scan3A_31 = %scan3A_15) -> (i32)  : i32 {
        %mul3A_32 = arith.constant 12544 : i32
        %mul3A_33 = arith.muli %scan3A_30, %mul3A_32 : i32
        "tpu.region"() ({
          %run_scoped3A = tpu.sem_alloc : memref<!tpu.dma_semaphore, #tpu.memory_space<semaphore_mem>>
          %dma_start3A = tpu.memref_slice %arg2[%mul3A_33] : memref<50176xf32, #tpu.memory_space<hbm>> -> memref<12544xf32, #tpu.memory_space<hbm>>
          %dma_start3A_42 = tpu.memref_slice %arg2[%mul3A_33] : memref<50176xf32, #tpu.memory_space<hbm>> -> memref<12544xf32, #tpu.memory_space<hbm>>
          tpu.enqueue_dma source(%dma_start3A_42 : memref<12544xf32, #tpu.memory_space<hbm>>) target(%arg10 : memref<12544xf32, #tpu.memory_space<vmem>>) target_semaphore(%run_scoped3A : memref<!tpu.dma_semaphore, #tpu.memory_space<semaphore_mem>>)
          %dma_wait3A = tpu.memref_slice %arg2[%mul3A_33] : memref<50176xf32, #tpu.memory_space<hbm>> -> memref<12544xf32, #tpu.memory_space<hbm>>
          %dma_wait3A_43 = tpu.memref_slice %arg2[%mul3A_33] : memref<50176xf32, #tpu.memory_space<hbm>> -> memref<12544xf32, #tpu.memory_space<hbm>>
          tpu.wait_dma2 semaphore(%run_scoped3A : memref<!tpu.dma_semaphore, #tpu.memory_space<semaphore_mem>>) src(%dma_wait3A_43 : memref<12544xf32, #tpu.memory_space<hbm>>) dst(%arg10 : memref<12544xf32, #tpu.memory_space<vmem>>)
          tpu.yield
        }) : () -> ()
        "tpu.region"() ({
          %run_scoped3A = tpu.sem_alloc : memref<!tpu.dma_semaphore, #tpu.memory_space<semaphore_mem>>
          %dma_start3A = tpu.memref_slice %arg3[%mul3A_33] : memref<50176xf32, #tpu.memory_space<hbm>> -> memref<12544xf32, #tpu.memory_space<hbm>>
          %dma_start3A_42 = tpu.memref_slice %arg3[%mul3A_33] : memref<50176xf32, #tpu.memory_space<hbm>> -> memref<12544xf32, #tpu.memory_space<hbm>>
          tpu.enqueue_dma source(%dma_start3A_42 : memref<12544xf32, #tpu.memory_space<hbm>>) target(%arg11 : memref<12544xf32, #tpu.memory_space<vmem>>) target_semaphore(%run_scoped3A : memref<!tpu.dma_semaphore, #tpu.memory_space<semaphore_mem>>)
          %dma_wait3A = tpu.memref_slice %arg3[%mul3A_33] : memref<50176xf32, #tpu.memory_space<hbm>> -> memref<12544xf32, #tpu.memory_space<hbm>>
          %dma_wait3A_43 = tpu.memref_slice %arg3[%mul3A_33] : memref<50176xf32, #tpu.memory_space<hbm>> -> memref<12544xf32, #tpu.memory_space<hbm>>
          tpu.wait_dma2 semaphore(%run_scoped3A : memref<!tpu.dma_semaphore, #tpu.memory_space<semaphore_mem>>) src(%dma_wait3A_43 : memref<12544xf32, #tpu.memory_space<hbm>>) dst(%arg11 : memref<12544xf32, #tpu.memory_space<vmem>>)
          tpu.yield
        }) : () -> ()
        "tpu.region"() ({
          %run_scoped3A = tpu.sem_alloc : memref<!tpu.dma_semaphore, #tpu.memory_space<semaphore_mem>>
          %dma_start3A = tpu.memref_slice %arg4[%mul3A_33] : memref<50176xf32, #tpu.memory_space<hbm>> -> memref<12544xf32, #tpu.memory_space<hbm>>
          %dma_start3A_42 = tpu.memref_slice %arg4[%mul3A_33] : memref<50176xf32, #tpu.memory_space<hbm>> -> memref<12544xf32, #tpu.memory_space<hbm>>
          tpu.enqueue_dma source(%dma_start3A_42 : memref<12544xf32, #tpu.memory_space<hbm>>) target(%arg12 : memref<12544xf32, #tpu.memory_space<vmem>>) target_semaphore(%run_scoped3A : memref<!tpu.dma_semaphore, #tpu.memory_space<semaphore_mem>>)
          %dma_wait3A = tpu.memref_slice %arg4[%mul3A_33] : memref<50176xf32, #tpu.memory_space<hbm>> -> memref<12544xf32, #tpu.memory_space<hbm>>
          %dma_wait3A_43 = tpu.memref_slice %arg4[%mul3A_33] : memref<50176xf32, #tpu.memory_space<hbm>> -> memref<12544xf32, #tpu.memory_space<hbm>>
          tpu.wait_dma2 semaphore(%run_scoped3A : memref<!tpu.dma_semaphore, #tpu.memory_space<semaphore_mem>>) src(%dma_wait3A_43 : memref<12544xf32, #tpu.memory_space<hbm>>) dst(%arg12 : memref<12544xf32, #tpu.memory_space<vmem>>)
          tpu.yield
        }) : () -> ()
        %scan3A_34 = arith.constant 0 : i32
        %scan3A_35 = arith.constant 0 : i32
        %scan3A_36 = arith.constant 8 : i32
        %scan3A_37 = arith.addi %scan3A_35, %scan3A_36 : i32
        %scan3A_38 = arith.constant 1 : i32
        %scan3A_39 = scf.for %scan3A_42 = %scan3A_35 to %scan3A_37 step %scan3A_38 iter_args(%scan3A_43 = %scan3A_34) -> (i32)  : i32 {
          %mul3A_44 = arith.constant 8 : i32
          %mul3A_45 = arith.muli %scan3A_12, %mul3A_44 : i32
          %add3A_46 = arith.addi %mul3A_45, %scan3A_42 : i32
          %add3A_47 = vector.broadcast %add3A_46 : i32 to vector<16xi32>
          %add3A_48 = arith.addi %broadcast_in_dim3A_5, %add3A_47 : vector<16xi32>
          %gather3A = tpu.vector_load_idx %arg13[%add3A_48] : memref<392xf32, #tpu.memory_space<vmem>>[vector<16xi32>], vector<16xf32>,
          %add3A_49 = vector.broadcast %add3A_46 : i32 to vector<16xi32>
          %add3A_50 = arith.addi %broadcast_in_dim3A_5, %add3A_49 : vector<16xi32>
          %gather3A_51 = tpu.vector_load_idx %arg14[%add3A_50] : memref<392xf32, #tpu.memory_space<vmem>>[vector<16xi32>], vector<16xf32>,
          %add3A_52 = vector.broadcast %add3A_46 : i32 to vector<16xi32>
          %add3A_53 = arith.addi %broadcast_in_dim3A_5, %add3A_52 : vector<16xi32>
          %gather3A_54 = tpu.vector_load_idx %arg15[%add3A_53] : memref<392xf32, #tpu.memory_space<vmem>>[vector<16xi32>], vector<16xf32>,
          %add3A_55 = vector.broadcast %scan3A_42 : i32 to vector<16xi32>
          %add3A_56 = arith.addi %broadcast_in_dim3A_5, %add3A_55 : vector<16xi32>
          %gather3A_57 = tpu.vector_load_idx %arg18[%add3A_56] : memref<16xi32, #tpu.memory_space<vmem>>[vector<16xi32>], vector<16xi32>,
          %scan3A_58 = arith.constant 0 : i32
          %scan3A_59 = arith.constant 49 : i32
          %scan3A_60 = arith.addi %scan3A_58, %scan3A_59 : i32
          %scan3A_61 = arith.constant 1 : i32
          %scan3A_62 = scf.for %scan3A_67 = %scan3A_58 to %scan3A_60 step %scan3A_61 iter_args(%scan3A_68 = %gather3A_57) -> (vector<16xi32>)  : i32 {
            %mul3A_69 = arith.constant 256 : i32
            %mul3A_70 = arith.muli %scan3A_67, %mul3A_69 : i32
            %add3A_71 = arith.constant 0 : i32
            %add3A_72 = arith.addi %mul3A_70, %add3A_71 : i32
            %get3A = arith.index_cast %add3A_72 : i32 to index
            %get3A_73 = tpu.vector_load %arg10[%get3A] {strides = array<i32>} : memref<12544xf32, #tpu.memory_space<vmem>>, vector<16xf32>,
            %sub3A = arith.subf %get3A_73, %gather3A : vector<16xf32>
            %get3A_74 = arith.index_cast %add3A_72 : i32 to index
            %get3A_75 = tpu.vector_load %arg11[%get3A_74] {strides = array<i32>} : memref<12544xf32, #tpu.memory_space<vmem>>, vector<16xf32>,
            %sub3A_76 = arith.subf %get3A_75, %gather3A_51 : vector<16xf32>
            %get3A_77 = arith.index_cast %add3A_72 : i32 to index
            %get3A_78 = tpu.vector_load %arg12[%get3A_77] {strides = array<i32>} : memref<12544xf32, #tpu.memory_space<vmem>>, vector<16xf32>,
            %sub3A_79 = arith.subf %get3A_78, %gather3A_54 : vector<16xf32>
            %mul3A_80 = arith.mulf %sub3A, %sub3A : vector<16xf32>
            %mul3A_81 = arith.mulf %sub3A_79, %sub3A_79 : vector<16xf32>
            %add3A_82 = arith.addf %mul3A_80, %mul3A_81 : vector<16xf32>
            %mul3A_83 = arith.mulf %sub3A_76, %sub3A_76 : vector<16xf32>
            %add3A_84 = arith.addf %add3A_82, %mul3A_83 : vector<16xf32>
            %le3A = arith.constant 0.0400000028 : f32
            %le3A_85 = vector.broadcast %le3A : f32 to vector<16xf32>
            %le3A_86 = arith.cmpf ole, %add3A_84, %le3A_85 : vector<16xf32>
            %convert_element_type3A = arith.extui %le3A_86 : vector<16xi1> to vector<16xi32>
            %broadcast_in_dim3A_87 = arith.constant true
            %broadcast_in_dim3A_88 = vector.broadcast %broadcast_in_dim3A_87 : i1 to vector<16xi1>
            %masked_cumsum3A = tpu.scan <sum>, %convert_element_type3A masked %broadcast_in_dim3A_88 : vector<16xi32>, vector<16xi1> -> vector<16xi32>
            %mul3A_89 = arith.constant 256 : i32
            %mul3A_90 = arith.muli %scan3A_67, %mul3A_89 : i32
            %add3A_91 = arith.constant 16 : i32
            %add3A_92 = arith.addi %mul3A_90, %add3A_91 : i32
            %get3A_93 = arith.index_cast %add3A_92 : i32 to index
            %get3A_94 = tpu.vector_load %arg10[%get3A_93] {strides = array<i32>} : memref<12544xf32, #tpu.memory_space<vmem>>, vector<16xf32>,
            %sub3A_95 = arith.subf %get3A_94, %gather3A : vector<16xf32>
            %get3A_96 = arith.index_cast %add3A_92 : i32 to index
            %get3A_97 = tpu.vector_load %arg11[%get3A_96] {strides = array<i32>} : memref<12544xf32, #tpu.memory_space<vmem>>, vector<16xf32>,
            %sub3A_98 = arith.subf %get3A_97, %gather3A_51 : vector<16xf32>
            %get3A_99 = arith.index_cast %add3A_92 : i32 to index
            %get3A_100 = tpu.vector_load %arg12[%get3A_99] {strides = array<i32>} : memref<12544xf32, #tpu.memory_space<vmem>>, vector<16xf32>,
            %sub3A_101 = arith.subf %get3A_100, %gather3A_54 : vector<16xf32>
            %mul3A_102 = arith.mulf %sub3A_95, %sub3A_95 : vector<16xf32>
            %mul3A_103 = arith.mulf %sub3A_101, %sub3A_101 : vector<16xf32>
            %add3A_104 = arith.addf %mul3A_102, %mul3A_103 : vector<16xf32>
            %mul3A_105 = arith.mulf %sub3A_98, %sub3A_98 : vector<16xf32>
            %add3A_106 = arith.addf %add3A_104, %mul3A_105 : vector<16xf32>
            %le3A_107 = arith.constant 0.0400000028 : f32
            %le3A_108 = vector.broadcast %le3A_107 : f32 to vector<16xf32>
            %le3A_109 = arith.cmpf ole, %add3A_106, %le3A_108 : vector<16xf32>
            %convert_element_type3A_110 = arith.extui %le3A_109 : vector<16xi1> to vector<16xi32>
            %broadcast_in_dim3A_111 = arith.constant true
            %broadcast_in_dim3A_112 = vector.broadcast %broadcast_in_dim3A_111 : i1 to vector<16xi1>
            %masked_cumsum3A_113 = tpu.scan <sum>, %convert_element_type3A_110 masked %broadcast_in_dim3A_112 : vector<16xi32>, vector<16xi1> -> vector<16xi32>
            %mul3A_114 = arith.constant 256 : i32
            %mul3A_115 = arith.muli %scan3A_67, %mul3A_114 : i32
            %add3A_116 = arith.constant 32 : i32
            %add3A_117 = arith.addi %mul3A_115, %add3A_116 : i32
            %get3A_118 = arith.index_cast %add3A_117 : i32 to index
            %get3A_119 = tpu.vector_load %arg10[%get3A_118] {strides = array<i32>} : memref<12544xf32, #tpu.memory_space<vmem>>, vector<16xf32>,
            %sub3A_120 = arith.subf %get3A_119, %gather3A : vector<16xf32>
            %get3A_121 = arith.index_cast %add3A_117 : i32 to index
            %get3A_122 = tpu.vector_load %arg11[%get3A_121] {strides = array<i32>} : memref<12544xf32, #tpu.memory_space<vmem>>, vector<16xf32>,
            %sub3A_123 = arith.subf %get3A_122, %gather3A_51 : vector<16xf32>
            %get3A_124 = arith.index_cast %add3A_117 : i32 to index
            %get3A_125 = tpu.vector_load %arg12[%get3A_124] {strides = array<i32>} : memref<12544xf32, #tpu.memory_space<vmem>>, vector<16xf32>,
            %sub3A_126 = arith.subf %get3A_125, %gather3A_54 : vector<16xf32>
            %mul3A_127 = arith.mulf %sub3A_120, %sub3A_120 : vector<16xf32>
            %mul3A_128 = arith.mulf %sub3A_126, %sub3A_126 : vector<16xf32>
            %add3A_129 = arith.addf %mul3A_127, %mul3A_128 : vector<16xf32>
            %mul3A_130 = arith.mulf %sub3A_123, %sub3A_123 : vector<16xf32>
            %add3A_131 = arith.addf %add3A_129, %mul3A_130 : vector<16xf32>
            %le3A_132 = arith.constant 0.0400000028 : f32
            %le3A_133 = vector.broadcast %le3A_132 : f32 to vector<16xf32>
            %le3A_134 = arith.cmpf ole, %add3A_131, %le3A_133 : vector<16xf32>
            %convert_element_type3A_135 = arith.extui %le3A_134 : vector<16xi1> to vector<16xi32>
            %broadcast_in_dim3A_136 = arith.constant true
            %broadcast_in_dim3A_137 = vector.broadcast %broadcast_in_dim3A_136 : i1 to vector<16xi1>
            %masked_cumsum3A_138 = tpu.scan <sum>, %convert_element_type3A_135 masked %broadcast_in_dim3A_137 : vector<16xi32>, vector<16xi1> -> vector<16xi32>
            %mul3A_139 = arith.constant 256 : i32
            %mul3A_140 = arith.muli %scan3A_67, %mul3A_139 : i32
            %add3A_141 = arith.constant 48 : i32
            %add3A_142 = arith.addi %mul3A_140, %add3A_141 : i32
            %get3A_143 = arith.index_cast %add3A_142 : i32 to index
            %get3A_144 = tpu.vector_load %arg10[%get3A_143] {strides = array<i32>} : memref<12544xf32, #tpu.memory_space<vmem>>, vector<16xf32>,
            %sub3A_145 = arith.subf %get3A_144, %gather3A : vector<16xf32>
            %get3A_146 = arith.index_cast %add3A_142 : i32 to index
            %get3A_147 = tpu.vector_load %arg11[%get3A_146] {strides = array<i32>} : memref<12544xf32, #tpu.memory_space<vmem>>, vector<16xf32>,
            %sub3A_148 = arith.subf %get3A_147, %gather3A_51 : vector<16xf32>
            %get3A_149 = arith.index_cast %add3A_142 : i32 to index
            %get3A_150 = tpu.vector_load %arg12[%get3A_149] {strides = array<i32>} : memref<12544xf32, #tpu.memory_space<vmem>>, vector<16xf32>,
            %sub3A_151 = arith.subf %get3A_150, %gather3A_54 : vector<16xf32>
            %mul3A_152 = arith.mulf %sub3A_145, %sub3A_145 : vector<16xf32>
            %mul3A_153 = arith.mulf %sub3A_151, %sub3A_151 : vector<16xf32>
            %add3A_154 = arith.addf %mul3A_152, %mul3A_153 : vector<16xf32>
            %mul3A_155 = arith.mulf %sub3A_148, %sub3A_148 : vector<16xf32>
            %add3A_156 = arith.addf %add3A_154, %mul3A_155 : vector<16xf32>
            %le3A_157 = arith.constant 0.0400000028 : f32
            %le3A_158 = vector.broadcast %le3A_157 : f32 to vector<16xf32>
            %le3A_159 = arith.cmpf ole, %add3A_156, %le3A_158 : vector<16xf32>
            %convert_element_type3A_160 = arith.extui %le3A_159 : vector<16xi1> to vector<16xi32>
            %broadcast_in_dim3A_161 = arith.constant true
            %broadcast_in_dim3A_162 = vector.broadcast %broadcast_in_dim3A_161 : i1 to vector<16xi1>
            %masked_cumsum3A_163 = tpu.scan <sum>, %convert_element_type3A_160 masked %broadcast_in_dim3A_162 : vector<16xi32>, vector<16xi1> -> vector<16xi32>
            %mul3A_164 = arith.constant 256 : i32
            %mul3A_165 = arith.muli %scan3A_67, %mul3A_164 : i32
            %add3A_166 = arith.constant 64 : i32
            %add3A_167 = arith.addi %mul3A_165, %add3A_166 : i32
            %get3A_168 = arith.index_cast %add3A_167 : i32 to index
            %get3A_169 = tpu.vector_load %arg10[%get3A_168] {strides = array<i32>} : memref<12544xf32, #tpu.memory_space<vmem>>, vector<16xf32>,
            %sub3A_170 = arith.subf %get3A_169, %gather3A : vector<16xf32>
            %get3A_171 = arith.index_cast %add3A_167 : i32 to index
            %get3A_172 = tpu.vector_load %arg11[%get3A_171] {strides = array<i32>} : memref<12544xf32, #tpu.memory_space<vmem>>, vector<16xf32>,
            %sub3A_173 = arith.subf %get3A_172, %gather3A_51 : vector<16xf32>
            %get3A_174 = arith.index_cast %add3A_167 : i32 to index
            %get3A_175 = tpu.vector_load %arg12[%get3A_174] {strides = array<i32>} : memref<12544xf32, #tpu.memory_space<vmem>>, vector<16xf32>,
            %sub3A_176 = arith.subf %get3A_175, %gather3A_54 : vector<16xf32>
            %mul3A_177 = arith.mulf %sub3A_170, %sub3A_170 : vector<16xf32>
            %mul3A_178 = arith.mulf %sub3A_176, %sub3A_176 : vector<16xf32>
            %add3A_179 = arith.addf %mul3A_177, %mul3A_178 : vector<16xf32>
            %mul3A_180 = arith.mulf %sub3A_173, %sub3A_173 : vector<16xf32>
            %add3A_181 = arith.addf %add3A_179, %mul3A_180 : vector<16xf32>
            %le3A_182 = arith.constant 0.0400000028 : f32
            %le3A_183 = vector.broadcast %le3A_182 : f32 to vector<16xf32>
            %le3A_184 = arith.cmpf ole, %add3A_181, %le3A_183 : vector<16xf32>
            %convert_element_type3A_185 = arith.extui %le3A_184 : vector<16xi1> to vector<16xi32>
            %broadcast_in_dim3A_186 = arith.constant true
            %broadcast_in_dim3A_187 = vector.broadcast %broadcast_in_dim3A_186 : i1 to vector<16xi1>
            %masked_cumsum3A_188 = tpu.scan <sum>, %convert_element_type3A_185 masked %broadcast_in_dim3A_187 : vector<16xi32>, vector<16xi1> -> vector<16xi32>
            %mul3A_189 = arith.constant 256 : i32
            %mul3A_190 = arith.muli %scan3A_67, %mul3A_189 : i32
            %add3A_191 = arith.constant 80 : i32
            %add3A_192 = arith.addi %mul3A_190, %add3A_191 : i32
            %get3A_193 = arith.index_cast %add3A_192 : i32 to index
            %get3A_194 = tpu.vector_load %arg10[%get3A_193] {strides = array<i32>} : memref<12544xf32, #tpu.memory_space<vmem>>, vector<16xf32>,
            %sub3A_195 = arith.subf %get3A_194, %gather3A : vector<16xf32>
            %get3A_196 = arith.index_cast %add3A_192 : i32 to index
            %get3A_197 = tpu.vector_load %arg11[%get3A_196] {strides = array<i32>} : memref<12544xf32, #tpu.memory_space<vmem>>, vector<16xf32>,
            %sub3A_198 = arith.subf %get3A_197, %gather3A_51 : vector<16xf32>
            %get3A_199 = arith.index_cast %add3A_192 : i32 to index
            %get3A_200 = tpu.vector_load %arg12[%get3A_199] {strides = array<i32>} : memref<12544xf32, #tpu.memory_space<vmem>>, vector<16xf32>,
            %sub3A_201 = arith.subf %get3A_200, %gather3A_54 : vector<16xf32>
            %mul3A_202 = arith.mulf %sub3A_195, %sub3A_195 : vector<16xf32>
            %mul3A_203 = arith.mulf %sub3A_201, %sub3A_201 : vector<16xf32>
            %add3A_204 = arith.addf %mul3A_202, %mul3A_203 : vector<16xf32>
            %mul3A_205 = arith.mulf %sub3A_198, %sub3A_198 : vector<16xf32>
            %add3A_206 = arith.addf %add3A_204, %mul3A_205 : vector<16xf32>
            %le3A_207 = arith.constant 0.0400000028 : f32
            %le3A_208 = vector.broadcast %le3A_207 : f32 to vector<16xf32>
            %le3A_209 = arith.cmpf ole, %add3A_206, %le3A_208 : vector<16xf32>
            %convert_element_type3A_210 = arith.extui %le3A_209 : vector<16xi1> to vector<16xi32>
            %broadcast_in_dim3A_211 = arith.constant true
            %broadcast_in_dim3A_212 = vector.broadcast %broadcast_in_dim3A_211 : i1 to vector<16xi1>
            %masked_cumsum3A_213 = tpu.scan <sum>, %convert_element_type3A_210 masked %broadcast_in_dim3A_212 : vector<16xi32>, vector<16xi1> -> vector<16xi32>
            %mul3A_214 = arith.constant 256 : i32
            %mul3A_215 = arith.muli %scan3A_67, %mul3A_214 : i32
            %add3A_216 = arith.constant 96 : i32
            %add3A_217 = arith.addi %mul3A_215, %add3A_216 : i32
            %get3A_218 = arith.index_cast %add3A_217 : i32 to index
            %get3A_219 = tpu.vector_load %arg10[%get3A_218] {strides = array<i32>} : memref<12544xf32, #tpu.memory_space<vmem>>, vector<16xf32>,
            %sub3A_220 = arith.subf %get3A_219, %gather3A : vector<16xf32>
            %get3A_221 = arith.index_cast %add3A_217 : i32 to index
            %get3A_222 = tpu.vector_load %arg11[%get3A_221] {strides = array<i32>} : memref<12544xf32, #tpu.memory_space<vmem>>, vector<16xf32>,
            %sub3A_223 = arith.subf %get3A_222, %gather3A_51 : vector<16xf32>
            %get3A_224 = arith.index_cast %add3A_217 : i32 to index
            %get3A_225 = tpu.vector_load %arg12[%get3A_224] {strides = array<i32>} : memref<12544xf32, #tpu.memory_space<vmem>>, vector<16xf32>,
            %sub3A_226 = arith.subf %get3A_225, %gather3A_54 : vector<16xf32>
            %mul3A_227 = arith.mulf %sub3A_220, %sub3A_220 : vector<16xf32>
            %mul3A_228 = arith.mulf %sub3A_226, %sub3A_226 : vector<16xf32>
            %add3A_229 = arith.addf %mul3A_227, %mul3A_228 : vector<16xf32>
            %mul3A_230 = arith.mulf %sub3A_223, %sub3A_223 : vector<16xf32>
            %add3A_231 = arith.addf %add3A_229, %mul3A_230 : vector<16xf32>
            %le3A_232 = arith.constant 0.0400000028 : f32
            %le3A_233 = vector.broadcast %le3A_232 : f32 to vector<16xf32>
            %le3A_234 = arith.cmpf ole, %add3A_231, %le3A_233 : vector<16xf32>
            %convert_element_type3A_235 = arith.extui %le3A_234 : vector<16xi1> to vector<16xi32>
            %broadcast_in_dim3A_236 = arith.constant true
            %broadcast_in_dim3A_237 = vector.broadcast %broadcast_in_dim3A_236 : i1 to vector<16xi1>
            %masked_cumsum3A_238 = tpu.scan <sum>, %convert_element_type3A_235 masked %broadcast_in_dim3A_237 : vector<16xi32>, vector<16xi1> -> vector<16xi32>
            %mul3A_239 = arith.constant 256 : i32
            %mul3A_240 = arith.muli %scan3A_67, %mul3A_239 : i32
            %add3A_241 = arith.constant 112 : i32
            %add3A_242 = arith.addi %mul3A_240, %add3A_241 : i32
            %get3A_243 = arith.index_cast %add3A_242 : i32 to index
            %get3A_244 = tpu.vector_load %arg10[%get3A_243] {strides = array<i32>} : memref<12544xf32, #tpu.memory_space<vmem>>, vector<16xf32>,
            %sub3A_245 = arith.subf %get3A_244, %gather3A : vector<16xf32>
            %get3A_246 = arith.index_cast %add3A_242 : i32 to index
            %get3A_247 = tpu.vector_load %arg11[%get3A_246] {strides = array<i32>} : memref<12544xf32, #tpu.memory_space<vmem>>, vector<16xf32>,
            %sub3A_248 = arith.subf %get3A_247, %gather3A_51 : vector<16xf32>
            %get3A_249 = arith.index_cast %add3A_242 : i32 to index
            %get3A_250 = tpu.vector_load %arg12[%get3A_249] {strides = array<i32>} : memref<12544xf32, #tpu.memory_space<vmem>>, vector<16xf32>,
            %sub3A_251 = arith.subf %get3A_250, %gather3A_54 : vector<16xf32>
            %mul3A_252 = arith.mulf %sub3A_245, %sub3A_245 : vector<16xf32>
            %mul3A_253 = arith.mulf %sub3A_251, %sub3A_251 : vector<16xf32>
            %add3A_254 = arith.addf %mul3A_252, %mul3A_253 : vector<16xf32>
            %mul3A_255 = arith.mulf %sub3A_248, %sub3A_248 : vector<16xf32>
            %add3A_256 = arith.addf %add3A_254, %mul3A_255 : vector<16xf32>
            %le3A_257 = arith.constant 0.0400000028 : f32
            %le3A_258 = vector.broadcast %le3A_257 : f32 to vector<16xf32>
            %le3A_259 = arith.cmpf ole, %add3A_256, %le3A_258 : vector<16xf32>
            %convert_element_type3A_260 = arith.extui %le3A_259 : vector<16xi1> to vector<16xi32>
            %broadcast_in_dim3A_261 = arith.constant true
            %broadcast_in_dim3A_262 = vector.broadcast %broadcast_in_dim3A_261 : i1 to vector<16xi1>
            %masked_cumsum3A_263 = tpu.scan <sum>, %convert_element_type3A_260 masked %broadcast_in_dim3A_262 : vector<16xi32>, vector<16xi1> -> vector<16xi32>
            %mul3A_264 = arith.constant 256 : i32
            %mul3A_265 = arith.muli %scan3A_67, %mul3A_264 : i32
            %add3A_266 = arith.constant 128 : i32
            %add3A_267 = arith.addi %mul3A_265, %add3A_266 : i32
            %get3A_268 = arith.index_cast %add3A_267 : i32 to index
            %get3A_269 = tpu.vector_load %arg10[%get3A_268] {strides = array<i32>} : memref<12544xf32, #tpu.memory_space<vmem>>, vector<16xf32>,
            %sub3A_270 = arith.subf %get3A_269, %gather3A : vector<16xf32>
            %get3A_271 = arith.index_cast %add3A_267 : i32 to index
            %get3A_272 = tpu.vector_load %arg11[%get3A_271] {strides = array<i32>} : memref<12544xf32, #tpu.memory_space<vmem>>, vector<16xf32>,
            %sub3A_273 = arith.subf %get3A_272, %gather3A_51 : vector<16xf32>
            %get3A_274 = arith.index_cast %add3A_267 : i32 to index
            %get3A_275 = tpu.vector_load %arg12[%get3A_274] {strides = array<i32>} : memref<12544xf32, #tpu.memory_space<vmem>>, vector<16xf32>,
            %sub3A_276 = arith.subf %get3A_275, %gather3A_54 : vector<16xf32>
            %mul3A_277 = arith.mulf %sub3A_270, %sub3A_270 : vector<16xf32>
            %mul3A_278 = arith.mulf %sub3A_276, %sub3A_276 : vector<16xf32>
            %add3A_279 = arith.addf %mul3A_277, %mul3A_278 : vector<16xf32>
            %mul3A_280 = arith.mulf %sub3A_273, %sub3A_273 : vector<16xf32>
            %add3A_281 = arith.addf %add3A_279, %mul3A_280 : vector<16xf32>
            %le3A_282 = arith.constant 0.0400000028 : f32
            %le3A_283 = vector.broadcast %le3A_282 : f32 to vector<16xf32>
            %le3A_284 = arith.cmpf ole, %add3A_281, %le3A_283 : vector<16xf32>
            %convert_element_type3A_285 = arith.extui %le3A_284 : vector<16xi1> to vector<16xi32>
            %broadcast_in_dim3A_286 = arith.constant true
            %broadcast_in_dim3A_287 = vector.broadcast %broadcast_in_dim3A_286 : i1 to vector<16xi1>
            %masked_cumsum3A_288 = tpu.scan <sum>, %convert_element_type3A_285 masked %broadcast_in_dim3A_287 : vector<16xi32>, vector<16xi1> -> vector<16xi32>
            %mul3A_289 = arith.constant 256 : i32
            %mul3A_290 = arith.muli %scan3A_67, %mul3A_289 : i32
            %add3A_291 = arith.constant 144 : i32
            %add3A_292 = arith.addi %mul3A_290, %add3A_291 : i32
            %get3A_293 = arith.index_cast %add3A_292 : i32 to index
            %get3A_294 = tpu.vector_load %arg10[%get3A_293] {strides = array<i32>} : memref<12544xf32, #tpu.memory_space<vmem>>, vector<16xf32>,
            %sub3A_295 = arith.subf %get3A_294, %gather3A : vector<16xf32>
            %get3A_296 = arith.index_cast %add3A_292 : i32 to index
            %get3A_297 = tpu.vector_load %arg11[%get3A_296] {strides = array<i32>} : memref<12544xf32, #tpu.memory_space<vmem>>, vector<16xf32>,
            %sub3A_298 = arith.subf %get3A_297, %gather3A_51 : vector<16xf32>
            %get3A_299 = arith.index_cast %add3A_292 : i32 to index
            %get3A_300 = tpu.vector_load %arg12[%get3A_299] {strides = array<i32>} : memref<12544xf32, #tpu.memory_space<vmem>>, vector<16xf32>,
            %sub3A_301 = arith.subf %get3A_300, %gather3A_54 : vector<16xf32>
            %mul3A_302 = arith.mulf %sub3A_295, %sub3A_295 : vector<16xf32>
            %mul3A_303 = arith.mulf %sub3A_301, %sub3A_301 : vector<16xf32>
            %add3A_304 = arith.addf %mul3A_302, %mul3A_303 : vector<16xf32>
            %mul3A_305 = arith.mulf %sub3A_298, %sub3A_298 : vector<16xf32>
            %add3A_306 = arith.addf %add3A_304, %mul3A_305 : vector<16xf32>
            %le3A_307 = arith.constant 0.0400000028 : f32
            %le3A_308 = vector.broadcast %le3A_307 : f32 to vector<16xf32>
            %le3A_309 = arith.cmpf ole, %add3A_306, %le3A_308 : vector<16xf32>
            %convert_element_type3A_310 = arith.extui %le3A_309 : vector<16xi1> to vector<16xi32>
            %broadcast_in_dim3A_311 = arith.constant true
            %broadcast_in_dim3A_312 = vector.broadcast %broadcast_in_dim3A_311 : i1 to vector<16xi1>
            %masked_cumsum3A_313 = tpu.scan <sum>, %convert_element_type3A_310 masked %broadcast_in_dim3A_312 : vector<16xi32>, vector<16xi1> -> vector<16xi32>
            %mul3A_314 = arith.constant 256 : i32
            %mul3A_315 = arith.muli %scan3A_67, %mul3A_314 : i32
            %add3A_316 = arith.constant 160 : i32
            %add3A_317 = arith.addi %mul3A_315, %add3A_316 : i32
            %get3A_318 = arith.index_cast %add3A_317 : i32 to index
            %get3A_319 = tpu.vector_load %arg10[%get3A_318] {strides = array<i32>} : memref<12544xf32, #tpu.memory_space<vmem>>, vector<16xf32>,
            %sub3A_320 = arith.subf %get3A_319, %gather3A : vector<16xf32>
            %get3A_321 = arith.index_cast %add3A_317 : i32 to index
            %get3A_322 = tpu.vector_load %arg11[%get3A_321] {strides = array<i32>} : memref<12544xf32, #tpu.memory_space<vmem>>, vector<16xf32>,
            %sub3A_323 = arith.subf %get3A_322, %gather3A_51 : vector<16xf32>
            %get3A_324 = arith.index_cast %add3A_317 : i32 to index
            %get3A_325 = tpu.vector_load %arg12[%get3A_324] {strides = array<i32>} : memref<12544xf32, #tpu.memory_space<vmem>>, vector<16xf32>,
            %sub3A_326 = arith.subf %get3A_325, %gather3A_54 : vector<16xf32>
            %mul3A_327 = arith.mulf %sub3A_320, %sub3A_320 : vector<16xf32>
            %mul3A_328 = arith.mulf %sub3A_326, %sub3A_326 : vector<16xf32>
            %add3A_329 = arith.addf %mul3A_327, %mul3A_328 : vector<16xf32>
            %mul3A_330 = arith.mulf %sub3A_323, %sub3A_323 : vector<16xf32>
            %add3A_331 = arith.addf %add3A_329, %mul3A_330 : vector<16xf32>
            %le3A_332 = arith.constant 0.0400000028 : f32
            %le3A_333 = vector.broadcast %le3A_332 : f32 to vector<16xf32>
            %le3A_334 = arith.cmpf ole, %add3A_331, %le3A_333 : vector<16xf32>
            %convert_element_type3A_335 = arith.extui %le3A_334 : vector<16xi1> to vector<16xi32>
            %broadcast_in_dim3A_336 = arith.constant true
            %broadcast_in_dim3A_337 = vector.broadcast %broadcast_in_dim3A_336 : i1 to vector<16xi1>
            %masked_cumsum3A_338 = tpu.scan <sum>, %convert_element_type3A_335 masked %broadcast_in_dim3A_337 : vector<16xi32>, vector<16xi1> -> vector<16xi32>
            %mul3A_339 = arith.constant 256 : i32
            %mul3A_340 = arith.muli %scan3A_67, %mul3A_339 : i32
            %add3A_341 = arith.constant 176 : i32
            %add3A_342 = arith.addi %mul3A_340, %add3A_341 : i32
            %get3A_343 = arith.index_cast %add3A_342 : i32 to index
            %get3A_344 = tpu.vector_load %arg10[%get3A_343] {strides = array<i32>} : memref<12544xf32, #tpu.memory_space<vmem>>, vector<16xf32>,
            %sub3A_345 = arith.subf %get3A_344, %gather3A : vector<16xf32>
            %get3A_346 = arith.index_cast %add3A_342 : i32 to index
            %get3A_347 = tpu.vector_load %arg11[%get3A_346] {strides = array<i32>} : memref<12544xf32, #tpu.memory_space<vmem>>, vector<16xf32>,
            %sub3A_348 = arith.subf %get3A_347, %gather3A_51 : vector<16xf32>
            %get3A_349 = arith.index_cast %add3A_342 : i32 to index
            %get3A_350 = tpu.vector_load %arg12[%get3A_349] {strides = array<i32>} : memref<12544xf32, #tpu.memory_space<vmem>>, vector<16xf32>,
            %sub3A_351 = arith.subf %get3A_350, %gather3A_54 : vector<16xf32>
            %mul3A_352 = arith.mulf %sub3A_345, %sub3A_345 : vector<16xf32>
            %mul3A_353 = arith.mulf %sub3A_351, %sub3A_351 : vector<16xf32>
            %add3A_354 = arith.addf %mul3A_352, %mul3A_353 : vector<16xf32>
            %mul3A_355 = arith.mulf %sub3A_348, %sub3A_348 : vector<16xf32>
            %add3A_356 = arith.addf %add3A_354, %mul3A_355 : vector<16xf32>
            %le3A_357 = arith.constant 0.0400000028 : f32
            %le3A_358 = vector.broadcast %le3A_357 : f32 to vector<16xf32>
            %le3A_359 = arith.cmpf ole, %add3A_356, %le3A_358 : vector<16xf32>
            %convert_element_type3A_360 = arith.extui %le3A_359 : vector<16xi1> to vector<16xi32>
            %broadcast_in_dim3A_361 = arith.constant true
            %broadcast_in_dim3A_362 = vector.broadcast %broadcast_in_dim3A_361 : i1 to vector<16xi1>
            %masked_cumsum3A_363 = tpu.scan <sum>, %convert_element_type3A_360 masked %broadcast_in_dim3A_362 : vector<16xi32>, vector<16xi1> -> vector<16xi32>
            %mul3A_364 = arith.constant 256 : i32
            %mul3A_365 = arith.muli %scan3A_67, %mul3A_364 : i32
            %add3A_366 = arith.constant 192 : i32
            %add3A_367 = arith.addi %mul3A_365, %add3A_366 : i32
            %get3A_368 = arith.index_cast %add3A_367 : i32 to index
            %get3A_369 = tpu.vector_load %arg10[%get3A_368] {strides = array<i32>} : memref<12544xf32, #tpu.memory_space<vmem>>, vector<16xf32>,
            %sub3A_370 = arith.subf %get3A_369, %gather3A : vector<16xf32>
            %get3A_371 = arith.index_cast %add3A_367 : i32 to index
            %get3A_372 = tpu.vector_load %arg11[%get3A_371] {strides = array<i32>} : memref<12544xf32, #tpu.memory_space<vmem>>, vector<16xf32>,
            %sub3A_373 = arith.subf %get3A_372, %gather3A_51 : vector<16xf32>
            %get3A_374 = arith.index_cast %add3A_367 : i32 to index
            %get3A_375 = tpu.vector_load %arg12[%get3A_374] {strides = array<i32>} : memref<12544xf32, #tpu.memory_space<vmem>>, vector<16xf32>,
            %sub3A_376 = arith.subf %get3A_375, %gather3A_54 : vector<16xf32>
            %mul3A_377 = arith.mulf %sub3A_370, %sub3A_370 : vector<16xf32>
            %mul3A_378 = arith.mulf %sub3A_376, %sub3A_376 : vector<16xf32>
            %add3A_379 = arith.addf %mul3A_377, %mul3A_378 : vector<16xf32>
            %mul3A_380 = arith.mulf %sub3A_373, %sub3A_373 : vector<16xf32>
            %add3A_381 = arith.addf %add3A_379, %mul3A_380 : vector<16xf32>
            %le3A_382 = arith.constant 0.0400000028 : f32
            %le3A_383 = vector.broadcast %le3A_382 : f32 to vector<16xf32>
            %le3A_384 = arith.cmpf ole, %add3A_381, %le3A_383 : vector<16xf32>
            %convert_element_type3A_385 = arith.extui %le3A_384 : vector<16xi1> to vector<16xi32>
            %broadcast_in_dim3A_386 = arith.constant true
            %broadcast_in_dim3A_387 = vector.broadcast %broadcast_in_dim3A_386 : i1 to vector<16xi1>
            %masked_cumsum3A_388 = tpu.scan <sum>, %convert_element_type3A_385 masked %broadcast_in_dim3A_387 : vector<16xi32>, vector<16xi1> -> vector<16xi32>
            %mul3A_389 = arith.constant 256 : i32
            %mul3A_390 = arith.muli %scan3A_67, %mul3A_389 : i32
            %add3A_391 = arith.constant 208 : i32
            %add3A_392 = arith.addi %mul3A_390, %add3A_391 : i32
            %get3A_393 = arith.index_cast %add3A_392 : i32 to index
            %get3A_394 = tpu.vector_load %arg10[%get3A_393] {strides = array<i32>} : memref<12544xf32, #tpu.memory_space<vmem>>, vector<16xf32>,
            %sub3A_395 = arith.subf %get3A_394, %gather3A : vector<16xf32>
            %get3A_396 = arith.index_cast %add3A_392 : i32 to index
            %get3A_397 = tpu.vector_load %arg11[%get3A_396] {strides = array<i32>} : memref<12544xf32, #tpu.memory_space<vmem>>, vector<16xf32>,
            %sub3A_398 = arith.subf %get3A_397, %gather3A_51 : vector<16xf32>
            %get3A_399 = arith.index_cast %add3A_392 : i32 to index
            %get3A_400 = tpu.vector_load %arg12[%get3A_399] {strides = array<i32>} : memref<12544xf32, #tpu.memory_space<vmem>>, vector<16xf32>,
            %sub3A_401 = arith.subf %get3A_400, %gather3A_54 : vector<16xf32>
            %mul3A_402 = arith.mulf %sub3A_395, %sub3A_395 : vector<16xf32>
            %mul3A_403 = arith.mulf %sub3A_401, %sub3A_401 : vector<16xf32>
            %add3A_404 = arith.addf %mul3A_402, %mul3A_403 : vector<16xf32>
            %mul3A_405 = arith.mulf %sub3A_398, %sub3A_398 : vector<16xf32>
            %add3A_406 = arith.addf %add3A_404, %mul3A_405 : vector<16xf32>
            %le3A_407 = arith.constant 0.0400000028 : f32
            %le3A_408 = vector.broadcast %le3A_407 : f32 to vector<16xf32>
            %le3A_409 = arith.cmpf ole, %add3A_406, %le3A_408 : vector<16xf32>
            %convert_element_type3A_410 = arith.extui %le3A_409 : vector<16xi1> to vector<16xi32>
            %broadcast_in_dim3A_411 = arith.constant true
            %broadcast_in_dim3A_412 = vector.broadcast %broadcast_in_dim3A_411 : i1 to vector<16xi1>
            %masked_cumsum3A_413 = tpu.scan <sum>, %convert_element_type3A_410 masked %broadcast_in_dim3A_412 : vector<16xi32>, vector<16xi1> -> vector<16xi32>
            %mul3A_414 = arith.constant 256 : i32
            %mul3A_415 = arith.muli %scan3A_67, %mul3A_414 : i32
            %add3A_416 = arith.constant 224 : i32
            %add3A_417 = arith.addi %mul3A_415, %add3A_416 : i32
            %get3A_418 = arith.index_cast %add3A_417 : i32 to index
            %get3A_419 = tpu.vector_load %arg10[%get3A_418] {strides = array<i32>} : memref<12544xf32, #tpu.memory_space<vmem>>, vector<16xf32>,
            %sub3A_420 = arith.subf %get3A_419, %gather3A : vector<16xf32>
            %get3A_421 = arith.index_cast %add3A_417 : i32 to index
            %get3A_422 = tpu.vector_load %arg11[%get3A_421] {strides = array<i32>} : memref<12544xf32, #tpu.memory_space<vmem>>, vector<16xf32>,
            %sub3A_423 = arith.subf %get3A_422, %gather3A_51 : vector<16xf32>
            %get3A_424 = arith.index_cast %add3A_417 : i32 to index
            %get3A_425 = tpu.vector_load %arg12[%get3A_424] {strides = array<i32>} : memref<12544xf32, #tpu.memory_space<vmem>>, vector<16xf32>,
            %sub3A_426 = arith.subf %get3A_425, %gather3A_54 : vector<16xf32>
            %mul3A_427 = arith.mulf %sub3A_420, %sub3A_420 : vector<16xf32>
            %mul3A_428 = arith.mulf %sub3A_426, %sub3A_426 : vector<16xf32>
            %add3A_429 = arith.addf %mul3A_427, %mul3A_428 : vector<16xf32>
            %mul3A_430 = arith.mulf %sub3A_423, %sub3A_423 : vector<16xf32>
            %add3A_431 = arith.addf %add3A_429, %mul3A_430 : vector<16xf32>
            %le3A_432 = arith.constant 0.0400000028 : f32
            %le3A_433 = vector.broadcast %le3A_432 : f32 to vector<16xf32>
            %le3A_434 = arith.cmpf ole, %add3A_431, %le3A_433 : vector<16xf32>
            %convert_element_type3A_435 = arith.extui %le3A_434 : vector<16xi1> to vector<16xi32>
            %broadcast_in_dim3A_436 = arith.constant true
            %broadcast_in_dim3A_437 = vector.broadcast %broadcast_in_dim3A_436 : i1 to vector<16xi1>
            %masked_cumsum3A_438 = tpu.scan <sum>, %convert_element_type3A_435 masked %broadcast_in_dim3A_437 : vector<16xi32>, vector<16xi1> -> vector<16xi32>
            %mul3A_439 = arith.constant 256 : i32
            %mul3A_440 = arith.muli %scan3A_67, %mul3A_439 : i32
            %add3A_441 = arith.constant 240 : i32
            %add3A_442 = arith.addi %mul3A_440, %add3A_441 : i32
            %get3A_443 = arith.index_cast %add3A_442 : i32 to index
            %get3A_444 = tpu.vector_load %arg10[%get3A_443] {strides = array<i32>} : memref<12544xf32, #tpu.memory_space<vmem>>, vector<16xf32>,
            %sub3A_445 = arith.subf %get3A_444, %gather3A : vector<16xf32>
            %get3A_446 = arith.index_cast %add3A_442 : i32 to index
            %get3A_447 = tpu.vector_load %arg11[%get3A_446] {strides = array<i32>} : memref<12544xf32, #tpu.memory_space<vmem>>, vector<16xf32>,
            %sub3A_448 = arith.subf %get3A_447, %gather3A_51 : vector<16xf32>
            %get3A_449 = arith.index_cast %add3A_442 : i32 to index
            %get3A_450 = tpu.vector_load %arg12[%get3A_449] {strides = array<i32>} : memref<12544xf32, #tpu.memory_space<vmem>>, vector<16xf32>,
            %sub3A_451 = arith.subf %get3A_450, %gather3A_54 : vector<16xf32>
            %mul3A_452 = arith.mulf %sub3A_445, %sub3A_445 : vector<16xf32>
            %mul3A_453 = arith.mulf %sub3A_451, %sub3A_451 : vector<16xf32>
            %add3A_454 = arith.addf %mul3A_452, %mul3A_453 : vector<16xf32>
            %mul3A_455 = arith.mulf %sub3A_448, %sub3A_448 : vector<16xf32>
            %add3A_456 = arith.addf %add3A_454, %mul3A_455 : vector<16xf32>
            %le3A_457 = arith.constant 0.0400000028 : f32
            %le3A_458 = vector.broadcast %le3A_457 : f32 to vector<16xf32>
            %le3A_459 = arith.cmpf ole, %add3A_456, %le3A_458 : vector<16xf32>
            %convert_element_type3A_460 = arith.extui %le3A_459 : vector<16xi1> to vector<16xi32>
            %broadcast_in_dim3A_461 = arith.constant true
            %broadcast_in_dim3A_462 = vector.broadcast %broadcast_in_dim3A_461 : i1 to vector<16xi1>
            %masked_cumsum3A_463 = tpu.scan <sum>, %convert_element_type3A_460 masked %broadcast_in_dim3A_462 : vector<16xi32>, vector<16xi1> -> vector<16xi32>
            %mul3A_464 = arith.constant 256 : i32
            %mul3A_465 = arith.muli %scan3A_67, %mul3A_464 : i32
            %add3A_466 = arith.constant 0 : i32
            %add3A_467 = arith.addi %mul3A_465, %add3A_466 : i32
            %add3A_468 = arith.addi %scan3A_68, %masked_cumsum3A : vector<16xi32>
            %sub3A_469 = arith.constant 1 : i32
            %sub3A_470 = vector.broadcast %sub3A_469 : i32 to vector<16xi32>
            %sub3A_471 = arith.subi %add3A_468, %sub3A_470 : vector<16xi32>
            %min3A = arith.constant 4095 : i32
            %min3A_472 = vector.broadcast %min3A : i32 to vector<16xi32>
            %min3A_473 = arith.minsi %sub3A_471, %min3A_472 : vector<16xi32>
            %mul3A_474 = arith.constant 4096 : i32
            %mul3A_475 = arith.muli %scan3A_42, %mul3A_474 : i32
            %add3A_476 = vector.broadcast %mul3A_475 : i32 to vector<16xi32>
            %add3A_477 = arith.addi %min3A_473, %add3A_476 : vector<16xi32>
            %add3A_478 = arith.addi %mul3A_33, %add3A_467 : i32
            %add3A_479 = vector.broadcast %add3A_478 : i32 to vector<16xi32>
            %add3A_480 = arith.addi %add3A_479, %iota3A : vector<16xi32>
            tpu.vector_store_idx %arg16[%add3A_477], %add3A_84 masked %le3A_86 : memref<32768xf32, #tpu.memory_space<vmem>>[vector<16xi32>], vector<16xf32>, vector<16xi1>
            tpu.vector_store_idx %arg17[%add3A_477], %add3A_480 masked %le3A_86 : memref<32768xi32, #tpu.memory_space<vmem>>[vector<16xi32>], vector<16xi32>, vector<16xi1>
            %all_reduce_population_count3A = tpu.all_reduce %le3A_86 {dim = 0 : i64, kind = #tpu.reduction_kind<sum>} : vector<16xi1> -> vector<16xi32>
            %add3A_481 = arith.addi %scan3A_68, %all_reduce_population_count3A : vector<16xi32>
            %mul3A_482 = arith.constant 256 : i32
            %mul3A_483 = arith.muli %scan3A_67, %mul3A_482 : i32
            %add3A_484 = arith.constant 16 : i32
            %add3A_485 = arith.addi %mul3A_483, %add3A_484 : i32
            %add3A_486 = arith.addi %add3A_481, %masked_cumsum3A_113 : vector<16xi32>
            %sub3A_487 = arith.constant 1 : i32
            %sub3A_488 = vector.broadcast %sub3A_487 : i32 to vector<16xi32>
            %sub3A_489 = arith.subi %add3A_486, %sub3A_488 : vector<16xi32>
            %min3A_490 = arith.constant 4095 : i32
            %min3A_491 = vector.broadcast %min3A_490 : i32 to vector<16xi32>
            %min3A_492 = arith.minsi %sub3A_489, %min3A_491 : vector<16xi32>
            %mul3A_493 = arith.constant 4096 : i32
            %mul3A_494 = arith.muli %scan3A_42, %mul3A_493 : i32
            %add3A_495 = vector.broadcast %mul3A_494 : i32 to vector<16xi32>
            %add3A_496 = arith.addi %min3A_492, %add3A_495 : vector<16xi32>
            %add3A_497 = arith.addi %mul3A_33, %add3A_485 : i32
            %add3A_498 = vector.broadcast %add3A_497 : i32 to vector<16xi32>
            %add3A_499 = arith.addi %add3A_498, %iota3A : vector<16xi32>
            tpu.vector_store_idx %arg16[%add3A_496], %add3A_106 masked %le3A_109 : memref<32768xf32, #tpu.memory_space<vmem>>[vector<16xi32>], vector<16xf32>, vector<16xi1>
            tpu.vector_store_idx %arg17[%add3A_496], %add3A_499 masked %le3A_109 : memref<32768xi32, #tpu.memory_space<vmem>>[vector<16xi32>], vector<16xi32>, vector<16xi1>
            %all_reduce_population_count3A_500 = tpu.all_reduce %le3A_109 {dim = 0 : i64, kind = #tpu.reduction_kind<sum>} : vector<16xi1> -> vector<16xi32>
            %add3A_501 = arith.addi %add3A_481, %all_reduce_population_count3A_500 : vector<16xi32>
            %mul3A_502 = arith.constant 256 : i32
            %mul3A_503 = arith.muli %scan3A_67, %mul3A_502 : i32
            %add3A_504 = arith.constant 32 : i32
            %add3A_505 = arith.addi %mul3A_503, %add3A_504 : i32
            %add3A_506 = arith.addi %add3A_501, %masked_cumsum3A_138 : vector<16xi32>
            %sub3A_507 = arith.constant 1 : i32
            %sub3A_508 = vector.broadcast %sub3A_507 : i32 to vector<16xi32>
            %sub3A_509 = arith.subi %add3A_506, %sub3A_508 : vector<16xi32>
            %min3A_510 = arith.constant 4095 : i32
            %min3A_511 = vector.broadcast %min3A_510 : i32 to vector<16xi32>
            %min3A_512 = arith.minsi %sub3A_509, %min3A_511 : vector<16xi32>
            %mul3A_513 = arith.constant 4096 : i32
            %mul3A_514 = arith.muli %scan3A_42, %mul3A_513 : i32
            %add3A_515 = vector.broadcast %mul3A_514 : i32 to vector<16xi32>
            %add3A_516 = arith.addi %min3A_512, %add3A_515 : vector<16xi32>
            %add3A_517 = arith.addi %mul3A_33, %add3A_505 : i32
            %add3A_518 = vector.broadcast %add3A_517 : i32 to vector<16xi32>
            %add3A_519 = arith.addi %add3A_518, %iota3A : vector<16xi32>
            tpu.vector_store_idx %arg16[%add3A_516], %add3A_131 masked %le3A_134 : memref<32768xf32, #tpu.memory_space<vmem>>[vector<16xi32>], vector<16xf32>, vector<16xi1>
            tpu.vector_store_idx %arg17[%add3A_516], %add3A_519 masked %le3A_134 : memref<32768xi32, #tpu.memory_space<vmem>>[vector<16xi32>], vector<16xi32>, vector<16xi1>
            %all_reduce_population_count3A_520 = tpu.all_reduce %le3A_134 {dim = 0 : i64, kind = #tpu.reduction_kind<sum>} : vector<16xi1> -> vector<16xi32>
            %add3A_521 = arith.addi %add3A_501, %all_reduce_population_count3A_520 : vector<16xi32>
            %mul3A_522 = arith.constant 256 : i32
            %mul3A_523 = arith.muli %scan3A_67, %mul3A_522 : i32
            %add3A_524 = arith.constant 48 : i32
            %add3A_525 = arith.addi %mul3A_523, %add3A_524 : i32
            %add3A_526 = arith.addi %add3A_521, %masked_cumsum3A_163 : vector<16xi32>
            %sub3A_527 = arith.constant 1 : i32
            %sub3A_528 = vector.broadcast %sub3A_527 : i32 to vector<16xi32>
            %sub3A_529 = arith.subi %add3A_526, %sub3A_528 : vector<16xi32>
            %min3A_530 = arith.constant 4095 : i32
            %min3A_531 = vector.broadcast %min3A_530 : i32 to vector<16xi32>
            %min3A_532 = arith.minsi %sub3A_529, %min3A_531 : vector<16xi32>
            %mul3A_533 = arith.constant 4096 : i32
            %mul3A_534 = arith.muli %scan3A_42, %mul3A_533 : i32
            %add3A_535 = vector.broadcast %mul3A_534 : i32 to vector<16xi32>
            %add3A_536 = arith.addi %min3A_532, %add3A_535 : vector<16xi32>
            %add3A_537 = arith.addi %mul3A_33, %add3A_525 : i32
            %add3A_538 = vector.broadcast %add3A_537 : i32 to vector<16xi32>
            %add3A_539 = arith.addi %add3A_538, %iota3A : vector<16xi32>
            tpu.vector_store_idx %arg16[%add3A_536], %add3A_156 masked %le3A_159 : memref<32768xf32, #tpu.memory_space<vmem>>[vector<16xi32>], vector<16xf32>, vector<16xi1>
            tpu.vector_store_idx %arg17[%add3A_536], %add3A_539 masked %le3A_159 : memref<32768xi32, #tpu.memory_space<vmem>>[vector<16xi32>], vector<16xi32>, vector<16xi1>
            %all_reduce_population_count3A_540 = tpu.all_reduce %le3A_159 {dim = 0 : i64, kind = #tpu.reduction_kind<sum>} : vector<16xi1> -> vector<16xi32>
            %add3A_541 = arith.addi %add3A_521, %all_reduce_population_count3A_540 : vector<16xi32>
            %mul3A_542 = arith.constant 256 : i32
            %mul3A_543 = arith.muli %scan3A_67, %mul3A_542 : i32
            %add3A_544 = arith.constant 64 : i32
            %add3A_545 = arith.addi %mul3A_543, %add3A_544 : i32
            %add3A_546 = arith.addi %add3A_541, %masked_cumsum3A_188 : vector<16xi32>
            %sub3A_547 = arith.constant 1 : i32
            %sub3A_548 = vector.broadcast %sub3A_547 : i32 to vector<16xi32>
            %sub3A_549 = arith.subi %add3A_546, %sub3A_548 : vector<16xi32>
            %min3A_550 = arith.constant 4095 : i32
            %min3A_551 = vector.broadcast %min3A_550 : i32 to vector<16xi32>
            %min3A_552 = arith.minsi %sub3A_549, %min3A_551 : vector<16xi32>
            %mul3A_553 = arith.constant 4096 : i32
            %mul3A_554 = arith.muli %scan3A_42, %mul3A_553 : i32
            %add3A_555 = vector.broadcast %mul3A_554 : i32 to vector<16xi32>
            %add3A_556 = arith.addi %min3A_552, %add3A_555 : vector<16xi32>
            %add3A_557 = arith.addi %mul3A_33, %add3A_545 : i32
            %add3A_558 = vector.broadcast %add3A_557 : i32 to vector<16xi32>
            %add3A_559 = arith.addi %add3A_558, %iota3A : vector<16xi32>
            tpu.vector_store_idx %arg16[%add3A_556], %add3A_181 masked %le3A_184 : memref<32768xf32, #tpu.memory_space<vmem>>[vector<16xi32>], vector<16xf32>, vector<16xi1>
            tpu.vector_store_idx %arg17[%add3A_556], %add3A_559 masked %le3A_184 : memref<32768xi32, #tpu.memory_space<vmem>>[vector<16xi32>], vector<16xi32>, vector<16xi1>
            %all_reduce_population_count3A_560 = tpu.all_reduce %le3A_184 {dim = 0 : i64, kind = #tpu.reduction_kind<sum>} : vector<16xi1> -> vector<16xi32>
            %add3A_561 = arith.addi %add3A_541, %all_reduce_population_count3A_560 : vector<16xi32>
            %mul3A_562 = arith.constant 256 : i32
            %mul3A_563 = arith.muli %scan3A_67, %mul3A_562 : i32
            %add3A_564 = arith.constant 80 : i32
            %add3A_565 = arith.addi %mul3A_563, %add3A_564 : i32
            %add3A_566 = arith.addi %add3A_561, %masked_cumsum3A_213 : vector<16xi32>
            %sub3A_567 = arith.constant 1 : i32
            %sub3A_568 = vector.broadcast %sub3A_567 : i32 to vector<16xi32>
            %sub3A_569 = arith.subi %add3A_566, %sub3A_568 : vector<16xi32>
            %min3A_570 = arith.constant 4095 : i32
            %min3A_571 = vector.broadcast %min3A_570 : i32 to vector<16xi32>
            %min3A_572 = arith.minsi %sub3A_569, %min3A_571 : vector<16xi32>
            %mul3A_573 = arith.constant 4096 : i32
            %mul3A_574 = arith.muli %scan3A_42, %mul3A_573 : i32
            %add3A_575 = vector.broadcast %mul3A_574 : i32 to vector<16xi32>
            %add3A_576 = arith.addi %min3A_572, %add3A_575 : vector<16xi32>
            %add3A_577 = arith.addi %mul3A_33, %add3A_565 : i32
            %add3A_578 = vector.broadcast %add3A_577 : i32 to vector<16xi32>
            %add3A_579 = arith.addi %add3A_578, %iota3A : vector<16xi32>
            tpu.vector_store_idx %arg16[%add3A_576], %add3A_206 masked %le3A_209 : memref<32768xf32, #tpu.memory_space<vmem>>[vector<16xi32>], vector<16xf32>, vector<16xi1>
            tpu.vector_store_idx %arg17[%add3A_576], %add3A_579 masked %le3A_209 : memref<32768xi32, #tpu.memory_space<vmem>>[vector<16xi32>], vector<16xi32>, vector<16xi1>
            %all_reduce_population_count3A_580 = tpu.all_reduce %le3A_209 {dim = 0 : i64, kind = #tpu.reduction_kind<sum>} : vector<16xi1> -> vector<16xi32>
            %add3A_581 = arith.addi %add3A_561, %all_reduce_population_count3A_580 : vector<16xi32>
            %mul3A_582 = arith.constant 256 : i32
            %mul3A_583 = arith.muli %scan3A_67, %mul3A_582 : i32
            %add3A_584 = arith.constant 96 : i32
            %add3A_585 = arith.addi %mul3A_583, %add3A_584 : i32
            %add3A_586 = arith.addi %add3A_581, %masked_cumsum3A_238 : vector<16xi32>
            %sub3A_587 = arith.constant 1 : i32
            %sub3A_588 = vector.broadcast %sub3A_587 : i32 to vector<16xi32>
            %sub3A_589 = arith.subi %add3A_586, %sub3A_588 : vector<16xi32>
            %min3A_590 = arith.constant 4095 : i32
            %min3A_591 = vector.broadcast %min3A_590 : i32 to vector<16xi32>
            %min3A_592 = arith.minsi %sub3A_589, %min3A_591 : vector<16xi32>
            %mul3A_593 = arith.constant 4096 : i32
            %mul3A_594 = arith.muli %scan3A_42, %mul3A_593 : i32
            %add3A_595 = vector.broadcast %mul3A_594 : i32 to vector<16xi32>
            %add3A_596 = arith.addi %min3A_592, %add3A_595 : vector<16xi32>
            %add3A_597 = arith.addi %mul3A_33, %add3A_585 : i32
            %add3A_598 = vector.broadcast %add3A_597 : i32 to vector<16xi32>
            %add3A_599 = arith.addi %add3A_598, %iota3A : vector<16xi32>
            tpu.vector_store_idx %arg16[%add3A_596], %add3A_231 masked %le3A_234 : memref<32768xf32, #tpu.memory_space<vmem>>[vector<16xi32>], vector<16xf32>, vector<16xi1>
            tpu.vector_store_idx %arg17[%add3A_596], %add3A_599 masked %le3A_234 : memref<32768xi32, #tpu.memory_space<vmem>>[vector<16xi32>], vector<16xi32>, vector<16xi1>
            %all_reduce_population_count3A_600 = tpu.all_reduce %le3A_234 {dim = 0 : i64, kind = #tpu.reduction_kind<sum>} : vector<16xi1> -> vector<16xi32>
            %add3A_601 = arith.addi %add3A_581, %all_reduce_population_count3A_600 : vector<16xi32>
            %mul3A_602 = arith.constant 256 : i32
            %mul3A_603 = arith.muli %scan3A_67, %mul3A_602 : i32
            %add3A_604 = arith.constant 112 : i32
            %add3A_605 = arith.addi %mul3A_603, %add3A_604 : i32
            %add3A_606 = arith.addi %add3A_601, %masked_cumsum3A_263 : vector<16xi32>
            %sub3A_607 = arith.constant 1 : i32
            %sub3A_608 = vector.broadcast %sub3A_607 : i32 to vector<16xi32>
            %sub3A_609 = arith.subi %add3A_606, %sub3A_608 : vector<16xi32>
            %min3A_610 = arith.constant 4095 : i32
            %min3A_611 = vector.broadcast %min3A_610 : i32 to vector<16xi32>
            %min3A_612 = arith.minsi %sub3A_609, %min3A_611 : vector<16xi32>
            %mul3A_613 = arith.constant 4096 : i32
            %mul3A_614 = arith.muli %scan3A_42, %mul3A_613 : i32
            %add3A_615 = vector.broadcast %mul3A_614 : i32 to vector<16xi32>
            %add3A_616 = arith.addi %min3A_612, %add3A_615 : vector<16xi32>
            %add3A_617 = arith.addi %mul3A_33, %add3A_605 : i32
            %add3A_618 = vector.broadcast %add3A_617 : i32 to vector<16xi32>
            %add3A_619 = arith.addi %add3A_618, %iota3A : vector<16xi32>
            tpu.vector_store_idx %arg16[%add3A_616], %add3A_256 masked %le3A_259 : memref<32768xf32, #tpu.memory_space<vmem>>[vector<16xi32>], vector<16xf32>, vector<16xi1>
            tpu.vector_store_idx %arg17[%add3A_616], %add3A_619 masked %le3A_259 : memref<32768xi32, #tpu.memory_space<vmem>>[vector<16xi32>], vector<16xi32>, vector<16xi1>
            %all_reduce_population_count3A_620 = tpu.all_reduce %le3A_259 {dim = 0 : i64, kind = #tpu.reduction_kind<sum>} : vector<16xi1> -> vector<16xi32>
            %add3A_621 = arith.addi %add3A_601, %all_reduce_population_count3A_620 : vector<16xi32>
            %mul3A_622 = arith.constant 256 : i32
            %mul3A_623 = arith.muli %scan3A_67, %mul3A_622 : i32
            %add3A_624 = arith.constant 128 : i32
            %add3A_625 = arith.addi %mul3A_623, %add3A_624 : i32
            %add3A_626 = arith.addi %add3A_621, %masked_cumsum3A_288 : vector<16xi32>
            %sub3A_627 = arith.constant 1 : i32
            %sub3A_628 = vector.broadcast %sub3A_627 : i32 to vector<16xi32>
            %sub3A_629 = arith.subi %add3A_626, %sub3A_628 : vector<16xi32>
            %min3A_630 = arith.constant 4095 : i32
            %min3A_631 = vector.broadcast %min3A_630 : i32 to vector<16xi32>
            %min3A_632 = arith.minsi %sub3A_629, %min3A_631 : vector<16xi32>
            %mul3A_633 = arith.constant 4096 : i32
            %mul3A_634 = arith.muli %scan3A_42, %mul3A_633 : i32
            %add3A_635 = vector.broadcast %mul3A_634 : i32 to vector<16xi32>
            %add3A_636 = arith.addi %min3A_632, %add3A_635 : vector<16xi32>
            %add3A_637 = arith.addi %mul3A_33, %add3A_625 : i32
            %add3A_638 = vector.broadcast %add3A_637 : i32 to vector<16xi32>
            %add3A_639 = arith.addi %add3A_638, %iota3A : vector<16xi32>
            tpu.vector_store_idx %arg16[%add3A_636], %add3A_281 masked %le3A_284 : memref<32768xf32, #tpu.memory_space<vmem>>[vector<16xi32>], vector<16xf32>, vector<16xi1>
            tpu.vector_store_idx %arg17[%add3A_636], %add3A_639 masked %le3A_284 : memref<32768xi32, #tpu.memory_space<vmem>>[vector<16xi32>], vector<16xi32>, vector<16xi1>
            %all_reduce_population_count3A_640 = tpu.all_reduce %le3A_284 {dim = 0 : i64, kind = #tpu.reduction_kind<sum>} : vector<16xi1> -> vector<16xi32>
            %add3A_641 = arith.addi %add3A_621, %all_reduce_population_count3A_640 : vector<16xi32>
            %mul3A_642 = arith.constant 256 : i32
            %mul3A_643 = arith.muli %scan3A_67, %mul3A_642 : i32
            %add3A_644 = arith.constant 144 : i32
            %add3A_645 = arith.addi %mul3A_643, %add3A_644 : i32
            %add3A_646 = arith.addi %add3A_641, %masked_cumsum3A_313 : vector<16xi32>
            %sub3A_647 = arith.constant 1 : i32
            %sub3A_648 = vector.broadcast %sub3A_647 : i32 to vector<16xi32>
            %sub3A_649 = arith.subi %add3A_646, %sub3A_648 : vector<16xi32>
            %min3A_650 = arith.constant 4095 : i32
            %min3A_651 = vector.broadcast %min3A_650 : i32 to vector<16xi32>
            %min3A_652 = arith.minsi %sub3A_649, %min3A_651 : vector<16xi32>
            %mul3A_653 = arith.constant 4096 : i32
            %mul3A_654 = arith.muli %scan3A_42, %mul3A_653 : i32
            %add3A_655 = vector.broadcast %mul3A_654 : i32 to vector<16xi32>
            %add3A_656 = arith.addi %min3A_652, %add3A_655 : vector<16xi32>
            %add3A_657 = arith.addi %mul3A_33, %add3A_645 : i32
            %add3A_658 = vector.broadcast %add3A_657 : i32 to vector<16xi32>
            %add3A_659 = arith.addi %add3A_658, %iota3A : vector<16xi32>
            tpu.vector_store_idx %arg16[%add3A_656], %add3A_306 masked %le3A_309 : memref<32768xf32, #tpu.memory_space<vmem>>[vector<16xi32>], vector<16xf32>, vector<16xi1>
            tpu.vector_store_idx %arg17[%add3A_656], %add3A_659 masked %le3A_309 : memref<32768xi32, #tpu.memory_space<vmem>>[vector<16xi32>], vector<16xi32>, vector<16xi1>
            %all_reduce_population_count3A_660 = tpu.all_reduce %le3A_309 {dim = 0 : i64, kind = #tpu.reduction_kind<sum>} : vector<16xi1> -> vector<16xi32>
            %add3A_661 = arith.addi %add3A_641, %all_reduce_population_count3A_660 : vector<16xi32>
            %mul3A_662 = arith.constant 256 : i32
            %mul3A_663 = arith.muli %scan3A_67, %mul3A_662 : i32
            %add3A_664 = arith.constant 160 : i32
            %add3A_665 = arith.addi %mul3A_663, %add3A_664 : i32
            %add3A_666 = arith.addi %add3A_661, %masked_cumsum3A_338 : vector<16xi32>
            %sub3A_667 = arith.constant 1 : i32
            %sub3A_668 = vector.broadcast %sub3A_667 : i32 to vector<16xi32>
            %sub3A_669 = arith.subi %add3A_666, %sub3A_668 : vector<16xi32>
            %min3A_670 = arith.constant 4095 : i32
            %min3A_671 = vector.broadcast %min3A_670 : i32 to vector<16xi32>
            %min3A_672 = arith.minsi %sub3A_669, %min3A_671 : vector<16xi32>
            %mul3A_673 = arith.constant 4096 : i32
            %mul3A_674 = arith.muli %scan3A_42, %mul3A_673 : i32
            %add3A_675 = vector.broadcast %mul3A_674 : i32 to vector<16xi32>
            %add3A_676 = arith.addi %min3A_672, %add3A_675 : vector<16xi32>
            %add3A_677 = arith.addi %mul3A_33, %add3A_665 : i32
            %add3A_678 = vector.broadcast %add3A_677 : i32 to vector<16xi32>
            %add3A_679 = arith.addi %add3A_678, %iota3A : vector<16xi32>
            tpu.vector_store_idx %arg16[%add3A_676], %add3A_331 masked %le3A_334 : memref<32768xf32, #tpu.memory_space<vmem>>[vector<16xi32>], vector<16xf32>, vector<16xi1>
            tpu.vector_store_idx %arg17[%add3A_676], %add3A_679 masked %le3A_334 : memref<32768xi32, #tpu.memory_space<vmem>>[vector<16xi32>], vector<16xi32>, vector<16xi1>
            %all_reduce_population_count3A_680 = tpu.all_reduce %le3A_334 {dim = 0 : i64, kind = #tpu.reduction_kind<sum>} : vector<16xi1> -> vector<16xi32>
            %add3A_681 = arith.addi %add3A_661, %all_reduce_population_count3A_680 : vector<16xi32>
            %mul3A_682 = arith.constant 256 : i32
            %mul3A_683 = arith.muli %scan3A_67, %mul3A_682 : i32
            %add3A_684 = arith.constant 176 : i32
            %add3A_685 = arith.addi %mul3A_683, %add3A_684 : i32
            %add3A_686 = arith.addi %add3A_681, %masked_cumsum3A_363 : vector<16xi32>
            %sub3A_687 = arith.constant 1 : i32
            %sub3A_688 = vector.broadcast %sub3A_687 : i32 to vector<16xi32>
            %sub3A_689 = arith.subi %add3A_686, %sub3A_688 : vector<16xi32>
            %min3A_690 = arith.constant 4095 : i32
            %min3A_691 = vector.broadcast %min3A_690 : i32 to vector<16xi32>
            %min3A_692 = arith.minsi %sub3A_689, %min3A_691 : vector<16xi32>
            %mul3A_693 = arith.constant 4096 : i32
            %mul3A_694 = arith.muli %scan3A_42, %mul3A_693 : i32
            %add3A_695 = vector.broadcast %mul3A_694 : i32 to vector<16xi32>
            %add3A_696 = arith.addi %min3A_692, %add3A_695 : vector<16xi32>
            %add3A_697 = arith.addi %mul3A_33, %add3A_685 : i32
            %add3A_698 = vector.broadcast %add3A_697 : i32 to vector<16xi32>
            %add3A_699 = arith.addi %add3A_698, %iota3A : vector<16xi32>
            tpu.vector_store_idx %arg16[%add3A_696], %add3A_356 masked %le3A_359 : memref<32768xf32, #tpu.memory_space<vmem>>[vector<16xi32>], vector<16xf32>, vector<16xi1>
            tpu.vector_store_idx %arg17[%add3A_696], %add3A_699 masked %le3A_359 : memref<32768xi32, #tpu.memory_space<vmem>>[vector<16xi32>], vector<16xi32>, vector<16xi1>
            %all_reduce_population_count3A_700 = tpu.all_reduce %le3A_359 {dim = 0 : i64, kind = #tpu.reduction_kind<sum>} : vector<16xi1> -> vector<16xi32>
            %add3A_701 = arith.addi %add3A_681, %all_reduce_population_count3A_700 : vector<16xi32>
            %mul3A_702 = arith.constant 256 : i32
            %mul3A_703 = arith.muli %scan3A_67, %mul3A_702 : i32
            %add3A_704 = arith.constant 192 : i32
            %add3A_705 = arith.addi %mul3A_703, %add3A_704 : i32
            %add3A_706 = arith.addi %add3A_701, %masked_cumsum3A_388 : vector<16xi32>
            %sub3A_707 = arith.constant 1 : i32
            %sub3A_708 = vector.broadcast %sub3A_707 : i32 to vector<16xi32>
            %sub3A_709 = arith.subi %add3A_706, %sub3A_708 : vector<16xi32>
            %min3A_710 = arith.constant 4095 : i32
            %min3A_711 = vector.broadcast %min3A_710 : i32 to vector<16xi32>
            %min3A_712 = arith.minsi %sub3A_709, %min3A_711 : vector<16xi32>
            %mul3A_713 = arith.constant 4096 : i32
            %mul3A_714 = arith.muli %scan3A_42, %mul3A_713 : i32
            %add3A_715 = vector.broadcast %mul3A_714 : i32 to vector<16xi32>
            %add3A_716 = arith.addi %min3A_712, %add3A_715 : vector<16xi32>
            %add3A_717 = arith.addi %mul3A_33, %add3A_705 : i32
            %add3A_718 = vector.broadcast %add3A_717 : i32 to vector<16xi32>
            %add3A_719 = arith.addi %add3A_718, %iota3A : vector<16xi32>
            tpu.vector_store_idx %arg16[%add3A_716], %add3A_381 masked %le3A_384 : memref<32768xf32, #tpu.memory_space<vmem>>[vector<16xi32>], vector<16xf32>, vector<16xi1>
            tpu.vector_store_idx %arg17[%add3A_716], %add3A_719 masked %le3A_384 : memref<32768xi32, #tpu.memory_space<vmem>>[vector<16xi32>], vector<16xi32>, vector<16xi1>
            %all_reduce_population_count3A_720 = tpu.all_reduce %le3A_384 {dim = 0 : i64, kind = #tpu.reduction_kind<sum>} : vector<16xi1> -> vector<16xi32>
            %add3A_721 = arith.addi %add3A_701, %all_reduce_population_count3A_720 : vector<16xi32>
            %mul3A_722 = arith.constant 256 : i32
            %mul3A_723 = arith.muli %scan3A_67, %mul3A_722 : i32
            %add3A_724 = arith.constant 208 : i32
            %add3A_725 = arith.addi %mul3A_723, %add3A_724 : i32
            %add3A_726 = arith.addi %add3A_721, %masked_cumsum3A_413 : vector<16xi32>
            %sub3A_727 = arith.constant 1 : i32
            %sub3A_728 = vector.broadcast %sub3A_727 : i32 to vector<16xi32>
            %sub3A_729 = arith.subi %add3A_726, %sub3A_728 : vector<16xi32>
            %min3A_730 = arith.constant 4095 : i32
            %min3A_731 = vector.broadcast %min3A_730 : i32 to vector<16xi32>
            %min3A_732 = arith.minsi %sub3A_729, %min3A_731 : vector<16xi32>
            %mul3A_733 = arith.constant 4096 : i32
            %mul3A_734 = arith.muli %scan3A_42, %mul3A_733 : i32
            %add3A_735 = vector.broadcast %mul3A_734 : i32 to vector<16xi32>
            %add3A_736 = arith.addi %min3A_732, %add3A_735 : vector<16xi32>
            %add3A_737 = arith.addi %mul3A_33, %add3A_725 : i32
            %add3A_738 = vector.broadcast %add3A_737 : i32 to vector<16xi32>
            %add3A_739 = arith.addi %add3A_738, %iota3A : vector<16xi32>
            tpu.vector_store_idx %arg16[%add3A_736], %add3A_406 masked %le3A_409 : memref<32768xf32, #tpu.memory_space<vmem>>[vector<16xi32>], vector<16xf32>, vector<16xi1>
            tpu.vector_store_idx %arg17[%add3A_736], %add3A_739 masked %le3A_409 : memref<32768xi32, #tpu.memory_space<vmem>>[vector<16xi32>], vector<16xi32>, vector<16xi1>
            %all_reduce_population_count3A_740 = tpu.all_reduce %le3A_409 {dim = 0 : i64, kind = #tpu.reduction_kind<sum>} : vector<16xi1> -> vector<16xi32>
            %add3A_741 = arith.addi %add3A_721, %all_reduce_population_count3A_740 : vector<16xi32>
            %mul3A_742 = arith.constant 256 : i32
            %mul3A_743 = arith.muli %scan3A_67, %mul3A_742 : i32
            %add3A_744 = arith.constant 224 : i32
            %add3A_745 = arith.addi %mul3A_743, %add3A_744 : i32
            %add3A_746 = arith.addi %add3A_741, %masked_cumsum3A_438 : vector<16xi32>
            %sub3A_747 = arith.constant 1 : i32
            %sub3A_748 = vector.broadcast %sub3A_747 : i32 to vector<16xi32>
            %sub3A_749 = arith.subi %add3A_746, %sub3A_748 : vector<16xi32>
            %min3A_750 = arith.constant 4095 : i32
            %min3A_751 = vector.broadcast %min3A_750 : i32 to vector<16xi32>
            %min3A_752 = arith.minsi %sub3A_749, %min3A_751 : vector<16xi32>
            %mul3A_753 = arith.constant 4096 : i32
            %mul3A_754 = arith.muli %scan3A_42, %mul3A_753 : i32
            %add3A_755 = vector.broadcast %mul3A_754 : i32 to vector<16xi32>
            %add3A_756 = arith.addi %min3A_752, %add3A_755 : vector<16xi32>
            %add3A_757 = arith.addi %mul3A_33, %add3A_745 : i32
            %add3A_758 = vector.broadcast %add3A_757 : i32 to vector<16xi32>
            %add3A_759 = arith.addi %add3A_758, %iota3A : vector<16xi32>
            tpu.vector_store_idx %arg16[%add3A_756], %add3A_431 masked %le3A_434 : memref<32768xf32, #tpu.memory_space<vmem>>[vector<16xi32>], vector<16xf32>, vector<16xi1>
            tpu.vector_store_idx %arg17[%add3A_756], %add3A_759 masked %le3A_434 : memref<32768xi32, #tpu.memory_space<vmem>>[vector<16xi32>], vector<16xi32>, vector<16xi1>
            %all_reduce_population_count3A_760 = tpu.all_reduce %le3A_434 {dim = 0 : i64, kind = #tpu.reduction_kind<sum>} : vector<16xi1> -> vector<16xi32>
            %add3A_761 = arith.addi %add3A_741, %all_reduce_population_count3A_760 : vector<16xi32>
            %mul3A_762 = arith.constant 256 : i32
            %mul3A_763 = arith.muli %scan3A_67, %mul3A_762 : i32
            %add3A_764 = arith.constant 240 : i32
            %add3A_765 = arith.addi %mul3A_763, %add3A_764 : i32
            %add3A_766 = arith.addi %add3A_761, %masked_cumsum3A_463 : vector<16xi32>
            %sub3A_767 = arith.constant 1 : i32
            %sub3A_768 = vector.broadcast %sub3A_767 : i32 to vector<16xi32>
            %sub3A_769 = arith.subi %add3A_766, %sub3A_768 : vector<16xi32>
            %min3A_770 = arith.constant 4095 : i32
            %min3A_771 = vector.broadcast %min3A_770 : i32 to vector<16xi32>
            %min3A_772 = arith.minsi %sub3A_769, %min3A_771 : vector<16xi32>
            %mul3A_773 = arith.constant 4096 : i32
            %mul3A_774 = arith.muli %scan3A_42, %mul3A_773 : i32
            %add3A_775 = vector.broadcast %mul3A_774 : i32 to vector<16xi32>
            %add3A_776 = arith.addi %min3A_772, %add3A_775 : vector<16xi32>
            %add3A_777 = arith.addi %mul3A_33, %add3A_765 : i32
            %add3A_778 = vector.broadcast %add3A_777 : i32 to vector<16xi32>
            %add3A_779 = arith.addi %add3A_778, %iota3A : vector<16xi32>
            tpu.vector_store_idx %arg16[%add3A_776], %add3A_456 masked %le3A_459 : memref<32768xf32, #tpu.memory_space<vmem>>[vector<16xi32>], vector<16xf32>, vector<16xi1>
            tpu.vector_store_idx %arg17[%add3A_776], %add3A_779 masked %le3A_459 : memref<32768xi32, #tpu.memory_space<vmem>>[vector<16xi32>], vector<16xi32>, vector<16xi1>
            %all_reduce_population_count3A_780 = tpu.all_reduce %le3A_459 {dim = 0 : i64, kind = #tpu.reduction_kind<sum>} : vector<16xi1> -> vector<16xi32>
            %add3A_781 = arith.addi %add3A_761, %all_reduce_population_count3A_780 : vector<16xi32>
            scf.yield %add3A_781 : vector<16xi32>
          }
          %scan3A_63 = arith.constant 49 : i32
          %add3A_64 = vector.broadcast %scan3A_42 : i32 to vector<16xi32>
          %add3A_65 = arith.addi %broadcast_in_dim3A_5, %add3A_64 : vector<16xi32>
          tpu.vector_store_idx %arg18[%add3A_65], %scan3A_62 masked %eq3A_4 : memref<16xi32, #tpu.memory_space<vmem>>[vector<16xi32>], vector<16xi32>, vector<16xi1>
          %scan3A_66 = arith.constant 0 : i32
          scf.yield %scan3A_66 : i32
        }
        %scan3A_40 = arith.constant 8 : i32
        %scan3A_41 = arith.constant 0 : i32
        scf.yield %scan3A_41 : i32
      }
      %scan3A_21 = arith.constant 4 : i32
      %scan3A_22 = arith.constant 0 : i32
      %scan3A_23 = arith.constant 0 : i32
      %scan3A_24 = arith.constant 8 : i32
      %scan3A_25 = arith.addi %scan3A_23, %scan3A_24 : i32
      %scan3A_26 = arith.constant 1 : i32
      %scan3A_27 = scf.for %scan3A_30 = %scan3A_23 to %scan3A_25 step %scan3A_26 iter_args(%scan3A_31 = %scan3A_22) -> (i32)  : i32 {
        %mul3A_32 = arith.constant 8 : i32
        %mul3A_33 = arith.muli %scan3A_12, %mul3A_32 : i32
        %add3A_34 = arith.addi %mul3A_33, %scan3A_30 : i32
        %add3A_35 = vector.broadcast %scan3A_30 : i32 to vector<16xi32>
        %add3A_36 = arith.addi %broadcast_in_dim3A_5, %add3A_35 : vector<16xi32>
        %gather3A = tpu.vector_load_idx %arg18[%add3A_36] : memref<16xi32, #tpu.memory_space<vmem>>[vector<16xi32>], vector<16xi32>,
        %reduce_max3A = arith.constant true
        %reduce_max3A_37 = vector.broadcast %reduce_max3A : i1 to vector<16xi1>
        %reduce_max3A_38 = arith.constant -2147483648 : i32
        %reduce_max3A_39 = vector.broadcast %reduce_max3A_38 : i32 to vector<16xi32>
        %reduce_max3A_40 = arith.xori %gather3A, %reduce_max3A_39 : vector<16xi32>
        %reduce_max3A_41 = tpu.scan <max>, %reduce_max3A_40 masked %reduce_max3A_37 : vector<16xi32>, vector<16xi1> -> vector<16xi32>
        %reduce_max3A_42 = arith.xori %reduce_max3A_41, %reduce_max3A_39 : vector<16xi32>
        %reduce_max3A_43 = vector.extract %reduce_max3A_42[15] : i32 from vector<16xi32>
        %min3A = arith.constant 4096 : i32
        %min3A_44 = arith.minsi %reduce_max3A_43, %min3A : i32
        %add3A_45 = arith.constant 15 : i32
        %add3A_46 = arith.addi %min3A_44, %add3A_45 : i32
        %jit3A = arith.constant 16 : i32
        %div3A = arith.divsi %add3A_46, %jit3A : i32
        %sign3A = arith.constant 0 : i32
        %sign3A_47 = arith.cmpi sgt, %add3A_46, %sign3A : i32
        %sign3A_48 = arith.extui %sign3A_47 : i1 to i32
        %sign3A_49 = arith.constant 0 : i32
        %sign3A_50 = arith.cmpi slt, %add3A_46, %sign3A_49 : i32
        %sign3A_51 = arith.extui %sign3A_50 : i1 to i32
        %sign3A_52 = arith.subi %sign3A_48, %sign3A_51 : i32
        %sign3A_53 = arith.constant 0 : i32
        %sign3A_54 = arith.cmpi sgt, %jit3A, %sign3A_53 : i32
        %sign3A_55 = arith.extui %sign3A_54 : i1 to i32
        %sign3A_56 = arith.constant 0 : i32
        %sign3A_57 = arith.cmpi slt, %jit3A, %sign3A_56 : i32
        %sign3A_58 = arith.extui %sign3A_57 : i1 to i32
        %sign3A_59 = arith.subi %sign3A_55, %sign3A_58 : i32
        %ne3A = arith.cmpi ne, %sign3A_52, %sign3A_59 : i32
        %rem3A = arith.remsi %add3A_46, %jit3A : i32
        %ne3A_60 = arith.constant 0 : i32
        %ne3A_61 = arith.cmpi ne, %rem3A, %ne3A_60 : i32
        %and3A = arith.andi %ne3A, %ne3A_61 : i1
        %sub3A = arith.constant 1 : i32
        %sub3A_62 = arith.subi %div3A, %sub3A : i32
        %select_n3A = arith.select %and3A, %sub3A_62, %div3A : i32
        %mul3A_63 = arith.constant 4096 : i32
        %mul3A_64 = arith.muli %scan3A_30, %mul3A_63 : i32
        %scan3A_65 = arith.constant 0 : i32
        %scan3A_66 = arith.constant 0 : i32
        %scan3A_67 = arith.constant 16 : i32
        %scan3A_68 = arith.addi %scan3A_66, %scan3A_67 : i32
        %scan3A_69 = arith.constant 1 : i32
        %scan3A_70 = scf.for %scan3A_177 = %scan3A_66 to %scan3A_68 step %scan3A_69 iter_args(%scan3A_178 = %scan3A_65) -> (i32)  : i32 {
          %mul3A_179 = arith.constant 16 : i32
          %mul3A_180 = arith.muli %scan3A_177, %mul3A_179 : i32
          %swap3A_181 = arith.index_cast %mul3A_180 : i32 to index
          %swap3A_182 = tpu.vector_load %arg19[%swap3A_181] {strides = array<i32>} : memref<256xi32, #tpu.memory_space<vmem>>, vector<16xi32>,
          tpu.vector_store %arg19[%swap3A_181], %broadcast_in_dim3A_5 {strides = array<i32>} : memref<256xi32, #tpu.memory_space<vmem>>, vector<16xi32>,
          %scan3A_183 = arith.constant 0 : i32
          scf.yield %scan3A_183 : i32
        }
        %scan3A_71 = arith.constant 16 : i32
        %while3A = arith.constant 0 : i32
        %while3A_72 = arith.constant 0 : i32
        %while3A_73 = arith.subi %select_n3A, %while3A : i32
        %while3A_74 = arith.addi %while3A, %while3A_73 : i32
        %while3A_75 = arith.constant 1 : i32
        %while3A_76 = arith.divsi %while3A_73, %while3A_75 : i32
        %while3A_77 = arith.muli %while3A_76, %while3A_75 : i32
        %while3A_78 = arith.addi %while3A, %while3A_77 : i32
        %while3A_79 = arith.constant 1 : i32
        %while3A_80 = scf.for %while3A_177 = %while3A to %while3A_78 step %while3A_79 iter_args(%while3A_178 = %while3A_72) -> (i32)  : i32 {
          %mul3A_179 = arith.constant 16 : i32
          %mul3A_180 = arith.muli %while3A_177, %mul3A_179 : i32
          %add3A_181 = arith.addi %mul3A_64, %mul3A_180 : i32
          %mul3A_182 = arith.constant 16 : i32
          %mul3A_183 = arith.muli %while3A_177, %mul3A_182 : i32
          %add3A_184 = vector.broadcast %mul3A_183 : i32 to vector<16xi32>
          %add3A_185 = arith.addi %add3A_184, %iota3A : vector<16xi32>
          %lt3A_186 = vector.broadcast %min3A_44 : i32 to vector<16xi32>
          %lt3A_187 = arith.cmpi slt, %add3A_185, %lt3A_186 : vector<16xi32>
          %get3A = arith.index_cast %add3A_181 : i32 to index
          %get3A_188 = tpu.vector_load %arg16[%get3A] {strides = array<i32>} : memref<32768xf32, #tpu.memory_space<vmem>>, vector<16xf32>,
          %jit3A_189 = arith.constant 0.000000e+00 : f32
          %broadcast_in_dim3A_190 = vector.broadcast %jit3A_189 : f32 to vector<16xf32>
          %select_n3A_191 = arith.select %lt3A_187, %get3A_188, %broadcast_in_dim3A_190 : vector<16xi1>, vector<16xf32>
          %mul3A_192 = arith.constant 6.400000e+03 : f32
          %mul3A_193 = vector.broadcast %mul3A_192 : f32 to vector<16xf32>
          %mul3A_194 = arith.mulf %select_n3A_191, %mul3A_193 : vector<16xf32>
          %convert_element_type3A = arith.fptosi %mul3A_194 : vector<16xf32> to vector<16xi32>
          %min3A_195 = arith.constant 255 : i32
          %min3A_196 = vector.broadcast %min3A_195 : i32 to vector<16xi32>
          %min3A_197 = arith.minsi %convert_element_type3A, %min3A_196 : vector<16xi32>
          %jit3A_198 = arith.constant 1 : i32
          %jit3A_199 = arith.constant 0 : i32
          %broadcast_in_dim3A_200 = vector.broadcast %jit3A_198 : i32 to vector<16xi32>
          %broadcast_in_dim3A_201 = vector.broadcast %jit3A_199 : i32 to vector<16xi32>
          %select_n3A_202 = arith.select %lt3A_187, %broadcast_in_dim3A_200, %broadcast_in_dim3A_201 : vector<16xi1>, vector<16xi32>
          tpu.vector_store_idx %arg19[%min3A_197], %select_n3A_202 masked %lt3A_187 {add = true} : memref<256xi32, #tpu.memory_space<vmem>>[vector<16xi32>], vector<16xi32>, vector<16xi1>
          %while3A_203 = arith.constant 0 : i32
          scf.yield %while3A_203 : i32
        }
        %while3A_81 = arith.constant 1 : i32
        %while3A_82 = scf.for %while3A_177 = %while3A_78 to %while3A_74 step %while3A_81 iter_args(%while3A_178 = %while3A_80) -> (i32)  : i32 {
          %mul3A_179 = arith.constant 16 : i32
          %mul3A_180 = arith.muli %while3A_177, %mul3A_179 : i32
          %add3A_181 = arith.addi %mul3A_64, %mul3A_180 : i32
          %mul3A_182 = arith.constant 16 : i32
          %mul3A_183 = arith.muli %while3A_177, %mul3A_182 : i32
          %add3A_184 = vector.broadcast %mul3A_183 : i32 to vector<16xi32>
          %add3A_185 = arith.addi %add3A_184, %iota3A : vector<16xi32>
          %lt3A_186 = vector.broadcast %min3A_44 : i32 to vector<16xi32>
          %lt3A_187 = arith.cmpi slt, %add3A_185, %lt3A_186 : vector<16xi32>
          %get3A = arith.index_cast %add3A_181 : i32 to index
          %get3A_188 = tpu.vector_load %arg16[%get3A] {strides = array<i32>} : memref<32768xf32, #tpu.memory_space<vmem>>, vector<16xf32>,
          %jit3A_189 = arith.constant 0.000000e+00 : f32
          %broadcast_in_dim3A_190 = vector.broadcast %jit3A_189 : f32 to vector<16xf32>
          %select_n3A_191 = arith.select %lt3A_187, %get3A_188, %broadcast_in_dim3A_190 : vector<16xi1>, vector<16xf32>
          %mul3A_192 = arith.constant 6.400000e+03 : f32
          %mul3A_193 = vector.broadcast %mul3A_192 : f32 to vector<16xf32>
          %mul3A_194 = arith.mulf %select_n3A_191, %mul3A_193 : vector<16xf32>
          %convert_element_type3A = arith.fptosi %mul3A_194 : vector<16xf32> to vector<16xi32>
          %min3A_195 = arith.constant 255 : i32
          %min3A_196 = vector.broadcast %min3A_195 : i32 to vector<16xi32>
          %min3A_197 = arith.minsi %convert_element_type3A, %min3A_196 : vector<16xi32>
          %jit3A_198 = arith.constant 1 : i32
          %jit3A_199 = arith.constant 0 : i32
          %broadcast_in_dim3A_200 = vector.broadcast %jit3A_198 : i32 to vector<16xi32>
          %broadcast_in_dim3A_201 = vector.broadcast %jit3A_199 : i32 to vector<16xi32>
          %select_n3A_202 = arith.select %lt3A_187, %broadcast_in_dim3A_200, %broadcast_in_dim3A_201 : vector<16xi1>, vector<16xi32>
          tpu.vector_store_idx %arg19[%min3A_197], %select_n3A_202 masked %lt3A_187 {add = true} : memref<256xi32, #tpu.memory_space<vmem>>[vector<16xi32>], vector<16xi32>, vector<16xi1>
          %while3A_203 = arith.constant 0 : i32
          scf.yield %while3A_203 : i32
        }
        %scan3A_83 = arith.constant 0 : i32
        %scan3A_84 = arith.constant 0 : i32
        %scan3A_85 = arith.constant 16 : i32
        %scan3A_86 = arith.addi %scan3A_84, %scan3A_85 : i32
        %scan3A_87 = arith.constant 1 : i32
        %scan3A_88 = scf.for %scan3A_177 = %scan3A_84 to %scan3A_86 step %scan3A_87 iter_args(%scan3A_178 = %scan3A_83) -> (i32)  : i32 {
          %mul3A_179 = arith.constant 16 : i32
          %mul3A_180 = arith.muli %scan3A_177, %mul3A_179 : i32
          %get3A = arith.index_cast %mul3A_180 : i32 to index
          %get3A_181 = tpu.vector_load %arg19[%get3A] {strides = array<i32>} : memref<256xi32, #tpu.memory_space<vmem>>, vector<16xi32>,
          %broadcast_in_dim3A_182 = arith.constant true
          %broadcast_in_dim3A_183 = vector.broadcast %broadcast_in_dim3A_182 : i1 to vector<16xi1>
          %masked_cumsum3A = tpu.scan <sum>, %get3A_181 masked %broadcast_in_dim3A_183 : vector<16xi32>, vector<16xi1> -> vector<16xi32>
          %add3A_184 = vector.broadcast %scan3A_178 : i32 to vector<16xi32>
          %add3A_185 = arith.addi %masked_cumsum3A, %add3A_184 : vector<16xi32>
          %mul3A_186 = arith.constant 16 : i32
          %mul3A_187 = arith.muli %scan3A_177, %mul3A_186 : i32
          %swap3A_188 = arith.index_cast %mul3A_187 : i32 to index
          %swap3A_189 = tpu.vector_load %arg20[%swap3A_188] {strides = array<i32>} : memref<256xi32, #tpu.memory_space<vmem>>, vector<16xi32>,
          tpu.vector_store %arg20[%swap3A_188], %add3A_185 {strides = array<i32>} : memref<256xi32, #tpu.memory_space<vmem>>, vector<16xi32>,
          %reduce_max3A_190 = arith.constant true
          %reduce_max3A_191 = vector.broadcast %reduce_max3A_190 : i1 to vector<16xi1>
          %reduce_max3A_192 = arith.constant -2147483648 : i32
          %reduce_max3A_193 = vector.broadcast %reduce_max3A_192 : i32 to vector<16xi32>
          %reduce_max3A_194 = arith.xori %add3A_185, %reduce_max3A_193 : vector<16xi32>
          %reduce_max3A_195 = tpu.scan <max>, %reduce_max3A_194 masked %reduce_max3A_191 : vector<16xi32>, vector<16xi1> -> vector<16xi32>
          %reduce_max3A_196 = arith.xori %reduce_max3A_195, %reduce_max3A_193 : vector<16xi32>
          %reduce_max3A_197 = vector.extract %reduce_max3A_196[15] : i32 from vector<16xi32>
          scf.yield %reduce_max3A_197 : i32
        }
        %scan3A_89 = arith.constant 16 : i32
        %scan3A_90 = arith.constant 1024 : i32
        %scan3A_91 = arith.constant 0 : i32
        %scan3A_92 = arith.constant 0 : i32
        %scan3A_93 = arith.constant 16 : i32
        %scan3A_94 = arith.addi %scan3A_92, %scan3A_93 : i32
        %scan3A_95 = arith.constant 1 : i32
        %scan3A_96:2 = scf.for %scan3A_177 = %scan3A_92 to %scan3A_94 step %scan3A_95 iter_args(%scan3A_178 = %scan3A_90, %scan3A_179 = %scan3A_91) -> (i32, i32)  : i32 {
          %mul3A_180 = arith.constant 16 : i32
          %mul3A_181 = arith.muli %scan3A_177, %mul3A_180 : i32
          %get3A = arith.index_cast %mul3A_181 : i32 to index
          %get3A_182 = tpu.vector_load %arg20[%get3A] {strides = array<i32>} : memref<256xi32, #tpu.memory_space<vmem>>, vector<16xi32>,
          %mul3A_183 = arith.constant 16 : i32
          %mul3A_184 = arith.muli %scan3A_177, %mul3A_183 : i32
          %add3A_185 = vector.broadcast %mul3A_184 : i32 to vector<16xi32>
          %add3A_186 = arith.addi %add3A_185, %iota3A : vector<16xi32>
          %ge3A = arith.constant 64 : i32
          %ge3A_187 = vector.broadcast %ge3A : i32 to vector<16xi32>
          %ge3A_188 = arith.cmpi sge, %get3A_182, %ge3A_187 : vector<16xi32>
          %jit3A_189 = arith.constant 1024 : i32
          %broadcast_in_dim3A_190 = vector.broadcast %jit3A_189 : i32 to vector<16xi32>
          %select_n3A_191 = arith.select %ge3A_188, %add3A_186, %broadcast_in_dim3A_190 : vector<16xi1>, vector<16xi32>
          %reduce_min3A = arith.constant true
          %reduce_min3A_192 = vector.broadcast %reduce_min3A : i1 to vector<16xi1>
          %reduce_min3A_193 = arith.constant -2147483648 : i32
          %reduce_min3A_194 = vector.broadcast %reduce_min3A_193 : i32 to vector<16xi32>
          %reduce_min3A_195 = arith.xori %select_n3A_191, %reduce_min3A_194 : vector<16xi32>
          %reduce_min3A_196 = tpu.scan <min>, %reduce_min3A_195 masked %reduce_min3A_192 : vector<16xi32>, vector<16xi1> -> vector<16xi32>
          %reduce_min3A_197 = arith.xori %reduce_min3A_196, %reduce_min3A_194 : vector<16xi32>
          %reduce_min3A_198 = vector.extract %reduce_min3A_197[15] : i32 from vector<16xi32>
          %min3A_199 = arith.minsi %scan3A_178, %reduce_min3A_198 : i32
          %lt3A_200 = arith.constant 64 : i32
          %lt3A_201 = vector.broadcast %lt3A_200 : i32 to vector<16xi32>
          %lt3A_202 = arith.cmpi slt, %get3A_182, %lt3A_201 : vector<16xi32>
          %jit3A_203 = arith.constant 0 : i32
          %broadcast_in_dim3A_204 = vector.broadcast %jit3A_203 : i32 to vector<16xi32>
          %select_n3A_205 = arith.select %lt3A_202, %get3A_182, %broadcast_in_dim3A_204 : vector<16xi1>, vector<16xi32>
          %reduce_max3A_206 = arith.constant true
          %reduce_max3A_207 = vector.broadcast %reduce_max3A_206 : i1 to vector<16xi1>
          %reduce_max3A_208 = arith.constant -2147483648 : i32
          %reduce_max3A_209 = vector.broadcast %reduce_max3A_208 : i32 to vector<16xi32>
          %reduce_max3A_210 = arith.xori %select_n3A_205, %reduce_max3A_209 : vector<16xi32>
          %reduce_max3A_211 = tpu.scan <max>, %reduce_max3A_210 masked %reduce_max3A_207 : vector<16xi32>, vector<16xi1> -> vector<16xi32>
          %reduce_max3A_212 = arith.xori %reduce_max3A_211, %reduce_max3A_209 : vector<16xi32>
          %reduce_max3A_213 = vector.extract %reduce_max3A_212[15] : i32 from vector<16xi32>
          %max3A = arith.maxsi %scan3A_179, %reduce_max3A_213 : i32
          scf.yield %min3A_199, %max3A : i32, i32
        }
        %scan3A_97 = arith.constant 16 : i32
        %lt3A = arith.constant 1024 : i32
        %lt3A_98 = arith.cmpi slt, %scan3A_96#0, %lt3A : i32
        %sub3A_99 = arith.constant 64 : i32
        %sub3A_100 = arith.subi %sub3A_99, %scan3A_96#1 : i32
        %jit3A_101 = arith.constant 0 : i32
        %select_n3A_102 = arith.select %lt3A_98, %sub3A_100, %jit3A_101 : i32
        %scan3A_103 = arith.constant 0 : i32
        %scan3A_104 = arith.constant 0 : i32
        %scan3A_105 = arith.constant 4 : i32
        %scan3A_106 = arith.addi %scan3A_104, %scan3A_105 : i32
        %scan3A_107 = arith.constant 1 : i32
        %scan3A_108 = scf.for %scan3A_177 = %scan3A_104 to %scan3A_106 step %scan3A_107 iter_args(%scan3A_178 = %scan3A_103) -> (i32)  : i32 {
          %mul3A_179 = arith.constant 16 : i32
          %mul3A_180 = arith.muli %scan3A_177, %mul3A_179 : i32
          %swap3A_181 = arith.index_cast %mul3A_180 : i32 to index
          %swap3A_182 = tpu.vector_load %arg23[%swap3A_181] {strides = array<i32>} : memref<64xi32, #tpu.memory_space<vmem>>, vector<16xi32>,
          tpu.vector_store %arg23[%swap3A_181], %broadcast_in_dim3A_5 {strides = array<i32>} : memref<64xi32, #tpu.memory_space<vmem>>, vector<16xi32>,
          %scan3A_183 = arith.constant 0 : i32
          scf.yield %scan3A_183 : i32
        }
        %scan3A_109 = arith.constant 4 : i32
        %while3A_110 = arith.constant 0 : i32
        %while3A_111 = arith.subi %select_n3A, %while3A_110 : i32
        %while3A_112 = arith.addi %while3A_110, %while3A_111 : i32
        %while3A_113 = arith.constant 1 : i32
        %while3A_114 = arith.divsi %while3A_111, %while3A_113 : i32
        %while3A_115 = arith.muli %while3A_114, %while3A_113 : i32
        %while3A_116 = arith.addi %while3A_110, %while3A_115 : i32
        %while3A_117 = arith.constant 1 : i32
        %while3A_118:2 = scf.for %while3A_177 = %while3A_110 to %while3A_116 step %while3A_117 iter_args(%while3A_178 = %broadcast_in_dim3A_5, %while3A_179 = %broadcast_in_dim3A_5) -> (vector<16xi32>, vector<16xi32>)  : i32 {
          %mul3A_180 = arith.constant 16 : i32
          %mul3A_181 = arith.muli %while3A_177, %mul3A_180 : i32
          %add3A_182 = arith.addi %mul3A_64, %mul3A_181 : i32
          %mul3A_183 = arith.constant 16 : i32
          %mul3A_184 = arith.muli %while3A_177, %mul3A_183 : i32
          %add3A_185 = vector.broadcast %mul3A_184 : i32 to vector<16xi32>
          %add3A_186 = arith.addi %add3A_185, %iota3A : vector<16xi32>
          %lt3A_187 = vector.broadcast %min3A_44 : i32 to vector<16xi32>
          %lt3A_188 = arith.cmpi slt, %add3A_186, %lt3A_187 : vector<16xi32>
          %get3A = arith.index_cast %add3A_182 : i32 to index
          %get3A_189 = tpu.vector_load %arg16[%get3A] {strides = array<i32>} : memref<32768xf32, #tpu.memory_space<vmem>>, vector<16xf32>,
          %jit3A_190 = arith.constant 0x7F800000 : f32
          %broadcast_in_dim3A_191 = vector.broadcast %jit3A_190 : f32 to vector<16xf32>
          %select_n3A_192 = arith.select %lt3A_188, %get3A_189, %broadcast_in_dim3A_191 : vector<16xi1>, vector<16xf32>
          %get3A_193 = arith.index_cast %add3A_182 : i32 to index
          %get3A_194 = tpu.vector_load %arg17[%get3A_193] {strides = array<i32>} : memref<32768xi32, #tpu.memory_space<vmem>>, vector<16xi32>,
          %mul3A_195 = arith.constant 6.400000e+03 : f32
          %mul3A_196 = vector.broadcast %mul3A_195 : f32 to vector<16xf32>
          %mul3A_197 = arith.mulf %select_n3A_192, %mul3A_196 : vector<16xf32>
          %convert_element_type3A = arith.fptosi %mul3A_197 : vector<16xf32> to vector<16xi32>
          %min3A_198 = arith.constant 255 : i32
          %min3A_199 = vector.broadcast %min3A_198 : i32 to vector<16xi32>
          %min3A_200 = arith.minsi %convert_element_type3A, %min3A_199 : vector<16xi32>
          %lt3A_201 = vector.broadcast %scan3A_96#0 : i32 to vector<16xi32>
          %lt3A_202 = arith.cmpi slt, %min3A_200, %lt3A_201 : vector<16xi32>
          %and3A_203 = arith.andi %lt3A_188, %lt3A_202 : vector<16xi1>
          %convert_element_type3A_204 = arith.extui %and3A_203 : vector<16xi1> to vector<16xi32>
          %broadcast_in_dim3A_205 = arith.constant true
          %broadcast_in_dim3A_206 = vector.broadcast %broadcast_in_dim3A_205 : i1 to vector<16xi1>
          %masked_cumsum3A = tpu.scan <sum>, %convert_element_type3A_204 masked %broadcast_in_dim3A_206 : vector<16xi32>, vector<16xi1> -> vector<16xi32>
          %add3A_207 = arith.addi %while3A_178, %masked_cumsum3A : vector<16xi32>
          %sub3A_208 = arith.constant 1 : i32
          %sub3A_209 = vector.broadcast %sub3A_208 : i32 to vector<16xi32>
          %sub3A_210 = arith.subi %add3A_207, %sub3A_209 : vector<16xi32>
          %min3A_211 = arith.constant 63 : i32
          %min3A_212 = vector.broadcast %min3A_211 : i32 to vector<16xi32>
          %min3A_213 = arith.minsi %sub3A_210, %min3A_212 : vector<16xi32>
          tpu.vector_store_idx %arg23[%min3A_213], %get3A_194 masked %and3A_203 : memref<64xi32, #tpu.memory_space<vmem>>[vector<16xi32>], vector<16xi32>, vector<16xi1>
          %all_reduce_population_count3A = tpu.all_reduce %and3A_203 {dim = 0 : i64, kind = #tpu.reduction_kind<sum>} : vector<16xi1> -> vector<16xi32>
          %add3A_214 = arith.addi %while3A_178, %all_reduce_population_count3A : vector<16xi32>
          %eq3A_215 = vector.broadcast %scan3A_96#0 : i32 to vector<16xi32>
          %eq3A_216 = arith.cmpi eq, %min3A_200, %eq3A_215 : vector<16xi32>
          %and3A_217 = arith.andi %lt3A_188, %eq3A_216 : vector<16xi1>
          %convert_element_type3A_218 = arith.extui %and3A_217 : vector<16xi1> to vector<16xi32>
          %broadcast_in_dim3A_219 = arith.constant true
          %broadcast_in_dim3A_220 = vector.broadcast %broadcast_in_dim3A_219 : i1 to vector<16xi1>
          %masked_cumsum3A_221 = tpu.scan <sum>, %convert_element_type3A_218 masked %broadcast_in_dim3A_220 : vector<16xi32>, vector<16xi1> -> vector<16xi32>
          %add3A_222 = arith.addi %while3A_179, %masked_cumsum3A_221 : vector<16xi32>
          %sub3A_223 = arith.constant 1 : i32
          %sub3A_224 = vector.broadcast %sub3A_223 : i32 to vector<16xi32>
          %sub3A_225 = arith.subi %add3A_222, %sub3A_224 : vector<16xi32>
          %min3A_226 = arith.constant 1023 : i32
          %min3A_227 = vector.broadcast %min3A_226 : i32 to vector<16xi32>
          %min3A_228 = arith.minsi %sub3A_225, %min3A_227 : vector<16xi32>
          tpu.vector_store_idx %arg21[%min3A_228], %select_n3A_192 masked %and3A_217 : memref<1024xf32, #tpu.memory_space<vmem>>[vector<16xi32>], vector<16xf32>, vector<16xi1>
          tpu.vector_store_idx %arg22[%min3A_228], %get3A_194 masked %and3A_217 : memref<1024xi32, #tpu.memory_space<vmem>>[vector<16xi32>], vector<16xi32>, vector<16xi1>
          %all_reduce_population_count3A_229 = tpu.all_reduce %and3A_217 {dim = 0 : i64, kind = #tpu.reduction_kind<sum>} : vector<16xi1> -> vector<16xi32>
          %add3A_230 = arith.addi %while3A_179, %all_reduce_population_count3A_229 : vector<16xi32>
          scf.yield %add3A_214, %add3A_230 : vector<16xi32>, vector<16xi32>
        }
        %while3A_119 = arith.constant 1 : i32
        %while3A_120:2 = scf.for %while3A_177 = %while3A_116 to %while3A_112 step %while3A_119 iter_args(%while3A_178 = %while3A_118#0, %while3A_179 = %while3A_118#1) -> (vector<16xi32>, vector<16xi32>)  : i32 {
          %mul3A_180 = arith.constant 16 : i32
          %mul3A_181 = arith.muli %while3A_177, %mul3A_180 : i32
          %add3A_182 = arith.addi %mul3A_64, %mul3A_181 : i32
          %mul3A_183 = arith.constant 16 : i32
          %mul3A_184 = arith.muli %while3A_177, %mul3A_183 : i32
          %add3A_185 = vector.broadcast %mul3A_184 : i32 to vector<16xi32>
          %add3A_186 = arith.addi %add3A_185, %iota3A : vector<16xi32>
          %lt3A_187 = vector.broadcast %min3A_44 : i32 to vector<16xi32>
          %lt3A_188 = arith.cmpi slt, %add3A_186, %lt3A_187 : vector<16xi32>
          %get3A = arith.index_cast %add3A_182 : i32 to index
          %get3A_189 = tpu.vector_load %arg16[%get3A] {strides = array<i32>} : memref<32768xf32, #tpu.memory_space<vmem>>, vector<16xf32>,
          %jit3A_190 = arith.constant 0x7F800000 : f32
          %broadcast_in_dim3A_191 = vector.broadcast %jit3A_190 : f32 to vector<16xf32>
          %select_n3A_192 = arith.select %lt3A_188, %get3A_189, %broadcast_in_dim3A_191 : vector<16xi1>, vector<16xf32>
          %get3A_193 = arith.index_cast %add3A_182 : i32 to index
          %get3A_194 = tpu.vector_load %arg17[%get3A_193] {strides = array<i32>} : memref<32768xi32, #tpu.memory_space<vmem>>, vector<16xi32>,
          %mul3A_195 = arith.constant 6.400000e+03 : f32
          %mul3A_196 = vector.broadcast %mul3A_195 : f32 to vector<16xf32>
          %mul3A_197 = arith.mulf %select_n3A_192, %mul3A_196 : vector<16xf32>
          %convert_element_type3A = arith.fptosi %mul3A_197 : vector<16xf32> to vector<16xi32>
          %min3A_198 = arith.constant 255 : i32
          %min3A_199 = vector.broadcast %min3A_198 : i32 to vector<16xi32>
          %min3A_200 = arith.minsi %convert_element_type3A, %min3A_199 : vector<16xi32>
          %lt3A_201 = vector.broadcast %scan3A_96#0 : i32 to vector<16xi32>
          %lt3A_202 = arith.cmpi slt, %min3A_200, %lt3A_201 : vector<16xi32>
          %and3A_203 = arith.andi %lt3A_188, %lt3A_202 : vector<16xi1>
          %convert_element_type3A_204 = arith.extui %and3A_203 : vector<16xi1> to vector<16xi32>
          %broadcast_in_dim3A_205 = arith.constant true
          %broadcast_in_dim3A_206 = vector.broadcast %broadcast_in_dim3A_205 : i1 to vector<16xi1>
          %masked_cumsum3A = tpu.scan <sum>, %convert_element_type3A_204 masked %broadcast_in_dim3A_206 : vector<16xi32>, vector<16xi1> -> vector<16xi32>
          %add3A_207 = arith.addi %while3A_178, %masked_cumsum3A : vector<16xi32>
          %sub3A_208 = arith.constant 1 : i32
          %sub3A_209 = vector.broadcast %sub3A_208 : i32 to vector<16xi32>
          %sub3A_210 = arith.subi %add3A_207, %sub3A_209 : vector<16xi32>
          %min3A_211 = arith.constant 63 : i32
          %min3A_212 = vector.broadcast %min3A_211 : i32 to vector<16xi32>
          %min3A_213 = arith.minsi %sub3A_210, %min3A_212 : vector<16xi32>
          tpu.vector_store_idx %arg23[%min3A_213], %get3A_194 masked %and3A_203 : memref<64xi32, #tpu.memory_space<vmem>>[vector<16xi32>], vector<16xi32>, vector<16xi1>
          %all_reduce_population_count3A = tpu.all_reduce %and3A_203 {dim = 0 : i64, kind = #tpu.reduction_kind<sum>} : vector<16xi1> -> vector<16xi32>
          %add3A_214 = arith.addi %while3A_178, %all_reduce_population_count3A : vector<16xi32>
          %eq3A_215 = vector.broadcast %scan3A_96#0 : i32 to vector<16xi32>
          %eq3A_216 = arith.cmpi eq, %min3A_200, %eq3A_215 : vector<16xi32>
          %and3A_217 = arith.andi %lt3A_188, %eq3A_216 : vector<16xi1>
          %convert_element_type3A_218 = arith.extui %and3A_217 : vector<16xi1> to vector<16xi32>
          %broadcast_in_dim3A_219 = arith.constant true
          %broadcast_in_dim3A_220 = vector.broadcast %broadcast_in_dim3A_219 : i1 to vector<16xi1>
          %masked_cumsum3A_221 = tpu.scan <sum>, %convert_element_type3A_218 masked %broadcast_in_dim3A_220 : vector<16xi32>, vector<16xi1> -> vector<16xi32>
          %add3A_222 = arith.addi %while3A_179, %masked_cumsum3A_221 : vector<16xi32>
          %sub3A_223 = arith.constant 1 : i32
          %sub3A_224 = vector.broadcast %sub3A_223 : i32 to vector<16xi32>
          %sub3A_225 = arith.subi %add3A_222, %sub3A_224 : vector<16xi32>
          %min3A_226 = arith.constant 1023 : i32
          %min3A_227 = vector.broadcast %min3A_226 : i32 to vector<16xi32>
          %min3A_228 = arith.minsi %sub3A_225, %min3A_227 : vector<16xi32>
          tpu.vector_store_idx %arg21[%min3A_228], %select_n3A_192 masked %and3A_217 : memref<1024xf32, #tpu.memory_space<vmem>>[vector<16xi32>], vector<16xf32>, vector<16xi1>
          tpu.vector_store_idx %arg22[%min3A_228], %get3A_194 masked %and3A_217 : memref<1024xi32, #tpu.memory_space<vmem>>[vector<16xi32>], vector<16xi32>, vector<16xi1>
          %all_reduce_population_count3A_229 = tpu.all_reduce %and3A_217 {dim = 0 : i64, kind = #tpu.reduction_kind<sum>} : vector<16xi1> -> vector<16xi32>
          %add3A_230 = arith.addi %while3A_179, %all_reduce_population_count3A_229 : vector<16xi32>
          scf.yield %add3A_214, %add3A_230 : vector<16xi32>, vector<16xi32>
        }
        %reduce_max3A_121 = arith.constant true
        %reduce_max3A_122 = vector.broadcast %reduce_max3A_121 : i1 to vector<16xi1>
        %reduce_max3A_123 = arith.constant -2147483648 : i32
        %reduce_max3A_124 = vector.broadcast %reduce_max3A_123 : i32 to vector<16xi32>
        %reduce_max3A_125 = arith.xori %while3A_120#1, %reduce_max3A_124 : vector<16xi32>
        %reduce_max3A_126 = tpu.scan <max>, %reduce_max3A_125 masked %reduce_max3A_122 : vector<16xi32>, vector<16xi1> -> vector<16xi32>
        %reduce_max3A_127 = arith.xori %reduce_max3A_126, %reduce_max3A_124 : vector<16xi32>
        %reduce_max3A_128 = vector.extract %reduce_max3A_127[15] : i32 from vector<16xi32>
        %min3A_129 = arith.constant 1024 : i32
        %min3A_130 = arith.minsi %reduce_max3A_128, %min3A_129 : i32
        %add3A_131 = arith.constant 15 : i32
        %add3A_132 = arith.addi %min3A_130, %add3A_131 : i32
        %jit3A_133 = arith.constant 16 : i32
        %div3A_134 = arith.divsi %add3A_132, %jit3A_133 : i32
        %sign3A_135 = arith.constant 0 : i32
        %sign3A_136 = arith.cmpi sgt, %add3A_132, %sign3A_135 : i32
        %sign3A_137 = arith.extui %sign3A_136 : i1 to i32
        %sign3A_138 = arith.constant 0 : i32
        %sign3A_139 = arith.cmpi slt, %add3A_132, %sign3A_138 : i32
        %sign3A_140 = arith.extui %sign3A_139 : i1 to i32
        %sign3A_141 = arith.subi %sign3A_137, %sign3A_140 : i32
        %sign3A_142 = arith.constant 0 : i32
        %sign3A_143 = arith.cmpi sgt, %jit3A_133, %sign3A_142 : i32
        %sign3A_144 = arith.extui %sign3A_143 : i1 to i32
        %sign3A_145 = arith.constant 0 : i32
        %sign3A_146 = arith.cmpi slt, %jit3A_133, %sign3A_145 : i32
        %sign3A_147 = arith.extui %sign3A_146 : i1 to i32
        %sign3A_148 = arith.subi %sign3A_144, %sign3A_147 : i32
        %ne3A_149 = arith.cmpi ne, %sign3A_141, %sign3A_148 : i32
        %rem3A_150 = arith.remsi %add3A_132, %jit3A_133 : i32
        %ne3A_151 = arith.constant 0 : i32
        %ne3A_152 = arith.cmpi ne, %rem3A_150, %ne3A_151 : i32
        %and3A_153 = arith.andi %ne3A_149, %ne3A_152 : i1
        %sub3A_154 = arith.constant 1 : i32
        %sub3A_155 = arith.subi %div3A_134, %sub3A_154 : i32
        %select_n3A_156 = arith.select %and3A_153, %sub3A_155, %div3A_134 : i32
        %while3A_157 = arith.constant 0 : i32
        %while3A_158 = arith.subi %select_n3A_102, %while3A_157 : i32
        %while3A_159 = arith.addi %while3A_157, %while3A_158 : i32
        %while3A_160 = arith.constant 1 : i32
        %while3A_161 = arith.divsi %while3A_158, %while3A_160 : i32
        %while3A_162 = arith.muli %while3A_161, %while3A_160 : i32
        %while3A_163 = arith.addi %while3A_157, %while3A_162 : i32
        %while3A_164 = arith.constant 1 : i32
        %while3A_165 = scf.for %while3A_177 = %while3A_157 to %while3A_163 step %while3A_164 iter_args(%while3A_178 = %while3A_120#0) -> (vector<16xi32>)  : i32 {
          %while3A_179 = arith.constant 0 : i32
          %while3A_180 = arith.constant 0x7F800000 : f32
          %while3A_181 = arith.subi %select_n3A_156, %while3A_179 : i32
          %while3A_182 = arith.addi %while3A_179, %while3A_181 : i32
          %while3A_183 = arith.constant 1 : i32
          %while3A_184 = arith.divsi %while3A_181, %while3A_183 : i32
          %while3A_185 = arith.muli %while3A_184, %while3A_183 : i32
          %while3A_186 = arith.addi %while3A_179, %while3A_185 : i32
          %while3A_187 = arith.constant 1 : i32
          %while3A_188 = scf.for %while3A_223 = %while3A_179 to %while3A_186 step %while3A_187 iter_args(%while3A_224 = %while3A_180) -> (f32)  : i32 {
            %mul3A_225 = arith.constant 16 : i32
            %mul3A_226 = arith.muli %while3A_223, %mul3A_225 : i32
            %add3A_227 = vector.broadcast %mul3A_226 : i32 to vector<16xi32>
            %add3A_228 = arith.addi %add3A_227, %iota3A : vector<16xi32>
            %lt3A_229 = vector.broadcast %min3A_130 : i32 to vector<16xi32>
            %lt3A_230 = arith.cmpi slt, %add3A_228, %lt3A_229 : vector<16xi32>
            %mul3A_231 = arith.constant 16 : i32
            %mul3A_232 = arith.muli %while3A_223, %mul3A_231 : i32
            %get3A = arith.index_cast %mul3A_232 : i32 to index
            %get3A_233 = tpu.vector_load %arg21[%get3A] {strides = array<i32>} : memref<1024xf32, #tpu.memory_space<vmem>>, vector<16xf32>,
            %jit3A_234 = arith.constant 0x7F800000 : f32
            %broadcast_in_dim3A_235 = vector.broadcast %jit3A_234 : f32 to vector<16xf32>
            %select_n3A_236 = arith.select %lt3A_230, %get3A_233, %broadcast_in_dim3A_235 : vector<16xi1>, vector<16xf32>
            %reduce_min3A = arith.constant true
            %reduce_min3A_237 = vector.broadcast %reduce_min3A : i1 to vector<16xi1>
            %reduce_min3A_238 = tpu.scan <min>, %select_n3A_236 masked %reduce_min3A_237 : vector<16xf32>, vector<16xi1> -> vector<16xf32>
            %reduce_min3A_239 = vector.extract %reduce_min3A_238[15] : f32 from vector<16xf32>
            %min3A_240 = arith.minimumf %while3A_224, %reduce_min3A_239 : f32
            scf.yield %min3A_240 : f32
          }
          %while3A_189 = arith.constant 1 : i32
          %while3A_190 = scf.for %while3A_223 = %while3A_186 to %while3A_182 step %while3A_189 iter_args(%while3A_224 = %while3A_188) -> (f32)  : i32 {
            %mul3A_225 = arith.constant 16 : i32
            %mul3A_226 = arith.muli %while3A_223, %mul3A_225 : i32
            %add3A_227 = vector.broadcast %mul3A_226 : i32 to vector<16xi32>
            %add3A_228 = arith.addi %add3A_227, %iota3A : vector<16xi32>
            %lt3A_229 = vector.broadcast %min3A_130 : i32 to vector<16xi32>
            %lt3A_230 = arith.cmpi slt, %add3A_228, %lt3A_229 : vector<16xi32>
            %mul3A_231 = arith.constant 16 : i32
            %mul3A_232 = arith.muli %while3A_223, %mul3A_231 : i32
            %get3A = arith.index_cast %mul3A_232 : i32 to index
            %get3A_233 = tpu.vector_load %arg21[%get3A] {strides = array<i32>} : memref<1024xf32, #tpu.memory_space<vmem>>, vector<16xf32>,
            %jit3A_234 = arith.constant 0x7F800000 : f32
            %broadcast_in_dim3A_235 = vector.broadcast %jit3A_234 : f32 to vector<16xf32>
            %select_n3A_236 = arith.select %lt3A_230, %get3A_233, %broadcast_in_dim3A_235 : vector<16xi1>, vector<16xf32>
            %reduce_min3A = arith.constant true
            %reduce_min3A_237 = vector.broadcast %reduce_min3A : i1 to vector<16xi1>
            %reduce_min3A_238 = tpu.scan <min>, %select_n3A_236 masked %reduce_min3A_237 : vector<16xf32>, vector<16xi1> -> vector<16xf32>
            %reduce_min3A_239 = vector.extract %reduce_min3A_238[15] : f32 from vector<16xf32>
            %min3A_240 = arith.minimumf %while3A_224, %reduce_min3A_239 : f32
            scf.yield %min3A_240 : f32
          }
          %while3A_191 = arith.constant 0 : i32
          %while3A_192 = arith.constant 1073741824 : i32
          %while3A_193 = arith.subi %select_n3A_156, %while3A_191 : i32
          %while3A_194 = arith.addi %while3A_191, %while3A_193 : i32
          %while3A_195 = arith.constant 1 : i32
          %while3A_196 = arith.divsi %while3A_193, %while3A_195 : i32
          %while3A_197 = arith.muli %while3A_196, %while3A_195 : i32
          %while3A_198 = arith.addi %while3A_191, %while3A_197 : i32
          %while3A_199 = arith.constant 1 : i32
          %while3A_200 = scf.for %while3A_223 = %while3A_191 to %while3A_198 step %while3A_199 iter_args(%while3A_224 = %while3A_192) -> (i32)  : i32 {
            %mul3A_225 = arith.constant 16 : i32
            %mul3A_226 = arith.muli %while3A_223, %mul3A_225 : i32
            %add3A_227 = vector.broadcast %mul3A_226 : i32 to vector<16xi32>
            %add3A_228 = arith.addi %add3A_227, %iota3A : vector<16xi32>
            %lt3A_229 = vector.broadcast %min3A_130 : i32 to vector<16xi32>
            %lt3A_230 = arith.cmpi slt, %add3A_228, %lt3A_229 : vector<16xi32>
            %mul3A_231 = arith.constant 16 : i32
            %mul3A_232 = arith.muli %while3A_223, %mul3A_231 : i32
            %get3A = arith.index_cast %mul3A_232 : i32 to index
            %get3A_233 = tpu.vector_load %arg21[%get3A] {strides = array<i32>} : memref<1024xf32, #tpu.memory_space<vmem>>, vector<16xf32>,
            %mul3A_234 = arith.constant 16 : i32
            %mul3A_235 = arith.muli %while3A_223, %mul3A_234 : i32
            %get3A_236 = arith.index_cast %mul3A_235 : i32 to index
            %get3A_237 = tpu.vector_load %arg22[%get3A_236] {strides = array<i32>} : memref<1024xi32, #tpu.memory_space<vmem>>, vector<16xi32>,
            %eq3A_238 = vector.broadcast %while3A_190 : f32 to vector<16xf32>
            %eq3A_239 = arith.cmpf oeq, %get3A_233, %eq3A_238 : vector<16xf32>
            %and3A_240 = arith.andi %lt3A_230, %eq3A_239 : vector<16xi1>
            %jit3A_241 = arith.constant 1073741824 : i32
            %broadcast_in_dim3A_242 = vector.broadcast %jit3A_241 : i32 to vector<16xi32>
            %select_n3A_243 = arith.select %and3A_240, %get3A_237, %broadcast_in_dim3A_242 : vector<16xi1>, vector<16xi32>
            %reduce_min3A = arith.constant true
            %reduce_min3A_244 = vector.broadcast %reduce_min3A : i1 to vector<16xi1>
            %reduce_min3A_245 = arith.constant -2147483648 : i32
            %reduce_min3A_246 = vector.broadcast %reduce_min3A_245 : i32 to vector<16xi32>
            %reduce_min3A_247 = arith.xori %select_n3A_243, %reduce_min3A_246 : vector<16xi32>
            %reduce_min3A_248 = tpu.scan <min>, %reduce_min3A_247 masked %reduce_min3A_244 : vector<16xi32>, vector<16xi1> -> vector<16xi32>
            %reduce_min3A_249 = arith.xori %reduce_min3A_248, %reduce_min3A_246 : vector<16xi32>
            %reduce_min3A_250 = vector.extract %reduce_min3A_249[15] : i32 from vector<16xi32>
            %min3A_251 = arith.minsi %while3A_224, %reduce_min3A_250 : i32
            scf.yield %min3A_251 : i32
          }
          %while3A_201 = arith.constant 1 : i32
          %while3A_202 = scf.for %while3A_223 = %while3A_198 to %while3A_194 step %while3A_201 iter_args(%while3A_224 = %while3A_200) -> (i32)  : i32 {
            %mul3A_225 = arith.constant 16 : i32
            %mul3A_226 = arith.muli %while3A_223, %mul3A_225 : i32
            %add3A_227 = vector.broadcast %mul3A_226 : i32 to vector<16xi32>
            %add3A_228 = arith.addi %add3A_227, %iota3A : vector<16xi32>
            %lt3A_229 = vector.broadcast %min3A_130 : i32 to vector<16xi32>
            %lt3A_230 = arith.cmpi slt, %add3A_228, %lt3A_229 : vector<16xi32>
            %mul3A_231 = arith.constant 16 : i32
            %mul3A_232 = arith.muli %while3A_223, %mul3A_231 : i32
            %get3A = arith.index_cast %mul3A_232 : i32 to index
            %get3A_233 = tpu.vector_load %arg21[%get3A] {strides = array<i32>} : memref<1024xf32, #tpu.memory_space<vmem>>, vector<16xf32>,
            %mul3A_234 = arith.constant 16 : i32
            %mul3A_235 = arith.muli %while3A_223, %mul3A_234 : i32
            %get3A_236 = arith.index_cast %mul3A_235 : i32 to index
            %get3A_237 = tpu.vector_load %arg22[%get3A_236] {strides = array<i32>} : memref<1024xi32, #tpu.memory_space<vmem>>, vector<16xi32>,
            %eq3A_238 = vector.broadcast %while3A_190 : f32 to vector<16xf32>
            %eq3A_239 = arith.cmpf oeq, %get3A_233, %eq3A_238 : vector<16xf32>
            %and3A_240 = arith.andi %lt3A_230, %eq3A_239 : vector<16xi1>
            %jit3A_241 = arith.constant 1073741824 : i32
            %broadcast_in_dim3A_242 = vector.broadcast %jit3A_241 : i32 to vector<16xi32>
            %select_n3A_243 = arith.select %and3A_240, %get3A_237, %broadcast_in_dim3A_242 : vector<16xi1>, vector<16xi32>
            %reduce_min3A = arith.constant true
            %reduce_min3A_244 = vector.broadcast %reduce_min3A : i1 to vector<16xi1>
            %reduce_min3A_245 = arith.constant -2147483648 : i32
            %reduce_min3A_246 = vector.broadcast %reduce_min3A_245 : i32 to vector<16xi32>
            %reduce_min3A_247 = arith.xori %select_n3A_243, %reduce_min3A_246 : vector<16xi32>
            %reduce_min3A_248 = tpu.scan <min>, %reduce_min3A_247 masked %reduce_min3A_244 : vector<16xi32>, vector<16xi1> -> vector<16xi32>
            %reduce_min3A_249 = arith.xori %reduce_min3A_248, %reduce_min3A_246 : vector<16xi32>
            %reduce_min3A_250 = vector.extract %reduce_min3A_249[15] : i32 from vector<16xi32>
            %min3A_251 = arith.minsi %while3A_224, %reduce_min3A_250 : i32
            scf.yield %min3A_251 : i32
          }
          %while3A_203 = arith.constant 0 : i32
          %while3A_204 = arith.constant 0 : i32
          %while3A_205 = arith.subi %select_n3A_156, %while3A_203 : i32
          %while3A_206 = arith.addi %while3A_203, %while3A_205 : i32
          %while3A_207 = arith.constant 1 : i32
          %while3A_208 = arith.divsi %while3A_205, %while3A_207 : i32
          %while3A_209 = arith.muli %while3A_208, %while3A_207 : i32
          %while3A_210 = arith.addi %while3A_203, %while3A_209 : i32
          %while3A_211 = arith.constant 1 : i32
          %while3A_212 = scf.for %while3A_223 = %while3A_203 to %while3A_210 step %while3A_211 iter_args(%while3A_224 = %while3A_204) -> (i32)  : i32 {
            %mul3A_225 = arith.constant 16 : i32
            %mul3A_226 = arith.muli %while3A_223, %mul3A_225 : i32
            %get3A = arith.index_cast %mul3A_226 : i32 to index
            %get3A_227 = tpu.vector_load %arg21[%get3A] {strides = array<i32>} : memref<1024xf32, #tpu.memory_space<vmem>>, vector<16xf32>,
            %get3A_228 = arith.index_cast %mul3A_226 : i32 to index
            %get3A_229 = tpu.vector_load %arg22[%get3A_228] {strides = array<i32>} : memref<1024xi32, #tpu.memory_space<vmem>>, vector<16xi32>,
            %eq3A_230 = vector.broadcast %while3A_190 : f32 to vector<16xf32>
            %eq3A_231 = arith.cmpf oeq, %get3A_227, %eq3A_230 : vector<16xf32>
            %eq3A_232 = vector.broadcast %while3A_202 : i32 to vector<16xi32>
            %eq3A_233 = arith.cmpi eq, %get3A_229, %eq3A_232 : vector<16xi32>
            %and3A_234 = arith.andi %eq3A_231, %eq3A_233 : vector<16xi1>
            %jit3A_235 = arith.constant 0x7F800000 : f32
            %broadcast_in_dim3A_236 = vector.broadcast %jit3A_235 : f32 to vector<16xf32>
            %select_n3A_237 = arith.select %and3A_234, %broadcast_in_dim3A_236, %get3A_227 : vector<16xi1>, vector<16xf32>
            %swap3A_238 = arith.index_cast %mul3A_226 : i32 to index
            %swap3A_239 = tpu.vector_load %arg21[%swap3A_238] {strides = array<i32>} : memref<1024xf32, #tpu.memory_space<vmem>>, vector<16xf32>,
            tpu.vector_store %arg21[%swap3A_238], %select_n3A_237 {strides = array<i32>} : memref<1024xf32, #tpu.memory_space<vmem>>, vector<16xf32>,
            %while3A_240 = arith.constant 0 : i32
            scf.yield %while3A_240 : i32
          }
          %while3A_213 = arith.constant 1 : i32
          %while3A_214 = scf.for %while3A_223 = %while3A_210 to %while3A_206 step %while3A_213 iter_args(%while3A_224 = %while3A_212) -> (i32)  : i32 {
            %mul3A_225 = arith.constant 16 : i32
            %mul3A_226 = arith.muli %while3A_223, %mul3A_225 : i32
            %get3A = arith.index_cast %mul3A_226 : i32 to index
            %get3A_227 = tpu.vector_load %arg21[%get3A] {strides = array<i32>} : memref<1024xf32, #tpu.memory_space<vmem>>, vector<16xf32>,
            %get3A_228 = arith.index_cast %mul3A_226 : i32 to index
            %get3A_229 = tpu.vector_load %arg22[%get3A_228] {strides = array<i32>} : memref<1024xi32, #tpu.memory_space<vmem>>, vector<16xi32>,
            %eq3A_230 = vector.broadcast %while3A_190 : f32 to vector<16xf32>
            %eq3A_231 = arith.cmpf oeq, %get3A_227, %eq3A_230 : vector<16xf32>
            %eq3A_232 = vector.broadcast %while3A_202 : i32 to vector<16xi32>
            %eq3A_233 = arith.cmpi eq, %get3A_229, %eq3A_232 : vector<16xi32>
            %and3A_234 = arith.andi %eq3A_231, %eq3A_233 : vector<16xi1>
            %jit3A_235 = arith.constant 0x7F800000 : f32
            %broadcast_in_dim3A_236 = vector.broadcast %jit3A_235 : f32 to vector<16xf32>
            %select_n3A_237 = arith.select %and3A_234, %broadcast_in_dim3A_236, %get3A_227 : vector<16xi1>, vector<16xf32>
            %swap3A_238 = arith.index_cast %mul3A_226 : i32 to index
            %swap3A_239 = tpu.vector_load %arg21[%swap3A_238] {strides = array<i32>} : memref<1024xf32, #tpu.memory_space<vmem>>, vector<16xf32>,
            tpu.vector_store %arg21[%swap3A_238], %select_n3A_237 {strides = array<i32>} : memref<1024xf32, #tpu.memory_space<vmem>>, vector<16xf32>,
            %while3A_240 = arith.constant 0 : i32
            scf.yield %while3A_240 : i32
          }
          %min3A_215 = arith.constant 63 : i32
          %min3A_216 = vector.broadcast %min3A_215 : i32 to vector<16xi32>
          %min3A_217 = arith.minsi %while3A_178, %min3A_216 : vector<16xi32>
          %add3A_218 = vector.broadcast %while3A_202 : i32 to vector<16xi32>
          %add3A_219 = arith.addi %broadcast_in_dim3A_5, %add3A_218 : vector<16xi32>
          tpu.vector_store_idx %arg23[%min3A_217], %add3A_219 masked %eq3A_4 : memref<64xi32, #tpu.memory_space<vmem>>[vector<16xi32>], vector<16xi32>, vector<16xi1>
          %add3A_220 = arith.constant 1 : i32
          %add3A_221 = vector.broadcast %add3A_220 : i32 to vector<16xi32>
          %add3A_222 = arith.addi %while3A_178, %add3A_221 : vector<16xi32>
          scf.yield %add3A_222 : vector<16xi32>
        }
        %while3A_166 = arith.constant 1 : i32
        %while3A_167 = scf.for %while3A_177 = %while3A_163 to %while3A_159 step %while3A_166 iter_args(%while3A_178 = %while3A_165) -> (vector<16xi32>)  : i32 {
          %while3A_179 = arith.constant 0 : i32
          %while3A_180 = arith.constant 0x7F800000 : f32
          %while3A_181 = arith.subi %select_n3A_156, %while3A_179 : i32
          %while3A_182 = arith.addi %while3A_179, %while3A_181 : i32
          %while3A_183 = arith.constant 1 : i32
          %while3A_184 = arith.divsi %while3A_181, %while3A_183 : i32
          %while3A_185 = arith.muli %while3A_184, %while3A_183 : i32
          %while3A_186 = arith.addi %while3A_179, %while3A_185 : i32
          %while3A_187 = arith.constant 1 : i32
          %while3A_188 = scf.for %while3A_223 = %while3A_179 to %while3A_186 step %while3A_187 iter_args(%while3A_224 = %while3A_180) -> (f32)  : i32 {
            %mul3A_225 = arith.constant 16 : i32
            %mul3A_226 = arith.muli %while3A_223, %mul3A_225 : i32
            %add3A_227 = vector.broadcast %mul3A_226 : i32 to vector<16xi32>
            %add3A_228 = arith.addi %add3A_227, %iota3A : vector<16xi32>
            %lt3A_229 = vector.broadcast %min3A_130 : i32 to vector<16xi32>
            %lt3A_230 = arith.cmpi slt, %add3A_228, %lt3A_229 : vector<16xi32>
            %mul3A_231 = arith.constant 16 : i32
            %mul3A_232 = arith.muli %while3A_223, %mul3A_231 : i32
            %get3A = arith.index_cast %mul3A_232 : i32 to index
            %get3A_233 = tpu.vector_load %arg21[%get3A] {strides = array<i32>} : memref<1024xf32, #tpu.memory_space<vmem>>, vector<16xf32>,
            %jit3A_234 = arith.constant 0x7F800000 : f32
            %broadcast_in_dim3A_235 = vector.broadcast %jit3A_234 : f32 to vector<16xf32>
            %select_n3A_236 = arith.select %lt3A_230, %get3A_233, %broadcast_in_dim3A_235 : vector<16xi1>, vector<16xf32>
            %reduce_min3A = arith.constant true
            %reduce_min3A_237 = vector.broadcast %reduce_min3A : i1 to vector<16xi1>
            %reduce_min3A_238 = tpu.scan <min>, %select_n3A_236 masked %reduce_min3A_237 : vector<16xf32>, vector<16xi1> -> vector<16xf32>
            %reduce_min3A_239 = vector.extract %reduce_min3A_238[15] : f32 from vector<16xf32>
            %min3A_240 = arith.minimumf %while3A_224, %reduce_min3A_239 : f32
            scf.yield %min3A_240 : f32
          }
          %while3A_189 = arith.constant 1 : i32
          %while3A_190 = scf.for %while3A_223 = %while3A_186 to %while3A_182 step %while3A_189 iter_args(%while3A_224 = %while3A_188) -> (f32)  : i32 {
            %mul3A_225 = arith.constant 16 : i32
            %mul3A_226 = arith.muli %while3A_223, %mul3A_225 : i32
            %add3A_227 = vector.broadcast %mul3A_226 : i32 to vector<16xi32>
            %add3A_228 = arith.addi %add3A_227, %iota3A : vector<16xi32>
            %lt3A_229 = vector.broadcast %min3A_130 : i32 to vector<16xi32>
            %lt3A_230 = arith.cmpi slt, %add3A_228, %lt3A_229 : vector<16xi32>
            %mul3A_231 = arith.constant 16 : i32
            %mul3A_232 = arith.muli %while3A_223, %mul3A_231 : i32
            %get3A = arith.index_cast %mul3A_232 : i32 to index
            %get3A_233 = tpu.vector_load %arg21[%get3A] {strides = array<i32>} : memref<1024xf32, #tpu.memory_space<vmem>>, vector<16xf32>,
            %jit3A_234 = arith.constant 0x7F800000 : f32
            %broadcast_in_dim3A_235 = vector.broadcast %jit3A_234 : f32 to vector<16xf32>
            %select_n3A_236 = arith.select %lt3A_230, %get3A_233, %broadcast_in_dim3A_235 : vector<16xi1>, vector<16xf32>
            %reduce_min3A = arith.constant true
            %reduce_min3A_237 = vector.broadcast %reduce_min3A : i1 to vector<16xi1>
            %reduce_min3A_238 = tpu.scan <min>, %select_n3A_236 masked %reduce_min3A_237 : vector<16xf32>, vector<16xi1> -> vector<16xf32>
            %reduce_min3A_239 = vector.extract %reduce_min3A_238[15] : f32 from vector<16xf32>
            %min3A_240 = arith.minimumf %while3A_224, %reduce_min3A_239 : f32
            scf.yield %min3A_240 : f32
          }
          %while3A_191 = arith.constant 0 : i32
          %while3A_192 = arith.constant 1073741824 : i32
          %while3A_193 = arith.subi %select_n3A_156, %while3A_191 : i32
          %while3A_194 = arith.addi %while3A_191, %while3A_193 : i32
          %while3A_195 = arith.constant 1 : i32
          %while3A_196 = arith.divsi %while3A_193, %while3A_195 : i32
          %while3A_197 = arith.muli %while3A_196, %while3A_195 : i32
          %while3A_198 = arith.addi %while3A_191, %while3A_197 : i32
          %while3A_199 = arith.constant 1 : i32
          %while3A_200 = scf.for %while3A_223 = %while3A_191 to %while3A_198 step %while3A_199 iter_args(%while3A_224 = %while3A_192) -> (i32)  : i32 {
            %mul3A_225 = arith.constant 16 : i32
            %mul3A_226 = arith.muli %while3A_223, %mul3A_225 : i32
            %add3A_227 = vector.broadcast %mul3A_226 : i32 to vector<16xi32>
            %add3A_228 = arith.addi %add3A_227, %iota3A : vector<16xi32>
            %lt3A_229 = vector.broadcast %min3A_130 : i32 to vector<16xi32>
            %lt3A_230 = arith.cmpi slt, %add3A_228, %lt3A_229 : vector<16xi32>
            %mul3A_231 = arith.constant 16 : i32
            %mul3A_232 = arith.muli %while3A_223, %mul3A_231 : i32
            %get3A = arith.index_cast %mul3A_232 : i32 to index
            %get3A_233 = tpu.vector_load %arg21[%get3A] {strides = array<i32>} : memref<1024xf32, #tpu.memory_space<vmem>>, vector<16xf32>,
            %mul3A_234 = arith.constant 16 : i32
            %mul3A_235 = arith.muli %while3A_223, %mul3A_234 : i32
            %get3A_236 = arith.index_cast %mul3A_235 : i32 to index
            %get3A_237 = tpu.vector_load %arg22[%get3A_236] {strides = array<i32>} : memref<1024xi32, #tpu.memory_space<vmem>>, vector<16xi32>,
            %eq3A_238 = vector.broadcast %while3A_190 : f32 to vector<16xf32>
            %eq3A_239 = arith.cmpf oeq, %get3A_233, %eq3A_238 : vector<16xf32>
            %and3A_240 = arith.andi %lt3A_230, %eq3A_239 : vector<16xi1>
            %jit3A_241 = arith.constant 1073741824 : i32
            %broadcast_in_dim3A_242 = vector.broadcast %jit3A_241 : i32 to vector<16xi32>
            %select_n3A_243 = arith.select %and3A_240, %get3A_237, %broadcast_in_dim3A_242 : vector<16xi1>, vector<16xi32>
            %reduce_min3A = arith.constant true
            %reduce_min3A_244 = vector.broadcast %reduce_min3A : i1 to vector<16xi1>
            %reduce_min3A_245 = arith.constant -2147483648 : i32
            %reduce_min3A_246 = vector.broadcast %reduce_min3A_245 : i32 to vector<16xi32>
            %reduce_min3A_247 = arith.xori %select_n3A_243, %reduce_min3A_246 : vector<16xi32>
            %reduce_min3A_248 = tpu.scan <min>, %reduce_min3A_247 masked %reduce_min3A_244 : vector<16xi32>, vector<16xi1> -> vector<16xi32>
            %reduce_min3A_249 = arith.xori %reduce_min3A_248, %reduce_min3A_246 : vector<16xi32>
            %reduce_min3A_250 = vector.extract %reduce_min3A_249[15] : i32 from vector<16xi32>
            %min3A_251 = arith.minsi %while3A_224, %reduce_min3A_250 : i32
            scf.yield %min3A_251 : i32
          }
          %while3A_201 = arith.constant 1 : i32
          %while3A_202 = scf.for %while3A_223 = %while3A_198 to %while3A_194 step %while3A_201 iter_args(%while3A_224 = %while3A_200) -> (i32)  : i32 {
            %mul3A_225 = arith.constant 16 : i32
            %mul3A_226 = arith.muli %while3A_223, %mul3A_225 : i32
            %add3A_227 = vector.broadcast %mul3A_226 : i32 to vector<16xi32>
            %add3A_228 = arith.addi %add3A_227, %iota3A : vector<16xi32>
            %lt3A_229 = vector.broadcast %min3A_130 : i32 to vector<16xi32>
            %lt3A_230 = arith.cmpi slt, %add3A_228, %lt3A_229 : vector<16xi32>
            %mul3A_231 = arith.constant 16 : i32
            %mul3A_232 = arith.muli %while3A_223, %mul3A_231 : i32
            %get3A = arith.index_cast %mul3A_232 : i32 to index
            %get3A_233 = tpu.vector_load %arg21[%get3A] {strides = array<i32>} : memref<1024xf32, #tpu.memory_space<vmem>>, vector<16xf32>,
            %mul3A_234 = arith.constant 16 : i32
            %mul3A_235 = arith.muli %while3A_223, %mul3A_234 : i32
            %get3A_236 = arith.index_cast %mul3A_235 : i32 to index
            %get3A_237 = tpu.vector_load %arg22[%get3A_236] {strides = array<i32>} : memref<1024xi32, #tpu.memory_space<vmem>>, vector<16xi32>,
            %eq3A_238 = vector.broadcast %while3A_190 : f32 to vector<16xf32>
            %eq3A_239 = arith.cmpf oeq, %get3A_233, %eq3A_238 : vector<16xf32>
            %and3A_240 = arith.andi %lt3A_230, %eq3A_239 : vector<16xi1>
            %jit3A_241 = arith.constant 1073741824 : i32
            %broadcast_in_dim3A_242 = vector.broadcast %jit3A_241 : i32 to vector<16xi32>
            %select_n3A_243 = arith.select %and3A_240, %get3A_237, %broadcast_in_dim3A_242 : vector<16xi1>, vector<16xi32>
            %reduce_min3A = arith.constant true
            %reduce_min3A_244 = vector.broadcast %reduce_min3A : i1 to vector<16xi1>
            %reduce_min3A_245 = arith.constant -2147483648 : i32
            %reduce_min3A_246 = vector.broadcast %reduce_min3A_245 : i32 to vector<16xi32>
            %reduce_min3A_247 = arith.xori %select_n3A_243, %reduce_min3A_246 : vector<16xi32>
            %reduce_min3A_248 = tpu.scan <min>, %reduce_min3A_247 masked %reduce_min3A_244 : vector<16xi32>, vector<16xi1> -> vector<16xi32>
            %reduce_min3A_249 = arith.xori %reduce_min3A_248, %reduce_min3A_246 : vector<16xi32>
            %reduce_min3A_250 = vector.extract %reduce_min3A_249[15] : i32 from vector<16xi32>
            %min3A_251 = arith.minsi %while3A_224, %reduce_min3A_250 : i32
            scf.yield %min3A_251 : i32
          }
          %while3A_203 = arith.constant 0 : i32
          %while3A_204 = arith.constant 0 : i32
          %while3A_205 = arith.subi %select_n3A_156, %while3A_203 : i32
          %while3A_206 = arith.addi %while3A_203, %while3A_205 : i32
          %while3A_207 = arith.constant 1 : i32
          %while3A_208 = arith.divsi %while3A_205, %while3A_207 : i32
          %while3A_209 = arith.muli %while3A_208, %while3A_207 : i32
          %while3A_210 = arith.addi %while3A_203, %while3A_209 : i32
          %while3A_211 = arith.constant 1 : i32
          %while3A_212 = scf.for %while3A_223 = %while3A_203 to %while3A_210 step %while3A_211 iter_args(%while3A_224 = %while3A_204) -> (i32)  : i32 {
            %mul3A_225 = arith.constant 16 : i32
            %mul3A_226 = arith.muli %while3A_223, %mul3A_225 : i32
            %get3A = arith.index_cast %mul3A_226 : i32 to index
            %get3A_227 = tpu.vector_load %arg21[%get3A] {strides = array<i32>} : memref<1024xf32, #tpu.memory_space<vmem>>, vector<16xf32>,
            %get3A_228 = arith.index_cast %mul3A_226 : i32 to index
            %get3A_229 = tpu.vector_load %arg22[%get3A_228] {strides = array<i32>} : memref<1024xi32, #tpu.memory_space<vmem>>, vector<16xi32>,
            %eq3A_230 = vector.broadcast %while3A_190 : f32 to vector<16xf32>
            %eq3A_231 = arith.cmpf oeq, %get3A_227, %eq3A_230 : vector<16xf32>
            %eq3A_232 = vector.broadcast %while3A_202 : i32 to vector<16xi32>
            %eq3A_233 = arith.cmpi eq, %get3A_229, %eq3A_232 : vector<16xi32>
            %and3A_234 = arith.andi %eq3A_231, %eq3A_233 : vector<16xi1>
            %jit3A_235 = arith.constant 0x7F800000 : f32
            %broadcast_in_dim3A_236 = vector.broadcast %jit3A_235 : f32 to vector<16xf32>
            %select_n3A_237 = arith.select %and3A_234, %broadcast_in_dim3A_236, %get3A_227 : vector<16xi1>, vector<16xf32>
            %swap3A_238 = arith.index_cast %mul3A_226 : i32 to index
            %swap3A_239 = tpu.vector_load %arg21[%swap3A_238] {strides = array<i32>} : memref<1024xf32, #tpu.memory_space<vmem>>, vector<16xf32>,
            tpu.vector_store %arg21[%swap3A_238], %select_n3A_237 {strides = array<i32>} : memref<1024xf32, #tpu.memory_space<vmem>>, vector<16xf32>,
            %while3A_240 = arith.constant 0 : i32
            scf.yield %while3A_240 : i32
          }
          %while3A_213 = arith.constant 1 : i32
          %while3A_214 = scf.for %while3A_223 = %while3A_210 to %while3A_206 step %while3A_213 iter_args(%while3A_224 = %while3A_212) -> (i32)  : i32 {
            %mul3A_225 = arith.constant 16 : i32
            %mul3A_226 = arith.muli %while3A_223, %mul3A_225 : i32
            %get3A = arith.index_cast %mul3A_226 : i32 to index
            %get3A_227 = tpu.vector_load %arg21[%get3A] {strides = array<i32>} : memref<1024xf32, #tpu.memory_space<vmem>>, vector<16xf32>,
            %get3A_228 = arith.index_cast %mul3A_226 : i32 to index
            %get3A_229 = tpu.vector_load %arg22[%get3A_228] {strides = array<i32>} : memref<1024xi32, #tpu.memory_space<vmem>>, vector<16xi32>,
            %eq3A_230 = vector.broadcast %while3A_190 : f32 to vector<16xf32>
            %eq3A_231 = arith.cmpf oeq, %get3A_227, %eq3A_230 : vector<16xf32>
            %eq3A_232 = vector.broadcast %while3A_202 : i32 to vector<16xi32>
            %eq3A_233 = arith.cmpi eq, %get3A_229, %eq3A_232 : vector<16xi32>
            %and3A_234 = arith.andi %eq3A_231, %eq3A_233 : vector<16xi1>
            %jit3A_235 = arith.constant 0x7F800000 : f32
            %broadcast_in_dim3A_236 = vector.broadcast %jit3A_235 : f32 to vector<16xf32>
            %select_n3A_237 = arith.select %and3A_234, %broadcast_in_dim3A_236, %get3A_227 : vector<16xi1>, vector<16xf32>
            %swap3A_238 = arith.index_cast %mul3A_226 : i32 to index
            %swap3A_239 = tpu.vector_load %arg21[%swap3A_238] {strides = array<i32>} : memref<1024xf32, #tpu.memory_space<vmem>>, vector<16xf32>,
            tpu.vector_store %arg21[%swap3A_238], %select_n3A_237 {strides = array<i32>} : memref<1024xf32, #tpu.memory_space<vmem>>, vector<16xf32>,
            %while3A_240 = arith.constant 0 : i32
            scf.yield %while3A_240 : i32
          }
          %min3A_215 = arith.constant 63 : i32
          %min3A_216 = vector.broadcast %min3A_215 : i32 to vector<16xi32>
          %min3A_217 = arith.minsi %while3A_178, %min3A_216 : vector<16xi32>
          %add3A_218 = vector.broadcast %while3A_202 : i32 to vector<16xi32>
          %add3A_219 = arith.addi %broadcast_in_dim3A_5, %add3A_218 : vector<16xi32>
          tpu.vector_store_idx %arg23[%min3A_217], %add3A_219 masked %eq3A_4 : memref<64xi32, #tpu.memory_space<vmem>>[vector<16xi32>], vector<16xi32>, vector<16xi1>
          %add3A_220 = arith.constant 1 : i32
          %add3A_221 = vector.broadcast %add3A_220 : i32 to vector<16xi32>
          %add3A_222 = arith.addi %while3A_178, %add3A_221 : vector<16xi32>
          scf.yield %add3A_222 : vector<16xi32>
        }
        %add3A_168 = arith.addi %mul3A_2, %add3A_34 : i32
        %mul3A_169 = arith.constant 64 : i32
        %mul3A_170 = arith.muli %add3A_168, %mul3A_169 : i32
        "tpu.region"() ({
          %run_scoped3A = tpu.sem_alloc : memref<!tpu.dma_semaphore, #tpu.memory_space<semaphore_mem>>
          %dma_start3A = tpu.memref_slice %arg8[%mul3A_170] : memref<802816xi32, #tpu.memory_space<hbm>> -> memref<64xi32, #tpu.memory_space<hbm>>
          %dma_start3A_177 = tpu.memref_slice %arg8[%mul3A_170] : memref<802816xi32, #tpu.memory_space<hbm>> -> memref<64xi32, #tpu.memory_space<hbm>>
          tpu.enqueue_dma source(%arg23 : memref<64xi32, #tpu.memory_space<vmem>>) target(%dma_start3A_177 : memref<64xi32, #tpu.memory_space<hbm>>) target_semaphore(%run_scoped3A : memref<!tpu.dma_semaphore, #tpu.memory_space<semaphore_mem>>)
          %dma_wait3A = tpu.memref_slice %arg8[%mul3A_170] : memref<802816xi32, #tpu.memory_space<hbm>> -> memref<64xi32, #tpu.memory_space<hbm>>
          %dma_wait3A_178 = tpu.memref_slice %arg8[%mul3A_170] : memref<802816xi32, #tpu.memory_space<hbm>> -> memref<64xi32, #tpu.memory_space<hbm>>
          tpu.wait_dma2 semaphore(%run_scoped3A : memref<!tpu.dma_semaphore, #tpu.memory_space<semaphore_mem>>) src(%arg23 : memref<64xi32, #tpu.memory_space<vmem>>) dst(%dma_wait3A_178 : memref<64xi32, #tpu.memory_space<hbm>>)
          tpu.yield
        }) : () -> ()
        %add3A_171 = vector.broadcast %add3A_34 : i32 to vector<16xi32>
        %add3A_172 = arith.addi %broadcast_in_dim3A_5, %add3A_171 : vector<16xi32>
        %min3A_173 = arith.constant 64 : i32
        %min3A_174 = vector.broadcast %min3A_173 : i32 to vector<16xi32>
        %min3A_175 = arith.minsi %while3A_167, %min3A_174 : vector<16xi32>
        tpu.vector_store_idx %arg24[%add3A_172], %min3A_175 masked %eq3A_4 : memref<392xi32, #tpu.memory_space<vmem>>[vector<16xi32>], vector<16xi32>, vector<16xi1>
        %scan3A_176 = arith.constant 0 : i32
        scf.yield %scan3A_176 : i32
      }
      %scan3A_28 = arith.constant 8 : i32
      %scan3A_29 = arith.constant 0 : i32
      scf.yield %scan3A_29 : i32
    }
    %scan3A_11 = arith.constant 49 : i32
    "tpu.region"() ({
      %run_scoped3A = tpu.sem_alloc : memref<!tpu.dma_semaphore, #tpu.memory_space<semaphore_mem>>
      %dma_start3A = tpu.memref_slice %arg9[%mul3A_2] : memref<12544xi32, #tpu.memory_space<hbm>> -> memref<392xi32, #tpu.memory_space<hbm>>
      %dma_start3A_12 = tpu.memref_slice %arg9[%mul3A_2] : memref<12544xi32, #tpu.memory_space<hbm>> -> memref<392xi32, #tpu.memory_space<hbm>>
      tpu.enqueue_dma source(%arg24 : memref<392xi32, #tpu.memory_space<vmem>>) target(%dma_start3A_12 : memref<392xi32, #tpu.memory_space<hbm>>) target_semaphore(%run_scoped3A : memref<!tpu.dma_semaphore, #tpu.memory_space<semaphore_mem>>)
      %dma_wait3A = tpu.memref_slice %arg9[%mul3A_2] : memref<12544xi32, #tpu.memory_space<hbm>> -> memref<392xi32, #tpu.memory_space<hbm>>
      %dma_wait3A_13 = tpu.memref_slice %arg9[%mul3A_2] : memref<12544xi32, #tpu.memory_space<hbm>> -> memref<392xi32, #tpu.memory_space<hbm>>
      tpu.wait_dma2 semaphore(%run_scoped3A : memref<!tpu.dma_semaphore, #tpu.memory_space<semaphore_mem>>) src(%arg24 : memref<392xi32, #tpu.memory_space<vmem>>) dst(%dma_wait3A_13 : memref<392xi32, #tpu.memory_space<hbm>>)
      tpu.yield
    }) : () -> ()
    return
  }
}

module attributes {stable_mosaic.version = 14 : i64} {
  func.func @_fps_body(%arg0: memref<3x49x8x128xf32, #tpu.memory_space<vmem>>, %arg1: memref<98x128xi32, #tpu.memory_space<vmem>>, %arg2: memref<49x8x128xf32, #tpu.memory_space<vmem>>) attributes {dimension_semantics = [], scalar_prefetch = 0 : i64, scratch_operands = 1 : i64, tpu.core_type = #tpu.core_type<tc>} {
    %iota3A = tpu.iota {dimensions = array<i32: 0>} : vector<49x8x128xi32>
    %mul3A = arith.constant 1024 : i32
    %mul3A_0 = vector.broadcast %mul3A : i32 to vector<49x8x128xi32>
    %mul3A_1 = arith.muli %iota3A, %mul3A_0 : vector<49x8x128xi32>
    %iota3A_2 = tpu.iota {dimensions = array<i32: 1>} : vector<49x8x128xi32>
    %mul3A_3 = arith.constant 128 : i32
    %mul3A_4 = vector.broadcast %mul3A_3 : i32 to vector<49x8x128xi32>
    %mul3A_5 = arith.muli %iota3A_2, %mul3A_4 : vector<49x8x128xi32>
    %add3A = arith.addi %mul3A_1, %mul3A_5 : vector<49x8x128xi32>
    %iota3A_6 = tpu.iota {dimensions = array<i32: 2>} : vector<49x8x128xi32>
    %add3A_7 = arith.addi %add3A, %iota3A_6 : vector<49x8x128xi32>
    %lt3A = arith.constant 50000 : i32
    %lt3A_8 = vector.broadcast %lt3A : i32 to vector<49x8x128xi32>
    %lt3A_9 = arith.cmpi slt, %add3A_7, %lt3A_8 : vector<49x8x128xi32>
    %jit3A = arith.constant 0x7F800000 : f32
    %jit3A_10 = arith.constant 0xFF800000 : f32
    %broadcast_in_dim3A = vector.broadcast %jit3A : f32 to vector<49x8x128xf32>
    %broadcast_in_dim3A_11 = vector.broadcast %jit3A_10 : f32 to vector<49x8x128xf32>
    %select_n3A = arith.select %lt3A_9, %broadcast_in_dim3A, %broadcast_in_dim3A_11 : vector<49x8x128xi1>, vector<49x8x128xf32>
    %swap3A = arith.constant 0 : index
    %swap3A_12 = arith.constant 0 : index
    %swap3A_13 = arith.constant 0 : index
    %swap3A_14 = vector.load %arg2[%swap3A, %swap3A_12, %swap3A_13] : memref<49x8x128xf32, #tpu.memory_space<vmem>>, vector<49x8x128xf32>
    tpu.vector_store %arg2[%swap3A, %swap3A_12, %swap3A_13], %select_n3A {strides = array<i32>} : memref<49x8x128xf32, #tpu.memory_space<vmem>>, vector<49x8x128xf32>,
    %broadcast_in_dim3A_15 = arith.constant 0 : i32
    %broadcast_in_dim3A_16 = vector.broadcast %broadcast_in_dim3A_15 : i32 to vector<1x128xi32>
    %scan3A = arith.constant 0 : i32
    %scan3A_17 = arith.constant 1 : i32
    %scan3A_18 = arith.constant 12499 : i32
    %scan3A_19 = arith.addi %scan3A_17, %scan3A_18 : i32
    %scan3A_20 = arith.constant 1 : i32
    %scan3A_21:2 = scf.for %scan3A_26 = %scan3A_17 to %scan3A_19 step %scan3A_20 iter_args(%scan3A_27 = %scan3A, %scan3A_28 = %broadcast_in_dim3A_16) -> (i32, vector<1x128xi32>)  : i32 {
      %jit3A_29 = arith.constant 1024 : i32
      %div3A = arith.divsi %scan3A_27, %jit3A_29 : i32
      %sign3A = arith.constant 0 : i32
      %sign3A_30 = arith.cmpi sgt, %scan3A_27, %sign3A : i32
      %sign3A_31 = arith.extui %sign3A_30 : i1 to i32
      %sign3A_32 = arith.constant 0 : i32
      %sign3A_33 = arith.cmpi slt, %scan3A_27, %sign3A_32 : i32
      %sign3A_34 = arith.extui %sign3A_33 : i1 to i32
      %sign3A_35 = arith.subi %sign3A_31, %sign3A_34 : i32
      %sign3A_36 = arith.constant 0 : i32
      %sign3A_37 = arith.cmpi sgt, %jit3A_29, %sign3A_36 : i32
      %sign3A_38 = arith.extui %sign3A_37 : i1 to i32
      %sign3A_39 = arith.constant 0 : i32
      %sign3A_40 = arith.cmpi slt, %jit3A_29, %sign3A_39 : i32
      %sign3A_41 = arith.extui %sign3A_40 : i1 to i32
      %sign3A_42 = arith.subi %sign3A_38, %sign3A_41 : i32
      %ne3A = arith.cmpi ne, %sign3A_35, %sign3A_42 : i32
      %rem3A = arith.remsi %scan3A_27, %jit3A_29 : i32
      %ne3A_43 = arith.constant 0 : i32
      %ne3A_44 = arith.cmpi ne, %rem3A, %ne3A_43 : i32
      %and3A = arith.andi %ne3A, %ne3A_44 : i1
      %sub3A = arith.constant 1 : i32
      %sub3A_45 = arith.subi %div3A, %sub3A : i32
      %select_n3A_46 = arith.select %and3A, %sub3A_45, %div3A : i32
      %jit3A_47 = arith.constant 128 : i32
      %div3A_48 = arith.divsi %scan3A_27, %jit3A_47 : i32
      %sign3A_49 = arith.constant 0 : i32
      %sign3A_50 = arith.cmpi sgt, %scan3A_27, %sign3A_49 : i32
      %sign3A_51 = arith.extui %sign3A_50 : i1 to i32
      %sign3A_52 = arith.constant 0 : i32
      %sign3A_53 = arith.cmpi slt, %scan3A_27, %sign3A_52 : i32
      %sign3A_54 = arith.extui %sign3A_53 : i1 to i32
      %sign3A_55 = arith.subi %sign3A_51, %sign3A_54 : i32
      %sign3A_56 = arith.constant 0 : i32
      %sign3A_57 = arith.cmpi sgt, %jit3A_47, %sign3A_56 : i32
      %sign3A_58 = arith.extui %sign3A_57 : i1 to i32
      %sign3A_59 = arith.constant 0 : i32
      %sign3A_60 = arith.cmpi slt, %jit3A_47, %sign3A_59 : i32
      %sign3A_61 = arith.extui %sign3A_60 : i1 to i32
      %sign3A_62 = arith.subi %sign3A_58, %sign3A_61 : i32
      %ne3A_63 = arith.cmpi ne, %sign3A_55, %sign3A_62 : i32
      %rem3A_64 = arith.remsi %scan3A_27, %jit3A_47 : i32
      %ne3A_65 = arith.constant 0 : i32
      %ne3A_66 = arith.cmpi ne, %rem3A_64, %ne3A_65 : i32
      %and3A_67 = arith.andi %ne3A_63, %ne3A_66 : i1
      %sub3A_68 = arith.constant 1 : i32
      %sub3A_69 = arith.subi %div3A_48, %sub3A_68 : i32
      %select_n3A_70 = arith.select %and3A_67, %sub3A_69, %div3A_48 : i32
      %jit3A_71 = arith.constant 8 : i32
      %eq3A = arith.constant 0 : i32
      %eq3A_72 = arith.cmpi eq, %jit3A_71, %eq3A : i32
      %jit3A_73 = arith.constant 1 : i32
      %select_n3A_74 = arith.select %eq3A_72, %jit3A_73, %jit3A_71 : i32
      %rem3A_75 = arith.remsi %select_n3A_70, %select_n3A_74 : i32
      %ne3A_76 = arith.constant 0 : i32
      %ne3A_77 = arith.cmpi ne, %rem3A_75, %ne3A_76 : i32
      %lt3A_78 = arith.constant 0 : i32
      %lt3A_79 = arith.cmpi slt, %rem3A_75, %lt3A_78 : i32
      %lt3A_80 = arith.constant 0 : i32
      %lt3A_81 = arith.cmpi slt, %select_n3A_74, %lt3A_80 : i32
      %ne3A_82 = arith.xori %lt3A_79, %lt3A_81 : i1
      %and3A_83 = arith.andi %ne3A_82, %ne3A_77 : i1
      %add3A_84 = arith.addi %rem3A_75, %select_n3A_74 : i32
      %select_n3A_85 = arith.select %and3A_83, %add3A_84, %rem3A_75 : i32
      %jit3A_86 = arith.constant 128 : i32
      %eq3A_87 = arith.constant 0 : i32
      %eq3A_88 = arith.cmpi eq, %jit3A_86, %eq3A_87 : i32
      %jit3A_89 = arith.constant 1 : i32
      %select_n3A_90 = arith.select %eq3A_88, %jit3A_89, %jit3A_86 : i32
      %rem3A_91 = arith.remsi %scan3A_27, %select_n3A_90 : i32
      %ne3A_92 = arith.constant 0 : i32
      %ne3A_93 = arith.cmpi ne, %rem3A_91, %ne3A_92 : i32
      %lt3A_94 = arith.constant 0 : i32
      %lt3A_95 = arith.cmpi slt, %rem3A_91, %lt3A_94 : i32
      %lt3A_96 = arith.constant 0 : i32
      %lt3A_97 = arith.cmpi slt, %select_n3A_90, %lt3A_96 : i32
      %ne3A_98 = arith.xori %lt3A_95, %lt3A_97 : i1
      %and3A_99 = arith.andi %ne3A_98, %ne3A_93 : i1
      %add3A_100 = arith.addi %rem3A_91, %select_n3A_90 : i32
      %select_n3A_101 = arith.select %and3A_99, %add3A_100, %rem3A_91 : i32
      %get3A = arith.constant 0 : index
      %get3A_102 = arith.index_cast %select_n3A_46 : i32 to index
      %get3A_103 = arith.constant 0 : index
      %get3A_104 = arith.constant 0 : index
      %get3A_105 = vector.load %arg0[%get3A, %get3A_102, %get3A_103, %get3A_104] : memref<3x49x8x128xf32, #tpu.memory_space<vmem>>, vector<3x1x8x128xf32>
      %iota3A_106 = tpu.iota {dimensions = array<i32: 1>} : vector<1x8x128xi32>
      %iota3A_107 = tpu.iota {dimensions = array<i32: 2>} : vector<1x8x128xi32>
      %eq3A_108 = vector.broadcast %select_n3A_85 : i32 to vector<1x8x128xi32>
      %eq3A_109 = arith.cmpi eq, %iota3A_106, %eq3A_108 : vector<1x8x128xi32>
      %eq3A_110 = vector.broadcast %select_n3A_101 : i32 to vector<1x8x128xi32>
      %eq3A_111 = arith.cmpi eq, %iota3A_107, %eq3A_110 : vector<1x8x128xi32>
      %and3A_112 = arith.andi %eq3A_109, %eq3A_111 : vector<1x8x128xi1>
      %slice3A = vector.extract_strided_slice %get3A_105 {offsets = [0, 0, 0, 0], sizes = [1, 1, 8, 128], strides = [1, 1, 1, 1]} : vector<3x1x8x128xf32> to vector<1x1x8x128xf32>
      %squeeze3A = vector.shape_cast %slice3A : vector<1x1x8x128xf32> to vector<1x8x128xf32>
      %jit3A_113 = arith.constant 0.000000e+00 : f32
      %broadcast_in_dim3A_114 = vector.broadcast %jit3A_113 : f32 to vector<1x8x128xf32>
      %select_n3A_115 = arith.select %and3A_112, %squeeze3A, %broadcast_in_dim3A_114 : vector<1x8x128xi1>, vector<1x8x128xf32>
      %reduce_sum3A = vector.shape_cast %select_n3A_115 : vector<1x8x128xf32> to vector<1x1x8x128xf32>
      %reduce_sum3A_116 = arith.constant dense<0.000000e+00> : vector<1xf32>
      %reduce_sum3A_117 = vector.multi_reduction <add>, %reduce_sum3A, %reduce_sum3A_116 [1, 2, 3] : vector<1x1x8x128xf32> to vector<1xf32>
      %reduce_sum3A_118 = vector.shape_cast %reduce_sum3A_117 : vector<1xf32> to vector<1x1x1x1xf32>
      %reduce_sum3A_119 = vector.extract %reduce_sum3A_118[0, 0, 0, 0] : f32 from vector<1x1x1x1xf32>
      %slice3A_120 = vector.extract_strided_slice %get3A_105 {offsets = [1, 0, 0, 0], sizes = [1, 1, 8, 128], strides = [1, 1, 1, 1]} : vector<3x1x8x128xf32> to vector<1x1x8x128xf32>
      %squeeze3A_121 = vector.shape_cast %slice3A_120 : vector<1x1x8x128xf32> to vector<1x8x128xf32>
      %jit3A_122 = arith.constant 0.000000e+00 : f32
      %broadcast_in_dim3A_123 = vector.broadcast %jit3A_122 : f32 to vector<1x8x128xf32>
      %select_n3A_124 = arith.select %and3A_112, %squeeze3A_121, %broadcast_in_dim3A_123 : vector<1x8x128xi1>, vector<1x8x128xf32>
      %reduce_sum3A_125 = vector.shape_cast %select_n3A_124 : vector<1x8x128xf32> to vector<1x1x8x128xf32>
      %reduce_sum3A_126 = arith.constant dense<0.000000e+00> : vector<1xf32>
      %reduce_sum3A_127 = vector.multi_reduction <add>, %reduce_sum3A_125, %reduce_sum3A_126 [1, 2, 3] : vector<1x1x8x128xf32> to vector<1xf32>
      %reduce_sum3A_128 = vector.shape_cast %reduce_sum3A_127 : vector<1xf32> to vector<1x1x1x1xf32>
      %reduce_sum3A_129 = vector.extract %reduce_sum3A_128[0, 0, 0, 0] : f32 from vector<1x1x1x1xf32>
      %slice3A_130 = vector.extract_strided_slice %get3A_105 {offsets = [2, 0, 0, 0], sizes = [1, 1, 8, 128], strides = [1, 1, 1, 1]} : vector<3x1x8x128xf32> to vector<1x1x8x128xf32>
      %squeeze3A_131 = vector.shape_cast %slice3A_130 : vector<1x1x8x128xf32> to vector<1x8x128xf32>
      %jit3A_132 = arith.constant 0.000000e+00 : f32
      %broadcast_in_dim3A_133 = vector.broadcast %jit3A_132 : f32 to vector<1x8x128xf32>
      %select_n3A_134 = arith.select %and3A_112, %squeeze3A_131, %broadcast_in_dim3A_133 : vector<1x8x128xi1>, vector<1x8x128xf32>
      %reduce_sum3A_135 = vector.shape_cast %select_n3A_134 : vector<1x8x128xf32> to vector<1x1x8x128xf32>
      %reduce_sum3A_136 = arith.constant dense<0.000000e+00> : vector<1xf32>
      %reduce_sum3A_137 = vector.multi_reduction <add>, %reduce_sum3A_135, %reduce_sum3A_136 [1, 2, 3] : vector<1x1x8x128xf32> to vector<1xf32>
      %reduce_sum3A_138 = vector.shape_cast %reduce_sum3A_137 : vector<1xf32> to vector<1x1x1x1xf32>
      %reduce_sum3A_139 = vector.extract %reduce_sum3A_138[0, 0, 0, 0] : f32 from vector<1x1x1x1xf32>
      %broadcast_in_dim3A_140 = arith.constant 0xFF800000 : f32
      %broadcast_in_dim3A_141 = vector.broadcast %broadcast_in_dim3A_140 : f32 to vector<1x8x128xf32>
      %broadcast_in_dim3A_142 = arith.constant 0 : i32
      %broadcast_in_dim3A_143 = vector.broadcast %broadcast_in_dim3A_142 : i32 to vector<1x8x128xi32>
      %get3A_144 = arith.constant 0 : index
      %get3A_145 = arith.constant 0 : index
      %get3A_146 = arith.constant 0 : index
      %get3A_147 = arith.constant 0 : index
      %get3A_148 = vector.load %arg0[%get3A_144, %get3A_145, %get3A_146, %get3A_147] : memref<3x49x8x128xf32, #tpu.memory_space<vmem>>, vector<1x1x8x128xf32>
      %get3A_149 = vector.shape_cast %get3A_148 : vector<1x1x8x128xf32> to vector<1x8x128xf32>
      %sub3A_150 = vector.broadcast %reduce_sum3A_119 : f32 to vector<1x8x128xf32>
      %sub3A_151 = arith.subf %get3A_149, %sub3A_150 : vector<1x8x128xf32>
      %get3A_152 = arith.constant 1 : index
      %get3A_153 = arith.constant 0 : index
      %get3A_154 = arith.constant 0 : index
      %get3A_155 = arith.constant 0 : index
      %get3A_156 = vector.load %arg0[%get3A_152, %get3A_153, %get3A_154, %get3A_155] : memref<3x49x8x128xf32, #tpu.memory_space<vmem>>, vector<1x1x8x128xf32>
      %get3A_157 = vector.shape_cast %get3A_156 : vector<1x1x8x128xf32> to vector<1x8x128xf32>
      %sub3A_158 = vector.broadcast %reduce_sum3A_129 : f32 to vector<1x8x128xf32>
      %sub3A_159 = arith.subf %get3A_157, %sub3A_158 : vector<1x8x128xf32>
      %get3A_160 = arith.constant 2 : index
      %get3A_161 = arith.constant 0 : index
      %get3A_162 = arith.constant 0 : index
      %get3A_163 = arith.constant 0 : index
      %get3A_164 = vector.load %arg0[%get3A_160, %get3A_161, %get3A_162, %get3A_163] : memref<3x49x8x128xf32, #tpu.memory_space<vmem>>, vector<1x1x8x128xf32>
      %get3A_165 = vector.shape_cast %get3A_164 : vector<1x1x8x128xf32> to vector<1x8x128xf32>
      %sub3A_166 = vector.broadcast %reduce_sum3A_139 : f32 to vector<1x8x128xf32>
      %sub3A_167 = arith.subf %get3A_165, %sub3A_166 : vector<1x8x128xf32>
      %mul3A_168 = arith.mulf %sub3A_151, %sub3A_151 : vector<1x8x128xf32>
      %mul3A_169 = arith.mulf %sub3A_167, %sub3A_167 : vector<1x8x128xf32>
      %add3A_170 = arith.addf %mul3A_168, %mul3A_169 : vector<1x8x128xf32>
      %mul3A_171 = arith.mulf %sub3A_159, %sub3A_159 : vector<1x8x128xf32>
      %add3A_172 = arith.addf %add3A_170, %mul3A_171 : vector<1x8x128xf32>
      %get3A_173 = arith.constant 0 : index
      %get3A_174 = arith.constant 0 : index
      %get3A_175 = arith.constant 0 : index
      %get3A_176 = vector.load %arg2[%get3A_173, %get3A_174, %get3A_175] : memref<49x8x128xf32, #tpu.memory_space<vmem>>, vector<1x8x128xf32>
      %min3A = arith.minimumf %get3A_176, %add3A_172 : vector<1x8x128xf32>
      %swap3A_177 = arith.constant 0 : index
      %swap3A_178 = arith.constant 0 : index
      %swap3A_179 = arith.constant 0 : index
      %swap3A_180 = vector.load %arg2[%swap3A_177, %swap3A_178, %swap3A_179] : memref<49x8x128xf32, #tpu.memory_space<vmem>>, vector<1x8x128xf32>
      tpu.vector_store %arg2[%swap3A_177, %swap3A_178, %swap3A_179], %min3A {strides = array<i32>} : memref<49x8x128xf32, #tpu.memory_space<vmem>>, vector<1x8x128xf32>,
      %gt3A = arith.cmpf ogt, %min3A, %broadcast_in_dim3A_141 : vector<1x8x128xf32>
      %select_n3A_181 = arith.select %gt3A, %min3A, %broadcast_in_dim3A_141 : vector<1x8x128xi1>, vector<1x8x128xf32>
      %jit3A_182 = arith.constant 0 : i32
      %broadcast_in_dim3A_183 = vector.broadcast %jit3A_182 : i32 to vector<1x8x128xi32>
      %select_n3A_184 = arith.select %gt3A, %broadcast_in_dim3A_183, %broadcast_in_dim3A_143 : vector<1x8x128xi1>, vector<1x8x128xi32>
      %get3A_185 = arith.constant 0 : index
      %get3A_186 = arith.constant 1 : index
      %get3A_187 = arith.constant 0 : index
      %get3A_188 = arith.constant 0 : index
      %get3A_189 = vector.load %arg0[%get3A_185, %get3A_186, %get3A_187, %get3A_188] : memref<3x49x8x128xf32, #tpu.memory_space<vmem>>, vector<1x1x8x128xf32>
      %get3A_190 = vector.shape_cast %get3A_189 : vector<1x1x8x128xf32> to vector<1x8x128xf32>
      %sub3A_191 = vector.broadcast %reduce_sum3A_119 : f32 to vector<1x8x128xf32>
      %sub3A_192 = arith.subf %get3A_190, %sub3A_191 : vector<1x8x128xf32>
      %get3A_193 = arith.constant 1 : index
      %get3A_194 = arith.constant 1 : index
      %get3A_195 = arith.constant 0 : index
      %get3A_196 = arith.constant 0 : index
      %get3A_197 = vector.load %arg0[%get3A_193, %get3A_194, %get3A_195, %get3A_196] : memref<3x49x8x128xf32, #tpu.memory_space<vmem>>, vector<1x1x8x128xf32>
      %get3A_198 = vector.shape_cast %get3A_197 : vector<1x1x8x128xf32> to vector<1x8x128xf32>
      %sub3A_199 = vector.broadcast %reduce_sum3A_129 : f32 to vector<1x8x128xf32>
      %sub3A_200 = arith.subf %get3A_198, %sub3A_199 : vector<1x8x128xf32>
      %get3A_201 = arith.constant 2 : index
      %get3A_202 = arith.constant 1 : index
      %get3A_203 = arith.constant 0 : index
      %get3A_204 = arith.constant 0 : index
      %get3A_205 = vector.load %arg0[%get3A_201, %get3A_202, %get3A_203, %get3A_204] : memref<3x49x8x128xf32, #tpu.memory_space<vmem>>, vector<1x1x8x128xf32>
      %get3A_206 = vector.shape_cast %get3A_205 : vector<1x1x8x128xf32> to vector<1x8x128xf32>
      %sub3A_207 = vector.broadcast %reduce_sum3A_139 : f32 to vector<1x8x128xf32>
      %sub3A_208 = arith.subf %get3A_206, %sub3A_207 : vector<1x8x128xf32>
      %mul3A_209 = arith.mulf %sub3A_192, %sub3A_192 : vector<1x8x128xf32>
      %mul3A_210 = arith.mulf %sub3A_208, %sub3A_208 : vector<1x8x128xf32>
      %add3A_211 = arith.addf %mul3A_209, %mul3A_210 : vector<1x8x128xf32>
      %mul3A_212 = arith.mulf %sub3A_200, %sub3A_200 : vector<1x8x128xf32>
      %add3A_213 = arith.addf %add3A_211, %mul3A_212 : vector<1x8x128xf32>
      %get3A_214 = arith.constant 1 : index
      %get3A_215 = arith.constant 0 : index
      %get3A_216 = arith.constant 0 : index
      %get3A_217 = vector.load %arg2[%get3A_214, %get3A_215, %get3A_216] : memref<49x8x128xf32, #tpu.memory_space<vmem>>, vector<1x8x128xf32>
      %min3A_218 = arith.minimumf %get3A_217, %add3A_213 : vector<1x8x128xf32>
      %swap3A_219 = arith.constant 1 : index
      %swap3A_220 = arith.constant 0 : index
      %swap3A_221 = arith.constant 0 : index
      %swap3A_222 = vector.load %arg2[%swap3A_219, %swap3A_220, %swap3A_221] : memref<49x8x128xf32, #tpu.memory_space<vmem>>, vector<1x8x128xf32>
      tpu.vector_store %arg2[%swap3A_219, %swap3A_220, %swap3A_221], %min3A_218 {strides = array<i32>} : memref<49x8x128xf32, #tpu.memory_space<vmem>>, vector<1x8x128xf32>,
      %gt3A_223 = arith.cmpf ogt, %min3A_218, %select_n3A_181 : vector<1x8x128xf32>
      %select_n3A_224 = arith.select %gt3A_223, %min3A_218, %select_n3A_181 : vector<1x8x128xi1>, vector<1x8x128xf32>
      %jit3A_225 = arith.constant 1 : i32
      %broadcast_in_dim3A_226 = vector.broadcast %jit3A_225 : i32 to vector<1x8x128xi32>
      %select_n3A_227 = arith.select %gt3A_223, %broadcast_in_dim3A_226, %select_n3A_184 : vector<1x8x128xi1>, vector<1x8x128xi32>
      %get3A_228 = arith.constant 0 : index
      %get3A_229 = arith.constant 2 : index
      %get3A_230 = arith.constant 0 : index
      %get3A_231 = arith.constant 0 : index
      %get3A_232 = vector.load %arg0[%get3A_228, %get3A_229, %get3A_230, %get3A_231] : memref<3x49x8x128xf32, #tpu.memory_space<vmem>>, vector<1x1x8x128xf32>
      %get3A_233 = vector.shape_cast %get3A_232 : vector<1x1x8x128xf32> to vector<1x8x128xf32>
      %sub3A_234 = vector.broadcast %reduce_sum3A_119 : f32 to vector<1x8x128xf32>
      %sub3A_235 = arith.subf %get3A_233, %sub3A_234 : vector<1x8x128xf32>
      %get3A_236 = arith.constant 1 : index
      %get3A_237 = arith.constant 2 : index
      %get3A_238 = arith.constant 0 : index
      %get3A_239 = arith.constant 0 : index
      %get3A_240 = vector.load %arg0[%get3A_236, %get3A_237, %get3A_238, %get3A_239] : memref<3x49x8x128xf32, #tpu.memory_space<vmem>>, vector<1x1x8x128xf32>
      %get3A_241 = vector.shape_cast %get3A_240 : vector<1x1x8x128xf32> to vector<1x8x128xf32>
      %sub3A_242 = vector.broadcast %reduce_sum3A_129 : f32 to vector<1x8x128xf32>
      %sub3A_243 = arith.subf %get3A_241, %sub3A_242 : vector<1x8x128xf32>
      %get3A_244 = arith.constant 2 : index
      %get3A_245 = arith.constant 2 : index
      %get3A_246 = arith.constant 0 : index
      %get3A_247 = arith.constant 0 : index
      %get3A_248 = vector.load %arg0[%get3A_244, %get3A_245, %get3A_246, %get3A_247] : memref<3x49x8x128xf32, #tpu.memory_space<vmem>>, vector<1x1x8x128xf32>
      %get3A_249 = vector.shape_cast %get3A_248 : vector<1x1x8x128xf32> to vector<1x8x128xf32>
      %sub3A_250 = vector.broadcast %reduce_sum3A_139 : f32 to vector<1x8x128xf32>
      %sub3A_251 = arith.subf %get3A_249, %sub3A_250 : vector<1x8x128xf32>
      %mul3A_252 = arith.mulf %sub3A_235, %sub3A_235 : vector<1x8x128xf32>
      %mul3A_253 = arith.mulf %sub3A_251, %sub3A_251 : vector<1x8x128xf32>
      %add3A_254 = arith.addf %mul3A_252, %mul3A_253 : vector<1x8x128xf32>
      %mul3A_255 = arith.mulf %sub3A_243, %sub3A_243 : vector<1x8x128xf32>
      %add3A_256 = arith.addf %add3A_254, %mul3A_255 : vector<1x8x128xf32>
      %get3A_257 = arith.constant 2 : index
      %get3A_258 = arith.constant 0 : index
      %get3A_259 = arith.constant 0 : index
      %get3A_260 = vector.load %arg2[%get3A_257, %get3A_258, %get3A_259] : memref<49x8x128xf32, #tpu.memory_space<vmem>>, vector<1x8x128xf32>
      %min3A_261 = arith.minimumf %get3A_260, %add3A_256 : vector<1x8x128xf32>
      %swap3A_262 = arith.constant 2 : index
      %swap3A_263 = arith.constant 0 : index
      %swap3A_264 = arith.constant 0 : index
      %swap3A_265 = vector.load %arg2[%swap3A_262, %swap3A_263, %swap3A_264] : memref<49x8x128xf32, #tpu.memory_space<vmem>>, vector<1x8x128xf32>
      tpu.vector_store %arg2[%swap3A_262, %swap3A_263, %swap3A_264], %min3A_261 {strides = array<i32>} : memref<49x8x128xf32, #tpu.memory_space<vmem>>, vector<1x8x128xf32>,
      %gt3A_266 = arith.cmpf ogt, %min3A_261, %select_n3A_224 : vector<1x8x128xf32>
      %select_n3A_267 = arith.select %gt3A_266, %min3A_261, %select_n3A_224 : vector<1x8x128xi1>, vector<1x8x128xf32>
      %jit3A_268 = arith.constant 2 : i32
      %broadcast_in_dim3A_269 = vector.broadcast %jit3A_268 : i32 to vector<1x8x128xi32>
      %select_n3A_270 = arith.select %gt3A_266, %broadcast_in_dim3A_269, %select_n3A_227 : vector<1x8x128xi1>, vector<1x8x128xi32>
      %get3A_271 = arith.constant 0 : index
      %get3A_272 = arith.constant 3 : index
      %get3A_273 = arith.constant 0 : index
      %get3A_274 = arith.constant 0 : index
      %get3A_275 = vector.load %arg0[%get3A_271, %get3A_272, %get3A_273, %get3A_274] : memref<3x49x8x128xf32, #tpu.memory_space<vmem>>, vector<1x1x8x128xf32>
      %get3A_276 = vector.shape_cast %get3A_275 : vector<1x1x8x128xf32> to vector<1x8x128xf32>
      %sub3A_277 = vector.broadcast %reduce_sum3A_119 : f32 to vector<1x8x128xf32>
      %sub3A_278 = arith.subf %get3A_276, %sub3A_277 : vector<1x8x128xf32>
      %get3A_279 = arith.constant 1 : index
      %get3A_280 = arith.constant 3 : index
      %get3A_281 = arith.constant 0 : index
      %get3A_282 = arith.constant 0 : index
      %get3A_283 = vector.load %arg0[%get3A_279, %get3A_280, %get3A_281, %get3A_282] : memref<3x49x8x128xf32, #tpu.memory_space<vmem>>, vector<1x1x8x128xf32>
      %get3A_284 = vector.shape_cast %get3A_283 : vector<1x1x8x128xf32> to vector<1x8x128xf32>
      %sub3A_285 = vector.broadcast %reduce_sum3A_129 : f32 to vector<1x8x128xf32>
      %sub3A_286 = arith.subf %get3A_284, %sub3A_285 : vector<1x8x128xf32>
      %get3A_287 = arith.constant 2 : index
      %get3A_288 = arith.constant 3 : index
      %get3A_289 = arith.constant 0 : index
      %get3A_290 = arith.constant 0 : index
      %get3A_291 = vector.load %arg0[%get3A_287, %get3A_288, %get3A_289, %get3A_290] : memref<3x49x8x128xf32, #tpu.memory_space<vmem>>, vector<1x1x8x128xf32>
      %get3A_292 = vector.shape_cast %get3A_291 : vector<1x1x8x128xf32> to vector<1x8x128xf32>
      %sub3A_293 = vector.broadcast %reduce_sum3A_139 : f32 to vector<1x8x128xf32>
      %sub3A_294 = arith.subf %get3A_292, %sub3A_293 : vector<1x8x128xf32>
      %mul3A_295 = arith.mulf %sub3A_278, %sub3A_278 : vector<1x8x128xf32>
      %mul3A_296 = arith.mulf %sub3A_294, %sub3A_294 : vector<1x8x128xf32>
      %add3A_297 = arith.addf %mul3A_295, %mul3A_296 : vector<1x8x128xf32>
      %mul3A_298 = arith.mulf %sub3A_286, %sub3A_286 : vector<1x8x128xf32>
      %add3A_299 = arith.addf %add3A_297, %mul3A_298 : vector<1x8x128xf32>
      %get3A_300 = arith.constant 3 : index
      %get3A_301 = arith.constant 0 : index
      %get3A_302 = arith.constant 0 : index
      %get3A_303 = vector.load %arg2[%get3A_300, %get3A_301, %get3A_302] : memref<49x8x128xf32, #tpu.memory_space<vmem>>, vector<1x8x128xf32>
      %min3A_304 = arith.minimumf %get3A_303, %add3A_299 : vector<1x8x128xf32>
      %swap3A_305 = arith.constant 3 : index
      %swap3A_306 = arith.constant 0 : index
      %swap3A_307 = arith.constant 0 : index
      %swap3A_308 = vector.load %arg2[%swap3A_305, %swap3A_306, %swap3A_307] : memref<49x8x128xf32, #tpu.memory_space<vmem>>, vector<1x8x128xf32>
      tpu.vector_store %arg2[%swap3A_305, %swap3A_306, %swap3A_307], %min3A_304 {strides = array<i32>} : memref<49x8x128xf32, #tpu.memory_space<vmem>>, vector<1x8x128xf32>,
      %gt3A_309 = arith.cmpf ogt, %min3A_304, %select_n3A_267 : vector<1x8x128xf32>
      %select_n3A_310 = arith.select %gt3A_309, %min3A_304, %select_n3A_267 : vector<1x8x128xi1>, vector<1x8x128xf32>
      %jit3A_311 = arith.constant 3 : i32
      %broadcast_in_dim3A_312 = vector.broadcast %jit3A_311 : i32 to vector<1x8x128xi32>
      %select_n3A_313 = arith.select %gt3A_309, %broadcast_in_dim3A_312, %select_n3A_270 : vector<1x8x128xi1>, vector<1x8x128xi32>
      %get3A_314 = arith.constant 0 : index
      %get3A_315 = arith.constant 4 : index
      %get3A_316 = arith.constant 0 : index
      %get3A_317 = arith.constant 0 : index
      %get3A_318 = vector.load %arg0[%get3A_314, %get3A_315, %get3A_316, %get3A_317] : memref<3x49x8x128xf32, #tpu.memory_space<vmem>>, vector<1x1x8x128xf32>
      %get3A_319 = vector.shape_cast %get3A_318 : vector<1x1x8x128xf32> to vector<1x8x128xf32>
      %sub3A_320 = vector.broadcast %reduce_sum3A_119 : f32 to vector<1x8x128xf32>
      %sub3A_321 = arith.subf %get3A_319, %sub3A_320 : vector<1x8x128xf32>
      %get3A_322 = arith.constant 1 : index
      %get3A_323 = arith.constant 4 : index
      %get3A_324 = arith.constant 0 : index
      %get3A_325 = arith.constant 0 : index
      %get3A_326 = vector.load %arg0[%get3A_322, %get3A_323, %get3A_324, %get3A_325] : memref<3x49x8x128xf32, #tpu.memory_space<vmem>>, vector<1x1x8x128xf32>
      %get3A_327 = vector.shape_cast %get3A_326 : vector<1x1x8x128xf32> to vector<1x8x128xf32>
      %sub3A_328 = vector.broadcast %reduce_sum3A_129 : f32 to vector<1x8x128xf32>
      %sub3A_329 = arith.subf %get3A_327, %sub3A_328 : vector<1x8x128xf32>
      %get3A_330 = arith.constant 2 : index
      %get3A_331 = arith.constant 4 : index
      %get3A_332 = arith.constant 0 : index
      %get3A_333 = arith.constant 0 : index
      %get3A_334 = vector.load %arg0[%get3A_330, %get3A_331, %get3A_332, %get3A_333] : memref<3x49x8x128xf32, #tpu.memory_space<vmem>>, vector<1x1x8x128xf32>
      %get3A_335 = vector.shape_cast %get3A_334 : vector<1x1x8x128xf32> to vector<1x8x128xf32>
      %sub3A_336 = vector.broadcast %reduce_sum3A_139 : f32 to vector<1x8x128xf32>
      %sub3A_337 = arith.subf %get3A_335, %sub3A_336 : vector<1x8x128xf32>
      %mul3A_338 = arith.mulf %sub3A_321, %sub3A_321 : vector<1x8x128xf32>
      %mul3A_339 = arith.mulf %sub3A_337, %sub3A_337 : vector<1x8x128xf32>
      %add3A_340 = arith.addf %mul3A_338, %mul3A_339 : vector<1x8x128xf32>
      %mul3A_341 = arith.mulf %sub3A_329, %sub3A_329 : vector<1x8x128xf32>
      %add3A_342 = arith.addf %add3A_340, %mul3A_341 : vector<1x8x128xf32>
      %get3A_343 = arith.constant 4 : index
      %get3A_344 = arith.constant 0 : index
      %get3A_345 = arith.constant 0 : index
      %get3A_346 = vector.load %arg2[%get3A_343, %get3A_344, %get3A_345] : memref<49x8x128xf32, #tpu.memory_space<vmem>>, vector<1x8x128xf32>
      %min3A_347 = arith.minimumf %get3A_346, %add3A_342 : vector<1x8x128xf32>
      %swap3A_348 = arith.constant 4 : index
      %swap3A_349 = arith.constant 0 : index
      %swap3A_350 = arith.constant 0 : index
      %swap3A_351 = vector.load %arg2[%swap3A_348, %swap3A_349, %swap3A_350] : memref<49x8x128xf32, #tpu.memory_space<vmem>>, vector<1x8x128xf32>
      tpu.vector_store %arg2[%swap3A_348, %swap3A_349, %swap3A_350], %min3A_347 {strides = array<i32>} : memref<49x8x128xf32, #tpu.memory_space<vmem>>, vector<1x8x128xf32>,
      %gt3A_352 = arith.cmpf ogt, %min3A_347, %select_n3A_310 : vector<1x8x128xf32>
      %select_n3A_353 = arith.select %gt3A_352, %min3A_347, %select_n3A_310 : vector<1x8x128xi1>, vector<1x8x128xf32>
      %jit3A_354 = arith.constant 4 : i32
      %broadcast_in_dim3A_355 = vector.broadcast %jit3A_354 : i32 to vector<1x8x128xi32>
      %select_n3A_356 = arith.select %gt3A_352, %broadcast_in_dim3A_355, %select_n3A_313 : vector<1x8x128xi1>, vector<1x8x128xi32>
      %get3A_357 = arith.constant 0 : index
      %get3A_358 = arith.constant 5 : index
      %get3A_359 = arith.constant 0 : index
      %get3A_360 = arith.constant 0 : index
      %get3A_361 = vector.load %arg0[%get3A_357, %get3A_358, %get3A_359, %get3A_360] : memref<3x49x8x128xf32, #tpu.memory_space<vmem>>, vector<1x1x8x128xf32>
      %get3A_362 = vector.shape_cast %get3A_361 : vector<1x1x8x128xf32> to vector<1x8x128xf32>
      %sub3A_363 = vector.broadcast %reduce_sum3A_119 : f32 to vector<1x8x128xf32>
      %sub3A_364 = arith.subf %get3A_362, %sub3A_363 : vector<1x8x128xf32>
      %get3A_365 = arith.constant 1 : index
      %get3A_366 = arith.constant 5 : index
      %get3A_367 = arith.constant 0 : index
      %get3A_368 = arith.constant 0 : index
      %get3A_369 = vector.load %arg0[%get3A_365, %get3A_366, %get3A_367, %get3A_368] : memref<3x49x8x128xf32, #tpu.memory_space<vmem>>, vector<1x1x8x128xf32>
      %get3A_370 = vector.shape_cast %get3A_369 : vector<1x1x8x128xf32> to vector<1x8x128xf32>
      %sub3A_371 = vector.broadcast %reduce_sum3A_129 : f32 to vector<1x8x128xf32>
      %sub3A_372 = arith.subf %get3A_370, %sub3A_371 : vector<1x8x128xf32>
      %get3A_373 = arith.constant 2 : index
      %get3A_374 = arith.constant 5 : index
      %get3A_375 = arith.constant 0 : index
      %get3A_376 = arith.constant 0 : index
      %get3A_377 = vector.load %arg0[%get3A_373, %get3A_374, %get3A_375, %get3A_376] : memref<3x49x8x128xf32, #tpu.memory_space<vmem>>, vector<1x1x8x128xf32>
      %get3A_378 = vector.shape_cast %get3A_377 : vector<1x1x8x128xf32> to vector<1x8x128xf32>
      %sub3A_379 = vector.broadcast %reduce_sum3A_139 : f32 to vector<1x8x128xf32>
      %sub3A_380 = arith.subf %get3A_378, %sub3A_379 : vector<1x8x128xf32>
      %mul3A_381 = arith.mulf %sub3A_364, %sub3A_364 : vector<1x8x128xf32>
      %mul3A_382 = arith.mulf %sub3A_380, %sub3A_380 : vector<1x8x128xf32>
      %add3A_383 = arith.addf %mul3A_381, %mul3A_382 : vector<1x8x128xf32>
      %mul3A_384 = arith.mulf %sub3A_372, %sub3A_372 : vector<1x8x128xf32>
      %add3A_385 = arith.addf %add3A_383, %mul3A_384 : vector<1x8x128xf32>
      %get3A_386 = arith.constant 5 : index
      %get3A_387 = arith.constant 0 : index
      %get3A_388 = arith.constant 0 : index
      %get3A_389 = vector.load %arg2[%get3A_386, %get3A_387, %get3A_388] : memref<49x8x128xf32, #tpu.memory_space<vmem>>, vector<1x8x128xf32>
      %min3A_390 = arith.minimumf %get3A_389, %add3A_385 : vector<1x8x128xf32>
      %swap3A_391 = arith.constant 5 : index
      %swap3A_392 = arith.constant 0 : index
      %swap3A_393 = arith.constant 0 : index
      %swap3A_394 = vector.load %arg2[%swap3A_391, %swap3A_392, %swap3A_393] : memref<49x8x128xf32, #tpu.memory_space<vmem>>, vector<1x8x128xf32>
      tpu.vector_store %arg2[%swap3A_391, %swap3A_392, %swap3A_393], %min3A_390 {strides = array<i32>} : memref<49x8x128xf32, #tpu.memory_space<vmem>>, vector<1x8x128xf32>,
      %gt3A_395 = arith.cmpf ogt, %min3A_390, %select_n3A_353 : vector<1x8x128xf32>
      %select_n3A_396 = arith.select %gt3A_395, %min3A_390, %select_n3A_353 : vector<1x8x128xi1>, vector<1x8x128xf32>
      %jit3A_397 = arith.constant 5 : i32
      %broadcast_in_dim3A_398 = vector.broadcast %jit3A_397 : i32 to vector<1x8x128xi32>
      %select_n3A_399 = arith.select %gt3A_395, %broadcast_in_dim3A_398, %select_n3A_356 : vector<1x8x128xi1>, vector<1x8x128xi32>
      %get3A_400 = arith.constant 0 : index
      %get3A_401 = arith.constant 6 : index
      %get3A_402 = arith.constant 0 : index
      %get3A_403 = arith.constant 0 : index
      %get3A_404 = vector.load %arg0[%get3A_400, %get3A_401, %get3A_402, %get3A_403] : memref<3x49x8x128xf32, #tpu.memory_space<vmem>>, vector<1x1x8x128xf32>
      %get3A_405 = vector.shape_cast %get3A_404 : vector<1x1x8x128xf32> to vector<1x8x128xf32>
      %sub3A_406 = vector.broadcast %reduce_sum3A_119 : f32 to vector<1x8x128xf32>
      %sub3A_407 = arith.subf %get3A_405, %sub3A_406 : vector<1x8x128xf32>
      %get3A_408 = arith.constant 1 : index
      %get3A_409 = arith.constant 6 : index
      %get3A_410 = arith.constant 0 : index
      %get3A_411 = arith.constant 0 : index
      %get3A_412 = vector.load %arg0[%get3A_408, %get3A_409, %get3A_410, %get3A_411] : memref<3x49x8x128xf32, #tpu.memory_space<vmem>>, vector<1x1x8x128xf32>
      %get3A_413 = vector.shape_cast %get3A_412 : vector<1x1x8x128xf32> to vector<1x8x128xf32>
      %sub3A_414 = vector.broadcast %reduce_sum3A_129 : f32 to vector<1x8x128xf32>
      %sub3A_415 = arith.subf %get3A_413, %sub3A_414 : vector<1x8x128xf32>
      %get3A_416 = arith.constant 2 : index
      %get3A_417 = arith.constant 6 : index
      %get3A_418 = arith.constant 0 : index
      %get3A_419 = arith.constant 0 : index
      %get3A_420 = vector.load %arg0[%get3A_416, %get3A_417, %get3A_418, %get3A_419] : memref<3x49x8x128xf32, #tpu.memory_space<vmem>>, vector<1x1x8x128xf32>
      %get3A_421 = vector.shape_cast %get3A_420 : vector<1x1x8x128xf32> to vector<1x8x128xf32>
      %sub3A_422 = vector.broadcast %reduce_sum3A_139 : f32 to vector<1x8x128xf32>
      %sub3A_423 = arith.subf %get3A_421, %sub3A_422 : vector<1x8x128xf32>
      %mul3A_424 = arith.mulf %sub3A_407, %sub3A_407 : vector<1x8x128xf32>
      %mul3A_425 = arith.mulf %sub3A_423, %sub3A_423 : vector<1x8x128xf32>
      %add3A_426 = arith.addf %mul3A_424, %mul3A_425 : vector<1x8x128xf32>
      %mul3A_427 = arith.mulf %sub3A_415, %sub3A_415 : vector<1x8x128xf32>
      %add3A_428 = arith.addf %add3A_426, %mul3A_427 : vector<1x8x128xf32>
      %get3A_429 = arith.constant 6 : index
      %get3A_430 = arith.constant 0 : index
      %get3A_431 = arith.constant 0 : index
      %get3A_432 = vector.load %arg2[%get3A_429, %get3A_430, %get3A_431] : memref<49x8x128xf32, #tpu.memory_space<vmem>>, vector<1x8x128xf32>
      %min3A_433 = arith.minimumf %get3A_432, %add3A_428 : vector<1x8x128xf32>
      %swap3A_434 = arith.constant 6 : index
      %swap3A_435 = arith.constant 0 : index
      %swap3A_436 = arith.constant 0 : index
      %swap3A_437 = vector.load %arg2[%swap3A_434, %swap3A_435, %swap3A_436] : memref<49x8x128xf32, #tpu.memory_space<vmem>>, vector<1x8x128xf32>
      tpu.vector_store %arg2[%swap3A_434, %swap3A_435, %swap3A_436], %min3A_433 {strides = array<i32>} : memref<49x8x128xf32, #tpu.memory_space<vmem>>, vector<1x8x128xf32>,
      %gt3A_438 = arith.cmpf ogt, %min3A_433, %select_n3A_396 : vector<1x8x128xf32>
      %select_n3A_439 = arith.select %gt3A_438, %min3A_433, %select_n3A_396 : vector<1x8x128xi1>, vector<1x8x128xf32>
      %jit3A_440 = arith.constant 6 : i32
      %broadcast_in_dim3A_441 = vector.broadcast %jit3A_440 : i32 to vector<1x8x128xi32>
      %select_n3A_442 = arith.select %gt3A_438, %broadcast_in_dim3A_441, %select_n3A_399 : vector<1x8x128xi1>, vector<1x8x128xi32>
      %get3A_443 = arith.constant 0 : index
      %get3A_444 = arith.constant 7 : index
      %get3A_445 = arith.constant 0 : index
      %get3A_446 = arith.constant 0 : index
      %get3A_447 = vector.load %arg0[%get3A_443, %get3A_444, %get3A_445, %get3A_446] : memref<3x49x8x128xf32, #tpu.memory_space<vmem>>, vector<1x1x8x128xf32>
      %get3A_448 = vector.shape_cast %get3A_447 : vector<1x1x8x128xf32> to vector<1x8x128xf32>
      %sub3A_449 = vector.broadcast %reduce_sum3A_119 : f32 to vector<1x8x128xf32>
      %sub3A_450 = arith.subf %get3A_448, %sub3A_449 : vector<1x8x128xf32>
      %get3A_451 = arith.constant 1 : index
      %get3A_452 = arith.constant 7 : index
      %get3A_453 = arith.constant 0 : index
      %get3A_454 = arith.constant 0 : index
      %get3A_455 = vector.load %arg0[%get3A_451, %get3A_452, %get3A_453, %get3A_454] : memref<3x49x8x128xf32, #tpu.memory_space<vmem>>, vector<1x1x8x128xf32>
      %get3A_456 = vector.shape_cast %get3A_455 : vector<1x1x8x128xf32> to vector<1x8x128xf32>
      %sub3A_457 = vector.broadcast %reduce_sum3A_129 : f32 to vector<1x8x128xf32>
      %sub3A_458 = arith.subf %get3A_456, %sub3A_457 : vector<1x8x128xf32>
      %get3A_459 = arith.constant 2 : index
      %get3A_460 = arith.constant 7 : index
      %get3A_461 = arith.constant 0 : index
      %get3A_462 = arith.constant 0 : index
      %get3A_463 = vector.load %arg0[%get3A_459, %get3A_460, %get3A_461, %get3A_462] : memref<3x49x8x128xf32, #tpu.memory_space<vmem>>, vector<1x1x8x128xf32>
      %get3A_464 = vector.shape_cast %get3A_463 : vector<1x1x8x128xf32> to vector<1x8x128xf32>
      %sub3A_465 = vector.broadcast %reduce_sum3A_139 : f32 to vector<1x8x128xf32>
      %sub3A_466 = arith.subf %get3A_464, %sub3A_465 : vector<1x8x128xf32>
      %mul3A_467 = arith.mulf %sub3A_450, %sub3A_450 : vector<1x8x128xf32>
      %mul3A_468 = arith.mulf %sub3A_466, %sub3A_466 : vector<1x8x128xf32>
      %add3A_469 = arith.addf %mul3A_467, %mul3A_468 : vector<1x8x128xf32>
      %mul3A_470 = arith.mulf %sub3A_458, %sub3A_458 : vector<1x8x128xf32>
      %add3A_471 = arith.addf %add3A_469, %mul3A_470 : vector<1x8x128xf32>
      %get3A_472 = arith.constant 7 : index
      %get3A_473 = arith.constant 0 : index
      %get3A_474 = arith.constant 0 : index
      %get3A_475 = vector.load %arg2[%get3A_472, %get3A_473, %get3A_474] : memref<49x8x128xf32, #tpu.memory_space<vmem>>, vector<1x8x128xf32>
      %min3A_476 = arith.minimumf %get3A_475, %add3A_471 : vector<1x8x128xf32>
      %swap3A_477 = arith.constant 7 : index
      %swap3A_478 = arith.constant 0 : index
      %swap3A_479 = arith.constant 0 : index
      %swap3A_480 = vector.load %arg2[%swap3A_477, %swap3A_478, %swap3A_479] : memref<49x8x128xf32, #tpu.memory_space<vmem>>, vector<1x8x128xf32>
      tpu.vector_store %arg2[%swap3A_477, %swap3A_478, %swap3A_479], %min3A_476 {strides = array<i32>} : memref<49x8x128xf32, #tpu.memory_space<vmem>>, vector<1x8x128xf32>,
      %gt3A_481 = arith.cmpf ogt, %min3A_476, %select_n3A_439 : vector<1x8x128xf32>
      %select_n3A_482 = arith.select %gt3A_481, %min3A_476, %select_n3A_439 : vector<1x8x128xi1>, vector<1x8x128xf32>
      %jit3A_483 = arith.constant 7 : i32
      %broadcast_in_dim3A_484 = vector.broadcast %jit3A_483 : i32 to vector<1x8x128xi32>
      %select_n3A_485 = arith.select %gt3A_481, %broadcast_in_dim3A_484, %select_n3A_442 : vector<1x8x128xi1>, vector<1x8x128xi32>
      %get3A_486 = arith.constant 0 : index
      %get3A_487 = arith.constant 8 : index
      %get3A_488 = arith.constant 0 : index
      %get3A_489 = arith.constant 0 : index
      %get3A_490 = vector.load %arg0[%get3A_486, %get3A_487, %get3A_488, %get3A_489] : memref<3x49x8x128xf32, #tpu.memory_space<vmem>>, vector<1x1x8x128xf32>
      %get3A_491 = vector.shape_cast %get3A_490 : vector<1x1x8x128xf32> to vector<1x8x128xf32>
      %sub3A_492 = vector.broadcast %reduce_sum3A_119 : f32 to vector<1x8x128xf32>
      %sub3A_493 = arith.subf %get3A_491, %sub3A_492 : vector<1x8x128xf32>
      %get3A_494 = arith.constant 1 : index
      %get3A_495 = arith.constant 8 : index
      %get3A_496 = arith.constant 0 : index
      %get3A_497 = arith.constant 0 : index
      %get3A_498 = vector.load %arg0[%get3A_494, %get3A_495, %get3A_496, %get3A_497] : memref<3x49x8x128xf32, #tpu.memory_space<vmem>>, vector<1x1x8x128xf32>
      %get3A_499 = vector.shape_cast %get3A_498 : vector<1x1x8x128xf32> to vector<1x8x128xf32>
      %sub3A_500 = vector.broadcast %reduce_sum3A_129 : f32 to vector<1x8x128xf32>
      %sub3A_501 = arith.subf %get3A_499, %sub3A_500 : vector<1x8x128xf32>
      %get3A_502 = arith.constant 2 : index
      %get3A_503 = arith.constant 8 : index
      %get3A_504 = arith.constant 0 : index
      %get3A_505 = arith.constant 0 : index
      %get3A_506 = vector.load %arg0[%get3A_502, %get3A_503, %get3A_504, %get3A_505] : memref<3x49x8x128xf32, #tpu.memory_space<vmem>>, vector<1x1x8x128xf32>
      %get3A_507 = vector.shape_cast %get3A_506 : vector<1x1x8x128xf32> to vector<1x8x128xf32>
      %sub3A_508 = vector.broadcast %reduce_sum3A_139 : f32 to vector<1x8x128xf32>
      %sub3A_509 = arith.subf %get3A_507, %sub3A_508 : vector<1x8x128xf32>
      %mul3A_510 = arith.mulf %sub3A_493, %sub3A_493 : vector<1x8x128xf32>
      %mul3A_511 = arith.mulf %sub3A_509, %sub3A_509 : vector<1x8x128xf32>
      %add3A_512 = arith.addf %mul3A_510, %mul3A_511 : vector<1x8x128xf32>
      %mul3A_513 = arith.mulf %sub3A_501, %sub3A_501 : vector<1x8x128xf32>
      %add3A_514 = arith.addf %add3A_512, %mul3A_513 : vector<1x8x128xf32>
      %get3A_515 = arith.constant 8 : index
      %get3A_516 = arith.constant 0 : index
      %get3A_517 = arith.constant 0 : index
      %get3A_518 = vector.load %arg2[%get3A_515, %get3A_516, %get3A_517] : memref<49x8x128xf32, #tpu.memory_space<vmem>>, vector<1x8x128xf32>
      %min3A_519 = arith.minimumf %get3A_518, %add3A_514 : vector<1x8x128xf32>
      %swap3A_520 = arith.constant 8 : index
      %swap3A_521 = arith.constant 0 : index
      %swap3A_522 = arith.constant 0 : index
      %swap3A_523 = vector.load %arg2[%swap3A_520, %swap3A_521, %swap3A_522] : memref<49x8x128xf32, #tpu.memory_space<vmem>>, vector<1x8x128xf32>
      tpu.vector_store %arg2[%swap3A_520, %swap3A_521, %swap3A_522], %min3A_519 {strides = array<i32>} : memref<49x8x128xf32, #tpu.memory_space<vmem>>, vector<1x8x128xf32>,
      %gt3A_524 = arith.cmpf ogt, %min3A_519, %select_n3A_482 : vector<1x8x128xf32>
      %select_n3A_525 = arith.select %gt3A_524, %min3A_519, %select_n3A_482 : vector<1x8x128xi1>, vector<1x8x128xf32>
      %jit3A_526 = arith.constant 8 : i32
      %broadcast_in_dim3A_527 = vector.broadcast %jit3A_526 : i32 to vector<1x8x128xi32>
      %select_n3A_528 = arith.select %gt3A_524, %broadcast_in_dim3A_527, %select_n3A_485 : vector<1x8x128xi1>, vector<1x8x128xi32>
      %get3A_529 = arith.constant 0 : index
      %get3A_530 = arith.constant 9 : index
      %get3A_531 = arith.constant 0 : index
      %get3A_532 = arith.constant 0 : index
      %get3A_533 = vector.load %arg0[%get3A_529, %get3A_530, %get3A_531, %get3A_532] : memref<3x49x8x128xf32, #tpu.memory_space<vmem>>, vector<1x1x8x128xf32>
      %get3A_534 = vector.shape_cast %get3A_533 : vector<1x1x8x128xf32> to vector<1x8x128xf32>
      %sub3A_535 = vector.broadcast %reduce_sum3A_119 : f32 to vector<1x8x128xf32>
      %sub3A_536 = arith.subf %get3A_534, %sub3A_535 : vector<1x8x128xf32>
      %get3A_537 = arith.constant 1 : index
      %get3A_538 = arith.constant 9 : index
      %get3A_539 = arith.constant 0 : index
      %get3A_540 = arith.constant 0 : index
      %get3A_541 = vector.load %arg0[%get3A_537, %get3A_538, %get3A_539, %get3A_540] : memref<3x49x8x128xf32, #tpu.memory_space<vmem>>, vector<1x1x8x128xf32>
      %get3A_542 = vector.shape_cast %get3A_541 : vector<1x1x8x128xf32> to vector<1x8x128xf32>
      %sub3A_543 = vector.broadcast %reduce_sum3A_129 : f32 to vector<1x8x128xf32>
      %sub3A_544 = arith.subf %get3A_542, %sub3A_543 : vector<1x8x128xf32>
      %get3A_545 = arith.constant 2 : index
      %get3A_546 = arith.constant 9 : index
      %get3A_547 = arith.constant 0 : index
      %get3A_548 = arith.constant 0 : index
      %get3A_549 = vector.load %arg0[%get3A_545, %get3A_546, %get3A_547, %get3A_548] : memref<3x49x8x128xf32, #tpu.memory_space<vmem>>, vector<1x1x8x128xf32>
      %get3A_550 = vector.shape_cast %get3A_549 : vector<1x1x8x128xf32> to vector<1x8x128xf32>
      %sub3A_551 = vector.broadcast %reduce_sum3A_139 : f32 to vector<1x8x128xf32>
      %sub3A_552 = arith.subf %get3A_550, %sub3A_551 : vector<1x8x128xf32>
      %mul3A_553 = arith.mulf %sub3A_536, %sub3A_536 : vector<1x8x128xf32>
      %mul3A_554 = arith.mulf %sub3A_552, %sub3A_552 : vector<1x8x128xf32>
      %add3A_555 = arith.addf %mul3A_553, %mul3A_554 : vector<1x8x128xf32>
      %mul3A_556 = arith.mulf %sub3A_544, %sub3A_544 : vector<1x8x128xf32>
      %add3A_557 = arith.addf %add3A_555, %mul3A_556 : vector<1x8x128xf32>
      %get3A_558 = arith.constant 9 : index
      %get3A_559 = arith.constant 0 : index
      %get3A_560 = arith.constant 0 : index
      %get3A_561 = vector.load %arg2[%get3A_558, %get3A_559, %get3A_560] : memref<49x8x128xf32, #tpu.memory_space<vmem>>, vector<1x8x128xf32>
      %min3A_562 = arith.minimumf %get3A_561, %add3A_557 : vector<1x8x128xf32>
      %swap3A_563 = arith.constant 9 : index
      %swap3A_564 = arith.constant 0 : index
      %swap3A_565 = arith.constant 0 : index
      %swap3A_566 = vector.load %arg2[%swap3A_563, %swap3A_564, %swap3A_565] : memref<49x8x128xf32, #tpu.memory_space<vmem>>, vector<1x8x128xf32>
      tpu.vector_store %arg2[%swap3A_563, %swap3A_564, %swap3A_565], %min3A_562 {strides = array<i32>} : memref<49x8x128xf32, #tpu.memory_space<vmem>>, vector<1x8x128xf32>,
      %gt3A_567 = arith.cmpf ogt, %min3A_562, %select_n3A_525 : vector<1x8x128xf32>
      %select_n3A_568 = arith.select %gt3A_567, %min3A_562, %select_n3A_525 : vector<1x8x128xi1>, vector<1x8x128xf32>
      %jit3A_569 = arith.constant 9 : i32
      %broadcast_in_dim3A_570 = vector.broadcast %jit3A_569 : i32 to vector<1x8x128xi32>
      %select_n3A_571 = arith.select %gt3A_567, %broadcast_in_dim3A_570, %select_n3A_528 : vector<1x8x128xi1>, vector<1x8x128xi32>
      %get3A_572 = arith.constant 0 : index
      %get3A_573 = arith.constant 10 : index
      %get3A_574 = arith.constant 0 : index
      %get3A_575 = arith.constant 0 : index
      %get3A_576 = vector.load %arg0[%get3A_572, %get3A_573, %get3A_574, %get3A_575] : memref<3x49x8x128xf32, #tpu.memory_space<vmem>>, vector<1x1x8x128xf32>
      %get3A_577 = vector.shape_cast %get3A_576 : vector<1x1x8x128xf32> to vector<1x8x128xf32>
      %sub3A_578 = vector.broadcast %reduce_sum3A_119 : f32 to vector<1x8x128xf32>
      %sub3A_579 = arith.subf %get3A_577, %sub3A_578 : vector<1x8x128xf32>
      %get3A_580 = arith.constant 1 : index
      %get3A_581 = arith.constant 10 : index
      %get3A_582 = arith.constant 0 : index
      %get3A_583 = arith.constant 0 : index
      %get3A_584 = vector.load %arg0[%get3A_580, %get3A_581, %get3A_582, %get3A_583] : memref<3x49x8x128xf32, #tpu.memory_space<vmem>>, vector<1x1x8x128xf32>
      %get3A_585 = vector.shape_cast %get3A_584 : vector<1x1x8x128xf32> to vector<1x8x128xf32>
      %sub3A_586 = vector.broadcast %reduce_sum3A_129 : f32 to vector<1x8x128xf32>
      %sub3A_587 = arith.subf %get3A_585, %sub3A_586 : vector<1x8x128xf32>
      %get3A_588 = arith.constant 2 : index
      %get3A_589 = arith.constant 10 : index
      %get3A_590 = arith.constant 0 : index
      %get3A_591 = arith.constant 0 : index
      %get3A_592 = vector.load %arg0[%get3A_588, %get3A_589, %get3A_590, %get3A_591] : memref<3x49x8x128xf32, #tpu.memory_space<vmem>>, vector<1x1x8x128xf32>
      %get3A_593 = vector.shape_cast %get3A_592 : vector<1x1x8x128xf32> to vector<1x8x128xf32>
      %sub3A_594 = vector.broadcast %reduce_sum3A_139 : f32 to vector<1x8x128xf32>
      %sub3A_595 = arith.subf %get3A_593, %sub3A_594 : vector<1x8x128xf32>
      %mul3A_596 = arith.mulf %sub3A_579, %sub3A_579 : vector<1x8x128xf32>
      %mul3A_597 = arith.mulf %sub3A_595, %sub3A_595 : vector<1x8x128xf32>
      %add3A_598 = arith.addf %mul3A_596, %mul3A_597 : vector<1x8x128xf32>
      %mul3A_599 = arith.mulf %sub3A_587, %sub3A_587 : vector<1x8x128xf32>
      %add3A_600 = arith.addf %add3A_598, %mul3A_599 : vector<1x8x128xf32>
      %get3A_601 = arith.constant 10 : index
      %get3A_602 = arith.constant 0 : index
      %get3A_603 = arith.constant 0 : index
      %get3A_604 = vector.load %arg2[%get3A_601, %get3A_602, %get3A_603] : memref<49x8x128xf32, #tpu.memory_space<vmem>>, vector<1x8x128xf32>
      %min3A_605 = arith.minimumf %get3A_604, %add3A_600 : vector<1x8x128xf32>
      %swap3A_606 = arith.constant 10 : index
      %swap3A_607 = arith.constant 0 : index
      %swap3A_608 = arith.constant 0 : index
      %swap3A_609 = vector.load %arg2[%swap3A_606, %swap3A_607, %swap3A_608] : memref<49x8x128xf32, #tpu.memory_space<vmem>>, vector<1x8x128xf32>
      tpu.vector_store %arg2[%swap3A_606, %swap3A_607, %swap3A_608], %min3A_605 {strides = array<i32>} : memref<49x8x128xf32, #tpu.memory_space<vmem>>, vector<1x8x128xf32>,
      %gt3A_610 = arith.cmpf ogt, %min3A_605, %select_n3A_568 : vector<1x8x128xf32>
      %select_n3A_611 = arith.select %gt3A_610, %min3A_605, %select_n3A_568 : vector<1x8x128xi1>, vector<1x8x128xf32>
      %jit3A_612 = arith.constant 10 : i32
      %broadcast_in_dim3A_613 = vector.broadcast %jit3A_612 : i32 to vector<1x8x128xi32>
      %select_n3A_614 = arith.select %gt3A_610, %broadcast_in_dim3A_613, %select_n3A_571 : vector<1x8x128xi1>, vector<1x8x128xi32>
      %get3A_615 = arith.constant 0 : index
      %get3A_616 = arith.constant 11 : index
      %get3A_617 = arith.constant 0 : index
      %get3A_618 = arith.constant 0 : index
      %get3A_619 = vector.load %arg0[%get3A_615, %get3A_616, %get3A_617, %get3A_618] : memref<3x49x8x128xf32, #tpu.memory_space<vmem>>, vector<1x1x8x128xf32>
      %get3A_620 = vector.shape_cast %get3A_619 : vector<1x1x8x128xf32> to vector<1x8x128xf32>
      %sub3A_621 = vector.broadcast %reduce_sum3A_119 : f32 to vector<1x8x128xf32>
      %sub3A_622 = arith.subf %get3A_620, %sub3A_621 : vector<1x8x128xf32>
      %get3A_623 = arith.constant 1 : index
      %get3A_624 = arith.constant 11 : index
      %get3A_625 = arith.constant 0 : index
      %get3A_626 = arith.constant 0 : index
      %get3A_627 = vector.load %arg0[%get3A_623, %get3A_624, %get3A_625, %get3A_626] : memref<3x49x8x128xf32, #tpu.memory_space<vmem>>, vector<1x1x8x128xf32>
      %get3A_628 = vector.shape_cast %get3A_627 : vector<1x1x8x128xf32> to vector<1x8x128xf32>
      %sub3A_629 = vector.broadcast %reduce_sum3A_129 : f32 to vector<1x8x128xf32>
      %sub3A_630 = arith.subf %get3A_628, %sub3A_629 : vector<1x8x128xf32>
      %get3A_631 = arith.constant 2 : index
      %get3A_632 = arith.constant 11 : index
      %get3A_633 = arith.constant 0 : index
      %get3A_634 = arith.constant 0 : index
      %get3A_635 = vector.load %arg0[%get3A_631, %get3A_632, %get3A_633, %get3A_634] : memref<3x49x8x128xf32, #tpu.memory_space<vmem>>, vector<1x1x8x128xf32>
      %get3A_636 = vector.shape_cast %get3A_635 : vector<1x1x8x128xf32> to vector<1x8x128xf32>
      %sub3A_637 = vector.broadcast %reduce_sum3A_139 : f32 to vector<1x8x128xf32>
      %sub3A_638 = arith.subf %get3A_636, %sub3A_637 : vector<1x8x128xf32>
      %mul3A_639 = arith.mulf %sub3A_622, %sub3A_622 : vector<1x8x128xf32>
      %mul3A_640 = arith.mulf %sub3A_638, %sub3A_638 : vector<1x8x128xf32>
      %add3A_641 = arith.addf %mul3A_639, %mul3A_640 : vector<1x8x128xf32>
      %mul3A_642 = arith.mulf %sub3A_630, %sub3A_630 : vector<1x8x128xf32>
      %add3A_643 = arith.addf %add3A_641, %mul3A_642 : vector<1x8x128xf32>
      %get3A_644 = arith.constant 11 : index
      %get3A_645 = arith.constant 0 : index
      %get3A_646 = arith.constant 0 : index
      %get3A_647 = vector.load %arg2[%get3A_644, %get3A_645, %get3A_646] : memref<49x8x128xf32, #tpu.memory_space<vmem>>, vector<1x8x128xf32>
      %min3A_648 = arith.minimumf %get3A_647, %add3A_643 : vector<1x8x128xf32>
      %swap3A_649 = arith.constant 11 : index
      %swap3A_650 = arith.constant 0 : index
      %swap3A_651 = arith.constant 0 : index
      %swap3A_652 = vector.load %arg2[%swap3A_649, %swap3A_650, %swap3A_651] : memref<49x8x128xf32, #tpu.memory_space<vmem>>, vector<1x8x128xf32>
      tpu.vector_store %arg2[%swap3A_649, %swap3A_650, %swap3A_651], %min3A_648 {strides = array<i32>} : memref<49x8x128xf32, #tpu.memory_space<vmem>>, vector<1x8x128xf32>,
      %gt3A_653 = arith.cmpf ogt, %min3A_648, %select_n3A_611 : vector<1x8x128xf32>
      %select_n3A_654 = arith.select %gt3A_653, %min3A_648, %select_n3A_611 : vector<1x8x128xi1>, vector<1x8x128xf32>
      %jit3A_655 = arith.constant 11 : i32
      %broadcast_in_dim3A_656 = vector.broadcast %jit3A_655 : i32 to vector<1x8x128xi32>
      %select_n3A_657 = arith.select %gt3A_653, %broadcast_in_dim3A_656, %select_n3A_614 : vector<1x8x128xi1>, vector<1x8x128xi32>
      %get3A_658 = arith.constant 0 : index
      %get3A_659 = arith.constant 12 : index
      %get3A_660 = arith.constant 0 : index
      %get3A_661 = arith.constant 0 : index
      %get3A_662 = vector.load %arg0[%get3A_658, %get3A_659, %get3A_660, %get3A_661] : memref<3x49x8x128xf32, #tpu.memory_space<vmem>>, vector<1x1x8x128xf32>
      %get3A_663 = vector.shape_cast %get3A_662 : vector<1x1x8x128xf32> to vector<1x8x128xf32>
      %sub3A_664 = vector.broadcast %reduce_sum3A_119 : f32 to vector<1x8x128xf32>
      %sub3A_665 = arith.subf %get3A_663, %sub3A_664 : vector<1x8x128xf32>
      %get3A_666 = arith.constant 1 : index
      %get3A_667 = arith.constant 12 : index
      %get3A_668 = arith.constant 0 : index
      %get3A_669 = arith.constant 0 : index
      %get3A_670 = vector.load %arg0[%get3A_666, %get3A_667, %get3A_668, %get3A_669] : memref<3x49x8x128xf32, #tpu.memory_space<vmem>>, vector<1x1x8x128xf32>
      %get3A_671 = vector.shape_cast %get3A_670 : vector<1x1x8x128xf32> to vector<1x8x128xf32>
      %sub3A_672 = vector.broadcast %reduce_sum3A_129 : f32 to vector<1x8x128xf32>
      %sub3A_673 = arith.subf %get3A_671, %sub3A_672 : vector<1x8x128xf32>
      %get3A_674 = arith.constant 2 : index
      %get3A_675 = arith.constant 12 : index
      %get3A_676 = arith.constant 0 : index
      %get3A_677 = arith.constant 0 : index
      %get3A_678 = vector.load %arg0[%get3A_674, %get3A_675, %get3A_676, %get3A_677] : memref<3x49x8x128xf32, #tpu.memory_space<vmem>>, vector<1x1x8x128xf32>
      %get3A_679 = vector.shape_cast %get3A_678 : vector<1x1x8x128xf32> to vector<1x8x128xf32>
      %sub3A_680 = vector.broadcast %reduce_sum3A_139 : f32 to vector<1x8x128xf32>
      %sub3A_681 = arith.subf %get3A_679, %sub3A_680 : vector<1x8x128xf32>
      %mul3A_682 = arith.mulf %sub3A_665, %sub3A_665 : vector<1x8x128xf32>
      %mul3A_683 = arith.mulf %sub3A_681, %sub3A_681 : vector<1x8x128xf32>
      %add3A_684 = arith.addf %mul3A_682, %mul3A_683 : vector<1x8x128xf32>
      %mul3A_685 = arith.mulf %sub3A_673, %sub3A_673 : vector<1x8x128xf32>
      %add3A_686 = arith.addf %add3A_684, %mul3A_685 : vector<1x8x128xf32>
      %get3A_687 = arith.constant 12 : index
      %get3A_688 = arith.constant 0 : index
      %get3A_689 = arith.constant 0 : index
      %get3A_690 = vector.load %arg2[%get3A_687, %get3A_688, %get3A_689] : memref<49x8x128xf32, #tpu.memory_space<vmem>>, vector<1x8x128xf32>
      %min3A_691 = arith.minimumf %get3A_690, %add3A_686 : vector<1x8x128xf32>
      %swap3A_692 = arith.constant 12 : index
      %swap3A_693 = arith.constant 0 : index
      %swap3A_694 = arith.constant 0 : index
      %swap3A_695 = vector.load %arg2[%swap3A_692, %swap3A_693, %swap3A_694] : memref<49x8x128xf32, #tpu.memory_space<vmem>>, vector<1x8x128xf32>
      tpu.vector_store %arg2[%swap3A_692, %swap3A_693, %swap3A_694], %min3A_691 {strides = array<i32>} : memref<49x8x128xf32, #tpu.memory_space<vmem>>, vector<1x8x128xf32>,
      %gt3A_696 = arith.cmpf ogt, %min3A_691, %select_n3A_654 : vector<1x8x128xf32>
      %select_n3A_697 = arith.select %gt3A_696, %min3A_691, %select_n3A_654 : vector<1x8x128xi1>, vector<1x8x128xf32>
      %jit3A_698 = arith.constant 12 : i32
      %broadcast_in_dim3A_699 = vector.broadcast %jit3A_698 : i32 to vector<1x8x128xi32>
      %select_n3A_700 = arith.select %gt3A_696, %broadcast_in_dim3A_699, %select_n3A_657 : vector<1x8x128xi1>, vector<1x8x128xi32>
      %get3A_701 = arith.constant 0 : index
      %get3A_702 = arith.constant 13 : index
      %get3A_703 = arith.constant 0 : index
      %get3A_704 = arith.constant 0 : index
      %get3A_705 = vector.load %arg0[%get3A_701, %get3A_702, %get3A_703, %get3A_704] : memref<3x49x8x128xf32, #tpu.memory_space<vmem>>, vector<1x1x8x128xf32>
      %get3A_706 = vector.shape_cast %get3A_705 : vector<1x1x8x128xf32> to vector<1x8x128xf32>
      %sub3A_707 = vector.broadcast %reduce_sum3A_119 : f32 to vector<1x8x128xf32>
      %sub3A_708 = arith.subf %get3A_706, %sub3A_707 : vector<1x8x128xf32>
      %get3A_709 = arith.constant 1 : index
      %get3A_710 = arith.constant 13 : index
      %get3A_711 = arith.constant 0 : index
      %get3A_712 = arith.constant 0 : index
      %get3A_713 = vector.load %arg0[%get3A_709, %get3A_710, %get3A_711, %get3A_712] : memref<3x49x8x128xf32, #tpu.memory_space<vmem>>, vector<1x1x8x128xf32>
      %get3A_714 = vector.shape_cast %get3A_713 : vector<1x1x8x128xf32> to vector<1x8x128xf32>
      %sub3A_715 = vector.broadcast %reduce_sum3A_129 : f32 to vector<1x8x128xf32>
      %sub3A_716 = arith.subf %get3A_714, %sub3A_715 : vector<1x8x128xf32>
      %get3A_717 = arith.constant 2 : index
      %get3A_718 = arith.constant 13 : index
      %get3A_719 = arith.constant 0 : index
      %get3A_720 = arith.constant 0 : index
      %get3A_721 = vector.load %arg0[%get3A_717, %get3A_718, %get3A_719, %get3A_720] : memref<3x49x8x128xf32, #tpu.memory_space<vmem>>, vector<1x1x8x128xf32>
      %get3A_722 = vector.shape_cast %get3A_721 : vector<1x1x8x128xf32> to vector<1x8x128xf32>
      %sub3A_723 = vector.broadcast %reduce_sum3A_139 : f32 to vector<1x8x128xf32>
      %sub3A_724 = arith.subf %get3A_722, %sub3A_723 : vector<1x8x128xf32>
      %mul3A_725 = arith.mulf %sub3A_708, %sub3A_708 : vector<1x8x128xf32>
      %mul3A_726 = arith.mulf %sub3A_724, %sub3A_724 : vector<1x8x128xf32>
      %add3A_727 = arith.addf %mul3A_725, %mul3A_726 : vector<1x8x128xf32>
      %mul3A_728 = arith.mulf %sub3A_716, %sub3A_716 : vector<1x8x128xf32>
      %add3A_729 = arith.addf %add3A_727, %mul3A_728 : vector<1x8x128xf32>
      %get3A_730 = arith.constant 13 : index
      %get3A_731 = arith.constant 0 : index
      %get3A_732 = arith.constant 0 : index
      %get3A_733 = vector.load %arg2[%get3A_730, %get3A_731, %get3A_732] : memref<49x8x128xf32, #tpu.memory_space<vmem>>, vector<1x8x128xf32>
      %min3A_734 = arith.minimumf %get3A_733, %add3A_729 : vector<1x8x128xf32>
      %swap3A_735 = arith.constant 13 : index
      %swap3A_736 = arith.constant 0 : index
      %swap3A_737 = arith.constant 0 : index
      %swap3A_738 = vector.load %arg2[%swap3A_735, %swap3A_736, %swap3A_737] : memref<49x8x128xf32, #tpu.memory_space<vmem>>, vector<1x8x128xf32>
      tpu.vector_store %arg2[%swap3A_735, %swap3A_736, %swap3A_737], %min3A_734 {strides = array<i32>} : memref<49x8x128xf32, #tpu.memory_space<vmem>>, vector<1x8x128xf32>,
      %gt3A_739 = arith.cmpf ogt, %min3A_734, %select_n3A_697 : vector<1x8x128xf32>
      %select_n3A_740 = arith.select %gt3A_739, %min3A_734, %select_n3A_697 : vector<1x8x128xi1>, vector<1x8x128xf32>
      %jit3A_741 = arith.constant 13 : i32
      %broadcast_in_dim3A_742 = vector.broadcast %jit3A_741 : i32 to vector<1x8x128xi32>
      %select_n3A_743 = arith.select %gt3A_739, %broadcast_in_dim3A_742, %select_n3A_700 : vector<1x8x128xi1>, vector<1x8x128xi32>
      %get3A_744 = arith.constant 0 : index
      %get3A_745 = arith.constant 14 : index
      %get3A_746 = arith.constant 0 : index
      %get3A_747 = arith.constant 0 : index
      %get3A_748 = vector.load %arg0[%get3A_744, %get3A_745, %get3A_746, %get3A_747] : memref<3x49x8x128xf32, #tpu.memory_space<vmem>>, vector<1x1x8x128xf32>
      %get3A_749 = vector.shape_cast %get3A_748 : vector<1x1x8x128xf32> to vector<1x8x128xf32>
      %sub3A_750 = vector.broadcast %reduce_sum3A_119 : f32 to vector<1x8x128xf32>
      %sub3A_751 = arith.subf %get3A_749, %sub3A_750 : vector<1x8x128xf32>
      %get3A_752 = arith.constant 1 : index
      %get3A_753 = arith.constant 14 : index
      %get3A_754 = arith.constant 0 : index
      %get3A_755 = arith.constant 0 : index
      %get3A_756 = vector.load %arg0[%get3A_752, %get3A_753, %get3A_754, %get3A_755] : memref<3x49x8x128xf32, #tpu.memory_space<vmem>>, vector<1x1x8x128xf32>
      %get3A_757 = vector.shape_cast %get3A_756 : vector<1x1x8x128xf32> to vector<1x8x128xf32>
      %sub3A_758 = vector.broadcast %reduce_sum3A_129 : f32 to vector<1x8x128xf32>
      %sub3A_759 = arith.subf %get3A_757, %sub3A_758 : vector<1x8x128xf32>
      %get3A_760 = arith.constant 2 : index
      %get3A_761 = arith.constant 14 : index
      %get3A_762 = arith.constant 0 : index
      %get3A_763 = arith.constant 0 : index
      %get3A_764 = vector.load %arg0[%get3A_760, %get3A_761, %get3A_762, %get3A_763] : memref<3x49x8x128xf32, #tpu.memory_space<vmem>>, vector<1x1x8x128xf32>
      %get3A_765 = vector.shape_cast %get3A_764 : vector<1x1x8x128xf32> to vector<1x8x128xf32>
      %sub3A_766 = vector.broadcast %reduce_sum3A_139 : f32 to vector<1x8x128xf32>
      %sub3A_767 = arith.subf %get3A_765, %sub3A_766 : vector<1x8x128xf32>
      %mul3A_768 = arith.mulf %sub3A_751, %sub3A_751 : vector<1x8x128xf32>
      %mul3A_769 = arith.mulf %sub3A_767, %sub3A_767 : vector<1x8x128xf32>
      %add3A_770 = arith.addf %mul3A_768, %mul3A_769 : vector<1x8x128xf32>
      %mul3A_771 = arith.mulf %sub3A_759, %sub3A_759 : vector<1x8x128xf32>
      %add3A_772 = arith.addf %add3A_770, %mul3A_771 : vector<1x8x128xf32>
      %get3A_773 = arith.constant 14 : index
      %get3A_774 = arith.constant 0 : index
      %get3A_775 = arith.constant 0 : index
      %get3A_776 = vector.load %arg2[%get3A_773, %get3A_774, %get3A_775] : memref<49x8x128xf32, #tpu.memory_space<vmem>>, vector<1x8x128xf32>
      %min3A_777 = arith.minimumf %get3A_776, %add3A_772 : vector<1x8x128xf32>
      %swap3A_778 = arith.constant 14 : index
      %swap3A_779 = arith.constant 0 : index
      %swap3A_780 = arith.constant 0 : index
      %swap3A_781 = vector.load %arg2[%swap3A_778, %swap3A_779, %swap3A_780] : memref<49x8x128xf32, #tpu.memory_space<vmem>>, vector<1x8x128xf32>
      tpu.vector_store %arg2[%swap3A_778, %swap3A_779, %swap3A_780], %min3A_777 {strides = array<i32>} : memref<49x8x128xf32, #tpu.memory_space<vmem>>, vector<1x8x128xf32>,
      %gt3A_782 = arith.cmpf ogt, %min3A_777, %select_n3A_740 : vector<1x8x128xf32>
      %select_n3A_783 = arith.select %gt3A_782, %min3A_777, %select_n3A_740 : vector<1x8x128xi1>, vector<1x8x128xf32>
      %jit3A_784 = arith.constant 14 : i32
      %broadcast_in_dim3A_785 = vector.broadcast %jit3A_784 : i32 to vector<1x8x128xi32>
      %select_n3A_786 = arith.select %gt3A_782, %broadcast_in_dim3A_785, %select_n3A_743 : vector<1x8x128xi1>, vector<1x8x128xi32>
      %get3A_787 = arith.constant 0 : index
      %get3A_788 = arith.constant 15 : index
      %get3A_789 = arith.constant 0 : index
      %get3A_790 = arith.constant 0 : index
      %get3A_791 = vector.load %arg0[%get3A_787, %get3A_788, %get3A_789, %get3A_790] : memref<3x49x8x128xf32, #tpu.memory_space<vmem>>, vector<1x1x8x128xf32>
      %get3A_792 = vector.shape_cast %get3A_791 : vector<1x1x8x128xf32> to vector<1x8x128xf32>
      %sub3A_793 = vector.broadcast %reduce_sum3A_119 : f32 to vector<1x8x128xf32>
      %sub3A_794 = arith.subf %get3A_792, %sub3A_793 : vector<1x8x128xf32>
      %get3A_795 = arith.constant 1 : index
      %get3A_796 = arith.constant 15 : index
      %get3A_797 = arith.constant 0 : index
      %get3A_798 = arith.constant 0 : index
      %get3A_799 = vector.load %arg0[%get3A_795, %get3A_796, %get3A_797, %get3A_798] : memref<3x49x8x128xf32, #tpu.memory_space<vmem>>, vector<1x1x8x128xf32>
      %get3A_800 = vector.shape_cast %get3A_799 : vector<1x1x8x128xf32> to vector<1x8x128xf32>
      %sub3A_801 = vector.broadcast %reduce_sum3A_129 : f32 to vector<1x8x128xf32>
      %sub3A_802 = arith.subf %get3A_800, %sub3A_801 : vector<1x8x128xf32>
      %get3A_803 = arith.constant 2 : index
      %get3A_804 = arith.constant 15 : index
      %get3A_805 = arith.constant 0 : index
      %get3A_806 = arith.constant 0 : index
      %get3A_807 = vector.load %arg0[%get3A_803, %get3A_804, %get3A_805, %get3A_806] : memref<3x49x8x128xf32, #tpu.memory_space<vmem>>, vector<1x1x8x128xf32>
      %get3A_808 = vector.shape_cast %get3A_807 : vector<1x1x8x128xf32> to vector<1x8x128xf32>
      %sub3A_809 = vector.broadcast %reduce_sum3A_139 : f32 to vector<1x8x128xf32>
      %sub3A_810 = arith.subf %get3A_808, %sub3A_809 : vector<1x8x128xf32>
      %mul3A_811 = arith.mulf %sub3A_794, %sub3A_794 : vector<1x8x128xf32>
      %mul3A_812 = arith.mulf %sub3A_810, %sub3A_810 : vector<1x8x128xf32>
      %add3A_813 = arith.addf %mul3A_811, %mul3A_812 : vector<1x8x128xf32>
      %mul3A_814 = arith.mulf %sub3A_802, %sub3A_802 : vector<1x8x128xf32>
      %add3A_815 = arith.addf %add3A_813, %mul3A_814 : vector<1x8x128xf32>
      %get3A_816 = arith.constant 15 : index
      %get3A_817 = arith.constant 0 : index
      %get3A_818 = arith.constant 0 : index
      %get3A_819 = vector.load %arg2[%get3A_816, %get3A_817, %get3A_818] : memref<49x8x128xf32, #tpu.memory_space<vmem>>, vector<1x8x128xf32>
      %min3A_820 = arith.minimumf %get3A_819, %add3A_815 : vector<1x8x128xf32>
      %swap3A_821 = arith.constant 15 : index
      %swap3A_822 = arith.constant 0 : index
      %swap3A_823 = arith.constant 0 : index
      %swap3A_824 = vector.load %arg2[%swap3A_821, %swap3A_822, %swap3A_823] : memref<49x8x128xf32, #tpu.memory_space<vmem>>, vector<1x8x128xf32>
      tpu.vector_store %arg2[%swap3A_821, %swap3A_822, %swap3A_823], %min3A_820 {strides = array<i32>} : memref<49x8x128xf32, #tpu.memory_space<vmem>>, vector<1x8x128xf32>,
      %gt3A_825 = arith.cmpf ogt, %min3A_820, %select_n3A_783 : vector<1x8x128xf32>
      %select_n3A_826 = arith.select %gt3A_825, %min3A_820, %select_n3A_783 : vector<1x8x128xi1>, vector<1x8x128xf32>
      %jit3A_827 = arith.constant 15 : i32
      %broadcast_in_dim3A_828 = vector.broadcast %jit3A_827 : i32 to vector<1x8x128xi32>
      %select_n3A_829 = arith.select %gt3A_825, %broadcast_in_dim3A_828, %select_n3A_786 : vector<1x8x128xi1>, vector<1x8x128xi32>
      %get3A_830 = arith.constant 0 : index
      %get3A_831 = arith.constant 16 : index
      %get3A_832 = arith.constant 0 : index
      %get3A_833 = arith.constant 0 : index
      %get3A_834 = vector.load %arg0[%get3A_830, %get3A_831, %get3A_832, %get3A_833] : memref<3x49x8x128xf32, #tpu.memory_space<vmem>>, vector<1x1x8x128xf32>
      %get3A_835 = vector.shape_cast %get3A_834 : vector<1x1x8x128xf32> to vector<1x8x128xf32>
      %sub3A_836 = vector.broadcast %reduce_sum3A_119 : f32 to vector<1x8x128xf32>
      %sub3A_837 = arith.subf %get3A_835, %sub3A_836 : vector<1x8x128xf32>
      %get3A_838 = arith.constant 1 : index
      %get3A_839 = arith.constant 16 : index
      %get3A_840 = arith.constant 0 : index
      %get3A_841 = arith.constant 0 : index
      %get3A_842 = vector.load %arg0[%get3A_838, %get3A_839, %get3A_840, %get3A_841] : memref<3x49x8x128xf32, #tpu.memory_space<vmem>>, vector<1x1x8x128xf32>
      %get3A_843 = vector.shape_cast %get3A_842 : vector<1x1x8x128xf32> to vector<1x8x128xf32>
      %sub3A_844 = vector.broadcast %reduce_sum3A_129 : f32 to vector<1x8x128xf32>
      %sub3A_845 = arith.subf %get3A_843, %sub3A_844 : vector<1x8x128xf32>
      %get3A_846 = arith.constant 2 : index
      %get3A_847 = arith.constant 16 : index
      %get3A_848 = arith.constant 0 : index
      %get3A_849 = arith.constant 0 : index
      %get3A_850 = vector.load %arg0[%get3A_846, %get3A_847, %get3A_848, %get3A_849] : memref<3x49x8x128xf32, #tpu.memory_space<vmem>>, vector<1x1x8x128xf32>
      %get3A_851 = vector.shape_cast %get3A_850 : vector<1x1x8x128xf32> to vector<1x8x128xf32>
      %sub3A_852 = vector.broadcast %reduce_sum3A_139 : f32 to vector<1x8x128xf32>
      %sub3A_853 = arith.subf %get3A_851, %sub3A_852 : vector<1x8x128xf32>
      %mul3A_854 = arith.mulf %sub3A_837, %sub3A_837 : vector<1x8x128xf32>
      %mul3A_855 = arith.mulf %sub3A_853, %sub3A_853 : vector<1x8x128xf32>
      %add3A_856 = arith.addf %mul3A_854, %mul3A_855 : vector<1x8x128xf32>
      %mul3A_857 = arith.mulf %sub3A_845, %sub3A_845 : vector<1x8x128xf32>
      %add3A_858 = arith.addf %add3A_856, %mul3A_857 : vector<1x8x128xf32>
      %get3A_859 = arith.constant 16 : index
      %get3A_860 = arith.constant 0 : index
      %get3A_861 = arith.constant 0 : index
      %get3A_862 = vector.load %arg2[%get3A_859, %get3A_860, %get3A_861] : memref<49x8x128xf32, #tpu.memory_space<vmem>>, vector<1x8x128xf32>
      %min3A_863 = arith.minimumf %get3A_862, %add3A_858 : vector<1x8x128xf32>
      %swap3A_864 = arith.constant 16 : index
      %swap3A_865 = arith.constant 0 : index
      %swap3A_866 = arith.constant 0 : index
      %swap3A_867 = vector.load %arg2[%swap3A_864, %swap3A_865, %swap3A_866] : memref<49x8x128xf32, #tpu.memory_space<vmem>>, vector<1x8x128xf32>
      tpu.vector_store %arg2[%swap3A_864, %swap3A_865, %swap3A_866], %min3A_863 {strides = array<i32>} : memref<49x8x128xf32, #tpu.memory_space<vmem>>, vector<1x8x128xf32>,
      %gt3A_868 = arith.cmpf ogt, %min3A_863, %select_n3A_826 : vector<1x8x128xf32>
      %select_n3A_869 = arith.select %gt3A_868, %min3A_863, %select_n3A_826 : vector<1x8x128xi1>, vector<1x8x128xf32>
      %jit3A_870 = arith.constant 16 : i32
      %broadcast_in_dim3A_871 = vector.broadcast %jit3A_870 : i32 to vector<1x8x128xi32>
      %select_n3A_872 = arith.select %gt3A_868, %broadcast_in_dim3A_871, %select_n3A_829 : vector<1x8x128xi1>, vector<1x8x128xi32>
      %get3A_873 = arith.constant 0 : index
      %get3A_874 = arith.constant 17 : index
      %get3A_875 = arith.constant 0 : index
      %get3A_876 = arith.constant 0 : index
      %get3A_877 = vector.load %arg0[%get3A_873, %get3A_874, %get3A_875, %get3A_876] : memref<3x49x8x128xf32, #tpu.memory_space<vmem>>, vector<1x1x8x128xf32>
      %get3A_878 = vector.shape_cast %get3A_877 : vector<1x1x8x128xf32> to vector<1x8x128xf32>
      %sub3A_879 = vector.broadcast %reduce_sum3A_119 : f32 to vector<1x8x128xf32>
      %sub3A_880 = arith.subf %get3A_878, %sub3A_879 : vector<1x8x128xf32>
      %get3A_881 = arith.constant 1 : index
      %get3A_882 = arith.constant 17 : index
      %get3A_883 = arith.constant 0 : index
      %get3A_884 = arith.constant 0 : index
      %get3A_885 = vector.load %arg0[%get3A_881, %get3A_882, %get3A_883, %get3A_884] : memref<3x49x8x128xf32, #tpu.memory_space<vmem>>, vector<1x1x8x128xf32>
      %get3A_886 = vector.shape_cast %get3A_885 : vector<1x1x8x128xf32> to vector<1x8x128xf32>
      %sub3A_887 = vector.broadcast %reduce_sum3A_129 : f32 to vector<1x8x128xf32>
      %sub3A_888 = arith.subf %get3A_886, %sub3A_887 : vector<1x8x128xf32>
      %get3A_889 = arith.constant 2 : index
      %get3A_890 = arith.constant 17 : index
      %get3A_891 = arith.constant 0 : index
      %get3A_892 = arith.constant 0 : index
      %get3A_893 = vector.load %arg0[%get3A_889, %get3A_890, %get3A_891, %get3A_892] : memref<3x49x8x128xf32, #tpu.memory_space<vmem>>, vector<1x1x8x128xf32>
      %get3A_894 = vector.shape_cast %get3A_893 : vector<1x1x8x128xf32> to vector<1x8x128xf32>
      %sub3A_895 = vector.broadcast %reduce_sum3A_139 : f32 to vector<1x8x128xf32>
      %sub3A_896 = arith.subf %get3A_894, %sub3A_895 : vector<1x8x128xf32>
      %mul3A_897 = arith.mulf %sub3A_880, %sub3A_880 : vector<1x8x128xf32>
      %mul3A_898 = arith.mulf %sub3A_896, %sub3A_896 : vector<1x8x128xf32>
      %add3A_899 = arith.addf %mul3A_897, %mul3A_898 : vector<1x8x128xf32>
      %mul3A_900 = arith.mulf %sub3A_888, %sub3A_888 : vector<1x8x128xf32>
      %add3A_901 = arith.addf %add3A_899, %mul3A_900 : vector<1x8x128xf32>
      %get3A_902 = arith.constant 17 : index
      %get3A_903 = arith.constant 0 : index
      %get3A_904 = arith.constant 0 : index
      %get3A_905 = vector.load %arg2[%get3A_902, %get3A_903, %get3A_904] : memref<49x8x128xf32, #tpu.memory_space<vmem>>, vector<1x8x128xf32>
      %min3A_906 = arith.minimumf %get3A_905, %add3A_901 : vector<1x8x128xf32>
      %swap3A_907 = arith.constant 17 : index
      %swap3A_908 = arith.constant 0 : index
      %swap3A_909 = arith.constant 0 : index
      %swap3A_910 = vector.load %arg2[%swap3A_907, %swap3A_908, %swap3A_909] : memref<49x8x128xf32, #tpu.memory_space<vmem>>, vector<1x8x128xf32>
      tpu.vector_store %arg2[%swap3A_907, %swap3A_908, %swap3A_909], %min3A_906 {strides = array<i32>} : memref<49x8x128xf32, #tpu.memory_space<vmem>>, vector<1x8x128xf32>,
      %gt3A_911 = arith.cmpf ogt, %min3A_906, %select_n3A_869 : vector<1x8x128xf32>
      %select_n3A_912 = arith.select %gt3A_911, %min3A_906, %select_n3A_869 : vector<1x8x128xi1>, vector<1x8x128xf32>
      %jit3A_913 = arith.constant 17 : i32
      %broadcast_in_dim3A_914 = vector.broadcast %jit3A_913 : i32 to vector<1x8x128xi32>
      %select_n3A_915 = arith.select %gt3A_911, %broadcast_in_dim3A_914, %select_n3A_872 : vector<1x8x128xi1>, vector<1x8x128xi32>
      %get3A_916 = arith.constant 0 : index
      %get3A_917 = arith.constant 18 : index
      %get3A_918 = arith.constant 0 : index
      %get3A_919 = arith.constant 0 : index
      %get3A_920 = vector.load %arg0[%get3A_916, %get3A_917, %get3A_918, %get3A_919] : memref<3x49x8x128xf32, #tpu.memory_space<vmem>>, vector<1x1x8x128xf32>
      %get3A_921 = vector.shape_cast %get3A_920 : vector<1x1x8x128xf32> to vector<1x8x128xf32>
      %sub3A_922 = vector.broadcast %reduce_sum3A_119 : f32 to vector<1x8x128xf32>
      %sub3A_923 = arith.subf %get3A_921, %sub3A_922 : vector<1x8x128xf32>
      %get3A_924 = arith.constant 1 : index
      %get3A_925 = arith.constant 18 : index
      %get3A_926 = arith.constant 0 : index
      %get3A_927 = arith.constant 0 : index
      %get3A_928 = vector.load %arg0[%get3A_924, %get3A_925, %get3A_926, %get3A_927] : memref<3x49x8x128xf32, #tpu.memory_space<vmem>>, vector<1x1x8x128xf32>
      %get3A_929 = vector.shape_cast %get3A_928 : vector<1x1x8x128xf32> to vector<1x8x128xf32>
      %sub3A_930 = vector.broadcast %reduce_sum3A_129 : f32 to vector<1x8x128xf32>
      %sub3A_931 = arith.subf %get3A_929, %sub3A_930 : vector<1x8x128xf32>
      %get3A_932 = arith.constant 2 : index
      %get3A_933 = arith.constant 18 : index
      %get3A_934 = arith.constant 0 : index
      %get3A_935 = arith.constant 0 : index
      %get3A_936 = vector.load %arg0[%get3A_932, %get3A_933, %get3A_934, %get3A_935] : memref<3x49x8x128xf32, #tpu.memory_space<vmem>>, vector<1x1x8x128xf32>
      %get3A_937 = vector.shape_cast %get3A_936 : vector<1x1x8x128xf32> to vector<1x8x128xf32>
      %sub3A_938 = vector.broadcast %reduce_sum3A_139 : f32 to vector<1x8x128xf32>
      %sub3A_939 = arith.subf %get3A_937, %sub3A_938 : vector<1x8x128xf32>
      %mul3A_940 = arith.mulf %sub3A_923, %sub3A_923 : vector<1x8x128xf32>
      %mul3A_941 = arith.mulf %sub3A_939, %sub3A_939 : vector<1x8x128xf32>
      %add3A_942 = arith.addf %mul3A_940, %mul3A_941 : vector<1x8x128xf32>
      %mul3A_943 = arith.mulf %sub3A_931, %sub3A_931 : vector<1x8x128xf32>
      %add3A_944 = arith.addf %add3A_942, %mul3A_943 : vector<1x8x128xf32>
      %get3A_945 = arith.constant 18 : index
      %get3A_946 = arith.constant 0 : index
      %get3A_947 = arith.constant 0 : index
      %get3A_948 = vector.load %arg2[%get3A_945, %get3A_946, %get3A_947] : memref<49x8x128xf32, #tpu.memory_space<vmem>>, vector<1x8x128xf32>
      %min3A_949 = arith.minimumf %get3A_948, %add3A_944 : vector<1x8x128xf32>
      %swap3A_950 = arith.constant 18 : index
      %swap3A_951 = arith.constant 0 : index
      %swap3A_952 = arith.constant 0 : index
      %swap3A_953 = vector.load %arg2[%swap3A_950, %swap3A_951, %swap3A_952] : memref<49x8x128xf32, #tpu.memory_space<vmem>>, vector<1x8x128xf32>
      tpu.vector_store %arg2[%swap3A_950, %swap3A_951, %swap3A_952], %min3A_949 {strides = array<i32>} : memref<49x8x128xf32, #tpu.memory_space<vmem>>, vector<1x8x128xf32>,
      %gt3A_954 = arith.cmpf ogt, %min3A_949, %select_n3A_912 : vector<1x8x128xf32>
      %select_n3A_955 = arith.select %gt3A_954, %min3A_949, %select_n3A_912 : vector<1x8x128xi1>, vector<1x8x128xf32>
      %jit3A_956 = arith.constant 18 : i32
      %broadcast_in_dim3A_957 = vector.broadcast %jit3A_956 : i32 to vector<1x8x128xi32>
      %select_n3A_958 = arith.select %gt3A_954, %broadcast_in_dim3A_957, %select_n3A_915 : vector<1x8x128xi1>, vector<1x8x128xi32>
      %get3A_959 = arith.constant 0 : index
      %get3A_960 = arith.constant 19 : index
      %get3A_961 = arith.constant 0 : index
      %get3A_962 = arith.constant 0 : index
      %get3A_963 = vector.load %arg0[%get3A_959, %get3A_960, %get3A_961, %get3A_962] : memref<3x49x8x128xf32, #tpu.memory_space<vmem>>, vector<1x1x8x128xf32>
      %get3A_964 = vector.shape_cast %get3A_963 : vector<1x1x8x128xf32> to vector<1x8x128xf32>
      %sub3A_965 = vector.broadcast %reduce_sum3A_119 : f32 to vector<1x8x128xf32>
      %sub3A_966 = arith.subf %get3A_964, %sub3A_965 : vector<1x8x128xf32>
      %get3A_967 = arith.constant 1 : index
      %get3A_968 = arith.constant 19 : index
      %get3A_969 = arith.constant 0 : index
      %get3A_970 = arith.constant 0 : index
      %get3A_971 = vector.load %arg0[%get3A_967, %get3A_968, %get3A_969, %get3A_970] : memref<3x49x8x128xf32, #tpu.memory_space<vmem>>, vector<1x1x8x128xf32>
      %get3A_972 = vector.shape_cast %get3A_971 : vector<1x1x8x128xf32> to vector<1x8x128xf32>
      %sub3A_973 = vector.broadcast %reduce_sum3A_129 : f32 to vector<1x8x128xf32>
      %sub3A_974 = arith.subf %get3A_972, %sub3A_973 : vector<1x8x128xf32>
      %get3A_975 = arith.constant 2 : index
      %get3A_976 = arith.constant 19 : index
      %get3A_977 = arith.constant 0 : index
      %get3A_978 = arith.constant 0 : index
      %get3A_979 = vector.load %arg0[%get3A_975, %get3A_976, %get3A_977, %get3A_978] : memref<3x49x8x128xf32, #tpu.memory_space<vmem>>, vector<1x1x8x128xf32>
      %get3A_980 = vector.shape_cast %get3A_979 : vector<1x1x8x128xf32> to vector<1x8x128xf32>
      %sub3A_981 = vector.broadcast %reduce_sum3A_139 : f32 to vector<1x8x128xf32>
      %sub3A_982 = arith.subf %get3A_980, %sub3A_981 : vector<1x8x128xf32>
      %mul3A_983 = arith.mulf %sub3A_966, %sub3A_966 : vector<1x8x128xf32>
      %mul3A_984 = arith.mulf %sub3A_982, %sub3A_982 : vector<1x8x128xf32>
      %add3A_985 = arith.addf %mul3A_983, %mul3A_984 : vector<1x8x128xf32>
      %mul3A_986 = arith.mulf %sub3A_974, %sub3A_974 : vector<1x8x128xf32>
      %add3A_987 = arith.addf %add3A_985, %mul3A_986 : vector<1x8x128xf32>
      %get3A_988 = arith.constant 19 : index
      %get3A_989 = arith.constant 0 : index
      %get3A_990 = arith.constant 0 : index
      %get3A_991 = vector.load %arg2[%get3A_988, %get3A_989, %get3A_990] : memref<49x8x128xf32, #tpu.memory_space<vmem>>, vector<1x8x128xf32>
      %min3A_992 = arith.minimumf %get3A_991, %add3A_987 : vector<1x8x128xf32>
      %swap3A_993 = arith.constant 19 : index
      %swap3A_994 = arith.constant 0 : index
      %swap3A_995 = arith.constant 0 : index
      %swap3A_996 = vector.load %arg2[%swap3A_993, %swap3A_994, %swap3A_995] : memref<49x8x128xf32, #tpu.memory_space<vmem>>, vector<1x8x128xf32>
      tpu.vector_store %arg2[%swap3A_993, %swap3A_994, %swap3A_995], %min3A_992 {strides = array<i32>} : memref<49x8x128xf32, #tpu.memory_space<vmem>>, vector<1x8x128xf32>,
      %gt3A_997 = arith.cmpf ogt, %min3A_992, %select_n3A_955 : vector<1x8x128xf32>
      %select_n3A_998 = arith.select %gt3A_997, %min3A_992, %select_n3A_955 : vector<1x8x128xi1>, vector<1x8x128xf32>
      %jit3A_999 = arith.constant 19 : i32
      %broadcast_in_dim3A_1000 = vector.broadcast %jit3A_999 : i32 to vector<1x8x128xi32>
      %select_n3A_1001 = arith.select %gt3A_997, %broadcast_in_dim3A_1000, %select_n3A_958 : vector<1x8x128xi1>, vector<1x8x128xi32>
      %get3A_1002 = arith.constant 0 : index
      %get3A_1003 = arith.constant 20 : index
      %get3A_1004 = arith.constant 0 : index
      %get3A_1005 = arith.constant 0 : index
      %get3A_1006 = vector.load %arg0[%get3A_1002, %get3A_1003, %get3A_1004, %get3A_1005] : memref<3x49x8x128xf32, #tpu.memory_space<vmem>>, vector<1x1x8x128xf32>
      %get3A_1007 = vector.shape_cast %get3A_1006 : vector<1x1x8x128xf32> to vector<1x8x128xf32>
      %sub3A_1008 = vector.broadcast %reduce_sum3A_119 : f32 to vector<1x8x128xf32>
      %sub3A_1009 = arith.subf %get3A_1007, %sub3A_1008 : vector<1x8x128xf32>
      %get3A_1010 = arith.constant 1 : index
      %get3A_1011 = arith.constant 20 : index
      %get3A_1012 = arith.constant 0 : index
      %get3A_1013 = arith.constant 0 : index
      %get3A_1014 = vector.load %arg0[%get3A_1010, %get3A_1011, %get3A_1012, %get3A_1013] : memref<3x49x8x128xf32, #tpu.memory_space<vmem>>, vector<1x1x8x128xf32>
      %get3A_1015 = vector.shape_cast %get3A_1014 : vector<1x1x8x128xf32> to vector<1x8x128xf32>
      %sub3A_1016 = vector.broadcast %reduce_sum3A_129 : f32 to vector<1x8x128xf32>
      %sub3A_1017 = arith.subf %get3A_1015, %sub3A_1016 : vector<1x8x128xf32>
      %get3A_1018 = arith.constant 2 : index
      %get3A_1019 = arith.constant 20 : index
      %get3A_1020 = arith.constant 0 : index
      %get3A_1021 = arith.constant 0 : index
      %get3A_1022 = vector.load %arg0[%get3A_1018, %get3A_1019, %get3A_1020, %get3A_1021] : memref<3x49x8x128xf32, #tpu.memory_space<vmem>>, vector<1x1x8x128xf32>
      %get3A_1023 = vector.shape_cast %get3A_1022 : vector<1x1x8x128xf32> to vector<1x8x128xf32>
      %sub3A_1024 = vector.broadcast %reduce_sum3A_139 : f32 to vector<1x8x128xf32>
      %sub3A_1025 = arith.subf %get3A_1023, %sub3A_1024 : vector<1x8x128xf32>
      %mul3A_1026 = arith.mulf %sub3A_1009, %sub3A_1009 : vector<1x8x128xf32>
      %mul3A_1027 = arith.mulf %sub3A_1025, %sub3A_1025 : vector<1x8x128xf32>
      %add3A_1028 = arith.addf %mul3A_1026, %mul3A_1027 : vector<1x8x128xf32>
      %mul3A_1029 = arith.mulf %sub3A_1017, %sub3A_1017 : vector<1x8x128xf32>
      %add3A_1030 = arith.addf %add3A_1028, %mul3A_1029 : vector<1x8x128xf32>
      %get3A_1031 = arith.constant 20 : index
      %get3A_1032 = arith.constant 0 : index
      %get3A_1033 = arith.constant 0 : index
      %get3A_1034 = vector.load %arg2[%get3A_1031, %get3A_1032, %get3A_1033] : memref<49x8x128xf32, #tpu.memory_space<vmem>>, vector<1x8x128xf32>
      %min3A_1035 = arith.minimumf %get3A_1034, %add3A_1030 : vector<1x8x128xf32>
      %swap3A_1036 = arith.constant 20 : index
      %swap3A_1037 = arith.constant 0 : index
      %swap3A_1038 = arith.constant 0 : index
      %swap3A_1039 = vector.load %arg2[%swap3A_1036, %swap3A_1037, %swap3A_1038] : memref<49x8x128xf32, #tpu.memory_space<vmem>>, vector<1x8x128xf32>
      tpu.vector_store %arg2[%swap3A_1036, %swap3A_1037, %swap3A_1038], %min3A_1035 {strides = array<i32>} : memref<49x8x128xf32, #tpu.memory_space<vmem>>, vector<1x8x128xf32>,
      %gt3A_1040 = arith.cmpf ogt, %min3A_1035, %select_n3A_998 : vector<1x8x128xf32>
      %select_n3A_1041 = arith.select %gt3A_1040, %min3A_1035, %select_n3A_998 : vector<1x8x128xi1>, vector<1x8x128xf32>
      %jit3A_1042 = arith.constant 20 : i32
      %broadcast_in_dim3A_1043 = vector.broadcast %jit3A_1042 : i32 to vector<1x8x128xi32>
      %select_n3A_1044 = arith.select %gt3A_1040, %broadcast_in_dim3A_1043, %select_n3A_1001 : vector<1x8x128xi1>, vector<1x8x128xi32>
      %get3A_1045 = arith.constant 0 : index
      %get3A_1046 = arith.constant 21 : index
      %get3A_1047 = arith.constant 0 : index
      %get3A_1048 = arith.constant 0 : index
      %get3A_1049 = vector.load %arg0[%get3A_1045, %get3A_1046, %get3A_1047, %get3A_1048] : memref<3x49x8x128xf32, #tpu.memory_space<vmem>>, vector<1x1x8x128xf32>
      %get3A_1050 = vector.shape_cast %get3A_1049 : vector<1x1x8x128xf32> to vector<1x8x128xf32>
      %sub3A_1051 = vector.broadcast %reduce_sum3A_119 : f32 to vector<1x8x128xf32>
      %sub3A_1052 = arith.subf %get3A_1050, %sub3A_1051 : vector<1x8x128xf32>
      %get3A_1053 = arith.constant 1 : index
      %get3A_1054 = arith.constant 21 : index
      %get3A_1055 = arith.constant 0 : index
      %get3A_1056 = arith.constant 0 : index
      %get3A_1057 = vector.load %arg0[%get3A_1053, %get3A_1054, %get3A_1055, %get3A_1056] : memref<3x49x8x128xf32, #tpu.memory_space<vmem>>, vector<1x1x8x128xf32>
      %get3A_1058 = vector.shape_cast %get3A_1057 : vector<1x1x8x128xf32> to vector<1x8x128xf32>
      %sub3A_1059 = vector.broadcast %reduce_sum3A_129 : f32 to vector<1x8x128xf32>
      %sub3A_1060 = arith.subf %get3A_1058, %sub3A_1059 : vector<1x8x128xf32>
      %get3A_1061 = arith.constant 2 : index
      %get3A_1062 = arith.constant 21 : index
      %get3A_1063 = arith.constant 0 : index
      %get3A_1064 = arith.constant 0 : index
      %get3A_1065 = vector.load %arg0[%get3A_1061, %get3A_1062, %get3A_1063, %get3A_1064] : memref<3x49x8x128xf32, #tpu.memory_space<vmem>>, vector<1x1x8x128xf32>
      %get3A_1066 = vector.shape_cast %get3A_1065 : vector<1x1x8x128xf32> to vector<1x8x128xf32>
      %sub3A_1067 = vector.broadcast %reduce_sum3A_139 : f32 to vector<1x8x128xf32>
      %sub3A_1068 = arith.subf %get3A_1066, %sub3A_1067 : vector<1x8x128xf32>
      %mul3A_1069 = arith.mulf %sub3A_1052, %sub3A_1052 : vector<1x8x128xf32>
      %mul3A_1070 = arith.mulf %sub3A_1068, %sub3A_1068 : vector<1x8x128xf32>
      %add3A_1071 = arith.addf %mul3A_1069, %mul3A_1070 : vector<1x8x128xf32>
      %mul3A_1072 = arith.mulf %sub3A_1060, %sub3A_1060 : vector<1x8x128xf32>
      %add3A_1073 = arith.addf %add3A_1071, %mul3A_1072 : vector<1x8x128xf32>
      %get3A_1074 = arith.constant 21 : index
      %get3A_1075 = arith.constant 0 : index
      %get3A_1076 = arith.constant 0 : index
      %get3A_1077 = vector.load %arg2[%get3A_1074, %get3A_1075, %get3A_1076] : memref<49x8x128xf32, #tpu.memory_space<vmem>>, vector<1x8x128xf32>
      %min3A_1078 = arith.minimumf %get3A_1077, %add3A_1073 : vector<1x8x128xf32>
      %swap3A_1079 = arith.constant 21 : index
      %swap3A_1080 = arith.constant 0 : index
      %swap3A_1081 = arith.constant 0 : index
      %swap3A_1082 = vector.load %arg2[%swap3A_1079, %swap3A_1080, %swap3A_1081] : memref<49x8x128xf32, #tpu.memory_space<vmem>>, vector<1x8x128xf32>
      tpu.vector_store %arg2[%swap3A_1079, %swap3A_1080, %swap3A_1081], %min3A_1078 {strides = array<i32>} : memref<49x8x128xf32, #tpu.memory_space<vmem>>, vector<1x8x128xf32>,
      %gt3A_1083 = arith.cmpf ogt, %min3A_1078, %select_n3A_1041 : vector<1x8x128xf32>
      %select_n3A_1084 = arith.select %gt3A_1083, %min3A_1078, %select_n3A_1041 : vector<1x8x128xi1>, vector<1x8x128xf32>
      %jit3A_1085 = arith.constant 21 : i32
      %broadcast_in_dim3A_1086 = vector.broadcast %jit3A_1085 : i32 to vector<1x8x128xi32>
      %select_n3A_1087 = arith.select %gt3A_1083, %broadcast_in_dim3A_1086, %select_n3A_1044 : vector<1x8x128xi1>, vector<1x8x128xi32>
      %get3A_1088 = arith.constant 0 : index
      %get3A_1089 = arith.constant 22 : index
      %get3A_1090 = arith.constant 0 : index
      %get3A_1091 = arith.constant 0 : index
      %get3A_1092 = vector.load %arg0[%get3A_1088, %get3A_1089, %get3A_1090, %get3A_1091] : memref<3x49x8x128xf32, #tpu.memory_space<vmem>>, vector<1x1x8x128xf32>
      %get3A_1093 = vector.shape_cast %get3A_1092 : vector<1x1x8x128xf32> to vector<1x8x128xf32>
      %sub3A_1094 = vector.broadcast %reduce_sum3A_119 : f32 to vector<1x8x128xf32>
      %sub3A_1095 = arith.subf %get3A_1093, %sub3A_1094 : vector<1x8x128xf32>
      %get3A_1096 = arith.constant 1 : index
      %get3A_1097 = arith.constant 22 : index
      %get3A_1098 = arith.constant 0 : index
      %get3A_1099 = arith.constant 0 : index
      %get3A_1100 = vector.load %arg0[%get3A_1096, %get3A_1097, %get3A_1098, %get3A_1099] : memref<3x49x8x128xf32, #tpu.memory_space<vmem>>, vector<1x1x8x128xf32>
      %get3A_1101 = vector.shape_cast %get3A_1100 : vector<1x1x8x128xf32> to vector<1x8x128xf32>
      %sub3A_1102 = vector.broadcast %reduce_sum3A_129 : f32 to vector<1x8x128xf32>
      %sub3A_1103 = arith.subf %get3A_1101, %sub3A_1102 : vector<1x8x128xf32>
      %get3A_1104 = arith.constant 2 : index
      %get3A_1105 = arith.constant 22 : index
      %get3A_1106 = arith.constant 0 : index
      %get3A_1107 = arith.constant 0 : index
      %get3A_1108 = vector.load %arg0[%get3A_1104, %get3A_1105, %get3A_1106, %get3A_1107] : memref<3x49x8x128xf32, #tpu.memory_space<vmem>>, vector<1x1x8x128xf32>
      %get3A_1109 = vector.shape_cast %get3A_1108 : vector<1x1x8x128xf32> to vector<1x8x128xf32>
      %sub3A_1110 = vector.broadcast %reduce_sum3A_139 : f32 to vector<1x8x128xf32>
      %sub3A_1111 = arith.subf %get3A_1109, %sub3A_1110 : vector<1x8x128xf32>
      %mul3A_1112 = arith.mulf %sub3A_1095, %sub3A_1095 : vector<1x8x128xf32>
      %mul3A_1113 = arith.mulf %sub3A_1111, %sub3A_1111 : vector<1x8x128xf32>
      %add3A_1114 = arith.addf %mul3A_1112, %mul3A_1113 : vector<1x8x128xf32>
      %mul3A_1115 = arith.mulf %sub3A_1103, %sub3A_1103 : vector<1x8x128xf32>
      %add3A_1116 = arith.addf %add3A_1114, %mul3A_1115 : vector<1x8x128xf32>
      %get3A_1117 = arith.constant 22 : index
      %get3A_1118 = arith.constant 0 : index
      %get3A_1119 = arith.constant 0 : index
      %get3A_1120 = vector.load %arg2[%get3A_1117, %get3A_1118, %get3A_1119] : memref<49x8x128xf32, #tpu.memory_space<vmem>>, vector<1x8x128xf32>
      %min3A_1121 = arith.minimumf %get3A_1120, %add3A_1116 : vector<1x8x128xf32>
      %swap3A_1122 = arith.constant 22 : index
      %swap3A_1123 = arith.constant 0 : index
      %swap3A_1124 = arith.constant 0 : index
      %swap3A_1125 = vector.load %arg2[%swap3A_1122, %swap3A_1123, %swap3A_1124] : memref<49x8x128xf32, #tpu.memory_space<vmem>>, vector<1x8x128xf32>
      tpu.vector_store %arg2[%swap3A_1122, %swap3A_1123, %swap3A_1124], %min3A_1121 {strides = array<i32>} : memref<49x8x128xf32, #tpu.memory_space<vmem>>, vector<1x8x128xf32>,
      %gt3A_1126 = arith.cmpf ogt, %min3A_1121, %select_n3A_1084 : vector<1x8x128xf32>
      %select_n3A_1127 = arith.select %gt3A_1126, %min3A_1121, %select_n3A_1084 : vector<1x8x128xi1>, vector<1x8x128xf32>
      %jit3A_1128 = arith.constant 22 : i32
      %broadcast_in_dim3A_1129 = vector.broadcast %jit3A_1128 : i32 to vector<1x8x128xi32>
      %select_n3A_1130 = arith.select %gt3A_1126, %broadcast_in_dim3A_1129, %select_n3A_1087 : vector<1x8x128xi1>, vector<1x8x128xi32>
      %get3A_1131 = arith.constant 0 : index
      %get3A_1132 = arith.constant 23 : index
      %get3A_1133 = arith.constant 0 : index
      %get3A_1134 = arith.constant 0 : index
      %get3A_1135 = vector.load %arg0[%get3A_1131, %get3A_1132, %get3A_1133, %get3A_1134] : memref<3x49x8x128xf32, #tpu.memory_space<vmem>>, vector<1x1x8x128xf32>
      %get3A_1136 = vector.shape_cast %get3A_1135 : vector<1x1x8x128xf32> to vector<1x8x128xf32>
      %sub3A_1137 = vector.broadcast %reduce_sum3A_119 : f32 to vector<1x8x128xf32>
      %sub3A_1138 = arith.subf %get3A_1136, %sub3A_1137 : vector<1x8x128xf32>
      %get3A_1139 = arith.constant 1 : index
      %get3A_1140 = arith.constant 23 : index
      %get3A_1141 = arith.constant 0 : index
      %get3A_1142 = arith.constant 0 : index
      %get3A_1143 = vector.load %arg0[%get3A_1139, %get3A_1140, %get3A_1141, %get3A_1142] : memref<3x49x8x128xf32, #tpu.memory_space<vmem>>, vector<1x1x8x128xf32>
      %get3A_1144 = vector.shape_cast %get3A_1143 : vector<1x1x8x128xf32> to vector<1x8x128xf32>
      %sub3A_1145 = vector.broadcast %reduce_sum3A_129 : f32 to vector<1x8x128xf32>
      %sub3A_1146 = arith.subf %get3A_1144, %sub3A_1145 : vector<1x8x128xf32>
      %get3A_1147 = arith.constant 2 : index
      %get3A_1148 = arith.constant 23 : index
      %get3A_1149 = arith.constant 0 : index
      %get3A_1150 = arith.constant 0 : index
      %get3A_1151 = vector.load %arg0[%get3A_1147, %get3A_1148, %get3A_1149, %get3A_1150] : memref<3x49x8x128xf32, #tpu.memory_space<vmem>>, vector<1x1x8x128xf32>
      %get3A_1152 = vector.shape_cast %get3A_1151 : vector<1x1x8x128xf32> to vector<1x8x128xf32>
      %sub3A_1153 = vector.broadcast %reduce_sum3A_139 : f32 to vector<1x8x128xf32>
      %sub3A_1154 = arith.subf %get3A_1152, %sub3A_1153 : vector<1x8x128xf32>
      %mul3A_1155 = arith.mulf %sub3A_1138, %sub3A_1138 : vector<1x8x128xf32>
      %mul3A_1156 = arith.mulf %sub3A_1154, %sub3A_1154 : vector<1x8x128xf32>
      %add3A_1157 = arith.addf %mul3A_1155, %mul3A_1156 : vector<1x8x128xf32>
      %mul3A_1158 = arith.mulf %sub3A_1146, %sub3A_1146 : vector<1x8x128xf32>
      %add3A_1159 = arith.addf %add3A_1157, %mul3A_1158 : vector<1x8x128xf32>
      %get3A_1160 = arith.constant 23 : index
      %get3A_1161 = arith.constant 0 : index
      %get3A_1162 = arith.constant 0 : index
      %get3A_1163 = vector.load %arg2[%get3A_1160, %get3A_1161, %get3A_1162] : memref<49x8x128xf32, #tpu.memory_space<vmem>>, vector<1x8x128xf32>
      %min3A_1164 = arith.minimumf %get3A_1163, %add3A_1159 : vector<1x8x128xf32>
      %swap3A_1165 = arith.constant 23 : index
      %swap3A_1166 = arith.constant 0 : index
      %swap3A_1167 = arith.constant 0 : index
      %swap3A_1168 = vector.load %arg2[%swap3A_1165, %swap3A_1166, %swap3A_1167] : memref<49x8x128xf32, #tpu.memory_space<vmem>>, vector<1x8x128xf32>
      tpu.vector_store %arg2[%swap3A_1165, %swap3A_1166, %swap3A_1167], %min3A_1164 {strides = array<i32>} : memref<49x8x128xf32, #tpu.memory_space<vmem>>, vector<1x8x128xf32>,
      %gt3A_1169 = arith.cmpf ogt, %min3A_1164, %select_n3A_1127 : vector<1x8x128xf32>
      %select_n3A_1170 = arith.select %gt3A_1169, %min3A_1164, %select_n3A_1127 : vector<1x8x128xi1>, vector<1x8x128xf32>
      %jit3A_1171 = arith.constant 23 : i32
      %broadcast_in_dim3A_1172 = vector.broadcast %jit3A_1171 : i32 to vector<1x8x128xi32>
      %select_n3A_1173 = arith.select %gt3A_1169, %broadcast_in_dim3A_1172, %select_n3A_1130 : vector<1x8x128xi1>, vector<1x8x128xi32>
      %get3A_1174 = arith.constant 0 : index
      %get3A_1175 = arith.constant 24 : index
      %get3A_1176 = arith.constant 0 : index
      %get3A_1177 = arith.constant 0 : index
      %get3A_1178 = vector.load %arg0[%get3A_1174, %get3A_1175, %get3A_1176, %get3A_1177] : memref<3x49x8x128xf32, #tpu.memory_space<vmem>>, vector<1x1x8x128xf32>
      %get3A_1179 = vector.shape_cast %get3A_1178 : vector<1x1x8x128xf32> to vector<1x8x128xf32>
      %sub3A_1180 = vector.broadcast %reduce_sum3A_119 : f32 to vector<1x8x128xf32>
      %sub3A_1181 = arith.subf %get3A_1179, %sub3A_1180 : vector<1x8x128xf32>
      %get3A_1182 = arith.constant 1 : index
      %get3A_1183 = arith.constant 24 : index
      %get3A_1184 = arith.constant 0 : index
      %get3A_1185 = arith.constant 0 : index
      %get3A_1186 = vector.load %arg0[%get3A_1182, %get3A_1183, %get3A_1184, %get3A_1185] : memref<3x49x8x128xf32, #tpu.memory_space<vmem>>, vector<1x1x8x128xf32>
      %get3A_1187 = vector.shape_cast %get3A_1186 : vector<1x1x8x128xf32> to vector<1x8x128xf32>
      %sub3A_1188 = vector.broadcast %reduce_sum3A_129 : f32 to vector<1x8x128xf32>
      %sub3A_1189 = arith.subf %get3A_1187, %sub3A_1188 : vector<1x8x128xf32>
      %get3A_1190 = arith.constant 2 : index
      %get3A_1191 = arith.constant 24 : index
      %get3A_1192 = arith.constant 0 : index
      %get3A_1193 = arith.constant 0 : index
      %get3A_1194 = vector.load %arg0[%get3A_1190, %get3A_1191, %get3A_1192, %get3A_1193] : memref<3x49x8x128xf32, #tpu.memory_space<vmem>>, vector<1x1x8x128xf32>
      %get3A_1195 = vector.shape_cast %get3A_1194 : vector<1x1x8x128xf32> to vector<1x8x128xf32>
      %sub3A_1196 = vector.broadcast %reduce_sum3A_139 : f32 to vector<1x8x128xf32>
      %sub3A_1197 = arith.subf %get3A_1195, %sub3A_1196 : vector<1x8x128xf32>
      %mul3A_1198 = arith.mulf %sub3A_1181, %sub3A_1181 : vector<1x8x128xf32>
      %mul3A_1199 = arith.mulf %sub3A_1197, %sub3A_1197 : vector<1x8x128xf32>
      %add3A_1200 = arith.addf %mul3A_1198, %mul3A_1199 : vector<1x8x128xf32>
      %mul3A_1201 = arith.mulf %sub3A_1189, %sub3A_1189 : vector<1x8x128xf32>
      %add3A_1202 = arith.addf %add3A_1200, %mul3A_1201 : vector<1x8x128xf32>
      %get3A_1203 = arith.constant 24 : index
      %get3A_1204 = arith.constant 0 : index
      %get3A_1205 = arith.constant 0 : index
      %get3A_1206 = vector.load %arg2[%get3A_1203, %get3A_1204, %get3A_1205] : memref<49x8x128xf32, #tpu.memory_space<vmem>>, vector<1x8x128xf32>
      %min3A_1207 = arith.minimumf %get3A_1206, %add3A_1202 : vector<1x8x128xf32>
      %swap3A_1208 = arith.constant 24 : index
      %swap3A_1209 = arith.constant 0 : index
      %swap3A_1210 = arith.constant 0 : index
      %swap3A_1211 = vector.load %arg2[%swap3A_1208, %swap3A_1209, %swap3A_1210] : memref<49x8x128xf32, #tpu.memory_space<vmem>>, vector<1x8x128xf32>
      tpu.vector_store %arg2[%swap3A_1208, %swap3A_1209, %swap3A_1210], %min3A_1207 {strides = array<i32>} : memref<49x8x128xf32, #tpu.memory_space<vmem>>, vector<1x8x128xf32>,
      %gt3A_1212 = arith.cmpf ogt, %min3A_1207, %select_n3A_1170 : vector<1x8x128xf32>
      %select_n3A_1213 = arith.select %gt3A_1212, %min3A_1207, %select_n3A_1170 : vector<1x8x128xi1>, vector<1x8x128xf32>
      %jit3A_1214 = arith.constant 24 : i32
      %broadcast_in_dim3A_1215 = vector.broadcast %jit3A_1214 : i32 to vector<1x8x128xi32>
      %select_n3A_1216 = arith.select %gt3A_1212, %broadcast_in_dim3A_1215, %select_n3A_1173 : vector<1x8x128xi1>, vector<1x8x128xi32>
      %get3A_1217 = arith.constant 0 : index
      %get3A_1218 = arith.constant 25 : index
      %get3A_1219 = arith.constant 0 : index
      %get3A_1220 = arith.constant 0 : index
      %get3A_1221 = vector.load %arg0[%get3A_1217, %get3A_1218, %get3A_1219, %get3A_1220] : memref<3x49x8x128xf32, #tpu.memory_space<vmem>>, vector<1x1x8x128xf32>
      %get3A_1222 = vector.shape_cast %get3A_1221 : vector<1x1x8x128xf32> to vector<1x8x128xf32>
      %sub3A_1223 = vector.broadcast %reduce_sum3A_119 : f32 to vector<1x8x128xf32>
      %sub3A_1224 = arith.subf %get3A_1222, %sub3A_1223 : vector<1x8x128xf32>
      %get3A_1225 = arith.constant 1 : index
      %get3A_1226 = arith.constant 25 : index
      %get3A_1227 = arith.constant 0 : index
      %get3A_1228 = arith.constant 0 : index
      %get3A_1229 = vector.load %arg0[%get3A_1225, %get3A_1226, %get3A_1227, %get3A_1228] : memref<3x49x8x128xf32, #tpu.memory_space<vmem>>, vector<1x1x8x128xf32>
      %get3A_1230 = vector.shape_cast %get3A_1229 : vector<1x1x8x128xf32> to vector<1x8x128xf32>
      %sub3A_1231 = vector.broadcast %reduce_sum3A_129 : f32 to vector<1x8x128xf32>
      %sub3A_1232 = arith.subf %get3A_1230, %sub3A_1231 : vector<1x8x128xf32>
      %get3A_1233 = arith.constant 2 : index
      %get3A_1234 = arith.constant 25 : index
      %get3A_1235 = arith.constant 0 : index
      %get3A_1236 = arith.constant 0 : index
      %get3A_1237 = vector.load %arg0[%get3A_1233, %get3A_1234, %get3A_1235, %get3A_1236] : memref<3x49x8x128xf32, #tpu.memory_space<vmem>>, vector<1x1x8x128xf32>
      %get3A_1238 = vector.shape_cast %get3A_1237 : vector<1x1x8x128xf32> to vector<1x8x128xf32>
      %sub3A_1239 = vector.broadcast %reduce_sum3A_139 : f32 to vector<1x8x128xf32>
      %sub3A_1240 = arith.subf %get3A_1238, %sub3A_1239 : vector<1x8x128xf32>
      %mul3A_1241 = arith.mulf %sub3A_1224, %sub3A_1224 : vector<1x8x128xf32>
      %mul3A_1242 = arith.mulf %sub3A_1240, %sub3A_1240 : vector<1x8x128xf32>
      %add3A_1243 = arith.addf %mul3A_1241, %mul3A_1242 : vector<1x8x128xf32>
      %mul3A_1244 = arith.mulf %sub3A_1232, %sub3A_1232 : vector<1x8x128xf32>
      %add3A_1245 = arith.addf %add3A_1243, %mul3A_1244 : vector<1x8x128xf32>
      %get3A_1246 = arith.constant 25 : index
      %get3A_1247 = arith.constant 0 : index
      %get3A_1248 = arith.constant 0 : index
      %get3A_1249 = vector.load %arg2[%get3A_1246, %get3A_1247, %get3A_1248] : memref<49x8x128xf32, #tpu.memory_space<vmem>>, vector<1x8x128xf32>
      %min3A_1250 = arith.minimumf %get3A_1249, %add3A_1245 : vector<1x8x128xf32>
      %swap3A_1251 = arith.constant 25 : index
      %swap3A_1252 = arith.constant 0 : index
      %swap3A_1253 = arith.constant 0 : index
      %swap3A_1254 = vector.load %arg2[%swap3A_1251, %swap3A_1252, %swap3A_1253] : memref<49x8x128xf32, #tpu.memory_space<vmem>>, vector<1x8x128xf32>
      tpu.vector_store %arg2[%swap3A_1251, %swap3A_1252, %swap3A_1253], %min3A_1250 {strides = array<i32>} : memref<49x8x128xf32, #tpu.memory_space<vmem>>, vector<1x8x128xf32>,
      %gt3A_1255 = arith.cmpf ogt, %min3A_1250, %select_n3A_1213 : vector<1x8x128xf32>
      %select_n3A_1256 = arith.select %gt3A_1255, %min3A_1250, %select_n3A_1213 : vector<1x8x128xi1>, vector<1x8x128xf32>
      %jit3A_1257 = arith.constant 25 : i32
      %broadcast_in_dim3A_1258 = vector.broadcast %jit3A_1257 : i32 to vector<1x8x128xi32>
      %select_n3A_1259 = arith.select %gt3A_1255, %broadcast_in_dim3A_1258, %select_n3A_1216 : vector<1x8x128xi1>, vector<1x8x128xi32>
      %get3A_1260 = arith.constant 0 : index
      %get3A_1261 = arith.constant 26 : index
      %get3A_1262 = arith.constant 0 : index
      %get3A_1263 = arith.constant 0 : index
      %get3A_1264 = vector.load %arg0[%get3A_1260, %get3A_1261, %get3A_1262, %get3A_1263] : memref<3x49x8x128xf32, #tpu.memory_space<vmem>>, vector<1x1x8x128xf32>
      %get3A_1265 = vector.shape_cast %get3A_1264 : vector<1x1x8x128xf32> to vector<1x8x128xf32>
      %sub3A_1266 = vector.broadcast %reduce_sum3A_119 : f32 to vector<1x8x128xf32>
      %sub3A_1267 = arith.subf %get3A_1265, %sub3A_1266 : vector<1x8x128xf32>
      %get3A_1268 = arith.constant 1 : index
      %get3A_1269 = arith.constant 26 : index
      %get3A_1270 = arith.constant 0 : index
      %get3A_1271 = arith.constant 0 : index
      %get3A_1272 = vector.load %arg0[%get3A_1268, %get3A_1269, %get3A_1270, %get3A_1271] : memref<3x49x8x128xf32, #tpu.memory_space<vmem>>, vector<1x1x8x128xf32>
      %get3A_1273 = vector.shape_cast %get3A_1272 : vector<1x1x8x128xf32> to vector<1x8x128xf32>
      %sub3A_1274 = vector.broadcast %reduce_sum3A_129 : f32 to vector<1x8x128xf32>
      %sub3A_1275 = arith.subf %get3A_1273, %sub3A_1274 : vector<1x8x128xf32>
      %get3A_1276 = arith.constant 2 : index
      %get3A_1277 = arith.constant 26 : index
      %get3A_1278 = arith.constant 0 : index
      %get3A_1279 = arith.constant 0 : index
      %get3A_1280 = vector.load %arg0[%get3A_1276, %get3A_1277, %get3A_1278, %get3A_1279] : memref<3x49x8x128xf32, #tpu.memory_space<vmem>>, vector<1x1x8x128xf32>
      %get3A_1281 = vector.shape_cast %get3A_1280 : vector<1x1x8x128xf32> to vector<1x8x128xf32>
      %sub3A_1282 = vector.broadcast %reduce_sum3A_139 : f32 to vector<1x8x128xf32>
      %sub3A_1283 = arith.subf %get3A_1281, %sub3A_1282 : vector<1x8x128xf32>
      %mul3A_1284 = arith.mulf %sub3A_1267, %sub3A_1267 : vector<1x8x128xf32>
      %mul3A_1285 = arith.mulf %sub3A_1283, %sub3A_1283 : vector<1x8x128xf32>
      %add3A_1286 = arith.addf %mul3A_1284, %mul3A_1285 : vector<1x8x128xf32>
      %mul3A_1287 = arith.mulf %sub3A_1275, %sub3A_1275 : vector<1x8x128xf32>
      %add3A_1288 = arith.addf %add3A_1286, %mul3A_1287 : vector<1x8x128xf32>
      %get3A_1289 = arith.constant 26 : index
      %get3A_1290 = arith.constant 0 : index
      %get3A_1291 = arith.constant 0 : index
      %get3A_1292 = vector.load %arg2[%get3A_1289, %get3A_1290, %get3A_1291] : memref<49x8x128xf32, #tpu.memory_space<vmem>>, vector<1x8x128xf32>
      %min3A_1293 = arith.minimumf %get3A_1292, %add3A_1288 : vector<1x8x128xf32>
      %swap3A_1294 = arith.constant 26 : index
      %swap3A_1295 = arith.constant 0 : index
      %swap3A_1296 = arith.constant 0 : index
      %swap3A_1297 = vector.load %arg2[%swap3A_1294, %swap3A_1295, %swap3A_1296] : memref<49x8x128xf32, #tpu.memory_space<vmem>>, vector<1x8x128xf32>
      tpu.vector_store %arg2[%swap3A_1294, %swap3A_1295, %swap3A_1296], %min3A_1293 {strides = array<i32>} : memref<49x8x128xf32, #tpu.memory_space<vmem>>, vector<1x8x128xf32>,
      %gt3A_1298 = arith.cmpf ogt, %min3A_1293, %select_n3A_1256 : vector<1x8x128xf32>
      %select_n3A_1299 = arith.select %gt3A_1298, %min3A_1293, %select_n3A_1256 : vector<1x8x128xi1>, vector<1x8x128xf32>
      %jit3A_1300 = arith.constant 26 : i32
      %broadcast_in_dim3A_1301 = vector.broadcast %jit3A_1300 : i32 to vector<1x8x128xi32>
      %select_n3A_1302 = arith.select %gt3A_1298, %broadcast_in_dim3A_1301, %select_n3A_1259 : vector<1x8x128xi1>, vector<1x8x128xi32>
      %get3A_1303 = arith.constant 0 : index
      %get3A_1304 = arith.constant 27 : index
      %get3A_1305 = arith.constant 0 : index
      %get3A_1306 = arith.constant 0 : index
      %get3A_1307 = vector.load %arg0[%get3A_1303, %get3A_1304, %get3A_1305, %get3A_1306] : memref<3x49x8x128xf32, #tpu.memory_space<vmem>>, vector<1x1x8x128xf32>
      %get3A_1308 = vector.shape_cast %get3A_1307 : vector<1x1x8x128xf32> to vector<1x8x128xf32>
      %sub3A_1309 = vector.broadcast %reduce_sum3A_119 : f32 to vector<1x8x128xf32>
      %sub3A_1310 = arith.subf %get3A_1308, %sub3A_1309 : vector<1x8x128xf32>
      %get3A_1311 = arith.constant 1 : index
      %get3A_1312 = arith.constant 27 : index
      %get3A_1313 = arith.constant 0 : index
      %get3A_1314 = arith.constant 0 : index
      %get3A_1315 = vector.load %arg0[%get3A_1311, %get3A_1312, %get3A_1313, %get3A_1314] : memref<3x49x8x128xf32, #tpu.memory_space<vmem>>, vector<1x1x8x128xf32>
      %get3A_1316 = vector.shape_cast %get3A_1315 : vector<1x1x8x128xf32> to vector<1x8x128xf32>
      %sub3A_1317 = vector.broadcast %reduce_sum3A_129 : f32 to vector<1x8x128xf32>
      %sub3A_1318 = arith.subf %get3A_1316, %sub3A_1317 : vector<1x8x128xf32>
      %get3A_1319 = arith.constant 2 : index
      %get3A_1320 = arith.constant 27 : index
      %get3A_1321 = arith.constant 0 : index
      %get3A_1322 = arith.constant 0 : index
      %get3A_1323 = vector.load %arg0[%get3A_1319, %get3A_1320, %get3A_1321, %get3A_1322] : memref<3x49x8x128xf32, #tpu.memory_space<vmem>>, vector<1x1x8x128xf32>
      %get3A_1324 = vector.shape_cast %get3A_1323 : vector<1x1x8x128xf32> to vector<1x8x128xf32>
      %sub3A_1325 = vector.broadcast %reduce_sum3A_139 : f32 to vector<1x8x128xf32>
      %sub3A_1326 = arith.subf %get3A_1324, %sub3A_1325 : vector<1x8x128xf32>
      %mul3A_1327 = arith.mulf %sub3A_1310, %sub3A_1310 : vector<1x8x128xf32>
      %mul3A_1328 = arith.mulf %sub3A_1326, %sub3A_1326 : vector<1x8x128xf32>
      %add3A_1329 = arith.addf %mul3A_1327, %mul3A_1328 : vector<1x8x128xf32>
      %mul3A_1330 = arith.mulf %sub3A_1318, %sub3A_1318 : vector<1x8x128xf32>
      %add3A_1331 = arith.addf %add3A_1329, %mul3A_1330 : vector<1x8x128xf32>
      %get3A_1332 = arith.constant 27 : index
      %get3A_1333 = arith.constant 0 : index
      %get3A_1334 = arith.constant 0 : index
      %get3A_1335 = vector.load %arg2[%get3A_1332, %get3A_1333, %get3A_1334] : memref<49x8x128xf32, #tpu.memory_space<vmem>>, vector<1x8x128xf32>
      %min3A_1336 = arith.minimumf %get3A_1335, %add3A_1331 : vector<1x8x128xf32>
      %swap3A_1337 = arith.constant 27 : index
      %swap3A_1338 = arith.constant 0 : index
      %swap3A_1339 = arith.constant 0 : index
      %swap3A_1340 = vector.load %arg2[%swap3A_1337, %swap3A_1338, %swap3A_1339] : memref<49x8x128xf32, #tpu.memory_space<vmem>>, vector<1x8x128xf32>
      tpu.vector_store %arg2[%swap3A_1337, %swap3A_1338, %swap3A_1339], %min3A_1336 {strides = array<i32>} : memref<49x8x128xf32, #tpu.memory_space<vmem>>, vector<1x8x128xf32>,
      %gt3A_1341 = arith.cmpf ogt, %min3A_1336, %select_n3A_1299 : vector<1x8x128xf32>
      %select_n3A_1342 = arith.select %gt3A_1341, %min3A_1336, %select_n3A_1299 : vector<1x8x128xi1>, vector<1x8x128xf32>
      %jit3A_1343 = arith.constant 27 : i32
      %broadcast_in_dim3A_1344 = vector.broadcast %jit3A_1343 : i32 to vector<1x8x128xi32>
      %select_n3A_1345 = arith.select %gt3A_1341, %broadcast_in_dim3A_1344, %select_n3A_1302 : vector<1x8x128xi1>, vector<1x8x128xi32>
      %get3A_1346 = arith.constant 0 : index
      %get3A_1347 = arith.constant 28 : index
      %get3A_1348 = arith.constant 0 : index
      %get3A_1349 = arith.constant 0 : index
      %get3A_1350 = vector.load %arg0[%get3A_1346, %get3A_1347, %get3A_1348, %get3A_1349] : memref<3x49x8x128xf32, #tpu.memory_space<vmem>>, vector<1x1x8x128xf32>
      %get3A_1351 = vector.shape_cast %get3A_1350 : vector<1x1x8x128xf32> to vector<1x8x128xf32>
      %sub3A_1352 = vector.broadcast %reduce_sum3A_119 : f32 to vector<1x8x128xf32>
      %sub3A_1353 = arith.subf %get3A_1351, %sub3A_1352 : vector<1x8x128xf32>
      %get3A_1354 = arith.constant 1 : index
      %get3A_1355 = arith.constant 28 : index
      %get3A_1356 = arith.constant 0 : index
      %get3A_1357 = arith.constant 0 : index
      %get3A_1358 = vector.load %arg0[%get3A_1354, %get3A_1355, %get3A_1356, %get3A_1357] : memref<3x49x8x128xf32, #tpu.memory_space<vmem>>, vector<1x1x8x128xf32>
      %get3A_1359 = vector.shape_cast %get3A_1358 : vector<1x1x8x128xf32> to vector<1x8x128xf32>
      %sub3A_1360 = vector.broadcast %reduce_sum3A_129 : f32 to vector<1x8x128xf32>
      %sub3A_1361 = arith.subf %get3A_1359, %sub3A_1360 : vector<1x8x128xf32>
      %get3A_1362 = arith.constant 2 : index
      %get3A_1363 = arith.constant 28 : index
      %get3A_1364 = arith.constant 0 : index
      %get3A_1365 = arith.constant 0 : index
      %get3A_1366 = vector.load %arg0[%get3A_1362, %get3A_1363, %get3A_1364, %get3A_1365] : memref<3x49x8x128xf32, #tpu.memory_space<vmem>>, vector<1x1x8x128xf32>
      %get3A_1367 = vector.shape_cast %get3A_1366 : vector<1x1x8x128xf32> to vector<1x8x128xf32>
      %sub3A_1368 = vector.broadcast %reduce_sum3A_139 : f32 to vector<1x8x128xf32>
      %sub3A_1369 = arith.subf %get3A_1367, %sub3A_1368 : vector<1x8x128xf32>
      %mul3A_1370 = arith.mulf %sub3A_1353, %sub3A_1353 : vector<1x8x128xf32>
      %mul3A_1371 = arith.mulf %sub3A_1369, %sub3A_1369 : vector<1x8x128xf32>
      %add3A_1372 = arith.addf %mul3A_1370, %mul3A_1371 : vector<1x8x128xf32>
      %mul3A_1373 = arith.mulf %sub3A_1361, %sub3A_1361 : vector<1x8x128xf32>
      %add3A_1374 = arith.addf %add3A_1372, %mul3A_1373 : vector<1x8x128xf32>
      %get3A_1375 = arith.constant 28 : index
      %get3A_1376 = arith.constant 0 : index
      %get3A_1377 = arith.constant 0 : index
      %get3A_1378 = vector.load %arg2[%get3A_1375, %get3A_1376, %get3A_1377] : memref<49x8x128xf32, #tpu.memory_space<vmem>>, vector<1x8x128xf32>
      %min3A_1379 = arith.minimumf %get3A_1378, %add3A_1374 : vector<1x8x128xf32>
      %swap3A_1380 = arith.constant 28 : index
      %swap3A_1381 = arith.constant 0 : index
      %swap3A_1382 = arith.constant 0 : index
      %swap3A_1383 = vector.load %arg2[%swap3A_1380, %swap3A_1381, %swap3A_1382] : memref<49x8x128xf32, #tpu.memory_space<vmem>>, vector<1x8x128xf32>
      tpu.vector_store %arg2[%swap3A_1380, %swap3A_1381, %swap3A_1382], %min3A_1379 {strides = array<i32>} : memref<49x8x128xf32, #tpu.memory_space<vmem>>, vector<1x8x128xf32>,
      %gt3A_1384 = arith.cmpf ogt, %min3A_1379, %select_n3A_1342 : vector<1x8x128xf32>
      %select_n3A_1385 = arith.select %gt3A_1384, %min3A_1379, %select_n3A_1342 : vector<1x8x128xi1>, vector<1x8x128xf32>
      %jit3A_1386 = arith.constant 28 : i32
      %broadcast_in_dim3A_1387 = vector.broadcast %jit3A_1386 : i32 to vector<1x8x128xi32>
      %select_n3A_1388 = arith.select %gt3A_1384, %broadcast_in_dim3A_1387, %select_n3A_1345 : vector<1x8x128xi1>, vector<1x8x128xi32>
      %get3A_1389 = arith.constant 0 : index
      %get3A_1390 = arith.constant 29 : index
      %get3A_1391 = arith.constant 0 : index
      %get3A_1392 = arith.constant 0 : index
      %get3A_1393 = vector.load %arg0[%get3A_1389, %get3A_1390, %get3A_1391, %get3A_1392] : memref<3x49x8x128xf32, #tpu.memory_space<vmem>>, vector<1x1x8x128xf32>
      %get3A_1394 = vector.shape_cast %get3A_1393 : vector<1x1x8x128xf32> to vector<1x8x128xf32>
      %sub3A_1395 = vector.broadcast %reduce_sum3A_119 : f32 to vector<1x8x128xf32>
      %sub3A_1396 = arith.subf %get3A_1394, %sub3A_1395 : vector<1x8x128xf32>
      %get3A_1397 = arith.constant 1 : index
      %get3A_1398 = arith.constant 29 : index
      %get3A_1399 = arith.constant 0 : index
      %get3A_1400 = arith.constant 0 : index
      %get3A_1401 = vector.load %arg0[%get3A_1397, %get3A_1398, %get3A_1399, %get3A_1400] : memref<3x49x8x128xf32, #tpu.memory_space<vmem>>, vector<1x1x8x128xf32>
      %get3A_1402 = vector.shape_cast %get3A_1401 : vector<1x1x8x128xf32> to vector<1x8x128xf32>
      %sub3A_1403 = vector.broadcast %reduce_sum3A_129 : f32 to vector<1x8x128xf32>
      %sub3A_1404 = arith.subf %get3A_1402, %sub3A_1403 : vector<1x8x128xf32>
      %get3A_1405 = arith.constant 2 : index
      %get3A_1406 = arith.constant 29 : index
      %get3A_1407 = arith.constant 0 : index
      %get3A_1408 = arith.constant 0 : index
      %get3A_1409 = vector.load %arg0[%get3A_1405, %get3A_1406, %get3A_1407, %get3A_1408] : memref<3x49x8x128xf32, #tpu.memory_space<vmem>>, vector<1x1x8x128xf32>
      %get3A_1410 = vector.shape_cast %get3A_1409 : vector<1x1x8x128xf32> to vector<1x8x128xf32>
      %sub3A_1411 = vector.broadcast %reduce_sum3A_139 : f32 to vector<1x8x128xf32>
      %sub3A_1412 = arith.subf %get3A_1410, %sub3A_1411 : vector<1x8x128xf32>
      %mul3A_1413 = arith.mulf %sub3A_1396, %sub3A_1396 : vector<1x8x128xf32>
      %mul3A_1414 = arith.mulf %sub3A_1412, %sub3A_1412 : vector<1x8x128xf32>
      %add3A_1415 = arith.addf %mul3A_1413, %mul3A_1414 : vector<1x8x128xf32>
      %mul3A_1416 = arith.mulf %sub3A_1404, %sub3A_1404 : vector<1x8x128xf32>
      %add3A_1417 = arith.addf %add3A_1415, %mul3A_1416 : vector<1x8x128xf32>
      %get3A_1418 = arith.constant 29 : index
      %get3A_1419 = arith.constant 0 : index
      %get3A_1420 = arith.constant 0 : index
      %get3A_1421 = vector.load %arg2[%get3A_1418, %get3A_1419, %get3A_1420] : memref<49x8x128xf32, #tpu.memory_space<vmem>>, vector<1x8x128xf32>
      %min3A_1422 = arith.minimumf %get3A_1421, %add3A_1417 : vector<1x8x128xf32>
      %swap3A_1423 = arith.constant 29 : index
      %swap3A_1424 = arith.constant 0 : index
      %swap3A_1425 = arith.constant 0 : index
      %swap3A_1426 = vector.load %arg2[%swap3A_1423, %swap3A_1424, %swap3A_1425] : memref<49x8x128xf32, #tpu.memory_space<vmem>>, vector<1x8x128xf32>
      tpu.vector_store %arg2[%swap3A_1423, %swap3A_1424, %swap3A_1425], %min3A_1422 {strides = array<i32>} : memref<49x8x128xf32, #tpu.memory_space<vmem>>, vector<1x8x128xf32>,
      %gt3A_1427 = arith.cmpf ogt, %min3A_1422, %select_n3A_1385 : vector<1x8x128xf32>
      %select_n3A_1428 = arith.select %gt3A_1427, %min3A_1422, %select_n3A_1385 : vector<1x8x128xi1>, vector<1x8x128xf32>
      %jit3A_1429 = arith.constant 29 : i32
      %broadcast_in_dim3A_1430 = vector.broadcast %jit3A_1429 : i32 to vector<1x8x128xi32>
      %select_n3A_1431 = arith.select %gt3A_1427, %broadcast_in_dim3A_1430, %select_n3A_1388 : vector<1x8x128xi1>, vector<1x8x128xi32>
      %get3A_1432 = arith.constant 0 : index
      %get3A_1433 = arith.constant 30 : index
      %get3A_1434 = arith.constant 0 : index
      %get3A_1435 = arith.constant 0 : index
      %get3A_1436 = vector.load %arg0[%get3A_1432, %get3A_1433, %get3A_1434, %get3A_1435] : memref<3x49x8x128xf32, #tpu.memory_space<vmem>>, vector<1x1x8x128xf32>
      %get3A_1437 = vector.shape_cast %get3A_1436 : vector<1x1x8x128xf32> to vector<1x8x128xf32>
      %sub3A_1438 = vector.broadcast %reduce_sum3A_119 : f32 to vector<1x8x128xf32>
      %sub3A_1439 = arith.subf %get3A_1437, %sub3A_1438 : vector<1x8x128xf32>
      %get3A_1440 = arith.constant 1 : index
      %get3A_1441 = arith.constant 30 : index
      %get3A_1442 = arith.constant 0 : index
      %get3A_1443 = arith.constant 0 : index
      %get3A_1444 = vector.load %arg0[%get3A_1440, %get3A_1441, %get3A_1442, %get3A_1443] : memref<3x49x8x128xf32, #tpu.memory_space<vmem>>, vector<1x1x8x128xf32>
      %get3A_1445 = vector.shape_cast %get3A_1444 : vector<1x1x8x128xf32> to vector<1x8x128xf32>
      %sub3A_1446 = vector.broadcast %reduce_sum3A_129 : f32 to vector<1x8x128xf32>
      %sub3A_1447 = arith.subf %get3A_1445, %sub3A_1446 : vector<1x8x128xf32>
      %get3A_1448 = arith.constant 2 : index
      %get3A_1449 = arith.constant 30 : index
      %get3A_1450 = arith.constant 0 : index
      %get3A_1451 = arith.constant 0 : index
      %get3A_1452 = vector.load %arg0[%get3A_1448, %get3A_1449, %get3A_1450, %get3A_1451] : memref<3x49x8x128xf32, #tpu.memory_space<vmem>>, vector<1x1x8x128xf32>
      %get3A_1453 = vector.shape_cast %get3A_1452 : vector<1x1x8x128xf32> to vector<1x8x128xf32>
      %sub3A_1454 = vector.broadcast %reduce_sum3A_139 : f32 to vector<1x8x128xf32>
      %sub3A_1455 = arith.subf %get3A_1453, %sub3A_1454 : vector<1x8x128xf32>
      %mul3A_1456 = arith.mulf %sub3A_1439, %sub3A_1439 : vector<1x8x128xf32>
      %mul3A_1457 = arith.mulf %sub3A_1455, %sub3A_1455 : vector<1x8x128xf32>
      %add3A_1458 = arith.addf %mul3A_1456, %mul3A_1457 : vector<1x8x128xf32>
      %mul3A_1459 = arith.mulf %sub3A_1447, %sub3A_1447 : vector<1x8x128xf32>
      %add3A_1460 = arith.addf %add3A_1458, %mul3A_1459 : vector<1x8x128xf32>
      %get3A_1461 = arith.constant 30 : index
      %get3A_1462 = arith.constant 0 : index
      %get3A_1463 = arith.constant 0 : index
      %get3A_1464 = vector.load %arg2[%get3A_1461, %get3A_1462, %get3A_1463] : memref<49x8x128xf32, #tpu.memory_space<vmem>>, vector<1x8x128xf32>
      %min3A_1465 = arith.minimumf %get3A_1464, %add3A_1460 : vector<1x8x128xf32>
      %swap3A_1466 = arith.constant 30 : index
      %swap3A_1467 = arith.constant 0 : index
      %swap3A_1468 = arith.constant 0 : index
      %swap3A_1469 = vector.load %arg2[%swap3A_1466, %swap3A_1467, %swap3A_1468] : memref<49x8x128xf32, #tpu.memory_space<vmem>>, vector<1x8x128xf32>
      tpu.vector_store %arg2[%swap3A_1466, %swap3A_1467, %swap3A_1468], %min3A_1465 {strides = array<i32>} : memref<49x8x128xf32, #tpu.memory_space<vmem>>, vector<1x8x128xf32>,
      %gt3A_1470 = arith.cmpf ogt, %min3A_1465, %select_n3A_1428 : vector<1x8x128xf32>
      %select_n3A_1471 = arith.select %gt3A_1470, %min3A_1465, %select_n3A_1428 : vector<1x8x128xi1>, vector<1x8x128xf32>
      %jit3A_1472 = arith.constant 30 : i32
      %broadcast_in_dim3A_1473 = vector.broadcast %jit3A_1472 : i32 to vector<1x8x128xi32>
      %select_n3A_1474 = arith.select %gt3A_1470, %broadcast_in_dim3A_1473, %select_n3A_1431 : vector<1x8x128xi1>, vector<1x8x128xi32>
      %get3A_1475 = arith.constant 0 : index
      %get3A_1476 = arith.constant 31 : index
      %get3A_1477 = arith.constant 0 : index
      %get3A_1478 = arith.constant 0 : index
      %get3A_1479 = vector.load %arg0[%get3A_1475, %get3A_1476, %get3A_1477, %get3A_1478] : memref<3x49x8x128xf32, #tpu.memory_space<vmem>>, vector<1x1x8x128xf32>
      %get3A_1480 = vector.shape_cast %get3A_1479 : vector<1x1x8x128xf32> to vector<1x8x128xf32>
      %sub3A_1481 = vector.broadcast %reduce_sum3A_119 : f32 to vector<1x8x128xf32>
      %sub3A_1482 = arith.subf %get3A_1480, %sub3A_1481 : vector<1x8x128xf32>
      %get3A_1483 = arith.constant 1 : index
      %get3A_1484 = arith.constant 31 : index
      %get3A_1485 = arith.constant 0 : index
      %get3A_1486 = arith.constant 0 : index
      %get3A_1487 = vector.load %arg0[%get3A_1483, %get3A_1484, %get3A_1485, %get3A_1486] : memref<3x49x8x128xf32, #tpu.memory_space<vmem>>, vector<1x1x8x128xf32>
      %get3A_1488 = vector.shape_cast %get3A_1487 : vector<1x1x8x128xf32> to vector<1x8x128xf32>
      %sub3A_1489 = vector.broadcast %reduce_sum3A_129 : f32 to vector<1x8x128xf32>
      %sub3A_1490 = arith.subf %get3A_1488, %sub3A_1489 : vector<1x8x128xf32>
      %get3A_1491 = arith.constant 2 : index
      %get3A_1492 = arith.constant 31 : index
      %get3A_1493 = arith.constant 0 : index
      %get3A_1494 = arith.constant 0 : index
      %get3A_1495 = vector.load %arg0[%get3A_1491, %get3A_1492, %get3A_1493, %get3A_1494] : memref<3x49x8x128xf32, #tpu.memory_space<vmem>>, vector<1x1x8x128xf32>
      %get3A_1496 = vector.shape_cast %get3A_1495 : vector<1x1x8x128xf32> to vector<1x8x128xf32>
      %sub3A_1497 = vector.broadcast %reduce_sum3A_139 : f32 to vector<1x8x128xf32>
      %sub3A_1498 = arith.subf %get3A_1496, %sub3A_1497 : vector<1x8x128xf32>
      %mul3A_1499 = arith.mulf %sub3A_1482, %sub3A_1482 : vector<1x8x128xf32>
      %mul3A_1500 = arith.mulf %sub3A_1498, %sub3A_1498 : vector<1x8x128xf32>
      %add3A_1501 = arith.addf %mul3A_1499, %mul3A_1500 : vector<1x8x128xf32>
      %mul3A_1502 = arith.mulf %sub3A_1490, %sub3A_1490 : vector<1x8x128xf32>
      %add3A_1503 = arith.addf %add3A_1501, %mul3A_1502 : vector<1x8x128xf32>
      %get3A_1504 = arith.constant 31 : index
      %get3A_1505 = arith.constant 0 : index
      %get3A_1506 = arith.constant 0 : index
      %get3A_1507 = vector.load %arg2[%get3A_1504, %get3A_1505, %get3A_1506] : memref<49x8x128xf32, #tpu.memory_space<vmem>>, vector<1x8x128xf32>
      %min3A_1508 = arith.minimumf %get3A_1507, %add3A_1503 : vector<1x8x128xf32>
      %swap3A_1509 = arith.constant 31 : index
      %swap3A_1510 = arith.constant 0 : index
      %swap3A_1511 = arith.constant 0 : index
      %swap3A_1512 = vector.load %arg2[%swap3A_1509, %swap3A_1510, %swap3A_1511] : memref<49x8x128xf32, #tpu.memory_space<vmem>>, vector<1x8x128xf32>
      tpu.vector_store %arg2[%swap3A_1509, %swap3A_1510, %swap3A_1511], %min3A_1508 {strides = array<i32>} : memref<49x8x128xf32, #tpu.memory_space<vmem>>, vector<1x8x128xf32>,
      %gt3A_1513 = arith.cmpf ogt, %min3A_1508, %select_n3A_1471 : vector<1x8x128xf32>
      %select_n3A_1514 = arith.select %gt3A_1513, %min3A_1508, %select_n3A_1471 : vector<1x8x128xi1>, vector<1x8x128xf32>
      %jit3A_1515 = arith.constant 31 : i32
      %broadcast_in_dim3A_1516 = vector.broadcast %jit3A_1515 : i32 to vector<1x8x128xi32>
      %select_n3A_1517 = arith.select %gt3A_1513, %broadcast_in_dim3A_1516, %select_n3A_1474 : vector<1x8x128xi1>, vector<1x8x128xi32>
      %get3A_1518 = arith.constant 0 : index
      %get3A_1519 = arith.constant 32 : index
      %get3A_1520 = arith.constant 0 : index
      %get3A_1521 = arith.constant 0 : index
      %get3A_1522 = vector.load %arg0[%get3A_1518, %get3A_1519, %get3A_1520, %get3A_1521] : memref<3x49x8x128xf32, #tpu.memory_space<vmem>>, vector<1x1x8x128xf32>
      %get3A_1523 = vector.shape_cast %get3A_1522 : vector<1x1x8x128xf32> to vector<1x8x128xf32>
      %sub3A_1524 = vector.broadcast %reduce_sum3A_119 : f32 to vector<1x8x128xf32>
      %sub3A_1525 = arith.subf %get3A_1523, %sub3A_1524 : vector<1x8x128xf32>
      %get3A_1526 = arith.constant 1 : index
      %get3A_1527 = arith.constant 32 : index
      %get3A_1528 = arith.constant 0 : index
      %get3A_1529 = arith.constant 0 : index
      %get3A_1530 = vector.load %arg0[%get3A_1526, %get3A_1527, %get3A_1528, %get3A_1529] : memref<3x49x8x128xf32, #tpu.memory_space<vmem>>, vector<1x1x8x128xf32>
      %get3A_1531 = vector.shape_cast %get3A_1530 : vector<1x1x8x128xf32> to vector<1x8x128xf32>
      %sub3A_1532 = vector.broadcast %reduce_sum3A_129 : f32 to vector<1x8x128xf32>
      %sub3A_1533 = arith.subf %get3A_1531, %sub3A_1532 : vector<1x8x128xf32>
      %get3A_1534 = arith.constant 2 : index
      %get3A_1535 = arith.constant 32 : index
      %get3A_1536 = arith.constant 0 : index
      %get3A_1537 = arith.constant 0 : index
      %get3A_1538 = vector.load %arg0[%get3A_1534, %get3A_1535, %get3A_1536, %get3A_1537] : memref<3x49x8x128xf32, #tpu.memory_space<vmem>>, vector<1x1x8x128xf32>
      %get3A_1539 = vector.shape_cast %get3A_1538 : vector<1x1x8x128xf32> to vector<1x8x128xf32>
      %sub3A_1540 = vector.broadcast %reduce_sum3A_139 : f32 to vector<1x8x128xf32>
      %sub3A_1541 = arith.subf %get3A_1539, %sub3A_1540 : vector<1x8x128xf32>
      %mul3A_1542 = arith.mulf %sub3A_1525, %sub3A_1525 : vector<1x8x128xf32>
      %mul3A_1543 = arith.mulf %sub3A_1541, %sub3A_1541 : vector<1x8x128xf32>
      %add3A_1544 = arith.addf %mul3A_1542, %mul3A_1543 : vector<1x8x128xf32>
      %mul3A_1545 = arith.mulf %sub3A_1533, %sub3A_1533 : vector<1x8x128xf32>
      %add3A_1546 = arith.addf %add3A_1544, %mul3A_1545 : vector<1x8x128xf32>
      %get3A_1547 = arith.constant 32 : index
      %get3A_1548 = arith.constant 0 : index
      %get3A_1549 = arith.constant 0 : index
      %get3A_1550 = vector.load %arg2[%get3A_1547, %get3A_1548, %get3A_1549] : memref<49x8x128xf32, #tpu.memory_space<vmem>>, vector<1x8x128xf32>
      %min3A_1551 = arith.minimumf %get3A_1550, %add3A_1546 : vector<1x8x128xf32>
      %swap3A_1552 = arith.constant 32 : index
      %swap3A_1553 = arith.constant 0 : index
      %swap3A_1554 = arith.constant 0 : index
      %swap3A_1555 = vector.load %arg2[%swap3A_1552, %swap3A_1553, %swap3A_1554] : memref<49x8x128xf32, #tpu.memory_space<vmem>>, vector<1x8x128xf32>
      tpu.vector_store %arg2[%swap3A_1552, %swap3A_1553, %swap3A_1554], %min3A_1551 {strides = array<i32>} : memref<49x8x128xf32, #tpu.memory_space<vmem>>, vector<1x8x128xf32>,
      %gt3A_1556 = arith.cmpf ogt, %min3A_1551, %select_n3A_1514 : vector<1x8x128xf32>
      %select_n3A_1557 = arith.select %gt3A_1556, %min3A_1551, %select_n3A_1514 : vector<1x8x128xi1>, vector<1x8x128xf32>
      %jit3A_1558 = arith.constant 32 : i32
      %broadcast_in_dim3A_1559 = vector.broadcast %jit3A_1558 : i32 to vector<1x8x128xi32>
      %select_n3A_1560 = arith.select %gt3A_1556, %broadcast_in_dim3A_1559, %select_n3A_1517 : vector<1x8x128xi1>, vector<1x8x128xi32>
      %get3A_1561 = arith.constant 0 : index
      %get3A_1562 = arith.constant 33 : index
      %get3A_1563 = arith.constant 0 : index
      %get3A_1564 = arith.constant 0 : index
      %get3A_1565 = vector.load %arg0[%get3A_1561, %get3A_1562, %get3A_1563, %get3A_1564] : memref<3x49x8x128xf32, #tpu.memory_space<vmem>>, vector<1x1x8x128xf32>
      %get3A_1566 = vector.shape_cast %get3A_1565 : vector<1x1x8x128xf32> to vector<1x8x128xf32>
      %sub3A_1567 = vector.broadcast %reduce_sum3A_119 : f32 to vector<1x8x128xf32>
      %sub3A_1568 = arith.subf %get3A_1566, %sub3A_1567 : vector<1x8x128xf32>
      %get3A_1569 = arith.constant 1 : index
      %get3A_1570 = arith.constant 33 : index
      %get3A_1571 = arith.constant 0 : index
      %get3A_1572 = arith.constant 0 : index
      %get3A_1573 = vector.load %arg0[%get3A_1569, %get3A_1570, %get3A_1571, %get3A_1572] : memref<3x49x8x128xf32, #tpu.memory_space<vmem>>, vector<1x1x8x128xf32>
      %get3A_1574 = vector.shape_cast %get3A_1573 : vector<1x1x8x128xf32> to vector<1x8x128xf32>
      %sub3A_1575 = vector.broadcast %reduce_sum3A_129 : f32 to vector<1x8x128xf32>
      %sub3A_1576 = arith.subf %get3A_1574, %sub3A_1575 : vector<1x8x128xf32>
      %get3A_1577 = arith.constant 2 : index
      %get3A_1578 = arith.constant 33 : index
      %get3A_1579 = arith.constant 0 : index
      %get3A_1580 = arith.constant 0 : index
      %get3A_1581 = vector.load %arg0[%get3A_1577, %get3A_1578, %get3A_1579, %get3A_1580] : memref<3x49x8x128xf32, #tpu.memory_space<vmem>>, vector<1x1x8x128xf32>
      %get3A_1582 = vector.shape_cast %get3A_1581 : vector<1x1x8x128xf32> to vector<1x8x128xf32>
      %sub3A_1583 = vector.broadcast %reduce_sum3A_139 : f32 to vector<1x8x128xf32>
      %sub3A_1584 = arith.subf %get3A_1582, %sub3A_1583 : vector<1x8x128xf32>
      %mul3A_1585 = arith.mulf %sub3A_1568, %sub3A_1568 : vector<1x8x128xf32>
      %mul3A_1586 = arith.mulf %sub3A_1584, %sub3A_1584 : vector<1x8x128xf32>
      %add3A_1587 = arith.addf %mul3A_1585, %mul3A_1586 : vector<1x8x128xf32>
      %mul3A_1588 = arith.mulf %sub3A_1576, %sub3A_1576 : vector<1x8x128xf32>
      %add3A_1589 = arith.addf %add3A_1587, %mul3A_1588 : vector<1x8x128xf32>
      %get3A_1590 = arith.constant 33 : index
      %get3A_1591 = arith.constant 0 : index
      %get3A_1592 = arith.constant 0 : index
      %get3A_1593 = vector.load %arg2[%get3A_1590, %get3A_1591, %get3A_1592] : memref<49x8x128xf32, #tpu.memory_space<vmem>>, vector<1x8x128xf32>
      %min3A_1594 = arith.minimumf %get3A_1593, %add3A_1589 : vector<1x8x128xf32>
      %swap3A_1595 = arith.constant 33 : index
      %swap3A_1596 = arith.constant 0 : index
      %swap3A_1597 = arith.constant 0 : index
      %swap3A_1598 = vector.load %arg2[%swap3A_1595, %swap3A_1596, %swap3A_1597] : memref<49x8x128xf32, #tpu.memory_space<vmem>>, vector<1x8x128xf32>
      tpu.vector_store %arg2[%swap3A_1595, %swap3A_1596, %swap3A_1597], %min3A_1594 {strides = array<i32>} : memref<49x8x128xf32, #tpu.memory_space<vmem>>, vector<1x8x128xf32>,
      %gt3A_1599 = arith.cmpf ogt, %min3A_1594, %select_n3A_1557 : vector<1x8x128xf32>
      %select_n3A_1600 = arith.select %gt3A_1599, %min3A_1594, %select_n3A_1557 : vector<1x8x128xi1>, vector<1x8x128xf32>
      %jit3A_1601 = arith.constant 33 : i32
      %broadcast_in_dim3A_1602 = vector.broadcast %jit3A_1601 : i32 to vector<1x8x128xi32>
      %select_n3A_1603 = arith.select %gt3A_1599, %broadcast_in_dim3A_1602, %select_n3A_1560 : vector<1x8x128xi1>, vector<1x8x128xi32>
      %get3A_1604 = arith.constant 0 : index
      %get3A_1605 = arith.constant 34 : index
      %get3A_1606 = arith.constant 0 : index
      %get3A_1607 = arith.constant 0 : index
      %get3A_1608 = vector.load %arg0[%get3A_1604, %get3A_1605, %get3A_1606, %get3A_1607] : memref<3x49x8x128xf32, #tpu.memory_space<vmem>>, vector<1x1x8x128xf32>
      %get3A_1609 = vector.shape_cast %get3A_1608 : vector<1x1x8x128xf32> to vector<1x8x128xf32>
      %sub3A_1610 = vector.broadcast %reduce_sum3A_119 : f32 to vector<1x8x128xf32>
      %sub3A_1611 = arith.subf %get3A_1609, %sub3A_1610 : vector<1x8x128xf32>
      %get3A_1612 = arith.constant 1 : index
      %get3A_1613 = arith.constant 34 : index
      %get3A_1614 = arith.constant 0 : index
      %get3A_1615 = arith.constant 0 : index
      %get3A_1616 = vector.load %arg0[%get3A_1612, %get3A_1613, %get3A_1614, %get3A_1615] : memref<3x49x8x128xf32, #tpu.memory_space<vmem>>, vector<1x1x8x128xf32>
      %get3A_1617 = vector.shape_cast %get3A_1616 : vector<1x1x8x128xf32> to vector<1x8x128xf32>
      %sub3A_1618 = vector.broadcast %reduce_sum3A_129 : f32 to vector<1x8x128xf32>
      %sub3A_1619 = arith.subf %get3A_1617, %sub3A_1618 : vector<1x8x128xf32>
      %get3A_1620 = arith.constant 2 : index
      %get3A_1621 = arith.constant 34 : index
      %get3A_1622 = arith.constant 0 : index
      %get3A_1623 = arith.constant 0 : index
      %get3A_1624 = vector.load %arg0[%get3A_1620, %get3A_1621, %get3A_1622, %get3A_1623] : memref<3x49x8x128xf32, #tpu.memory_space<vmem>>, vector<1x1x8x128xf32>
      %get3A_1625 = vector.shape_cast %get3A_1624 : vector<1x1x8x128xf32> to vector<1x8x128xf32>
      %sub3A_1626 = vector.broadcast %reduce_sum3A_139 : f32 to vector<1x8x128xf32>
      %sub3A_1627 = arith.subf %get3A_1625, %sub3A_1626 : vector<1x8x128xf32>
      %mul3A_1628 = arith.mulf %sub3A_1611, %sub3A_1611 : vector<1x8x128xf32>
      %mul3A_1629 = arith.mulf %sub3A_1627, %sub3A_1627 : vector<1x8x128xf32>
      %add3A_1630 = arith.addf %mul3A_1628, %mul3A_1629 : vector<1x8x128xf32>
      %mul3A_1631 = arith.mulf %sub3A_1619, %sub3A_1619 : vector<1x8x128xf32>
      %add3A_1632 = arith.addf %add3A_1630, %mul3A_1631 : vector<1x8x128xf32>
      %get3A_1633 = arith.constant 34 : index
      %get3A_1634 = arith.constant 0 : index
      %get3A_1635 = arith.constant 0 : index
      %get3A_1636 = vector.load %arg2[%get3A_1633, %get3A_1634, %get3A_1635] : memref<49x8x128xf32, #tpu.memory_space<vmem>>, vector<1x8x128xf32>
      %min3A_1637 = arith.minimumf %get3A_1636, %add3A_1632 : vector<1x8x128xf32>
      %swap3A_1638 = arith.constant 34 : index
      %swap3A_1639 = arith.constant 0 : index
      %swap3A_1640 = arith.constant 0 : index
      %swap3A_1641 = vector.load %arg2[%swap3A_1638, %swap3A_1639, %swap3A_1640] : memref<49x8x128xf32, #tpu.memory_space<vmem>>, vector<1x8x128xf32>
      tpu.vector_store %arg2[%swap3A_1638, %swap3A_1639, %swap3A_1640], %min3A_1637 {strides = array<i32>} : memref<49x8x128xf32, #tpu.memory_space<vmem>>, vector<1x8x128xf32>,
      %gt3A_1642 = arith.cmpf ogt, %min3A_1637, %select_n3A_1600 : vector<1x8x128xf32>
      %select_n3A_1643 = arith.select %gt3A_1642, %min3A_1637, %select_n3A_1600 : vector<1x8x128xi1>, vector<1x8x128xf32>
      %jit3A_1644 = arith.constant 34 : i32
      %broadcast_in_dim3A_1645 = vector.broadcast %jit3A_1644 : i32 to vector<1x8x128xi32>
      %select_n3A_1646 = arith.select %gt3A_1642, %broadcast_in_dim3A_1645, %select_n3A_1603 : vector<1x8x128xi1>, vector<1x8x128xi32>
      %get3A_1647 = arith.constant 0 : index
      %get3A_1648 = arith.constant 35 : index
      %get3A_1649 = arith.constant 0 : index
      %get3A_1650 = arith.constant 0 : index
      %get3A_1651 = vector.load %arg0[%get3A_1647, %get3A_1648, %get3A_1649, %get3A_1650] : memref<3x49x8x128xf32, #tpu.memory_space<vmem>>, vector<1x1x8x128xf32>
      %get3A_1652 = vector.shape_cast %get3A_1651 : vector<1x1x8x128xf32> to vector<1x8x128xf32>
      %sub3A_1653 = vector.broadcast %reduce_sum3A_119 : f32 to vector<1x8x128xf32>
      %sub3A_1654 = arith.subf %get3A_1652, %sub3A_1653 : vector<1x8x128xf32>
      %get3A_1655 = arith.constant 1 : index
      %get3A_1656 = arith.constant 35 : index
      %get3A_1657 = arith.constant 0 : index
      %get3A_1658 = arith.constant 0 : index
      %get3A_1659 = vector.load %arg0[%get3A_1655, %get3A_1656, %get3A_1657, %get3A_1658] : memref<3x49x8x128xf32, #tpu.memory_space<vmem>>, vector<1x1x8x128xf32>
      %get3A_1660 = vector.shape_cast %get3A_1659 : vector<1x1x8x128xf32> to vector<1x8x128xf32>
      %sub3A_1661 = vector.broadcast %reduce_sum3A_129 : f32 to vector<1x8x128xf32>
      %sub3A_1662 = arith.subf %get3A_1660, %sub3A_1661 : vector<1x8x128xf32>
      %get3A_1663 = arith.constant 2 : index
      %get3A_1664 = arith.constant 35 : index
      %get3A_1665 = arith.constant 0 : index
      %get3A_1666 = arith.constant 0 : index
      %get3A_1667 = vector.load %arg0[%get3A_1663, %get3A_1664, %get3A_1665, %get3A_1666] : memref<3x49x8x128xf32, #tpu.memory_space<vmem>>, vector<1x1x8x128xf32>
      %get3A_1668 = vector.shape_cast %get3A_1667 : vector<1x1x8x128xf32> to vector<1x8x128xf32>
      %sub3A_1669 = vector.broadcast %reduce_sum3A_139 : f32 to vector<1x8x128xf32>
      %sub3A_1670 = arith.subf %get3A_1668, %sub3A_1669 : vector<1x8x128xf32>
      %mul3A_1671 = arith.mulf %sub3A_1654, %sub3A_1654 : vector<1x8x128xf32>
      %mul3A_1672 = arith.mulf %sub3A_1670, %sub3A_1670 : vector<1x8x128xf32>
      %add3A_1673 = arith.addf %mul3A_1671, %mul3A_1672 : vector<1x8x128xf32>
      %mul3A_1674 = arith.mulf %sub3A_1662, %sub3A_1662 : vector<1x8x128xf32>
      %add3A_1675 = arith.addf %add3A_1673, %mul3A_1674 : vector<1x8x128xf32>
      %get3A_1676 = arith.constant 35 : index
      %get3A_1677 = arith.constant 0 : index
      %get3A_1678 = arith.constant 0 : index
      %get3A_1679 = vector.load %arg2[%get3A_1676, %get3A_1677, %get3A_1678] : memref<49x8x128xf32, #tpu.memory_space<vmem>>, vector<1x8x128xf32>
      %min3A_1680 = arith.minimumf %get3A_1679, %add3A_1675 : vector<1x8x128xf32>
      %swap3A_1681 = arith.constant 35 : index
      %swap3A_1682 = arith.constant 0 : index
      %swap3A_1683 = arith.constant 0 : index
      %swap3A_1684 = vector.load %arg2[%swap3A_1681, %swap3A_1682, %swap3A_1683] : memref<49x8x128xf32, #tpu.memory_space<vmem>>, vector<1x8x128xf32>
      tpu.vector_store %arg2[%swap3A_1681, %swap3A_1682, %swap3A_1683], %min3A_1680 {strides = array<i32>} : memref<49x8x128xf32, #tpu.memory_space<vmem>>, vector<1x8x128xf32>,
      %gt3A_1685 = arith.cmpf ogt, %min3A_1680, %select_n3A_1643 : vector<1x8x128xf32>
      %select_n3A_1686 = arith.select %gt3A_1685, %min3A_1680, %select_n3A_1643 : vector<1x8x128xi1>, vector<1x8x128xf32>
      %jit3A_1687 = arith.constant 35 : i32
      %broadcast_in_dim3A_1688 = vector.broadcast %jit3A_1687 : i32 to vector<1x8x128xi32>
      %select_n3A_1689 = arith.select %gt3A_1685, %broadcast_in_dim3A_1688, %select_n3A_1646 : vector<1x8x128xi1>, vector<1x8x128xi32>
      %get3A_1690 = arith.constant 0 : index
      %get3A_1691 = arith.constant 36 : index
      %get3A_1692 = arith.constant 0 : index
      %get3A_1693 = arith.constant 0 : index
      %get3A_1694 = vector.load %arg0[%get3A_1690, %get3A_1691, %get3A_1692, %get3A_1693] : memref<3x49x8x128xf32, #tpu.memory_space<vmem>>, vector<1x1x8x128xf32>
      %get3A_1695 = vector.shape_cast %get3A_1694 : vector<1x1x8x128xf32> to vector<1x8x128xf32>
      %sub3A_1696 = vector.broadcast %reduce_sum3A_119 : f32 to vector<1x8x128xf32>
      %sub3A_1697 = arith.subf %get3A_1695, %sub3A_1696 : vector<1x8x128xf32>
      %get3A_1698 = arith.constant 1 : index
      %get3A_1699 = arith.constant 36 : index
      %get3A_1700 = arith.constant 0 : index
      %get3A_1701 = arith.constant 0 : index
      %get3A_1702 = vector.load %arg0[%get3A_1698, %get3A_1699, %get3A_1700, %get3A_1701] : memref<3x49x8x128xf32, #tpu.memory_space<vmem>>, vector<1x1x8x128xf32>
      %get3A_1703 = vector.shape_cast %get3A_1702 : vector<1x1x8x128xf32> to vector<1x8x128xf32>
      %sub3A_1704 = vector.broadcast %reduce_sum3A_129 : f32 to vector<1x8x128xf32>
      %sub3A_1705 = arith.subf %get3A_1703, %sub3A_1704 : vector<1x8x128xf32>
      %get3A_1706 = arith.constant 2 : index
      %get3A_1707 = arith.constant 36 : index
      %get3A_1708 = arith.constant 0 : index
      %get3A_1709 = arith.constant 0 : index
      %get3A_1710 = vector.load %arg0[%get3A_1706, %get3A_1707, %get3A_1708, %get3A_1709] : memref<3x49x8x128xf32, #tpu.memory_space<vmem>>, vector<1x1x8x128xf32>
      %get3A_1711 = vector.shape_cast %get3A_1710 : vector<1x1x8x128xf32> to vector<1x8x128xf32>
      %sub3A_1712 = vector.broadcast %reduce_sum3A_139 : f32 to vector<1x8x128xf32>
      %sub3A_1713 = arith.subf %get3A_1711, %sub3A_1712 : vector<1x8x128xf32>
      %mul3A_1714 = arith.mulf %sub3A_1697, %sub3A_1697 : vector<1x8x128xf32>
      %mul3A_1715 = arith.mulf %sub3A_1713, %sub3A_1713 : vector<1x8x128xf32>
      %add3A_1716 = arith.addf %mul3A_1714, %mul3A_1715 : vector<1x8x128xf32>
      %mul3A_1717 = arith.mulf %sub3A_1705, %sub3A_1705 : vector<1x8x128xf32>
      %add3A_1718 = arith.addf %add3A_1716, %mul3A_1717 : vector<1x8x128xf32>
      %get3A_1719 = arith.constant 36 : index
      %get3A_1720 = arith.constant 0 : index
      %get3A_1721 = arith.constant 0 : index
      %get3A_1722 = vector.load %arg2[%get3A_1719, %get3A_1720, %get3A_1721] : memref<49x8x128xf32, #tpu.memory_space<vmem>>, vector<1x8x128xf32>
      %min3A_1723 = arith.minimumf %get3A_1722, %add3A_1718 : vector<1x8x128xf32>
      %swap3A_1724 = arith.constant 36 : index
      %swap3A_1725 = arith.constant 0 : index
      %swap3A_1726 = arith.constant 0 : index
      %swap3A_1727 = vector.load %arg2[%swap3A_1724, %swap3A_1725, %swap3A_1726] : memref<49x8x128xf32, #tpu.memory_space<vmem>>, vector<1x8x128xf32>
      tpu.vector_store %arg2[%swap3A_1724, %swap3A_1725, %swap3A_1726], %min3A_1723 {strides = array<i32>} : memref<49x8x128xf32, #tpu.memory_space<vmem>>, vector<1x8x128xf32>,
      %gt3A_1728 = arith.cmpf ogt, %min3A_1723, %select_n3A_1686 : vector<1x8x128xf32>
      %select_n3A_1729 = arith.select %gt3A_1728, %min3A_1723, %select_n3A_1686 : vector<1x8x128xi1>, vector<1x8x128xf32>
      %jit3A_1730 = arith.constant 36 : i32
      %broadcast_in_dim3A_1731 = vector.broadcast %jit3A_1730 : i32 to vector<1x8x128xi32>
      %select_n3A_1732 = arith.select %gt3A_1728, %broadcast_in_dim3A_1731, %select_n3A_1689 : vector<1x8x128xi1>, vector<1x8x128xi32>
      %get3A_1733 = arith.constant 0 : index
      %get3A_1734 = arith.constant 37 : index
      %get3A_1735 = arith.constant 0 : index
      %get3A_1736 = arith.constant 0 : index
      %get3A_1737 = vector.load %arg0[%get3A_1733, %get3A_1734, %get3A_1735, %get3A_1736] : memref<3x49x8x128xf32, #tpu.memory_space<vmem>>, vector<1x1x8x128xf32>
      %get3A_1738 = vector.shape_cast %get3A_1737 : vector<1x1x8x128xf32> to vector<1x8x128xf32>
      %sub3A_1739 = vector.broadcast %reduce_sum3A_119 : f32 to vector<1x8x128xf32>
      %sub3A_1740 = arith.subf %get3A_1738, %sub3A_1739 : vector<1x8x128xf32>
      %get3A_1741 = arith.constant 1 : index
      %get3A_1742 = arith.constant 37 : index
      %get3A_1743 = arith.constant 0 : index
      %get3A_1744 = arith.constant 0 : index
      %get3A_1745 = vector.load %arg0[%get3A_1741, %get3A_1742, %get3A_1743, %get3A_1744] : memref<3x49x8x128xf32, #tpu.memory_space<vmem>>, vector<1x1x8x128xf32>
      %get3A_1746 = vector.shape_cast %get3A_1745 : vector<1x1x8x128xf32> to vector<1x8x128xf32>
      %sub3A_1747 = vector.broadcast %reduce_sum3A_129 : f32 to vector<1x8x128xf32>
      %sub3A_1748 = arith.subf %get3A_1746, %sub3A_1747 : vector<1x8x128xf32>
      %get3A_1749 = arith.constant 2 : index
      %get3A_1750 = arith.constant 37 : index
      %get3A_1751 = arith.constant 0 : index
      %get3A_1752 = arith.constant 0 : index
      %get3A_1753 = vector.load %arg0[%get3A_1749, %get3A_1750, %get3A_1751, %get3A_1752] : memref<3x49x8x128xf32, #tpu.memory_space<vmem>>, vector<1x1x8x128xf32>
      %get3A_1754 = vector.shape_cast %get3A_1753 : vector<1x1x8x128xf32> to vector<1x8x128xf32>
      %sub3A_1755 = vector.broadcast %reduce_sum3A_139 : f32 to vector<1x8x128xf32>
      %sub3A_1756 = arith.subf %get3A_1754, %sub3A_1755 : vector<1x8x128xf32>
      %mul3A_1757 = arith.mulf %sub3A_1740, %sub3A_1740 : vector<1x8x128xf32>
      %mul3A_1758 = arith.mulf %sub3A_1756, %sub3A_1756 : vector<1x8x128xf32>
      %add3A_1759 = arith.addf %mul3A_1757, %mul3A_1758 : vector<1x8x128xf32>
      %mul3A_1760 = arith.mulf %sub3A_1748, %sub3A_1748 : vector<1x8x128xf32>
      %add3A_1761 = arith.addf %add3A_1759, %mul3A_1760 : vector<1x8x128xf32>
      %get3A_1762 = arith.constant 37 : index
      %get3A_1763 = arith.constant 0 : index
      %get3A_1764 = arith.constant 0 : index
      %get3A_1765 = vector.load %arg2[%get3A_1762, %get3A_1763, %get3A_1764] : memref<49x8x128xf32, #tpu.memory_space<vmem>>, vector<1x8x128xf32>
      %min3A_1766 = arith.minimumf %get3A_1765, %add3A_1761 : vector<1x8x128xf32>
      %swap3A_1767 = arith.constant 37 : index
      %swap3A_1768 = arith.constant 0 : index
      %swap3A_1769 = arith.constant 0 : index
      %swap3A_1770 = vector.load %arg2[%swap3A_1767, %swap3A_1768, %swap3A_1769] : memref<49x8x128xf32, #tpu.memory_space<vmem>>, vector<1x8x128xf32>
      tpu.vector_store %arg2[%swap3A_1767, %swap3A_1768, %swap3A_1769], %min3A_1766 {strides = array<i32>} : memref<49x8x128xf32, #tpu.memory_space<vmem>>, vector<1x8x128xf32>,
      %gt3A_1771 = arith.cmpf ogt, %min3A_1766, %select_n3A_1729 : vector<1x8x128xf32>
      %select_n3A_1772 = arith.select %gt3A_1771, %min3A_1766, %select_n3A_1729 : vector<1x8x128xi1>, vector<1x8x128xf32>
      %jit3A_1773 = arith.constant 37 : i32
      %broadcast_in_dim3A_1774 = vector.broadcast %jit3A_1773 : i32 to vector<1x8x128xi32>
      %select_n3A_1775 = arith.select %gt3A_1771, %broadcast_in_dim3A_1774, %select_n3A_1732 : vector<1x8x128xi1>, vector<1x8x128xi32>
      %get3A_1776 = arith.constant 0 : index
      %get3A_1777 = arith.constant 38 : index
      %get3A_1778 = arith.constant 0 : index
      %get3A_1779 = arith.constant 0 : index
      %get3A_1780 = vector.load %arg0[%get3A_1776, %get3A_1777, %get3A_1778, %get3A_1779] : memref<3x49x8x128xf32, #tpu.memory_space<vmem>>, vector<1x1x8x128xf32>
      %get3A_1781 = vector.shape_cast %get3A_1780 : vector<1x1x8x128xf32> to vector<1x8x128xf32>
      %sub3A_1782 = vector.broadcast %reduce_sum3A_119 : f32 to vector<1x8x128xf32>
      %sub3A_1783 = arith.subf %get3A_1781, %sub3A_1782 : vector<1x8x128xf32>
      %get3A_1784 = arith.constant 1 : index
      %get3A_1785 = arith.constant 38 : index
      %get3A_1786 = arith.constant 0 : index
      %get3A_1787 = arith.constant 0 : index
      %get3A_1788 = vector.load %arg0[%get3A_1784, %get3A_1785, %get3A_1786, %get3A_1787] : memref<3x49x8x128xf32, #tpu.memory_space<vmem>>, vector<1x1x8x128xf32>
      %get3A_1789 = vector.shape_cast %get3A_1788 : vector<1x1x8x128xf32> to vector<1x8x128xf32>
      %sub3A_1790 = vector.broadcast %reduce_sum3A_129 : f32 to vector<1x8x128xf32>
      %sub3A_1791 = arith.subf %get3A_1789, %sub3A_1790 : vector<1x8x128xf32>
      %get3A_1792 = arith.constant 2 : index
      %get3A_1793 = arith.constant 38 : index
      %get3A_1794 = arith.constant 0 : index
      %get3A_1795 = arith.constant 0 : index
      %get3A_1796 = vector.load %arg0[%get3A_1792, %get3A_1793, %get3A_1794, %get3A_1795] : memref<3x49x8x128xf32, #tpu.memory_space<vmem>>, vector<1x1x8x128xf32>
      %get3A_1797 = vector.shape_cast %get3A_1796 : vector<1x1x8x128xf32> to vector<1x8x128xf32>
      %sub3A_1798 = vector.broadcast %reduce_sum3A_139 : f32 to vector<1x8x128xf32>
      %sub3A_1799 = arith.subf %get3A_1797, %sub3A_1798 : vector<1x8x128xf32>
      %mul3A_1800 = arith.mulf %sub3A_1783, %sub3A_1783 : vector<1x8x128xf32>
      %mul3A_1801 = arith.mulf %sub3A_1799, %sub3A_1799 : vector<1x8x128xf32>
      %add3A_1802 = arith.addf %mul3A_1800, %mul3A_1801 : vector<1x8x128xf32>
      %mul3A_1803 = arith.mulf %sub3A_1791, %sub3A_1791 : vector<1x8x128xf32>
      %add3A_1804 = arith.addf %add3A_1802, %mul3A_1803 : vector<1x8x128xf32>
      %get3A_1805 = arith.constant 38 : index
      %get3A_1806 = arith.constant 0 : index
      %get3A_1807 = arith.constant 0 : index
      %get3A_1808 = vector.load %arg2[%get3A_1805, %get3A_1806, %get3A_1807] : memref<49x8x128xf32, #tpu.memory_space<vmem>>, vector<1x8x128xf32>
      %min3A_1809 = arith.minimumf %get3A_1808, %add3A_1804 : vector<1x8x128xf32>
      %swap3A_1810 = arith.constant 38 : index
      %swap3A_1811 = arith.constant 0 : index
      %swap3A_1812 = arith.constant 0 : index
      %swap3A_1813 = vector.load %arg2[%swap3A_1810, %swap3A_1811, %swap3A_1812] : memref<49x8x128xf32, #tpu.memory_space<vmem>>, vector<1x8x128xf32>
      tpu.vector_store %arg2[%swap3A_1810, %swap3A_1811, %swap3A_1812], %min3A_1809 {strides = array<i32>} : memref<49x8x128xf32, #tpu.memory_space<vmem>>, vector<1x8x128xf32>,
      %gt3A_1814 = arith.cmpf ogt, %min3A_1809, %select_n3A_1772 : vector<1x8x128xf32>
      %select_n3A_1815 = arith.select %gt3A_1814, %min3A_1809, %select_n3A_1772 : vector<1x8x128xi1>, vector<1x8x128xf32>
      %jit3A_1816 = arith.constant 38 : i32
      %broadcast_in_dim3A_1817 = vector.broadcast %jit3A_1816 : i32 to vector<1x8x128xi32>
      %select_n3A_1818 = arith.select %gt3A_1814, %broadcast_in_dim3A_1817, %select_n3A_1775 : vector<1x8x128xi1>, vector<1x8x128xi32>
      %get3A_1819 = arith.constant 0 : index
      %get3A_1820 = arith.constant 39 : index
      %get3A_1821 = arith.constant 0 : index
      %get3A_1822 = arith.constant 0 : index
      %get3A_1823 = vector.load %arg0[%get3A_1819, %get3A_1820, %get3A_1821, %get3A_1822] : memref<3x49x8x128xf32, #tpu.memory_space<vmem>>, vector<1x1x8x128xf32>
      %get3A_1824 = vector.shape_cast %get3A_1823 : vector<1x1x8x128xf32> to vector<1x8x128xf32>
      %sub3A_1825 = vector.broadcast %reduce_sum3A_119 : f32 to vector<1x8x128xf32>
      %sub3A_1826 = arith.subf %get3A_1824, %sub3A_1825 : vector<1x8x128xf32>
      %get3A_1827 = arith.constant 1 : index
      %get3A_1828 = arith.constant 39 : index
      %get3A_1829 = arith.constant 0 : index
      %get3A_1830 = arith.constant 0 : index
      %get3A_1831 = vector.load %arg0[%get3A_1827, %get3A_1828, %get3A_1829, %get3A_1830] : memref<3x49x8x128xf32, #tpu.memory_space<vmem>>, vector<1x1x8x128xf32>
      %get3A_1832 = vector.shape_cast %get3A_1831 : vector<1x1x8x128xf32> to vector<1x8x128xf32>
      %sub3A_1833 = vector.broadcast %reduce_sum3A_129 : f32 to vector<1x8x128xf32>
      %sub3A_1834 = arith.subf %get3A_1832, %sub3A_1833 : vector<1x8x128xf32>
      %get3A_1835 = arith.constant 2 : index
      %get3A_1836 = arith.constant 39 : index
      %get3A_1837 = arith.constant 0 : index
      %get3A_1838 = arith.constant 0 : index
      %get3A_1839 = vector.load %arg0[%get3A_1835, %get3A_1836, %get3A_1837, %get3A_1838] : memref<3x49x8x128xf32, #tpu.memory_space<vmem>>, vector<1x1x8x128xf32>
      %get3A_1840 = vector.shape_cast %get3A_1839 : vector<1x1x8x128xf32> to vector<1x8x128xf32>
      %sub3A_1841 = vector.broadcast %reduce_sum3A_139 : f32 to vector<1x8x128xf32>
      %sub3A_1842 = arith.subf %get3A_1840, %sub3A_1841 : vector<1x8x128xf32>
      %mul3A_1843 = arith.mulf %sub3A_1826, %sub3A_1826 : vector<1x8x128xf32>
      %mul3A_1844 = arith.mulf %sub3A_1842, %sub3A_1842 : vector<1x8x128xf32>
      %add3A_1845 = arith.addf %mul3A_1843, %mul3A_1844 : vector<1x8x128xf32>
      %mul3A_1846 = arith.mulf %sub3A_1834, %sub3A_1834 : vector<1x8x128xf32>
      %add3A_1847 = arith.addf %add3A_1845, %mul3A_1846 : vector<1x8x128xf32>
      %get3A_1848 = arith.constant 39 : index
      %get3A_1849 = arith.constant 0 : index
      %get3A_1850 = arith.constant 0 : index
      %get3A_1851 = vector.load %arg2[%get3A_1848, %get3A_1849, %get3A_1850] : memref<49x8x128xf32, #tpu.memory_space<vmem>>, vector<1x8x128xf32>
      %min3A_1852 = arith.minimumf %get3A_1851, %add3A_1847 : vector<1x8x128xf32>
      %swap3A_1853 = arith.constant 39 : index
      %swap3A_1854 = arith.constant 0 : index
      %swap3A_1855 = arith.constant 0 : index
      %swap3A_1856 = vector.load %arg2[%swap3A_1853, %swap3A_1854, %swap3A_1855] : memref<49x8x128xf32, #tpu.memory_space<vmem>>, vector<1x8x128xf32>
      tpu.vector_store %arg2[%swap3A_1853, %swap3A_1854, %swap3A_1855], %min3A_1852 {strides = array<i32>} : memref<49x8x128xf32, #tpu.memory_space<vmem>>, vector<1x8x128xf32>,
      %gt3A_1857 = arith.cmpf ogt, %min3A_1852, %select_n3A_1815 : vector<1x8x128xf32>
      %select_n3A_1858 = arith.select %gt3A_1857, %min3A_1852, %select_n3A_1815 : vector<1x8x128xi1>, vector<1x8x128xf32>
      %jit3A_1859 = arith.constant 39 : i32
      %broadcast_in_dim3A_1860 = vector.broadcast %jit3A_1859 : i32 to vector<1x8x128xi32>
      %select_n3A_1861 = arith.select %gt3A_1857, %broadcast_in_dim3A_1860, %select_n3A_1818 : vector<1x8x128xi1>, vector<1x8x128xi32>
      %get3A_1862 = arith.constant 0 : index
      %get3A_1863 = arith.constant 40 : index
      %get3A_1864 = arith.constant 0 : index
      %get3A_1865 = arith.constant 0 : index
      %get3A_1866 = vector.load %arg0[%get3A_1862, %get3A_1863, %get3A_1864, %get3A_1865] : memref<3x49x8x128xf32, #tpu.memory_space<vmem>>, vector<1x1x8x128xf32>
      %get3A_1867 = vector.shape_cast %get3A_1866 : vector<1x1x8x128xf32> to vector<1x8x128xf32>
      %sub3A_1868 = vector.broadcast %reduce_sum3A_119 : f32 to vector<1x8x128xf32>
      %sub3A_1869 = arith.subf %get3A_1867, %sub3A_1868 : vector<1x8x128xf32>
      %get3A_1870 = arith.constant 1 : index
      %get3A_1871 = arith.constant 40 : index
      %get3A_1872 = arith.constant 0 : index
      %get3A_1873 = arith.constant 0 : index
      %get3A_1874 = vector.load %arg0[%get3A_1870, %get3A_1871, %get3A_1872, %get3A_1873] : memref<3x49x8x128xf32, #tpu.memory_space<vmem>>, vector<1x1x8x128xf32>
      %get3A_1875 = vector.shape_cast %get3A_1874 : vector<1x1x8x128xf32> to vector<1x8x128xf32>
      %sub3A_1876 = vector.broadcast %reduce_sum3A_129 : f32 to vector<1x8x128xf32>
      %sub3A_1877 = arith.subf %get3A_1875, %sub3A_1876 : vector<1x8x128xf32>
      %get3A_1878 = arith.constant 2 : index
      %get3A_1879 = arith.constant 40 : index
      %get3A_1880 = arith.constant 0 : index
      %get3A_1881 = arith.constant 0 : index
      %get3A_1882 = vector.load %arg0[%get3A_1878, %get3A_1879, %get3A_1880, %get3A_1881] : memref<3x49x8x128xf32, #tpu.memory_space<vmem>>, vector<1x1x8x128xf32>
      %get3A_1883 = vector.shape_cast %get3A_1882 : vector<1x1x8x128xf32> to vector<1x8x128xf32>
      %sub3A_1884 = vector.broadcast %reduce_sum3A_139 : f32 to vector<1x8x128xf32>
      %sub3A_1885 = arith.subf %get3A_1883, %sub3A_1884 : vector<1x8x128xf32>
      %mul3A_1886 = arith.mulf %sub3A_1869, %sub3A_1869 : vector<1x8x128xf32>
      %mul3A_1887 = arith.mulf %sub3A_1885, %sub3A_1885 : vector<1x8x128xf32>
      %add3A_1888 = arith.addf %mul3A_1886, %mul3A_1887 : vector<1x8x128xf32>
      %mul3A_1889 = arith.mulf %sub3A_1877, %sub3A_1877 : vector<1x8x128xf32>
      %add3A_1890 = arith.addf %add3A_1888, %mul3A_1889 : vector<1x8x128xf32>
      %get3A_1891 = arith.constant 40 : index
      %get3A_1892 = arith.constant 0 : index
      %get3A_1893 = arith.constant 0 : index
      %get3A_1894 = vector.load %arg2[%get3A_1891, %get3A_1892, %get3A_1893] : memref<49x8x128xf32, #tpu.memory_space<vmem>>, vector<1x8x128xf32>
      %min3A_1895 = arith.minimumf %get3A_1894, %add3A_1890 : vector<1x8x128xf32>
      %swap3A_1896 = arith.constant 40 : index
      %swap3A_1897 = arith.constant 0 : index
      %swap3A_1898 = arith.constant 0 : index
      %swap3A_1899 = vector.load %arg2[%swap3A_1896, %swap3A_1897, %swap3A_1898] : memref<49x8x128xf32, #tpu.memory_space<vmem>>, vector<1x8x128xf32>
      tpu.vector_store %arg2[%swap3A_1896, %swap3A_1897, %swap3A_1898], %min3A_1895 {strides = array<i32>} : memref<49x8x128xf32, #tpu.memory_space<vmem>>, vector<1x8x128xf32>,
      %gt3A_1900 = arith.cmpf ogt, %min3A_1895, %select_n3A_1858 : vector<1x8x128xf32>
      %select_n3A_1901 = arith.select %gt3A_1900, %min3A_1895, %select_n3A_1858 : vector<1x8x128xi1>, vector<1x8x128xf32>
      %jit3A_1902 = arith.constant 40 : i32
      %broadcast_in_dim3A_1903 = vector.broadcast %jit3A_1902 : i32 to vector<1x8x128xi32>
      %select_n3A_1904 = arith.select %gt3A_1900, %broadcast_in_dim3A_1903, %select_n3A_1861 : vector<1x8x128xi1>, vector<1x8x128xi32>
      %get3A_1905 = arith.constant 0 : index
      %get3A_1906 = arith.constant 41 : index
      %get3A_1907 = arith.constant 0 : index
      %get3A_1908 = arith.constant 0 : index
      %get3A_1909 = vector.load %arg0[%get3A_1905, %get3A_1906, %get3A_1907, %get3A_1908] : memref<3x49x8x128xf32, #tpu.memory_space<vmem>>, vector<1x1x8x128xf32>
      %get3A_1910 = vector.shape_cast %get3A_1909 : vector<1x1x8x128xf32> to vector<1x8x128xf32>
      %sub3A_1911 = vector.broadcast %reduce_sum3A_119 : f32 to vector<1x8x128xf32>
      %sub3A_1912 = arith.subf %get3A_1910, %sub3A_1911 : vector<1x8x128xf32>
      %get3A_1913 = arith.constant 1 : index
      %get3A_1914 = arith.constant 41 : index
      %get3A_1915 = arith.constant 0 : index
      %get3A_1916 = arith.constant 0 : index
      %get3A_1917 = vector.load %arg0[%get3A_1913, %get3A_1914, %get3A_1915, %get3A_1916] : memref<3x49x8x128xf32, #tpu.memory_space<vmem>>, vector<1x1x8x128xf32>
      %get3A_1918 = vector.shape_cast %get3A_1917 : vector<1x1x8x128xf32> to vector<1x8x128xf32>
      %sub3A_1919 = vector.broadcast %reduce_sum3A_129 : f32 to vector<1x8x128xf32>
      %sub3A_1920 = arith.subf %get3A_1918, %sub3A_1919 : vector<1x8x128xf32>
      %get3A_1921 = arith.constant 2 : index
      %get3A_1922 = arith.constant 41 : index
      %get3A_1923 = arith.constant 0 : index
      %get3A_1924 = arith.constant 0 : index
      %get3A_1925 = vector.load %arg0[%get3A_1921, %get3A_1922, %get3A_1923, %get3A_1924] : memref<3x49x8x128xf32, #tpu.memory_space<vmem>>, vector<1x1x8x128xf32>
      %get3A_1926 = vector.shape_cast %get3A_1925 : vector<1x1x8x128xf32> to vector<1x8x128xf32>
      %sub3A_1927 = vector.broadcast %reduce_sum3A_139 : f32 to vector<1x8x128xf32>
      %sub3A_1928 = arith.subf %get3A_1926, %sub3A_1927 : vector<1x8x128xf32>
      %mul3A_1929 = arith.mulf %sub3A_1912, %sub3A_1912 : vector<1x8x128xf32>
      %mul3A_1930 = arith.mulf %sub3A_1928, %sub3A_1928 : vector<1x8x128xf32>
      %add3A_1931 = arith.addf %mul3A_1929, %mul3A_1930 : vector<1x8x128xf32>
      %mul3A_1932 = arith.mulf %sub3A_1920, %sub3A_1920 : vector<1x8x128xf32>
      %add3A_1933 = arith.addf %add3A_1931, %mul3A_1932 : vector<1x8x128xf32>
      %get3A_1934 = arith.constant 41 : index
      %get3A_1935 = arith.constant 0 : index
      %get3A_1936 = arith.constant 0 : index
      %get3A_1937 = vector.load %arg2[%get3A_1934, %get3A_1935, %get3A_1936] : memref<49x8x128xf32, #tpu.memory_space<vmem>>, vector<1x8x128xf32>
      %min3A_1938 = arith.minimumf %get3A_1937, %add3A_1933 : vector<1x8x128xf32>
      %swap3A_1939 = arith.constant 41 : index
      %swap3A_1940 = arith.constant 0 : index
      %swap3A_1941 = arith.constant 0 : index
      %swap3A_1942 = vector.load %arg2[%swap3A_1939, %swap3A_1940, %swap3A_1941] : memref<49x8x128xf32, #tpu.memory_space<vmem>>, vector<1x8x128xf32>
      tpu.vector_store %arg2[%swap3A_1939, %swap3A_1940, %swap3A_1941], %min3A_1938 {strides = array<i32>} : memref<49x8x128xf32, #tpu.memory_space<vmem>>, vector<1x8x128xf32>,
      %gt3A_1943 = arith.cmpf ogt, %min3A_1938, %select_n3A_1901 : vector<1x8x128xf32>
      %select_n3A_1944 = arith.select %gt3A_1943, %min3A_1938, %select_n3A_1901 : vector<1x8x128xi1>, vector<1x8x128xf32>
      %jit3A_1945 = arith.constant 41 : i32
      %broadcast_in_dim3A_1946 = vector.broadcast %jit3A_1945 : i32 to vector<1x8x128xi32>
      %select_n3A_1947 = arith.select %gt3A_1943, %broadcast_in_dim3A_1946, %select_n3A_1904 : vector<1x8x128xi1>, vector<1x8x128xi32>
      %get3A_1948 = arith.constant 0 : index
      %get3A_1949 = arith.constant 42 : index
      %get3A_1950 = arith.constant 0 : index
      %get3A_1951 = arith.constant 0 : index
      %get3A_1952 = vector.load %arg0[%get3A_1948, %get3A_1949, %get3A_1950, %get3A_1951] : memref<3x49x8x128xf32, #tpu.memory_space<vmem>>, vector<1x1x8x128xf32>
      %get3A_1953 = vector.shape_cast %get3A_1952 : vector<1x1x8x128xf32> to vector<1x8x128xf32>
      %sub3A_1954 = vector.broadcast %reduce_sum3A_119 : f32 to vector<1x8x128xf32>
      %sub3A_1955 = arith.subf %get3A_1953, %sub3A_1954 : vector<1x8x128xf32>
      %get3A_1956 = arith.constant 1 : index
      %get3A_1957 = arith.constant 42 : index
      %get3A_1958 = arith.constant 0 : index
      %get3A_1959 = arith.constant 0 : index
      %get3A_1960 = vector.load %arg0[%get3A_1956, %get3A_1957, %get3A_1958, %get3A_1959] : memref<3x49x8x128xf32, #tpu.memory_space<vmem>>, vector<1x1x8x128xf32>
      %get3A_1961 = vector.shape_cast %get3A_1960 : vector<1x1x8x128xf32> to vector<1x8x128xf32>
      %sub3A_1962 = vector.broadcast %reduce_sum3A_129 : f32 to vector<1x8x128xf32>
      %sub3A_1963 = arith.subf %get3A_1961, %sub3A_1962 : vector<1x8x128xf32>
      %get3A_1964 = arith.constant 2 : index
      %get3A_1965 = arith.constant 42 : index
      %get3A_1966 = arith.constant 0 : index
      %get3A_1967 = arith.constant 0 : index
      %get3A_1968 = vector.load %arg0[%get3A_1964, %get3A_1965, %get3A_1966, %get3A_1967] : memref<3x49x8x128xf32, #tpu.memory_space<vmem>>, vector<1x1x8x128xf32>
      %get3A_1969 = vector.shape_cast %get3A_1968 : vector<1x1x8x128xf32> to vector<1x8x128xf32>
      %sub3A_1970 = vector.broadcast %reduce_sum3A_139 : f32 to vector<1x8x128xf32>
      %sub3A_1971 = arith.subf %get3A_1969, %sub3A_1970 : vector<1x8x128xf32>
      %mul3A_1972 = arith.mulf %sub3A_1955, %sub3A_1955 : vector<1x8x128xf32>
      %mul3A_1973 = arith.mulf %sub3A_1971, %sub3A_1971 : vector<1x8x128xf32>
      %add3A_1974 = arith.addf %mul3A_1972, %mul3A_1973 : vector<1x8x128xf32>
      %mul3A_1975 = arith.mulf %sub3A_1963, %sub3A_1963 : vector<1x8x128xf32>
      %add3A_1976 = arith.addf %add3A_1974, %mul3A_1975 : vector<1x8x128xf32>
      %get3A_1977 = arith.constant 42 : index
      %get3A_1978 = arith.constant 0 : index
      %get3A_1979 = arith.constant 0 : index
      %get3A_1980 = vector.load %arg2[%get3A_1977, %get3A_1978, %get3A_1979] : memref<49x8x128xf32, #tpu.memory_space<vmem>>, vector<1x8x128xf32>
      %min3A_1981 = arith.minimumf %get3A_1980, %add3A_1976 : vector<1x8x128xf32>
      %swap3A_1982 = arith.constant 42 : index
      %swap3A_1983 = arith.constant 0 : index
      %swap3A_1984 = arith.constant 0 : index
      %swap3A_1985 = vector.load %arg2[%swap3A_1982, %swap3A_1983, %swap3A_1984] : memref<49x8x128xf32, #tpu.memory_space<vmem>>, vector<1x8x128xf32>
      tpu.vector_store %arg2[%swap3A_1982, %swap3A_1983, %swap3A_1984], %min3A_1981 {strides = array<i32>} : memref<49x8x128xf32, #tpu.memory_space<vmem>>, vector<1x8x128xf32>,
      %gt3A_1986 = arith.cmpf ogt, %min3A_1981, %select_n3A_1944 : vector<1x8x128xf32>
      %select_n3A_1987 = arith.select %gt3A_1986, %min3A_1981, %select_n3A_1944 : vector<1x8x128xi1>, vector<1x8x128xf32>
      %jit3A_1988 = arith.constant 42 : i32
      %broadcast_in_dim3A_1989 = vector.broadcast %jit3A_1988 : i32 to vector<1x8x128xi32>
      %select_n3A_1990 = arith.select %gt3A_1986, %broadcast_in_dim3A_1989, %select_n3A_1947 : vector<1x8x128xi1>, vector<1x8x128xi32>
      %get3A_1991 = arith.constant 0 : index
      %get3A_1992 = arith.constant 43 : index
      %get3A_1993 = arith.constant 0 : index
      %get3A_1994 = arith.constant 0 : index
      %get3A_1995 = vector.load %arg0[%get3A_1991, %get3A_1992, %get3A_1993, %get3A_1994] : memref<3x49x8x128xf32, #tpu.memory_space<vmem>>, vector<1x1x8x128xf32>
      %get3A_1996 = vector.shape_cast %get3A_1995 : vector<1x1x8x128xf32> to vector<1x8x128xf32>
      %sub3A_1997 = vector.broadcast %reduce_sum3A_119 : f32 to vector<1x8x128xf32>
      %sub3A_1998 = arith.subf %get3A_1996, %sub3A_1997 : vector<1x8x128xf32>
      %get3A_1999 = arith.constant 1 : index
      %get3A_2000 = arith.constant 43 : index
      %get3A_2001 = arith.constant 0 : index
      %get3A_2002 = arith.constant 0 : index
      %get3A_2003 = vector.load %arg0[%get3A_1999, %get3A_2000, %get3A_2001, %get3A_2002] : memref<3x49x8x128xf32, #tpu.memory_space<vmem>>, vector<1x1x8x128xf32>
      %get3A_2004 = vector.shape_cast %get3A_2003 : vector<1x1x8x128xf32> to vector<1x8x128xf32>
      %sub3A_2005 = vector.broadcast %reduce_sum3A_129 : f32 to vector<1x8x128xf32>
      %sub3A_2006 = arith.subf %get3A_2004, %sub3A_2005 : vector<1x8x128xf32>
      %get3A_2007 = arith.constant 2 : index
      %get3A_2008 = arith.constant 43 : index
      %get3A_2009 = arith.constant 0 : index
      %get3A_2010 = arith.constant 0 : index
      %get3A_2011 = vector.load %arg0[%get3A_2007, %get3A_2008, %get3A_2009, %get3A_2010] : memref<3x49x8x128xf32, #tpu.memory_space<vmem>>, vector<1x1x8x128xf32>
      %get3A_2012 = vector.shape_cast %get3A_2011 : vector<1x1x8x128xf32> to vector<1x8x128xf32>
      %sub3A_2013 = vector.broadcast %reduce_sum3A_139 : f32 to vector<1x8x128xf32>
      %sub3A_2014 = arith.subf %get3A_2012, %sub3A_2013 : vector<1x8x128xf32>
      %mul3A_2015 = arith.mulf %sub3A_1998, %sub3A_1998 : vector<1x8x128xf32>
      %mul3A_2016 = arith.mulf %sub3A_2014, %sub3A_2014 : vector<1x8x128xf32>
      %add3A_2017 = arith.addf %mul3A_2015, %mul3A_2016 : vector<1x8x128xf32>
      %mul3A_2018 = arith.mulf %sub3A_2006, %sub3A_2006 : vector<1x8x128xf32>
      %add3A_2019 = arith.addf %add3A_2017, %mul3A_2018 : vector<1x8x128xf32>
      %get3A_2020 = arith.constant 43 : index
      %get3A_2021 = arith.constant 0 : index
      %get3A_2022 = arith.constant 0 : index
      %get3A_2023 = vector.load %arg2[%get3A_2020, %get3A_2021, %get3A_2022] : memref<49x8x128xf32, #tpu.memory_space<vmem>>, vector<1x8x128xf32>
      %min3A_2024 = arith.minimumf %get3A_2023, %add3A_2019 : vector<1x8x128xf32>
      %swap3A_2025 = arith.constant 43 : index
      %swap3A_2026 = arith.constant 0 : index
      %swap3A_2027 = arith.constant 0 : index
      %swap3A_2028 = vector.load %arg2[%swap3A_2025, %swap3A_2026, %swap3A_2027] : memref<49x8x128xf32, #tpu.memory_space<vmem>>, vector<1x8x128xf32>
      tpu.vector_store %arg2[%swap3A_2025, %swap3A_2026, %swap3A_2027], %min3A_2024 {strides = array<i32>} : memref<49x8x128xf32, #tpu.memory_space<vmem>>, vector<1x8x128xf32>,
      %gt3A_2029 = arith.cmpf ogt, %min3A_2024, %select_n3A_1987 : vector<1x8x128xf32>
      %select_n3A_2030 = arith.select %gt3A_2029, %min3A_2024, %select_n3A_1987 : vector<1x8x128xi1>, vector<1x8x128xf32>
      %jit3A_2031 = arith.constant 43 : i32
      %broadcast_in_dim3A_2032 = vector.broadcast %jit3A_2031 : i32 to vector<1x8x128xi32>
      %select_n3A_2033 = arith.select %gt3A_2029, %broadcast_in_dim3A_2032, %select_n3A_1990 : vector<1x8x128xi1>, vector<1x8x128xi32>
      %get3A_2034 = arith.constant 0 : index
      %get3A_2035 = arith.constant 44 : index
      %get3A_2036 = arith.constant 0 : index
      %get3A_2037 = arith.constant 0 : index
      %get3A_2038 = vector.load %arg0[%get3A_2034, %get3A_2035, %get3A_2036, %get3A_2037] : memref<3x49x8x128xf32, #tpu.memory_space<vmem>>, vector<1x1x8x128xf32>
      %get3A_2039 = vector.shape_cast %get3A_2038 : vector<1x1x8x128xf32> to vector<1x8x128xf32>
      %sub3A_2040 = vector.broadcast %reduce_sum3A_119 : f32 to vector<1x8x128xf32>
      %sub3A_2041 = arith.subf %get3A_2039, %sub3A_2040 : vector<1x8x128xf32>
      %get3A_2042 = arith.constant 1 : index
      %get3A_2043 = arith.constant 44 : index
      %get3A_2044 = arith.constant 0 : index
      %get3A_2045 = arith.constant 0 : index
      %get3A_2046 = vector.load %arg0[%get3A_2042, %get3A_2043, %get3A_2044, %get3A_2045] : memref<3x49x8x128xf32, #tpu.memory_space<vmem>>, vector<1x1x8x128xf32>
      %get3A_2047 = vector.shape_cast %get3A_2046 : vector<1x1x8x128xf32> to vector<1x8x128xf32>
      %sub3A_2048 = vector.broadcast %reduce_sum3A_129 : f32 to vector<1x8x128xf32>
      %sub3A_2049 = arith.subf %get3A_2047, %sub3A_2048 : vector<1x8x128xf32>
      %get3A_2050 = arith.constant 2 : index
      %get3A_2051 = arith.constant 44 : index
      %get3A_2052 = arith.constant 0 : index
      %get3A_2053 = arith.constant 0 : index
      %get3A_2054 = vector.load %arg0[%get3A_2050, %get3A_2051, %get3A_2052, %get3A_2053] : memref<3x49x8x128xf32, #tpu.memory_space<vmem>>, vector<1x1x8x128xf32>
      %get3A_2055 = vector.shape_cast %get3A_2054 : vector<1x1x8x128xf32> to vector<1x8x128xf32>
      %sub3A_2056 = vector.broadcast %reduce_sum3A_139 : f32 to vector<1x8x128xf32>
      %sub3A_2057 = arith.subf %get3A_2055, %sub3A_2056 : vector<1x8x128xf32>
      %mul3A_2058 = arith.mulf %sub3A_2041, %sub3A_2041 : vector<1x8x128xf32>
      %mul3A_2059 = arith.mulf %sub3A_2057, %sub3A_2057 : vector<1x8x128xf32>
      %add3A_2060 = arith.addf %mul3A_2058, %mul3A_2059 : vector<1x8x128xf32>
      %mul3A_2061 = arith.mulf %sub3A_2049, %sub3A_2049 : vector<1x8x128xf32>
      %add3A_2062 = arith.addf %add3A_2060, %mul3A_2061 : vector<1x8x128xf32>
      %get3A_2063 = arith.constant 44 : index
      %get3A_2064 = arith.constant 0 : index
      %get3A_2065 = arith.constant 0 : index
      %get3A_2066 = vector.load %arg2[%get3A_2063, %get3A_2064, %get3A_2065] : memref<49x8x128xf32, #tpu.memory_space<vmem>>, vector<1x8x128xf32>
      %min3A_2067 = arith.minimumf %get3A_2066, %add3A_2062 : vector<1x8x128xf32>
      %swap3A_2068 = arith.constant 44 : index
      %swap3A_2069 = arith.constant 0 : index
      %swap3A_2070 = arith.constant 0 : index
      %swap3A_2071 = vector.load %arg2[%swap3A_2068, %swap3A_2069, %swap3A_2070] : memref<49x8x128xf32, #tpu.memory_space<vmem>>, vector<1x8x128xf32>
      tpu.vector_store %arg2[%swap3A_2068, %swap3A_2069, %swap3A_2070], %min3A_2067 {strides = array<i32>} : memref<49x8x128xf32, #tpu.memory_space<vmem>>, vector<1x8x128xf32>,
      %gt3A_2072 = arith.cmpf ogt, %min3A_2067, %select_n3A_2030 : vector<1x8x128xf32>
      %select_n3A_2073 = arith.select %gt3A_2072, %min3A_2067, %select_n3A_2030 : vector<1x8x128xi1>, vector<1x8x128xf32>
      %jit3A_2074 = arith.constant 44 : i32
      %broadcast_in_dim3A_2075 = vector.broadcast %jit3A_2074 : i32 to vector<1x8x128xi32>
      %select_n3A_2076 = arith.select %gt3A_2072, %broadcast_in_dim3A_2075, %select_n3A_2033 : vector<1x8x128xi1>, vector<1x8x128xi32>
      %get3A_2077 = arith.constant 0 : index
      %get3A_2078 = arith.constant 45 : index
      %get3A_2079 = arith.constant 0 : index
      %get3A_2080 = arith.constant 0 : index
      %get3A_2081 = vector.load %arg0[%get3A_2077, %get3A_2078, %get3A_2079, %get3A_2080] : memref<3x49x8x128xf32, #tpu.memory_space<vmem>>, vector<1x1x8x128xf32>
      %get3A_2082 = vector.shape_cast %get3A_2081 : vector<1x1x8x128xf32> to vector<1x8x128xf32>
      %sub3A_2083 = vector.broadcast %reduce_sum3A_119 : f32 to vector<1x8x128xf32>
      %sub3A_2084 = arith.subf %get3A_2082, %sub3A_2083 : vector<1x8x128xf32>
      %get3A_2085 = arith.constant 1 : index
      %get3A_2086 = arith.constant 45 : index
      %get3A_2087 = arith.constant 0 : index
      %get3A_2088 = arith.constant 0 : index
      %get3A_2089 = vector.load %arg0[%get3A_2085, %get3A_2086, %get3A_2087, %get3A_2088] : memref<3x49x8x128xf32, #tpu.memory_space<vmem>>, vector<1x1x8x128xf32>
      %get3A_2090 = vector.shape_cast %get3A_2089 : vector<1x1x8x128xf32> to vector<1x8x128xf32>
      %sub3A_2091 = vector.broadcast %reduce_sum3A_129 : f32 to vector<1x8x128xf32>
      %sub3A_2092 = arith.subf %get3A_2090, %sub3A_2091 : vector<1x8x128xf32>
      %get3A_2093 = arith.constant 2 : index
      %get3A_2094 = arith.constant 45 : index
      %get3A_2095 = arith.constant 0 : index
      %get3A_2096 = arith.constant 0 : index
      %get3A_2097 = vector.load %arg0[%get3A_2093, %get3A_2094, %get3A_2095, %get3A_2096] : memref<3x49x8x128xf32, #tpu.memory_space<vmem>>, vector<1x1x8x128xf32>
      %get3A_2098 = vector.shape_cast %get3A_2097 : vector<1x1x8x128xf32> to vector<1x8x128xf32>
      %sub3A_2099 = vector.broadcast %reduce_sum3A_139 : f32 to vector<1x8x128xf32>
      %sub3A_2100 = arith.subf %get3A_2098, %sub3A_2099 : vector<1x8x128xf32>
      %mul3A_2101 = arith.mulf %sub3A_2084, %sub3A_2084 : vector<1x8x128xf32>
      %mul3A_2102 = arith.mulf %sub3A_2100, %sub3A_2100 : vector<1x8x128xf32>
      %add3A_2103 = arith.addf %mul3A_2101, %mul3A_2102 : vector<1x8x128xf32>
      %mul3A_2104 = arith.mulf %sub3A_2092, %sub3A_2092 : vector<1x8x128xf32>
      %add3A_2105 = arith.addf %add3A_2103, %mul3A_2104 : vector<1x8x128xf32>
      %get3A_2106 = arith.constant 45 : index
      %get3A_2107 = arith.constant 0 : index
      %get3A_2108 = arith.constant 0 : index
      %get3A_2109 = vector.load %arg2[%get3A_2106, %get3A_2107, %get3A_2108] : memref<49x8x128xf32, #tpu.memory_space<vmem>>, vector<1x8x128xf32>
      %min3A_2110 = arith.minimumf %get3A_2109, %add3A_2105 : vector<1x8x128xf32>
      %swap3A_2111 = arith.constant 45 : index
      %swap3A_2112 = arith.constant 0 : index
      %swap3A_2113 = arith.constant 0 : index
      %swap3A_2114 = vector.load %arg2[%swap3A_2111, %swap3A_2112, %swap3A_2113] : memref<49x8x128xf32, #tpu.memory_space<vmem>>, vector<1x8x128xf32>
      tpu.vector_store %arg2[%swap3A_2111, %swap3A_2112, %swap3A_2113], %min3A_2110 {strides = array<i32>} : memref<49x8x128xf32, #tpu.memory_space<vmem>>, vector<1x8x128xf32>,
      %gt3A_2115 = arith.cmpf ogt, %min3A_2110, %select_n3A_2073 : vector<1x8x128xf32>
      %select_n3A_2116 = arith.select %gt3A_2115, %min3A_2110, %select_n3A_2073 : vector<1x8x128xi1>, vector<1x8x128xf32>
      %jit3A_2117 = arith.constant 45 : i32
      %broadcast_in_dim3A_2118 = vector.broadcast %jit3A_2117 : i32 to vector<1x8x128xi32>
      %select_n3A_2119 = arith.select %gt3A_2115, %broadcast_in_dim3A_2118, %select_n3A_2076 : vector<1x8x128xi1>, vector<1x8x128xi32>
      %get3A_2120 = arith.constant 0 : index
      %get3A_2121 = arith.constant 46 : index
      %get3A_2122 = arith.constant 0 : index
      %get3A_2123 = arith.constant 0 : index
      %get3A_2124 = vector.load %arg0[%get3A_2120, %get3A_2121, %get3A_2122, %get3A_2123] : memref<3x49x8x128xf32, #tpu.memory_space<vmem>>, vector<1x1x8x128xf32>
      %get3A_2125 = vector.shape_cast %get3A_2124 : vector<1x1x8x128xf32> to vector<1x8x128xf32>
      %sub3A_2126 = vector.broadcast %reduce_sum3A_119 : f32 to vector<1x8x128xf32>
      %sub3A_2127 = arith.subf %get3A_2125, %sub3A_2126 : vector<1x8x128xf32>
      %get3A_2128 = arith.constant 1 : index
      %get3A_2129 = arith.constant 46 : index
      %get3A_2130 = arith.constant 0 : index
      %get3A_2131 = arith.constant 0 : index
      %get3A_2132 = vector.load %arg0[%get3A_2128, %get3A_2129, %get3A_2130, %get3A_2131] : memref<3x49x8x128xf32, #tpu.memory_space<vmem>>, vector<1x1x8x128xf32>
      %get3A_2133 = vector.shape_cast %get3A_2132 : vector<1x1x8x128xf32> to vector<1x8x128xf32>
      %sub3A_2134 = vector.broadcast %reduce_sum3A_129 : f32 to vector<1x8x128xf32>
      %sub3A_2135 = arith.subf %get3A_2133, %sub3A_2134 : vector<1x8x128xf32>
      %get3A_2136 = arith.constant 2 : index
      %get3A_2137 = arith.constant 46 : index
      %get3A_2138 = arith.constant 0 : index
      %get3A_2139 = arith.constant 0 : index
      %get3A_2140 = vector.load %arg0[%get3A_2136, %get3A_2137, %get3A_2138, %get3A_2139] : memref<3x49x8x128xf32, #tpu.memory_space<vmem>>, vector<1x1x8x128xf32>
      %get3A_2141 = vector.shape_cast %get3A_2140 : vector<1x1x8x128xf32> to vector<1x8x128xf32>
      %sub3A_2142 = vector.broadcast %reduce_sum3A_139 : f32 to vector<1x8x128xf32>
      %sub3A_2143 = arith.subf %get3A_2141, %sub3A_2142 : vector<1x8x128xf32>
      %mul3A_2144 = arith.mulf %sub3A_2127, %sub3A_2127 : vector<1x8x128xf32>
      %mul3A_2145 = arith.mulf %sub3A_2143, %sub3A_2143 : vector<1x8x128xf32>
      %add3A_2146 = arith.addf %mul3A_2144, %mul3A_2145 : vector<1x8x128xf32>
      %mul3A_2147 = arith.mulf %sub3A_2135, %sub3A_2135 : vector<1x8x128xf32>
      %add3A_2148 = arith.addf %add3A_2146, %mul3A_2147 : vector<1x8x128xf32>
      %get3A_2149 = arith.constant 46 : index
      %get3A_2150 = arith.constant 0 : index
      %get3A_2151 = arith.constant 0 : index
      %get3A_2152 = vector.load %arg2[%get3A_2149, %get3A_2150, %get3A_2151] : memref<49x8x128xf32, #tpu.memory_space<vmem>>, vector<1x8x128xf32>
      %min3A_2153 = arith.minimumf %get3A_2152, %add3A_2148 : vector<1x8x128xf32>
      %swap3A_2154 = arith.constant 46 : index
      %swap3A_2155 = arith.constant 0 : index
      %swap3A_2156 = arith.constant 0 : index
      %swap3A_2157 = vector.load %arg2[%swap3A_2154, %swap3A_2155, %swap3A_2156] : memref<49x8x128xf32, #tpu.memory_space<vmem>>, vector<1x8x128xf32>
      tpu.vector_store %arg2[%swap3A_2154, %swap3A_2155, %swap3A_2156], %min3A_2153 {strides = array<i32>} : memref<49x8x128xf32, #tpu.memory_space<vmem>>, vector<1x8x128xf32>,
      %gt3A_2158 = arith.cmpf ogt, %min3A_2153, %select_n3A_2116 : vector<1x8x128xf32>
      %select_n3A_2159 = arith.select %gt3A_2158, %min3A_2153, %select_n3A_2116 : vector<1x8x128xi1>, vector<1x8x128xf32>
      %jit3A_2160 = arith.constant 46 : i32
      %broadcast_in_dim3A_2161 = vector.broadcast %jit3A_2160 : i32 to vector<1x8x128xi32>
      %select_n3A_2162 = arith.select %gt3A_2158, %broadcast_in_dim3A_2161, %select_n3A_2119 : vector<1x8x128xi1>, vector<1x8x128xi32>
      %get3A_2163 = arith.constant 0 : index
      %get3A_2164 = arith.constant 47 : index
      %get3A_2165 = arith.constant 0 : index
      %get3A_2166 = arith.constant 0 : index
      %get3A_2167 = vector.load %arg0[%get3A_2163, %get3A_2164, %get3A_2165, %get3A_2166] : memref<3x49x8x128xf32, #tpu.memory_space<vmem>>, vector<1x1x8x128xf32>
      %get3A_2168 = vector.shape_cast %get3A_2167 : vector<1x1x8x128xf32> to vector<1x8x128xf32>
      %sub3A_2169 = vector.broadcast %reduce_sum3A_119 : f32 to vector<1x8x128xf32>
      %sub3A_2170 = arith.subf %get3A_2168, %sub3A_2169 : vector<1x8x128xf32>
      %get3A_2171 = arith.constant 1 : index
      %get3A_2172 = arith.constant 47 : index
      %get3A_2173 = arith.constant 0 : index
      %get3A_2174 = arith.constant 0 : index
      %get3A_2175 = vector.load %arg0[%get3A_2171, %get3A_2172, %get3A_2173, %get3A_2174] : memref<3x49x8x128xf32, #tpu.memory_space<vmem>>, vector<1x1x8x128xf32>
      %get3A_2176 = vector.shape_cast %get3A_2175 : vector<1x1x8x128xf32> to vector<1x8x128xf32>
      %sub3A_2177 = vector.broadcast %reduce_sum3A_129 : f32 to vector<1x8x128xf32>
      %sub3A_2178 = arith.subf %get3A_2176, %sub3A_2177 : vector<1x8x128xf32>
      %get3A_2179 = arith.constant 2 : index
      %get3A_2180 = arith.constant 47 : index
      %get3A_2181 = arith.constant 0 : index
      %get3A_2182 = arith.constant 0 : index
      %get3A_2183 = vector.load %arg0[%get3A_2179, %get3A_2180, %get3A_2181, %get3A_2182] : memref<3x49x8x128xf32, #tpu.memory_space<vmem>>, vector<1x1x8x128xf32>
      %get3A_2184 = vector.shape_cast %get3A_2183 : vector<1x1x8x128xf32> to vector<1x8x128xf32>
      %sub3A_2185 = vector.broadcast %reduce_sum3A_139 : f32 to vector<1x8x128xf32>
      %sub3A_2186 = arith.subf %get3A_2184, %sub3A_2185 : vector<1x8x128xf32>
      %mul3A_2187 = arith.mulf %sub3A_2170, %sub3A_2170 : vector<1x8x128xf32>
      %mul3A_2188 = arith.mulf %sub3A_2186, %sub3A_2186 : vector<1x8x128xf32>
      %add3A_2189 = arith.addf %mul3A_2187, %mul3A_2188 : vector<1x8x128xf32>
      %mul3A_2190 = arith.mulf %sub3A_2178, %sub3A_2178 : vector<1x8x128xf32>
      %add3A_2191 = arith.addf %add3A_2189, %mul3A_2190 : vector<1x8x128xf32>
      %get3A_2192 = arith.constant 47 : index
      %get3A_2193 = arith.constant 0 : index
      %get3A_2194 = arith.constant 0 : index
      %get3A_2195 = vector.load %arg2[%get3A_2192, %get3A_2193, %get3A_2194] : memref<49x8x128xf32, #tpu.memory_space<vmem>>, vector<1x8x128xf32>
      %min3A_2196 = arith.minimumf %get3A_2195, %add3A_2191 : vector<1x8x128xf32>
      %swap3A_2197 = arith.constant 47 : index
      %swap3A_2198 = arith.constant 0 : index
      %swap3A_2199 = arith.constant 0 : index
      %swap3A_2200 = vector.load %arg2[%swap3A_2197, %swap3A_2198, %swap3A_2199] : memref<49x8x128xf32, #tpu.memory_space<vmem>>, vector<1x8x128xf32>
      tpu.vector_store %arg2[%swap3A_2197, %swap3A_2198, %swap3A_2199], %min3A_2196 {strides = array<i32>} : memref<49x8x128xf32, #tpu.memory_space<vmem>>, vector<1x8x128xf32>,
      %gt3A_2201 = arith.cmpf ogt, %min3A_2196, %select_n3A_2159 : vector<1x8x128xf32>
      %select_n3A_2202 = arith.select %gt3A_2201, %min3A_2196, %select_n3A_2159 : vector<1x8x128xi1>, vector<1x8x128xf32>
      %jit3A_2203 = arith.constant 47 : i32
      %broadcast_in_dim3A_2204 = vector.broadcast %jit3A_2203 : i32 to vector<1x8x128xi32>
      %select_n3A_2205 = arith.select %gt3A_2201, %broadcast_in_dim3A_2204, %select_n3A_2162 : vector<1x8x128xi1>, vector<1x8x128xi32>
      %get3A_2206 = arith.constant 0 : index
      %get3A_2207 = arith.constant 48 : index
      %get3A_2208 = arith.constant 0 : index
      %get3A_2209 = arith.constant 0 : index
      %get3A_2210 = vector.load %arg0[%get3A_2206, %get3A_2207, %get3A_2208, %get3A_2209] : memref<3x49x8x128xf32, #tpu.memory_space<vmem>>, vector<1x1x8x128xf32>
      %get3A_2211 = vector.shape_cast %get3A_2210 : vector<1x1x8x128xf32> to vector<1x8x128xf32>
      %sub3A_2212 = vector.broadcast %reduce_sum3A_119 : f32 to vector<1x8x128xf32>
      %sub3A_2213 = arith.subf %get3A_2211, %sub3A_2212 : vector<1x8x128xf32>
      %get3A_2214 = arith.constant 1 : index
      %get3A_2215 = arith.constant 48 : index
      %get3A_2216 = arith.constant 0 : index
      %get3A_2217 = arith.constant 0 : index
      %get3A_2218 = vector.load %arg0[%get3A_2214, %get3A_2215, %get3A_2216, %get3A_2217] : memref<3x49x8x128xf32, #tpu.memory_space<vmem>>, vector<1x1x8x128xf32>
      %get3A_2219 = vector.shape_cast %get3A_2218 : vector<1x1x8x128xf32> to vector<1x8x128xf32>
      %sub3A_2220 = vector.broadcast %reduce_sum3A_129 : f32 to vector<1x8x128xf32>
      %sub3A_2221 = arith.subf %get3A_2219, %sub3A_2220 : vector<1x8x128xf32>
      %get3A_2222 = arith.constant 2 : index
      %get3A_2223 = arith.constant 48 : index
      %get3A_2224 = arith.constant 0 : index
      %get3A_2225 = arith.constant 0 : index
      %get3A_2226 = vector.load %arg0[%get3A_2222, %get3A_2223, %get3A_2224, %get3A_2225] : memref<3x49x8x128xf32, #tpu.memory_space<vmem>>, vector<1x1x8x128xf32>
      %get3A_2227 = vector.shape_cast %get3A_2226 : vector<1x1x8x128xf32> to vector<1x8x128xf32>
      %sub3A_2228 = vector.broadcast %reduce_sum3A_139 : f32 to vector<1x8x128xf32>
      %sub3A_2229 = arith.subf %get3A_2227, %sub3A_2228 : vector<1x8x128xf32>
      %mul3A_2230 = arith.mulf %sub3A_2213, %sub3A_2213 : vector<1x8x128xf32>
      %mul3A_2231 = arith.mulf %sub3A_2229, %sub3A_2229 : vector<1x8x128xf32>
      %add3A_2232 = arith.addf %mul3A_2230, %mul3A_2231 : vector<1x8x128xf32>
      %mul3A_2233 = arith.mulf %sub3A_2221, %sub3A_2221 : vector<1x8x128xf32>
      %add3A_2234 = arith.addf %add3A_2232, %mul3A_2233 : vector<1x8x128xf32>
      %get3A_2235 = arith.constant 48 : index
      %get3A_2236 = arith.constant 0 : index
      %get3A_2237 = arith.constant 0 : index
      %get3A_2238 = vector.load %arg2[%get3A_2235, %get3A_2236, %get3A_2237] : memref<49x8x128xf32, #tpu.memory_space<vmem>>, vector<1x8x128xf32>
      %min3A_2239 = arith.minimumf %get3A_2238, %add3A_2234 : vector<1x8x128xf32>
      %swap3A_2240 = arith.constant 48 : index
      %swap3A_2241 = arith.constant 0 : index
      %swap3A_2242 = arith.constant 0 : index
      %swap3A_2243 = vector.load %arg2[%swap3A_2240, %swap3A_2241, %swap3A_2242] : memref<49x8x128xf32, #tpu.memory_space<vmem>>, vector<1x8x128xf32>
      tpu.vector_store %arg2[%swap3A_2240, %swap3A_2241, %swap3A_2242], %min3A_2239 {strides = array<i32>} : memref<49x8x128xf32, #tpu.memory_space<vmem>>, vector<1x8x128xf32>,
      %gt3A_2244 = arith.cmpf ogt, %min3A_2239, %select_n3A_2202 : vector<1x8x128xf32>
      %select_n3A_2245 = arith.select %gt3A_2244, %min3A_2239, %select_n3A_2202 : vector<1x8x128xi1>, vector<1x8x128xf32>
      %jit3A_2246 = arith.constant 48 : i32
      %broadcast_in_dim3A_2247 = vector.broadcast %jit3A_2246 : i32 to vector<1x8x128xi32>
      %select_n3A_2248 = arith.select %gt3A_2244, %broadcast_in_dim3A_2247, %select_n3A_2205 : vector<1x8x128xi1>, vector<1x8x128xi32>
      %reduce_max3A = vector.shape_cast %select_n3A_2245 : vector<1x8x128xf32> to vector<1x1x8x128xf32>
      %reduce_max3A_2249 = arith.constant dense<0xFF800000> : vector<1xf32>
      %reduce_max3A_2250 = vector.multi_reduction <maximumf>, %reduce_max3A, %reduce_max3A_2249 [1, 2, 3] : vector<1x1x8x128xf32> to vector<1xf32>
      %reduce_max3A_2251 = vector.shape_cast %reduce_max3A_2250 : vector<1xf32> to vector<1x1x1x1xf32>
      %reduce_max3A_2252 = vector.extract %reduce_max3A_2251[0, 0, 0, 0] : f32 from vector<1x1x1x1xf32>
      %mul3A_2253 = arith.constant 128 : i32
      %mul3A_2254 = vector.broadcast %mul3A_2253 : i32 to vector<1x8x128xi32>
      %mul3A_2255 = arith.muli %iota3A_106, %mul3A_2254 : vector<1x8x128xi32>
      %add3A_2256 = arith.addi %mul3A_2255, %iota3A_107 : vector<1x8x128xi32>
      %eq3A_2257 = vector.broadcast %reduce_max3A_2252 : f32 to vector<1x8x128xf32>
      %eq3A_2258 = arith.cmpf oeq, %select_n3A_2245, %eq3A_2257 : vector<1x8x128xf32>
      %mul3A_2259 = arith.constant 1024 : i32
      %mul3A_2260 = vector.broadcast %mul3A_2259 : i32 to vector<1x8x128xi32>
      %mul3A_2261 = arith.muli %select_n3A_2248, %mul3A_2260 : vector<1x8x128xi32>
      %add3A_2262 = arith.addi %mul3A_2261, %add3A_2256 : vector<1x8x128xi32>
      %jit3A_2263 = arith.constant 1073741824 : i32
      %broadcast_in_dim3A_2264 = vector.broadcast %jit3A_2263 : i32 to vector<1x8x128xi32>
      %select_n3A_2265 = arith.select %eq3A_2258, %add3A_2262, %broadcast_in_dim3A_2264 : vector<1x8x128xi1>, vector<1x8x128xi32>
      %reduce_min3A = vector.shape_cast %select_n3A_2265 : vector<1x8x128xi32> to vector<1x1x8x128xi32>
      %reduce_min3A_2266 = arith.constant dense<2147483647> : vector<1xi32>
      %reduce_min3A_2267 = vector.multi_reduction <minsi>, %reduce_min3A, %reduce_min3A_2266 [1, 2, 3] : vector<1x1x8x128xi32> to vector<1xi32>
      %reduce_min3A_2268 = vector.shape_cast %reduce_min3A_2267 : vector<1xi32> to vector<1x1x1x1xi32>
      %reduce_min3A_2269 = vector.extract %reduce_min3A_2268[0, 0, 0, 0] : i32 from vector<1x1x1x1xi32>
      %jit3A_2270 = arith.constant 128 : i32
      %eq3A_2271 = arith.constant 0 : i32
      %eq3A_2272 = arith.cmpi eq, %jit3A_2270, %eq3A_2271 : i32
      %jit3A_2273 = arith.constant 1 : i32
      %select_n3A_2274 = arith.select %eq3A_2272, %jit3A_2273, %jit3A_2270 : i32
      %rem3A_2275 = arith.remsi %scan3A_26, %select_n3A_2274 : i32
      %ne3A_2276 = arith.constant 0 : i32
      %ne3A_2277 = arith.cmpi ne, %rem3A_2275, %ne3A_2276 : i32
      %lt3A_2278 = arith.constant 0 : i32
      %lt3A_2279 = arith.cmpi slt, %rem3A_2275, %lt3A_2278 : i32
      %lt3A_2280 = arith.constant 0 : i32
      %lt3A_2281 = arith.cmpi slt, %select_n3A_2274, %lt3A_2280 : i32
      %ne3A_2282 = arith.xori %lt3A_2279, %lt3A_2281 : i1
      %and3A_2283 = arith.andi %ne3A_2282, %ne3A_2277 : i1
      %add3A_2284 = arith.addi %rem3A_2275, %select_n3A_2274 : i32
      %select_n3A_2285 = arith.select %and3A_2283, %add3A_2284, %rem3A_2275 : i32
      %iota3A_2286 = tpu.iota {dimensions = array<i32: 1>} : vector<1x128xi32>
      %eq3A_2287 = vector.broadcast %select_n3A_2285 : i32 to vector<1x128xi32>
      %eq3A_2288 = arith.cmpi eq, %iota3A_2286, %eq3A_2287 : vector<1x128xi32>
      %broadcast_in_dim3A_2289 = vector.broadcast %reduce_min3A_2269 : i32 to vector<1x128xi32>
      %select_n3A_2290 = arith.select %eq3A_2288, %broadcast_in_dim3A_2289, %scan3A_28 : vector<1x128xi1>, vector<1x128xi32>
      %eq3A_2291 = arith.constant 127 : i32
      %eq3A_2292 = arith.cmpi eq, %select_n3A_2285, %eq3A_2291 : i32
      %convert_element_type3A = arith.extui %eq3A_2292 : i1 to i32
      %cond3A = arith.constant 0 : i32
      %cond3A_2293 = arith.cmpi ne, %convert_element_type3A, %cond3A : i32
      scf.if %cond3A_2293 {
        %jit3A_2294 = arith.constant 128 : i32
        %div3A_2295 = arith.divsi %scan3A_26, %jit3A_2294 : i32
        %sign3A_2296 = arith.constant 0 : i32
        %sign3A_2297 = arith.cmpi sgt, %scan3A_26, %sign3A_2296 : i32
        %sign3A_2298 = arith.extui %sign3A_2297 : i1 to i32
        %sign3A_2299 = arith.constant 0 : i32
        %sign3A_2300 = arith.cmpi slt, %scan3A_26, %sign3A_2299 : i32
        %sign3A_2301 = arith.extui %sign3A_2300 : i1 to i32
        %sign3A_2302 = arith.subi %sign3A_2298, %sign3A_2301 : i32
        %sign3A_2303 = arith.constant 0 : i32
        %sign3A_2304 = arith.cmpi sgt, %jit3A_2294, %sign3A_2303 : i32
        %sign3A_2305 = arith.extui %sign3A_2304 : i1 to i32
        %sign3A_2306 = arith.constant 0 : i32
        %sign3A_2307 = arith.cmpi slt, %jit3A_2294, %sign3A_2306 : i32
        %sign3A_2308 = arith.extui %sign3A_2307 : i1 to i32
        %sign3A_2309 = arith.subi %sign3A_2305, %sign3A_2308 : i32
        %ne3A_2310 = arith.cmpi ne, %sign3A_2302, %sign3A_2309 : i32
        %rem3A_2311 = arith.remsi %scan3A_26, %jit3A_2294 : i32
        %ne3A_2312 = arith.constant 0 : i32
        %ne3A_2313 = arith.cmpi ne, %rem3A_2311, %ne3A_2312 : i32
        %and3A_2314 = arith.andi %ne3A_2310, %ne3A_2313 : i1
        %sub3A_2315 = arith.constant 1 : i32
        %sub3A_2316 = arith.subi %div3A_2295, %sub3A_2315 : i32
        %select_n3A_2317 = arith.select %and3A_2314, %sub3A_2316, %div3A_2295 : i32
        %swap3A_2318 = arith.index_cast %select_n3A_2317 : i32 to index
        %swap3A_2319 = arith.constant 0 : index
        %swap3A_2320 = vector.load %arg1[%swap3A_2318, %swap3A_2319] : memref<98x128xi32, #tpu.memory_space<vmem>>, vector<1x128xi32>
        tpu.vector_store %arg1[%swap3A_2318, %swap3A_2319], %select_n3A_2290 {strides = array<i32>} : memref<98x128xi32, #tpu.memory_space<vmem>>, vector<1x128xi32>,
      } else {
      }
      scf.yield %reduce_min3A_2269, %select_n3A_2290 : i32, vector<1x128xi32>
    }
    %scan3A_22 = arith.constant 12499 : i32
    %swap3A_23 = arith.constant 97 : index
    %swap3A_24 = arith.constant 0 : index
    %swap3A_25 = vector.load %arg1[%swap3A_23, %swap3A_24] : memref<98x128xi32, #tpu.memory_space<vmem>>, vector<1x128xi32>
    tpu.vector_store %arg1[%swap3A_23, %swap3A_24], %scan3A_21#1 {strides = array<i32>} : memref<98x128xi32, #tpu.memory_space<vmem>>, vector<1x128xi32>,
    return
  }
}

module attributes {stable_mosaic.version = 14 : i64} {
  func.func @_m1_body(%arg0: i32, %arg1: memref<256x136xf32, #tpu.memory_space<vmem>>, %arg2: memref<136x128xf32, #tpu.memory_space<vmem>>, %arg3: memref<256x128xf32, #tpu.memory_space<vmem>>) attributes {dimension_semantics = [#tpu.dimension_semantics<arbitrary>], iteration_bounds = array<i64: 245>, scalar_prefetch = 0 : i64, scratch_operands = 0 : i64, tpu.core_type = #tpu.core_type<tc>, window_params = [{transform_indices = @transform_0, window_bounds = array<i64: 256, 136>}, {pipeline_mode = #tpu.pipeline_mode<synchronous>, transform_indices = @transform_1, window_bounds = array<i64: 136, 128>}, {transform_indices = @transform_2, window_bounds = array<i64: 256, 128>}]} {
    %get3A = arith.constant 0 : index
    %get3A_0 = arith.constant 0 : index
    %get3A_1 = vector.load %arg1[%get3A, %get3A_0] : memref<256x136xf32, #tpu.memory_space<vmem>>, vector<256x136xf32>
    %get3A_2 = arith.constant 0 : index
    %get3A_3 = arith.constant 0 : index
    %get3A_4 = vector.load %arg2[%get3A_2, %get3A_3] : memref<136x128xf32, #tpu.memory_space<vmem>>, vector<136x128xf32>
    %dot_general3A = arith.constant dense<0.000000e+00> : vector<256x128xf32>
    %dot_general3A_5 = tpu.matmul %get3A_1, %get3A_4, %dot_general3A {dimension_numbers = #tpu.dot_dimension_numbers<[1], [0], [0], [1], [0, 0, 1, 1], [], []>, transpose_lhs_hint = false} : vector<256x136xf32>, vector<136x128xf32>, vector<256x128xf32> -> vector<256x128xf32>
    %swap3A = arith.constant 0 : index
    %swap3A_6 = arith.constant 0 : index
    %swap3A_7 = vector.load %arg3[%swap3A, %swap3A_6] : memref<256x128xf32, #tpu.memory_space<vmem>>, vector<256x128xf32>
    tpu.vector_store %arg3[%swap3A, %swap3A_6], %dot_general3A_5 {strides = array<i32>} : memref<256x128xf32, #tpu.memory_space<vmem>>, vector<256x128xf32>,
    return
  }
  func.func @transform_0(%arg0: i32) -> (i32, i32) {
    %c0_i32 = arith.constant 0 : i32
    %c0_i32_0 = arith.constant 0 : i32
    return %arg0, %c0_i32 : i32, i32
  }
  func.func @transform_1(%arg0: i32) -> (i32, i32) {
    %c0_i32 = arith.constant 0 : i32
    %c0_i32_0 = arith.constant 0 : i32
    %c0_i32_1 = arith.constant 0 : i32
    return %c0_i32, %c0_i32_0 : i32, i32
  }
  func.func @transform_2(%arg0: i32) -> (i32, i32) {
    %c0_i32 = arith.constant 0 : i32
    %c0_i32_0 = arith.constant 0 : i32
    return %arg0, %c0_i32 : i32, i32
  }
}

module attributes {stable_mosaic.version = 14 : i64} {
  func.func @_stats1_body(%arg0: i32, %arg1: memref<16x64x128xf32, #tpu.memory_space<vmem>>, %arg2: memref<16x128xf32, #tpu.memory_space<vmem>>, %arg3: memref<16x128xf32, #tpu.memory_space<vmem>>, %arg4: memref<8x128xf32, #tpu.memory_space<vmem>>) attributes {dimension_semantics = [#tpu.dimension_semantics<arbitrary>], iteration_bounds = array<i64: 784>, scalar_prefetch = 0 : i64, scratch_operands = 0 : i64, tpu.core_type = #tpu.core_type<tc>, window_params = [{transform_indices = @transform_0, window_bounds = array<i64: 16, 64, 128>}, {transform_indices = @transform_1, window_bounds = array<i64: 16, 128>}, {transform_indices = @transform_2, window_bounds = array<i64: 16, 128>}, {pipeline_mode = #tpu.pipeline_mode<synchronous>, transform_indices = @transform_3, window_bounds = array<i64: 8, 128>}]} {
    %eq3A = arith.constant 0 : i32
    %eq3A_0 = arith.cmpi eq, %arg0, %eq3A : i32
    %convert_element_type3A = arith.extui %eq3A_0 : i1 to i32
    %cond3A = arith.constant 0 : i32
    %cond3A_1 = arith.cmpi ne, %convert_element_type3A, %cond3A : i32
    scf.if %cond3A_1 {
      %broadcast_in_dim3A_45 = arith.constant 0.000000e+00 : f32
      %broadcast_in_dim3A_46 = vector.broadcast %broadcast_in_dim3A_45 : f32 to vector<8x128xf32>
      %swap3A_47 = arith.constant 0 : index
      %swap3A_48 = arith.constant 0 : index
      %swap3A_49 = vector.load %arg4[%swap3A_47, %swap3A_48] : memref<8x128xf32, #tpu.memory_space<vmem>>, vector<8x128xf32>
      tpu.vector_store %arg4[%swap3A_47, %swap3A_48], %broadcast_in_dim3A_46 {strides = array<i32>} : memref<8x128xf32, #tpu.memory_space<vmem>>, vector<8x128xf32>,
    } else {
    }
    %get3A = arith.constant 0 : index
    %get3A_2 = arith.constant 0 : index
    %get3A_3 = arith.constant 0 : index
    %get3A_4 = vector.load %arg1[%get3A, %get3A_2, %get3A_3] : memref<16x64x128xf32, #tpu.memory_space<vmem>>, vector<16x64x128xf32>
    %get3A_5 = arith.constant 0 : index
    %get3A_6 = arith.constant 0 : index
    %get3A_7 = vector.load %arg2[%get3A_5, %get3A_6] : memref<16x128xf32, #tpu.memory_space<vmem>>, vector<16x128xf32>
    %broadcast_in_dim3A = vector.shape_cast %get3A_7 : vector<16x128xf32> to vector<16x1x128xf32>
    %sub3A = vector.broadcast %broadcast_in_dim3A : vector<16x1x128xf32> to vector<16x64x128xf32>
    %sub3A_8 = arith.subf %get3A_4, %sub3A : vector<16x64x128xf32>
    %iota3A = tpu.iota {dimensions = array<i32: 1>} : vector<16x64x128xi32>
    %get3A_9 = arith.constant 0 : index
    %get3A_10 = arith.constant 0 : index
    %get3A_11 = vector.load %arg3[%get3A_9, %get3A_10] : memref<16x128xf32, #tpu.memory_space<vmem>>, vector<16x128xf32>
    %convert_element_type3A_12 = arith.fptosi %get3A_11 : vector<16x128xf32> to vector<16x128xi32>
    %broadcast_in_dim3A_13 = vector.shape_cast %convert_element_type3A_12 : vector<16x128xi32> to vector<16x1x128xi32>
    %lt3A = vector.broadcast %broadcast_in_dim3A_13 : vector<16x1x128xi32> to vector<16x64x128xi32>
    %lt3A_14 = arith.cmpi slt, %iota3A, %lt3A : vector<16x64x128xi32>
    %jit3A = arith.constant 1.000000e+00 : f32
    %jit3A_15 = arith.constant 0.000000e+00 : f32
    %broadcast_in_dim3A_16 = vector.broadcast %jit3A : f32 to vector<16x64x128xf32>
    %broadcast_in_dim3A_17 = vector.broadcast %jit3A_15 : f32 to vector<16x64x128xf32>
    %select_n3A = arith.select %lt3A_14, %broadcast_in_dim3A_16, %broadcast_in_dim3A_17 : vector<16x64x128xi1>, vector<16x64x128xf32>
    %mul3A = arith.mulf %sub3A_8, %select_n3A : vector<16x64x128xf32>
    %reduce_sum3A = arith.constant dense<0.000000e+00> : vector<128xf32>
    %reduce_sum3A_18 = vector.multi_reduction <add>, %mul3A, %reduce_sum3A [0, 1] : vector<16x64x128xf32> to vector<128xf32>
    %reshape3A = vector.shape_cast %reduce_sum3A_18 : vector<128xf32> to vector<1x128xf32>
    %mul3A_19 = arith.mulf %mul3A, %sub3A_8 : vector<16x64x128xf32>
    %reduce_sum3A_20 = arith.constant dense<0.000000e+00> : vector<128xf32>
    %reduce_sum3A_21 = vector.multi_reduction <add>, %mul3A_19, %reduce_sum3A_20 [0, 1] : vector<16x64x128xf32> to vector<128xf32>
    %reshape3A_22 = vector.shape_cast %reduce_sum3A_21 : vector<128xf32> to vector<1x128xf32>
    %reduce_sum3A_23 = arith.constant dense<0.000000e+00> : vector<128xf32>
    %reduce_sum3A_24 = vector.multi_reduction <add>, %select_n3A, %reduce_sum3A_23 [0, 1] : vector<16x64x128xf32> to vector<128xf32>
    %reshape3A_25 = vector.shape_cast %reduce_sum3A_24 : vector<128xf32> to vector<1x128xf32>
    %get3A_26 = arith.constant 0 : index
    %get3A_27 = arith.constant 0 : index
    %get3A_28 = vector.load %arg4[%get3A_26, %get3A_27] : memref<8x128xf32, #tpu.memory_space<vmem>>, vector<1x128xf32>
    %add3A = arith.addf %get3A_28, %reshape3A : vector<1x128xf32>
    %swap3A = arith.constant 0 : index
    %swap3A_29 = arith.constant 0 : index
    %swap3A_30 = vector.load %arg4[%swap3A, %swap3A_29] : memref<8x128xf32, #tpu.memory_space<vmem>>, vector<1x128xf32>
    tpu.vector_store %arg4[%swap3A, %swap3A_29], %add3A {strides = array<i32>} : memref<8x128xf32, #tpu.memory_space<vmem>>, vector<1x128xf32>,
    %get3A_31 = arith.constant 1 : index
    %get3A_32 = arith.constant 0 : index
    %get3A_33 = vector.load %arg4[%get3A_31, %get3A_32] : memref<8x128xf32, #tpu.memory_space<vmem>>, vector<1x128xf32>
    %add3A_34 = arith.addf %get3A_33, %reshape3A_22 : vector<1x128xf32>
    %swap3A_35 = arith.constant 1 : index
    %swap3A_36 = arith.constant 0 : index
    %swap3A_37 = vector.load %arg4[%swap3A_35, %swap3A_36] : memref<8x128xf32, #tpu.memory_space<vmem>>, vector<1x128xf32>
    tpu.vector_store %arg4[%swap3A_35, %swap3A_36], %add3A_34 {strides = array<i32>} : memref<8x128xf32, #tpu.memory_space<vmem>>, vector<1x128xf32>,
    %get3A_38 = arith.constant 2 : index
    %get3A_39 = arith.constant 0 : index
    %get3A_40 = vector.load %arg4[%get3A_38, %get3A_39] : memref<8x128xf32, #tpu.memory_space<vmem>>, vector<1x128xf32>
    %add3A_41 = arith.addf %get3A_40, %reshape3A_25 : vector<1x128xf32>
    %swap3A_42 = arith.constant 2 : index
    %swap3A_43 = arith.constant 0 : index
    %swap3A_44 = vector.load %arg4[%swap3A_42, %swap3A_43] : memref<8x128xf32, #tpu.memory_space<vmem>>, vector<1x128xf32>
    tpu.vector_store %arg4[%swap3A_42, %swap3A_43], %add3A_41 {strides = array<i32>} : memref<8x128xf32, #tpu.memory_space<vmem>>, vector<1x128xf32>,
    return
  }
  func.func @transform_0(%arg0: i32) -> (i32, i32, i32) {
    %c0_i32 = arith.constant 0 : i32
    %c0_i32_0 = arith.constant 0 : i32
    %c0_i32_1 = arith.constant 0 : i32
    return %arg0, %c0_i32, %c0_i32_0 : i32, i32, i32
  }
  func.func @transform_1(%arg0: i32) -> (i32, i32) {
    %c0_i32 = arith.constant 0 : i32
    %c0_i32_0 = arith.constant 0 : i32
    return %arg0, %c0_i32 : i32, i32
  }
  func.func @transform_2(%arg0: i32) -> (i32, i32) {
    %c0_i32 = arith.constant 0 : i32
    %c0_i32_0 = arith.constant 0 : i32
    return %arg0, %c0_i32 : i32, i32
  }
  func.func @transform_3(%arg0: i32) -> (i32, i32) {
    %c0_i32 = arith.constant 0 : i32
    %c0_i32_0 = arith.constant 0 : i32
    %c0_i32_1 = arith.constant 0 : i32
    return %c0_i32, %c0_i32_0 : i32, i32
  }
}

module attributes {stable_mosaic.version = 14 : i64} {
  func.func @_layer1_body(%arg0: i32, %arg1: memref<16x64x128xf32, #tpu.memory_space<vmem>>, %arg2: memref<16x128xf32, #tpu.memory_space<vmem>>, %arg3: memref<16x128xf32, #tpu.memory_space<vmem>>, %arg4: memref<8x128xf32, #tpu.memory_space<vmem>>, %arg5: memref<128x128xf32, #tpu.memory_space<vmem>>, %arg6: memref<2x128xf32, #tpu.memory_space<vmem>>, %arg7: memref<16x64x128xf32, #tpu.memory_space<vmem>>, %arg8: memref<8x128xf32, #tpu.memory_space<vmem>>) attributes {dimension_semantics = [#tpu.dimension_semantics<arbitrary>], iteration_bounds = array<i64: 784>, scalar_prefetch = 0 : i64, scratch_operands = 0 : i64, tpu.core_type = #tpu.core_type<tc>, window_params = [{transform_indices = @transform_0, window_bounds = array<i64: 16, 64, 128>}, {transform_indices = @transform_1, window_bounds = array<i64: 16, 128>}, {transform_indices = @transform_2, window_bounds = array<i64: 16, 128>}, {pipeline_mode = #tpu.pipeline_mode<synchronous>, transform_indices = @transform_3, window_bounds = array<i64: 8, 128>}, {pipeline_mode = #tpu.pipeline_mode<synchronous>, transform_indices = @transform_4, window_bounds = array<i64: 128, 128>}, {pipeline_mode = #tpu.pipeline_mode<synchronous>, transform_indices = @transform_5, window_bounds = array<i64: 2, 128>}, {transform_indices = @transform_6, window_bounds = array<i64: 16, 64, 128>}, {pipeline_mode = #tpu.pipeline_mode<synchronous>, transform_indices = @transform_7, window_bounds = array<i64: 8, 128>}]} {
    %eq3A = arith.constant 0 : i32
    %eq3A_0 = arith.cmpi eq, %arg0, %eq3A : i32
    %convert_element_type3A = arith.extui %eq3A_0 : i1 to i32
    %cond3A = arith.constant 0 : i32
    %cond3A_1 = arith.cmpi ne, %convert_element_type3A, %cond3A : i32
    scf.if %cond3A_1 {
      %broadcast_in_dim3A_86 = arith.constant 0.000000e+00 : f32
      %broadcast_in_dim3A_87 = vector.broadcast %broadcast_in_dim3A_86 : f32 to vector<8x128xf32>
      %swap3A_88 = arith.constant 0 : index
      %swap3A_89 = arith.constant 0 : index
      %swap3A_90 = vector.load %arg8[%swap3A_88, %swap3A_89] : memref<8x128xf32, #tpu.memory_space<vmem>>, vector<8x128xf32>
      tpu.vector_store %arg8[%swap3A_88, %swap3A_89], %broadcast_in_dim3A_87 {strides = array<i32>} : memref<8x128xf32, #tpu.memory_space<vmem>>, vector<8x128xf32>,
    } else {
    }
    %get3A = arith.constant 2 : index
    %get3A_2 = arith.constant 0 : index
    %get3A_3 = vector.load %arg4[%get3A, %get3A_2] : memref<8x128xf32, #tpu.memory_space<vmem>>, vector<1x128xf32>
    %max3A = arith.constant 1.000000e+00 : f32
    %max3A_4 = vector.broadcast %max3A : f32 to vector<1x128xf32>
    %max3A_5 = arith.maximumf %get3A_3, %max3A_4 : vector<1x128xf32>
    %get3A_6 = arith.constant 0 : index
    %get3A_7 = arith.constant 0 : index
    %get3A_8 = vector.load %arg4[%get3A_6, %get3A_7] : memref<8x128xf32, #tpu.memory_space<vmem>>, vector<1x128xf32>
    %div3A = arith.divf %get3A_8, %max3A_5 : vector<1x128xf32>
    %get3A_9 = arith.constant 1 : index
    %get3A_10 = arith.constant 0 : index
    %get3A_11 = vector.load %arg4[%get3A_9, %get3A_10] : memref<8x128xf32, #tpu.memory_space<vmem>>, vector<1x128xf32>
    %div3A_12 = arith.divf %get3A_11, %max3A_5 : vector<1x128xf32>
    %mul3A = arith.mulf %div3A, %div3A : vector<1x128xf32>
    %sub3A = arith.subf %div3A_12, %mul3A : vector<1x128xf32>
    %add3A = arith.constant 9.99999974E-6 : f32
    %add3A_13 = vector.broadcast %add3A : f32 to vector<1x128xf32>
    %add3A_14 = arith.addf %sub3A, %add3A_13 : vector<1x128xf32>
    %sqrt3A = math.sqrt %add3A_14 : vector<1x128xf32>
    %div3A_15 = arith.constant 1.000000e+00 : f32
    %div3A_16 = vector.broadcast %div3A_15 : f32 to vector<1x128xf32>
    %div3A_17 = arith.divf %div3A_16, %sqrt3A : vector<1x128xf32>
    %get3A_18 = arith.constant 0 : index
    %get3A_19 = arith.constant 0 : index
    %get3A_20 = arith.constant 0 : index
    %get3A_21 = vector.load %arg1[%get3A_18, %get3A_19, %get3A_20] : memref<16x64x128xf32, #tpu.memory_space<vmem>>, vector<16x64x128xf32>
    %get3A_22 = arith.constant 0 : index
    %get3A_23 = arith.constant 0 : index
    %get3A_24 = vector.load %arg2[%get3A_22, %get3A_23] : memref<16x128xf32, #tpu.memory_space<vmem>>, vector<16x128xf32>
    %broadcast_in_dim3A = vector.shape_cast %get3A_24 : vector<16x128xf32> to vector<16x1x128xf32>
    %sub3A_25 = vector.broadcast %broadcast_in_dim3A : vector<16x1x128xf32> to vector<16x64x128xf32>
    %sub3A_26 = arith.subf %get3A_21, %sub3A_25 : vector<16x64x128xf32>
    %broadcast_in_dim3A_27 = vector.shape_cast %div3A : vector<1x128xf32> to vector<1x1x128xf32>
    %sub3A_28 = vector.broadcast %broadcast_in_dim3A_27 : vector<1x1x128xf32> to vector<16x64x128xf32>
    %sub3A_29 = arith.subf %sub3A_26, %sub3A_28 : vector<16x64x128xf32>
    %broadcast_in_dim3A_30 = vector.shape_cast %div3A_17 : vector<1x128xf32> to vector<1x1x128xf32>
    %mul3A_31 = vector.broadcast %broadcast_in_dim3A_30 : vector<1x1x128xf32> to vector<16x64x128xf32>
    %mul3A_32 = arith.mulf %sub3A_29, %mul3A_31 : vector<16x64x128xf32>
    %get3A_33 = arith.constant 0 : index
    %get3A_34 = arith.constant 0 : index
    %get3A_35 = vector.load %arg6[%get3A_33, %get3A_34] : memref<2x128xf32, #tpu.memory_space<vmem>>, vector<1x128xf32>
    %broadcast_in_dim3A_36 = vector.shape_cast %get3A_35 : vector<1x128xf32> to vector<1x1x128xf32>
    %mul3A_37 = vector.broadcast %broadcast_in_dim3A_36 : vector<1x1x128xf32> to vector<16x64x128xf32>
    %mul3A_38 = arith.mulf %mul3A_32, %mul3A_37 : vector<16x64x128xf32>
    %get3A_39 = arith.constant 1 : index
    %get3A_40 = arith.constant 0 : index
    %get3A_41 = vector.load %arg6[%get3A_39, %get3A_40] : memref<2x128xf32, #tpu.memory_space<vmem>>, vector<1x128xf32>
    %broadcast_in_dim3A_42 = vector.shape_cast %get3A_41 : vector<1x128xf32> to vector<1x1x128xf32>
    %add3A_43 = vector.broadcast %broadcast_in_dim3A_42 : vector<1x1x128xf32> to vector<16x64x128xf32>
    %add3A_44 = arith.addf %mul3A_38, %add3A_43 : vector<16x64x128xf32>
    %max3A_45 = arith.constant 0.000000e+00 : f32
    %max3A_46 = vector.broadcast %max3A_45 : f32 to vector<16x64x128xf32>
    %max3A_47 = arith.maximumf %add3A_44, %max3A_46 : vector<16x64x128xf32>
    %reshape3A = vector.shape_cast %max3A_47 : vector<16x64x128xf32> to vector<1024x128xf32>
    %get3A_48 = arith.constant 0 : index
    %get3A_49 = arith.constant 0 : index
    %get3A_50 = vector.load %arg5[%get3A_48, %get3A_49] : memref<128x128xf32, #tpu.memory_space<vmem>>, vector<128x128xf32>
    %dot_general3A = arith.constant dense<0.000000e+00> : vector<1024x128xf32>
    %dot_general3A_51 = tpu.matmul %reshape3A, %get3A_50, %dot_general3A {dimension_numbers = #tpu.dot_dimension_numbers<[1], [0], [0], [1], [0, 0, 1, 1], [], []>, transpose_lhs_hint = false} : vector<1024x128xf32>, vector<128x128xf32>, vector<1024x128xf32> -> vector<1024x128xf32>
    %reshape3A_52 = vector.shape_cast %dot_general3A_51 : vector<1024x128xf32> to vector<16x64x128xf32>
    %swap3A = arith.constant 0 : index
    %swap3A_53 = arith.constant 0 : index
    %swap3A_54 = arith.constant 0 : index
    %swap3A_55 = vector.load %arg7[%swap3A, %swap3A_53, %swap3A_54] : memref<16x64x128xf32, #tpu.memory_space<vmem>>, vector<16x64x128xf32>
    tpu.vector_store %arg7[%swap3A, %swap3A_53, %swap3A_54], %reshape3A_52 {strides = array<i32>} : memref<16x64x128xf32, #tpu.memory_space<vmem>>, vector<16x64x128xf32>,
    %iota3A = tpu.iota {dimensions = array<i32: 1>} : vector<16x64x128xi32>
    %get3A_56 = arith.constant 0 : index
    %get3A_57 = arith.constant 0 : index
    %get3A_58 = vector.load %arg3[%get3A_56, %get3A_57] : memref<16x128xf32, #tpu.memory_space<vmem>>, vector<16x128xf32>
    %convert_element_type3A_59 = arith.fptosi %get3A_58 : vector<16x128xf32> to vector<16x128xi32>
    %broadcast_in_dim3A_60 = vector.shape_cast %convert_element_type3A_59 : vector<16x128xi32> to vector<16x1x128xi32>
    %lt3A = vector.broadcast %broadcast_in_dim3A_60 : vector<16x1x128xi32> to vector<16x64x128xi32>
    %lt3A_61 = arith.cmpi slt, %iota3A, %lt3A : vector<16x64x128xi32>
    %jit3A = arith.constant 1.000000e+00 : f32
    %jit3A_62 = arith.constant 0.000000e+00 : f32
    %broadcast_in_dim3A_63 = vector.broadcast %jit3A : f32 to vector<16x64x128xf32>
    %broadcast_in_dim3A_64 = vector.broadcast %jit3A_62 : f32 to vector<16x64x128xf32>
    %select_n3A = arith.select %lt3A_61, %broadcast_in_dim3A_63, %broadcast_in_dim3A_64 : vector<16x64x128xi1>, vector<16x64x128xf32>
    %mul3A_65 = arith.mulf %reshape3A_52, %select_n3A : vector<16x64x128xf32>
    %get3A_66 = arith.constant 0 : index
    %get3A_67 = arith.constant 0 : index
    %get3A_68 = vector.load %arg8[%get3A_66, %get3A_67] : memref<8x128xf32, #tpu.memory_space<vmem>>, vector<1x128xf32>
    %reduce_sum3A = arith.constant dense<0.000000e+00> : vector<128xf32>
    %reduce_sum3A_69 = vector.multi_reduction <add>, %mul3A_65, %reduce_sum3A [0, 1] : vector<16x64x128xf32> to vector<128xf32>
    %reshape3A_70 = vector.shape_cast %reduce_sum3A_69 : vector<128xf32> to vector<1x128xf32>
    %add3A_71 = arith.addf %get3A_68, %reshape3A_70 : vector<1x128xf32>
    %swap3A_72 = arith.constant 0 : index
    %swap3A_73 = arith.constant 0 : index
    %swap3A_74 = vector.load %arg8[%swap3A_72, %swap3A_73] : memref<8x128xf32, #tpu.memory_space<vmem>>, vector<1x128xf32>
    tpu.vector_store %arg8[%swap3A_72, %swap3A_73], %add3A_71 {strides = array<i32>} : memref<8x128xf32, #tpu.memory_space<vmem>>, vector<1x128xf32>,
    %get3A_75 = arith.constant 1 : index
    %get3A_76 = arith.constant 0 : index
    %get3A_77 = vector.load %arg8[%get3A_75, %get3A_76] : memref<8x128xf32, #tpu.memory_space<vmem>>, vector<1x128xf32>
    %mul3A_78 = arith.mulf %mul3A_65, %reshape3A_52 : vector<16x64x128xf32>
    %reduce_sum3A_79 = arith.constant dense<0.000000e+00> : vector<128xf32>
    %reduce_sum3A_80 = vector.multi_reduction <add>, %mul3A_78, %reduce_sum3A_79 [0, 1] : vector<16x64x128xf32> to vector<128xf32>
    %reshape3A_81 = vector.shape_cast %reduce_sum3A_80 : vector<128xf32> to vector<1x128xf32>
    %add3A_82 = arith.addf %get3A_77, %reshape3A_81 : vector<1x128xf32>
    %swap3A_83 = arith.constant 1 : index
    %swap3A_84 = arith.constant 0 : index
    %swap3A_85 = vector.load %arg8[%swap3A_83, %swap3A_84] : memref<8x128xf32, #tpu.memory_space<vmem>>, vector<1x128xf32>
    tpu.vector_store %arg8[%swap3A_83, %swap3A_84], %add3A_82 {strides = array<i32>} : memref<8x128xf32, #tpu.memory_space<vmem>>, vector<1x128xf32>,
    return
  }
  func.func @transform_0(%arg0: i32) -> (i32, i32, i32) {
    %c0_i32 = arith.constant 0 : i32
    %c0_i32_0 = arith.constant 0 : i32
    %c0_i32_1 = arith.constant 0 : i32
    return %arg0, %c0_i32, %c0_i32_0 : i32, i32, i32
  }
  func.func @transform_1(%arg0: i32) -> (i32, i32) {
    %c0_i32 = arith.constant 0 : i32
    %c0_i32_0 = arith.constant 0 : i32
    return %arg0, %c0_i32 : i32, i32
  }
  func.func @transform_2(%arg0: i32) -> (i32, i32) {
    %c0_i32 = arith.constant 0 : i32
    %c0_i32_0 = arith.constant 0 : i32
    return %arg0, %c0_i32 : i32, i32
  }
  func.func @transform_3(%arg0: i32) -> (i32, i32) {
    %c0_i32 = arith.constant 0 : i32
    %c0_i32_0 = arith.constant 0 : i32
    %c0_i32_1 = arith.constant 0 : i32
    return %c0_i32, %c0_i32_0 : i32, i32
  }
  func.func @transform_4(%arg0: i32) -> (i32, i32) {
    %c0_i32 = arith.constant 0 : i32
    %c0_i32_0 = arith.constant 0 : i32
    %c0_i32_1 = arith.constant 0 : i32
    return %c0_i32, %c0_i32_0 : i32, i32
  }
  func.func @transform_5(%arg0: i32) -> (i32, i32) {
    %c0_i32 = arith.constant 0 : i32
    %c0_i32_0 = arith.constant 0 : i32
    %c0_i32_1 = arith.constant 0 : i32
    return %c0_i32, %c0_i32_0 : i32, i32
  }
  func.func @transform_6(%arg0: i32) -> (i32, i32, i32) {
    %c0_i32 = arith.constant 0 : i32
    %c0_i32_0 = arith.constant 0 : i32
    %c0_i32_1 = arith.constant 0 : i32
    return %arg0, %c0_i32, %c0_i32_0 : i32, i32, i32
  }
  func.func @transform_7(%arg0: i32) -> (i32, i32) {
    %c0_i32 = arith.constant 0 : i32
    %c0_i32_0 = arith.constant 0 : i32
    %c0_i32_1 = arith.constant 0 : i32
    return %c0_i32, %c0_i32_0 : i32, i32
  }
}

module attributes {stable_mosaic.version = 14 : i64} {
  func.func @_layer2_body(%arg0: i32, %arg1: memref<16x64x128xf32, #tpu.memory_space<vmem>>, %arg2: memref<16x128xf32, #tpu.memory_space<vmem>>, %arg3: memref<8x128xf32, #tpu.memory_space<vmem>>, %arg4: memref<2x128xf32, #tpu.memory_space<vmem>>, %arg5: memref<16x128xf32, #tpu.memory_space<vmem>>) attributes {dimension_semantics = [#tpu.dimension_semantics<arbitrary>], iteration_bounds = array<i64: 784>, scalar_prefetch = 0 : i64, scratch_operands = 0 : i64, tpu.core_type = #tpu.core_type<tc>, window_params = [{transform_indices = @transform_0, window_bounds = array<i64: 16, 64, 128>}, {transform_indices = @transform_1, window_bounds = array<i64: 16, 128>}, {pipeline_mode = #tpu.pipeline_mode<synchronous>, transform_indices = @transform_2, window_bounds = array<i64: 8, 128>}, {pipeline_mode = #tpu.pipeline_mode<synchronous>, transform_indices = @transform_3, window_bounds = array<i64: 2, 128>}, {transform_indices = @transform_4, window_bounds = array<i64: 16, 128>}]} {
    %get3A = arith.constant 2 : index
    %get3A_0 = arith.constant 0 : index
    %get3A_1 = vector.load %arg3[%get3A, %get3A_0] : memref<8x128xf32, #tpu.memory_space<vmem>>, vector<1x128xf32>
    %max3A = arith.constant 1.000000e+00 : f32
    %max3A_2 = vector.broadcast %max3A : f32 to vector<1x128xf32>
    %max3A_3 = arith.maximumf %get3A_1, %max3A_2 : vector<1x128xf32>
    %get3A_4 = arith.constant 0 : index
    %get3A_5 = arith.constant 0 : index
    %get3A_6 = vector.load %arg3[%get3A_4, %get3A_5] : memref<8x128xf32, #tpu.memory_space<vmem>>, vector<1x128xf32>
    %div3A = arith.divf %get3A_6, %max3A_3 : vector<1x128xf32>
    %get3A_7 = arith.constant 1 : index
    %get3A_8 = arith.constant 0 : index
    %get3A_9 = vector.load %arg3[%get3A_7, %get3A_8] : memref<8x128xf32, #tpu.memory_space<vmem>>, vector<1x128xf32>
    %div3A_10 = arith.divf %get3A_9, %max3A_3 : vector<1x128xf32>
    %mul3A = arith.mulf %div3A, %div3A : vector<1x128xf32>
    %sub3A = arith.subf %div3A_10, %mul3A : vector<1x128xf32>
    %add3A = arith.constant 9.99999974E-6 : f32
    %add3A_11 = vector.broadcast %add3A : f32 to vector<1x128xf32>
    %add3A_12 = arith.addf %sub3A, %add3A_11 : vector<1x128xf32>
    %sqrt3A = math.sqrt %add3A_12 : vector<1x128xf32>
    %div3A_13 = arith.constant 1.000000e+00 : f32
    %div3A_14 = vector.broadcast %div3A_13 : f32 to vector<1x128xf32>
    %div3A_15 = arith.divf %div3A_14, %sqrt3A : vector<1x128xf32>
    %get3A_16 = arith.constant 0 : index
    %get3A_17 = arith.constant 0 : index
    %get3A_18 = arith.constant 0 : index
    %get3A_19 = vector.load %arg1[%get3A_16, %get3A_17, %get3A_18] : memref<16x64x128xf32, #tpu.memory_space<vmem>>, vector<16x64x128xf32>
    %broadcast_in_dim3A = vector.shape_cast %div3A : vector<1x128xf32> to vector<1x1x128xf32>
    %sub3A_20 = vector.broadcast %broadcast_in_dim3A : vector<1x1x128xf32> to vector<16x64x128xf32>
    %sub3A_21 = arith.subf %get3A_19, %sub3A_20 : vector<16x64x128xf32>
    %broadcast_in_dim3A_22 = vector.shape_cast %div3A_15 : vector<1x128xf32> to vector<1x1x128xf32>
    %mul3A_23 = vector.broadcast %broadcast_in_dim3A_22 : vector<1x1x128xf32> to vector<16x64x128xf32>
    %mul3A_24 = arith.mulf %sub3A_21, %mul3A_23 : vector<16x64x128xf32>
    %get3A_25 = arith.constant 0 : index
    %get3A_26 = arith.constant 0 : index
    %get3A_27 = vector.load %arg4[%get3A_25, %get3A_26] : memref<2x128xf32, #tpu.memory_space<vmem>>, vector<1x128xf32>
    %broadcast_in_dim3A_28 = vector.shape_cast %get3A_27 : vector<1x128xf32> to vector<1x1x128xf32>
    %mul3A_29 = vector.broadcast %broadcast_in_dim3A_28 : vector<1x1x128xf32> to vector<16x64x128xf32>
    %mul3A_30 = arith.mulf %mul3A_24, %mul3A_29 : vector<16x64x128xf32>
    %get3A_31 = arith.constant 1 : index
    %get3A_32 = arith.constant 0 : index
    %get3A_33 = vector.load %arg4[%get3A_31, %get3A_32] : memref<2x128xf32, #tpu.memory_space<vmem>>, vector<1x128xf32>
    %broadcast_in_dim3A_34 = vector.shape_cast %get3A_33 : vector<1x128xf32> to vector<1x1x128xf32>
    %add3A_35 = vector.broadcast %broadcast_in_dim3A_34 : vector<1x1x128xf32> to vector<16x64x128xf32>
    %add3A_36 = arith.addf %mul3A_30, %add3A_35 : vector<16x64x128xf32>
    %max3A_37 = arith.constant 0.000000e+00 : f32
    %max3A_38 = vector.broadcast %max3A_37 : f32 to vector<16x64x128xf32>
    %max3A_39 = arith.maximumf %add3A_36, %max3A_38 : vector<16x64x128xf32>
    %iota3A = tpu.iota {dimensions = array<i32: 1>} : vector<16x64x128xi32>
    %get3A_40 = arith.constant 0 : index
    %get3A_41 = arith.constant 0 : index
    %get3A_42 = vector.load %arg2[%get3A_40, %get3A_41] : memref<16x128xf32, #tpu.memory_space<vmem>>, vector<16x128xf32>
    %convert_element_type3A = arith.fptosi %get3A_42 : vector<16x128xf32> to vector<16x128xi32>
    %broadcast_in_dim3A_43 = vector.shape_cast %convert_element_type3A : vector<16x128xi32> to vector<16x1x128xi32>
    %lt3A = vector.broadcast %broadcast_in_dim3A_43 : vector<16x1x128xi32> to vector<16x64x128xi32>
    %lt3A_44 = arith.cmpi slt, %iota3A, %lt3A : vector<16x64x128xi32>
    %jit3A = arith.constant 0xFF800000 : f32
    %broadcast_in_dim3A_45 = vector.broadcast %jit3A : f32 to vector<16x64x128xf32>
    %select_n3A = arith.select %lt3A_44, %max3A_39, %broadcast_in_dim3A_45 : vector<16x64x128xi1>, vector<16x64x128xf32>
    %reduce_max3A = arith.constant dense<0xFF800000> : vector<16x128xf32>
    %reduce_max3A_46 = vector.multi_reduction <maximumf>, %select_n3A, %reduce_max3A [1] : vector<16x64x128xf32> to vector<16x128xf32>
    %swap3A = arith.constant 0 : index
    %swap3A_47 = arith.constant 0 : index
    %swap3A_48 = vector.load %arg5[%swap3A, %swap3A_47] : memref<16x128xf32, #tpu.memory_space<vmem>>, vector<16x128xf32>
    tpu.vector_store %arg5[%swap3A, %swap3A_47], %reduce_max3A_46 {strides = array<i32>} : memref<16x128xf32, #tpu.memory_space<vmem>>, vector<16x128xf32>,
    return
  }
  func.func @transform_0(%arg0: i32) -> (i32, i32, i32) {
    %c0_i32 = arith.constant 0 : i32
    %c0_i32_0 = arith.constant 0 : i32
    %c0_i32_1 = arith.constant 0 : i32
    return %arg0, %c0_i32, %c0_i32_0 : i32, i32, i32
  }
  func.func @transform_1(%arg0: i32) -> (i32, i32) {
    %c0_i32 = arith.constant 0 : i32
    %c0_i32_0 = arith.constant 0 : i32
    return %arg0, %c0_i32 : i32, i32
  }
  func.func @transform_2(%arg0: i32) -> (i32, i32) {
    %c0_i32 = arith.constant 0 : i32
    %c0_i32_0 = arith.constant 0 : i32
    %c0_i32_1 = arith.constant 0 : i32
    return %c0_i32, %c0_i32_0 : i32, i32
  }
  func.func @transform_3(%arg0: i32) -> (i32, i32) {
    %c0_i32 = arith.constant 0 : i32
    %c0_i32_0 = arith.constant 0 : i32
    %c0_i32_1 = arith.constant 0 : i32
    return %c0_i32, %c0_i32_0 : i32, i32
  }
  func.func @transform_4(%arg0: i32) -> (i32, i32) {
    %c0_i32 = arith.constant 0 : i32
    %c0_i32_0 = arith.constant 0 : i32
    return %arg0, %c0_i32 : i32, i32
  }
}

</mosaic_0001>

<sc_bundles>
// kernel: kernel.12.cloned.1.call-start
scs
__scs_entry_jumppad:
0x0: {  	(pc) =	sbr.rel $0x88, $3  }
0x1: {  	(tag) =	ssettag $0x0;
	lr =	simm.s32 $0x1  }
0x2: {  	[smem:$0x3F98] =	sst lr;
	_ =	strace $0xD0000000  }
0x3: {  	_ = 	snop  }
0x4: {  	_ = 	snop  }
0x5: {  	_ = 	snop  }
0x6: {  	_ = 	snop  }
0x7: {  	_ = 	snop  }
__scs_overlays_trampoline_lowered:
0x8: {  	[smem:$0x3FA7] =	sst s0  }
0x9: {  	[smem:$0x3FA8] =	sst s1  }
0xa: {  	[smem:$0x3FA9] =	sst s2  }
0xb: {  	[smem:$0x3FAA] =	sst s3  }
0xc: {  	[smem:$0x3FAB] =	sst s4  }
0xd: {  	[smem:$0x3FAC] =	sst s5  }
0xe: {  	[smem:$0x3FAD] =	sst s6  }
0xf: {  	[smem:$0x3FAE] =	sst s7  }
0x10: {  	[smem:$0x3FAF] =	sst s8  }
0x11: {  	[smem:$0x3FB0] =	sst s9;
	s0 =	simm.s32 @!p0 $0x0  }
0x12: {  	s1 =	sld [smem:$0x3F96];
	s0 =	simm.s32 @p0 $0x1  }
0x13: {  	[smem:$0x3FB1] =	sst s0;
	s0 =	simm.s32 @!p1 $0x0  }
0x14: {  	s2 =	sld [smem:$0x3F95];
	s0 =	simm.s32 @p1 $0x1  }
0x15: {  	[smem:$0x3FB2] =	sst s0;
	s0 =	simm.s32 @!p2 $0x0  }
0x16: {  	s3 =	sld [smem:$0x3FDB];
	s0 =	simm.s32 @p2 $0x1  }
0x17: {  	s4 =	simm.s32 $0x1BF5;
	[smem:$0x3FB4] =	sst s0  }
0x18: {  	s0 =	sld [smem:$0x3F97];
	_ =	swait.ge [sflag:s4], $0x0  }
0x19: {  	s7 =	sld [smem:$0x3F98]  }
0x1a: {  	s8 =	sadd.s32 $0xFFFFE003, lr  }
0x1b: {  	s9 =	sadd.s32 $0xFFFFFEF7, lr;
	s5 =	simm.s32 $0xFFFFFFFF;
	p2 =	slt.u32 s8, $0xFFFFF086  }
0x1c: {  	p1 =	slt.u32 s9, $0xF7A;
	s5 =	simm.s32 @!p2 $0x0  }
0x1d: {  	s5 =	simm.s32 @p1 $0x1;
	p0 =	seq.s32 s7, s2  }
0x1e: {  	s7 =	smul.u32 @!p0 $0xF7A, s2;
	p2 =	seq.s32 @!p0 s5, $0x0  }
0x1f: {  	s9 =	smul.u32 $0xF7A, s1;
	s8 =	simm.s32 @!p0 $0x1BF5;
	p2 =	por !p2, p0  }
0x20: {  	[sflag:s8] =	ssyncset.s32 @!p0 $0xFFFFF086;
	s6 =	sadd.s32 @!p0 s3, s7;
	s7 =	simm.s32 @!p0 $0x108  }
0x21: {  	s3 =	sadd.s32 s3, s9;
	s6 =	sadd.s32 @!p0 $0x88, s6;
	s7 =	simm.s32 @p2 $0x1082  }
0x22: {  	[simem:s7], [sflag:s8] =	dma.local @!p0 [hbm:s6], $0xF7A  }
0x23: {  	s9 =	sor.u32 $0xD0000000, s2;
	s6 =	simm.s32 $0x108;
	_ =	swait.ge @!p0 [sflag:s8], $0x0  }
0x24: {  	s3 =	sadd.s32 $0x88, s3;
	s6 =	simm.s32 @!p1 $0x1082;
	[sflag:s4] =	ssyncset.s32 $0xFFFFF086  }
0x25: {  	[simem:s6], [sflag:s4] =	dma.local [hbm:s3], $0xF7A  }
0x26: {  	[smem:$0x3F98] =	sst s1;
	(tag) =	ssettag s2;
	_ =	strace s9  }
0x27: {  	s1 =	sld [smem:$0x3FA8]  }
0x28: {  	s2 =	sld [smem:$0x3FA9]  }
0x29: {  	s4 =	sld [smem:$0x3FAB]  }
0x2a: {  	p0 =	seq.s32 s5, $0x0;
	s5 =	sld [smem:$0x3FAC]  }
0x2b: {  	s6 =	sld [smem:$0x3FAD]  }
0x2c: {  	s7 =	sld [smem:$0x3FAE]  }
0x2d: {  	s3 =	simm.s32 $0x108;
	s8 =	sld [smem:$0x3FAF]  }
0x2e: {  	s3 =	simm.s32 @!p0 $0x1082;
	s9 =	sld [smem:$0x3FB0]  }
0x2f: {  	lr =	sadd.s32 s0, s3;
	s0 =	sld [smem:$0x3FA7]  }
0x30: {  	s3 =	sld [smem:$0x3FAA]  }
0x31: {  	[smem:$0x3FB3] =	sst s10  }
0x32: {  	s10 =	sld [smem:$0x3FB1];
	_ =	sdelay $0x3  }
0x33: {  	p0 =	seq.s32 s10, $0x1;
	s10 =	sld [smem:$0x3FB3];
	_ =	sdelay $0x3  }
0x34: {  	[smem:$0x3FB3] =	sst s10  }
0x35: {  	s10 =	sld [smem:$0x3FB2];
	_ =	sdelay $0x3  }
0x36: {  	p1 =	seq.s32 s10, $0x1;
	s10 =	sld [smem:$0x3FB3];
	_ =	sdelay $0x3  }
0x37: {  	[smem:$0x3FB3] =	sst s10  }
0x38: {  	s10 =	sld [smem:$0x3FB4]  }
0x39: {  	_ = 	snop;
	(pc) =	sbr.ind lr, $3  }
0x3a: {  	_ = 	snop  }
0x3b: {  	_ = 	snop  }
0x3c: {  	p2 =	seq.s32 s10, $0x1;
	s10 =	sld [smem:$0x3FB3]  }
0x3d: {  	_ =	shalt  }
0x3e: {  	_ =	shalt  }
0x3f: {  	_ =	shalt  }
0x40: {  	_ =	shalt  }
0x41: {  	_ =	shalt  }
0x42: {  	_ =	shalt  }
0x43: {  	_ =	shalt  }
0x44: {  	_ =	shalt  }
0x45: {  	_ =	shalt  }
0x46: {  	_ =	shalt  }
0x47: {  	_ =	shalt  }
0x48: {  	_ =	shalt  }
0x49: {  	_ =	shalt  }
0x4a: {  	_ =	shalt  }
0x4b: {  	_ =	shalt  }
0x4c: {  	_ =	shalt  }
0x4d: {  	_ =	shalt  }
0x4e: {  	_ =	shalt  }
0x4f: {  	_ =	shalt  }
0x50: {  	_ =	shalt  }
0x51: {  	_ =	shalt  }
0x52: {  	_ =	shalt  }
0x53: {  	_ =	shalt  }
0x54: {  	_ =	shalt  }
0x55: {  	_ =	shalt  }
0x56: {  	_ =	shalt  }
0x57: {  	_ =	shalt  }
0x58: {  	_ =	shalt  }
0x59: {  	_ =	shalt  }
0x5a: {  	_ =	shalt  }
0x5b: {  	_ =	shalt  }
0x5c: {  	_ =	shalt  }
0x5d: {  	_ =	shalt  }
0x5e: {  	_ =	shalt  }
0x5f: {  	_ =	shalt  }
0x60: {  	_ =	shalt  }
0x61: {  	_ =	shalt  }
0x62: {  	_ =	shalt  }
0x63: {  	_ =	shalt  }
0x64: {  	_ =	shalt  }
0x65: {  	_ =	shalt  }
0x66: {  	_ =	shalt  }
0x67: {  	_ =	shalt  }
0x68: {  	_ =	shalt  }
0x69: {  	_ =	shalt  }
0x6a: {  	_ =	shalt  }
0x6b: {  	_ =	shalt  }
0x6c: {  	_ =	shalt  }
0x6d: {  	_ =	shalt  }
0x6e: {  	_ =	shalt  }
0x6f: {  	_ =	shalt  }
0x70: {  	_ =	shalt  }
0x71: {  	_ =	shalt  }
0x72: {  	_ =	shalt  }
0x73: {  	_ =	shalt  }
0x74: {  	_ =	shalt  }
0x75: {  	_ =	shalt  }
0x76: {  	_ =	shalt  }
0x77: {  	_ =	shalt  }
0x78: {  	_ =	shalt  }
0x79: {  	_ =	shalt  }
0x7a: {  	_ =	shalt  }
0x7b: {  	_ =	shalt  }
0x7c: {  	_ =	shalt  }
0x7d: {  	_ =	shalt  }
0x7e: {  	_ =	shalt  }
0x7f: {  	_ =	shalt  }
0x80: {  	_ =	shalt  }
0x81: {  	_ =	shalt  }
0x82: {  	_ =	shalt  }
0x83: {  	_ =	shalt  }
0x84: {  	_ =	shalt  }
0x85: {  	_ =	shalt  }
0x86: {  	_ =	shalt  }
0x87: {  	_ =	shalt  }
.Lfunc_end0:
.L_simem_size_0:
called_computation.1_lowered:
.L_overlay_start_0:
0x88: {  	s2 =	sld [smem:$0x3FD9]  }
0x89: {  	s3 =	sld [smem:$0x3FFE];
	_ =	sdelay $0x1  }
0x8a: {  	s1 =	srdreg.scid  }
0x8b: {  	s0 =	sand.u32 $0x1, s1  }
0x8c: {  	s16 =	sshll.u32 s0, $0xA;
	s2 =	sadd.s32 s3, s2  }
0x8d: {  	s2 =	sadd.s32 s2, s16  }
0x8e: {  	[smem:$0x3FBF] =	sst s2  }
0x8f: {  	_ = 	snop  }
0x90: {  	(tm) =	ssettm $0x1  }
0x91: {  	s17 =	sld [smem:$0x3FFB];
	_ =	sdelay $0x3  }
0x92: {  	_ =	strace s17  }
0x93: {  	s2 =	sld [smem:$0x3FFC];
	_ =	sdelay $0x3  }
0x94: {  	_ =	strace s2  }
0x95: {  	s2 =	sld [smem:$0x3FFD];
	_ =	sdelay $0x3  }
0x96: {  	_ =	strace s2  }
0x97: {  	_ =	strace $0x8FFFFFFF  }
0x98: {  	s18 =	sld [smem:$0x3FDB];
	_ =	sdelay $0x1  }
0x99: {  	s19 =	simm.s32 $_scs_section_size  }
0x9a: {  	s4 =	simm.s32 $_size__tile_overlayer_lowered;
	s5 =	simm.s32 $_tile_overlayer_lowered  }
0x9b: {  	s22 =	simm.s32 $0x1BFF;
	s21 =	sshll.u32 s5, $0x1;
	s2 =	sadd.s32 s19, s18  }
0x9c: {  	s6 =	simm.s32 $0x0;
	s20 =	sshll.u32 s4, $0x1;
	s4 =	sadd.s32 s21, s2  }
0x9d: {  	[timem:s6], [sflag:s22] =	dma.local [hbm:s4], s20  }
0x9e: {  	_ =	swait.ge [sflag:s22], s20  }
0x9f: {  	s3 =	ssub.s32 $0x0, s20;
	[sflag:s22] =	ssyncset.done $0x0  }
0xa0: {  	[sflag:s22] =	ssyncadd.s32 s3;
	_ =	sdelay $0x1  }
0xa1: {  	s23 =	simm.s32 $0x1B8B  }
0xa2: {  	_ =	swait.ge [sflag:s23], $0x1  }
0xa3: {  	[sflag:s23] =	ssyncset.done $0x0  }
0xa4: {  	s25 =	simm.s32 $0x1B8E;
	s24 =	sld [smem:$0x3FFE];
	[sflag:s23] =	ssyncadd.s32 $0xFFFFFFFF  }
0xa5: {  	s26 =	simm.s32 $execute0_lowered;
	[smem:$0x3FD2] =	sst s25  }
0xa6: {  	s4 =	sshll.u32 s26, $0x1;
	_ =	strace $0x80000049;
	[dreg:$0x1] =	wrdreg $0xFFFFFFFF  }
0xa7: {  	s28 =	simm.s32 $_size_execute0_lowered;
	s2 =	sadd.s32 s2, s4;
	[dreg:$0x0] =	wrdreg $0x0  }
0xa8: {  	s4 =	sshll.u32 s28, $0x1;
	[dreg:$0x2] =	wrdreg s2  }
0xa9: {  	[dreg:$0x3] =	wrdreg s4  }
0xaa: {  	[dreg:$0x4] =	wrdreg $0xC0  }
0xab: {  	_ =	task [dreg:s6], $0x5FFFF  }
0xac: {  	[dreg:$0x1] =	wrdreg $0xFFFFFFFF  }
0xad: {  	[dreg:$0x0] =	wrdreg $0x60  }
0xae: {  	[dreg:$0x2] =	wrdreg s24  }
0xaf: {  	[dreg:$0x3] =	wrdreg $0x9  }
0xb0: {  	_ =	task.clear_ibuf [dreg:s6], $0x4FFFF;
	_ =	strace $0x90000049  }
0xb1: {  	s29 =	simm.s32 $0x9;
	_ =	strace $0x8000004B  }
0xb2: {  	_ =	swait.ge [sflag:s29], $0x1  }
0xb3: {  	[sflag:s29] =	ssyncadd.s32 $0xFFFFFFFF  }
0xb4: {  	_ =	strace $0x9000004B  }
0xb5: {  	_ =	sfence  }
0xb6: {  	s30 =	sld [smem:$0x0];
	_ =	sdelay $0x2  }
0xb7: {  	s31 =	sshll.u32 s1, $0xD;
	s1 =	sshrl.u32 s1, $0x2  }
0xb8: {  	s3 =	sand.u32 $0x4000, s31;
	s1 =	sadd.s32 s1, s30  }
0xb9: {  	s0 =	sor.u32 s3, s0;
	s1 =	sshll.u32 s1, $0x11  }
0xba: {  	s0 =	sor.u32 s1, s0  }
0xbb: {  	s0 =	sadd.s32 $0x8F2B, s0  }
0xbc: {  	[sflag:s0] =	ssyncadd.remote.s32 $0x1  }
0xbd: {  	_ =	sfence.sel $0xFFFF  }
0xbe: {  	[dreg:$0x0] =	wrdreg $0xFFFFFFFF;
	(pc) =	sbr.abs _section_cstart, $3  }
0xbf: {  	[dreg:$0x1] =	wrdreg $0xFFFFFFFF  }
0xc0: {  	_ =	task.clear_ibuf [dreg:s6], $0x2FFFF;
	_ =	strace $0x9FFFFFFF  }
0xc1: {  	(tm) =	ssettm $0x7FFFFFFF  }
tec
execute0_lowered:
.L_overlay_start_1:
0x0: {  	(tag) =	ssettag $0x1  }
0x1: {  	s4 =	rddreg [dreg:$0x0]  }
0x2: {  	s0 =	rddreg [dreg:$0x1];
	s2 =	simm.s32 $0x0;
	s1 =	stileid.u32  }
0x3: {  	s3 =	srdreg.scid;
	s10 =	simm.s32 $0x0;
	s6 =	smul.u32 $0xC400, s1  }
0x4: {  	[smem:$0x7FF] =	sst s2;
	s5 =	sand.u32 $0x1, s3;
	s8 =	smul.u32 $0xC4000, s1  }
0x5: {  	s3 =	sadd.s32 $0x113600, s4;
	s7 =	smul.u32 $0x6200, s5;
	s9 =	ssub.s32 $0x2, s5  }
0x6: {  	_ =	strace $0x8000004A;
	s5 =	smul.u32 $0x62000, s5;
	s31 =	sshrl.u32 s9, $0x1  }
0x7: {  	s8 =	sadd.s32 s8, s4;
	s6 =	sadd.s32 s7, s6;
	s7 =	ssub.s32 s9, s31  }
0x8: {  	s5 =	sadd.s32 s5, s8;
	s8 =	simm.s32 $0x80;
	s6 =	sshrl.u32 s6, $0x3  }
0x9: {  	s9 =	simm.s32 $0x1;
	s5 =	sadd.s32 $0x1D7600, s5;
	s6 =	sadd.s32 s6, s4  }
0xa: {  	s4 =	smax.u32 s7, $0x1;
	s7 =	simm.s32 $0x2;
	s6 =	sadd.s32 $0x5E00, s6  }
.LBB2_1:
0xb: {  	s11 =	sadd.s32 $0x0, s6  }
0xc: {  	[tilespmem:s2], [sflag:$0x2] =	stream.linear.gather [hbm4b:s11+s2], $0x80, $0x38;
	[tilespmem:$0x4080] =	vst v63  }
0xd: {  	_ =	swait.ge [sflag:s7], $0x80  }
0xe: {  	[sflag:s7] =	ssyncset.done $0x0  }
0xf: {  	[sflag:s7] =	ssyncadd.s32 $0xFFFFFF80  }
0x10: {  	[tilespmem:s8], [sflag:$0x1] =	stream.indirect.gather [hbm4b:s3+s8], $0x80, s2, s8, $0xb8;
	[tilespmem:$0x4080] =	vst v63  }
0x11: {  	_ =	swait.ge [sflag:s9], $0x4000  }
0x12: {  	[sflag:s9] =	ssyncset.done $0x0  }
0x13: {  	[sflag:s9] =	ssyncadd.s32 $0xFFFFC000  }
0x14: {  	[hbm4b:s5+s2] =	stream.linear.scatter [tilespmem:s8], [sflag:$0x2], $0x4000, $0x38;
	[tilespmem:$0x4080] =	vst v63  }
0x15: {  	s12 =	simm.s32 $0x10;
	_ =	swait.ge [sflag:s7], $0x4000  }
0x16: {  	s13 =	simm.s32 $0x20;
	s11 =	sadd.s32 $0x800, s5;
	[sflag:s7] =	ssyncset.done $0x0  }
.LBB2_2:
0x17: {  	s14 =	sadd.s32 s12, s6  }
0x18: {  	[sflag:s7] =	ssyncadd.s32 $0xFFFFC000;
	s12 =	smov.u32 s13;
	s15 =	sadd.s32 $0x10, s13  }
0x19: {  	[tilespmem:s2], [sflag:$0x2] =	stream.linear.gather [hbm4b:s14+s2], $0x80, $0x38;
	[tilespmem:$0x4080] =	vst v63  }
0x1a: {  	p0 =	sne.s32 s13, $0xC30;
	_ =	swait.ge [sflag:s7], $0x80  }
0x1b: {  	[sflag:s7] =	ssyncset.done $0x0  }
0x1c: {  	[sflag:s7] =	ssyncadd.s32 $0xFFFFFF80  }
0x1d: {  	[tilespmem:s8], [sflag:$0x1] =	stream.indirect.gather [hbm4b:s3+s8], $0x80, s2, s8, $0xb8;
	[tilespmem:$0x4080] =	vst v63  }
0x1e: {  	_ =	swait.ge [sflag:s9], $0x4000  }
.Ltmp0:
0x1f: {  	[sflag:s9] =	ssyncset.done $0x0;
	(pc) =	sbr.rel @p0 .LBB2_2-.Ltmp0, $4  }
0x20: {  	[sflag:s9] =	ssyncadd.s32 $0xFFFFC000  }
0x21: {  	[hbm4b:s11+s2] =	stream.linear.scatter [tilespmem:s8], [sflag:$0x2], $0x4000, $0x38;
	[tilespmem:$0x4080] =	vst v63  }
0x22: {  	_ =	swait.ge [sflag:s7], $0x4000  }
0x23: {  	s13 =	smov.u32 s15;
	s11 =	sadd.s32 $0x800, s11;
	[sflag:s7] =	ssyncset.done $0x0  }
0x24: {  	s12 =	sadd.s32 s12, s6;
	[sflag:s7] =	ssyncadd.s32 $0xFFFFC000  }
0x25: {  	[tilespmem:s2], [sflag:$0x2] =	stream.linear.gather [hbm4b:s12+s2], $0x80, $0x38;
	[tilespmem:$0x4080] =	vst v63  }
0x26: {  	_ =	swait.ge [sflag:s7], $0x80  }
0x27: {  	[sflag:s7] =	ssyncset.done $0x0  }
0x28: {  	[sflag:s7] =	ssyncadd.s32 $0xFFFFFF80  }
0x29: {  	[tilespmem:s8], [sflag:$0x1] =	stream.indirect.gather [hbm4b:s3+s8], $0x80, s2, s8, $0xb8;
	[tilespmem:$0x4080] =	vst v63  }
0x2a: {  	s10 =	sadd.s32 $0x1, s10;
	_ =	swait.ge [sflag:s9], $0x4000  }
0x2b: {  	p0 =	sne.s32 s10, s4;
	[sflag:s9] =	ssyncset.done $0x0  }
.Ltmp1:
0x2c: {  	[sflag:s9] =	ssyncadd.s32 $0xFFFFC000;
	(pc) =	sbr.rel @p0 .LBB2_1-.Ltmp1, $4  }
0x2d: {  	[hbm4b:s11+s2] =	stream.linear.scatter [tilespmem:s8], [sflag:$0x2], $0x4000, $0x38;
	[tilespmem:$0x4080] =	vst v63  }
0x2e: {  	_ =	swait.ge [sflag:s7], $0x4000  }
0x2f: {  	[sflag:s7] =	ssyncset.done $0x0  }
0x30: {  	[sflag:s7] =	ssyncadd.s32 $0xFFFFC000  }
0x31: {  	_ =	sfence.sel $0x180000  }
0x32: {  	[bflag:$0x0] =	sbarrier.arrive $0xFFFF  }
0x33: {  	p0 =	sne.s32 s1, $0x0;
	_ =	strace $0x9000004A  }
0x34: {  	s0 =	sadd.s32 @!p0 $0x100000, s0;
	[bflag:$0x2] =	sbarrier.arrive $0xFFFF  }
0x35: {  	[sflag:s0] =	ssyncadd.tile.s32 @!p0 $0x1;
	_ =	shalt  }
.Lfunc_end2:
_tile_overlayer_lowered:
.L_overlay_start_2:
0x36: {  	(tag) =	ssettag $0x2  }
0x37: {  	s0 =	rddreg [dreg:$0x0];
	s2 =	stileid.u32  }
0x38: {  	s1 =	rddreg [dreg:$0x1];
	p0 =	sne.s32 s2, $0x0  }
0x39: {  	s3 =	rddreg [dreg:$0x2];
	[bflag:$0x3] =	sbarrier.arrive $0xFFFF;
	s2 =	simm.s32 @!p0 $0x1C02  }
0x3a: {  	[timem:s3], [sflag:s2] =	dma.local @!p0 [hbm:s0], s1  }
0x3b: {  	s0 =	simm.s32 @!p0 $0x2  }
0x3c: {  	_ =	swait.ge @!p0 [sflag:s0], s1  }
0x3d: {  	s1 =	ssub.s32 @!p0 $0x0, s1;
	[sflag:s0] =	ssyncset.done @!p0 $0x0  }
0x3e: {  	[sflag:s0] =	ssyncadd.s32 @!p0 s1  }
0x3f: {  	[bflag:$0x3] =	sbarrier.arrive $0xFFFF  }
0x40: {  	_ =	shalt  }

// kernel: kernel.9.cloned.1.call-start
scs
__scs_entry_jumppad:
0x0: {  	(pc) =	sbr.rel $0x88, $3  }
0x1: {  	(tag) =	ssettag $0x0;
	lr =	simm.s32 $0x1  }
0x2: {  	[smem:$0x3F98] =	sst lr;
	_ =	strace $0xD0000000  }
0x3: {  	_ = 	snop  }
0x4: {  	_ = 	snop  }
0x5: {  	_ = 	snop  }
0x6: {  	_ = 	snop  }
0x7: {  	_ = 	snop  }
__scs_overlays_trampoline_lowered:
0x8: {  	[smem:$0x3FA7] =	sst s0  }
0x9: {  	[smem:$0x3FA8] =	sst s1  }
0xa: {  	[smem:$0x3FA9] =	sst s2  }
0xb: {  	[smem:$0x3FAA] =	sst s3  }
0xc: {  	[smem:$0x3FAB] =	sst s4  }
0xd: {  	[smem:$0x3FAC] =	sst s5  }
0xe: {  	[smem:$0x3FAD] =	sst s6  }
0xf: {  	[smem:$0x3FAE] =	sst s7  }
0x10: {  	[smem:$0x3FAF] =	sst s8  }
0x11: {  	[smem:$0x3FB0] =	sst s9;
	s0 =	simm.s32 @!p0 $0x0  }
0x12: {  	s1 =	sld [smem:$0x3F96];
	s0 =	simm.s32 @p0 $0x1  }
0x13: {  	[smem:$0x3FB1] =	sst s0;
	s0 =	simm.s32 @!p1 $0x0  }
0x14: {  	s2 =	sld [smem:$0x3F95];
	s0 =	simm.s32 @p1 $0x1  }
0x15: {  	[smem:$0x3FB2] =	sst s0;
	s0 =	simm.s32 @!p2 $0x0  }
0x16: {  	s3 =	sld [smem:$0x3FDB];
	s0 =	simm.s32 @p2 $0x1  }
0x17: {  	s4 =	simm.s32 $0x1BF5;
	[smem:$0x3FB4] =	sst s0  }
0x18: {  	s0 =	sld [smem:$0x3F97];
	_ =	swait.ge [sflag:s4], $0x0  }
0x19: {  	s7 =	sld [smem:$0x3F98]  }
0x1a: {  	s8 =	sadd.s32 $0xFFFFE003, lr  }
0x1b: {  	s9 =	sadd.s32 $0xFFFFFEF7, lr;
	s5 =	simm.s32 $0xFFFFFFFF;
	p2 =	slt.u32 s8, $0xFFFFF086  }
0x1c: {  	p1 =	slt.u32 s9, $0xF7A;
	s5 =	simm.s32 @!p2 $0x0  }
0x1d: {  	s5 =	simm.s32 @p1 $0x1;
	p0 =	seq.s32 s7, s2  }
0x1e: {  	s7 =	smul.u32 @!p0 $0xF7A, s2;
	p2 =	seq.s32 @!p0 s5, $0x0  }
0x1f: {  	s9 =	smul.u32 $0xF7A, s1;
	s8 =	simm.s32 @!p0 $0x1BF5;
	p2 =	por !p2, p0  }
0x20: {  	[sflag:s8] =	ssyncset.s32 @!p0 $0xFFFFF086;
	s6 =	sadd.s32 @!p0 s3, s7;
	s7 =	simm.s32 @!p0 $0x108  }
0x21: {  	s3 =	sadd.s32 s3, s9;
	s6 =	sadd.s32 @!p0 $0x88, s6;
	s7 =	simm.s32 @p2 $0x1082  }
0x22: {  	[simem:s7], [sflag:s8] =	dma.local @!p0 [hbm:s6], $0xF7A  }
0x23: {  	s9 =	sor.u32 $0xD0000000, s2;
	s6 =	simm.s32 $0x108;
	_ =	swait.ge @!p0 [sflag:s8], $0x0  }
0x24: {  	s3 =	sadd.s32 $0x88, s3;
	s6 =	simm.s32 @!p1 $0x1082;
	[sflag:s4] =	ssyncset.s32 $0xFFFFF086  }
0x25: {  	[simem:s6], [sflag:s4] =	dma.local [hbm:s3], $0xF7A  }
0x26: {  	[smem:$0x3F98] =	sst s1;
	(tag) =	ssettag s2;
	_ =	strace s9  }
0x27: {  	s1 =	sld [smem:$0x3FA8]  }
0x28: {  	s2 =	sld [smem:$0x3FA9]  }
0x29: {  	s4 =	sld [smem:$0x3FAB]  }
0x2a: {  	p0 =	seq.s32 s5, $0x0;
	s5 =	sld [smem:$0x3FAC]  }
0x2b: {  	s6 =	sld [smem:$0x3FAD]  }
0x2c: {  	s7 =	sld [smem:$0x3FAE]  }
0x2d: {  	s3 =	simm.s32 $0x108;
	s8 =	sld [smem:$0x3FAF]  }
0x2e: {  	s3 =	simm.s32 @!p0 $0x1082;
	s9 =	sld [smem:$0x3FB0]  }
0x2f: {  	lr =	sadd.s32 s0, s3;
	s0 =	sld [smem:$0x3FA7]  }
0x30: {  	s3 =	sld [smem:$0x3FAA]  }
0x31: {  	[smem:$0x3FB3] =	sst s10  }
0x32: {  	s10 =	sld [smem:$0x3FB1];
	_ =	sdelay $0x3  }
0x33: {  	p0 =	seq.s32 s10, $0x1;
	s10 =	sld [smem:$0x3FB3];
	_ =	sdelay $0x3  }
0x34: {  	[smem:$0x3FB3] =	sst s10  }
0x35: {  	s10 =	sld [smem:$0x3FB2];
	_ =	sdelay $0x3  }
0x36: {  	p1 =	seq.s32 s10, $0x1;
	s10 =	sld [smem:$0x3FB3];
	_ =	sdelay $0x3  }
0x37: {  	[smem:$0x3FB3] =	sst s10  }
0x38: {  	s10 =	sld [smem:$0x3FB4]  }
0x39: {  	_ = 	snop;
	(pc) =	sbr.ind lr, $3  }
0x3a: {  	_ = 	snop  }
0x3b: {  	_ = 	snop  }
0x3c: {  	p2 =	seq.s32 s10, $0x1;
	s10 =	sld [smem:$0x3FB3]  }
0x3d: {  	_ =	shalt  }
0x3e: {  	_ =	shalt  }
0x3f: {  	_ =	shalt  }
0x40: {  	_ =	shalt  }
0x41: {  	_ =	shalt  }
0x42: {  	_ =	shalt  }
0x43: {  	_ =	shalt  }
0x44: {  	_ =	shalt  }
0x45: {  	_ =	shalt  }
0x46: {  	_ =	shalt  }
0x47: {  	_ =	shalt  }
0x48: {  	_ =	shalt  }
0x49: {  	_ =	shalt  }
0x4a: {  	_ =	shalt  }
0x4b: {  	_ =	shalt  }
0x4c: {  	_ =	shalt  }
0x4d: {  	_ =	shalt  }
0x4e: {  	_ =	shalt  }
0x4f: {  	_ =	shalt  }
0x50: {  	_ =	shalt  }
0x51: {  	_ =	shalt  }
0x52: {  	_ =	shalt  }
0x53: {  	_ =	shalt  }
0x54: {  	_ =	shalt  }
0x55: {  	_ =	shalt  }
0x56: {  	_ =	shalt  }
0x57: {  	_ =	shalt  }
0x58: {  	_ =	shalt  }
0x59: {  	_ =	shalt  }
0x5a: {  	_ =	shalt  }
0x5b: {  	_ =	shalt  }
0x5c: {  	_ =	shalt  }
0x5d: {  	_ =	shalt  }
0x5e: {  	_ =	shalt  }
0x5f: {  	_ =	shalt  }
0x60: {  	_ =	shalt  }
0x61: {  	_ =	shalt  }
0x62: {  	_ =	shalt  }
0x63: {  	_ =	shalt  }
0x64: {  	_ =	shalt  }
0x65: {  	_ =	shalt  }
0x66: {  	_ =	shalt  }
0x67: {  	_ =	shalt  }
0x68: {  	_ =	shalt  }
0x69: {  	_ =	shalt  }
0x6a: {  	_ =	shalt  }
0x6b: {  	_ =	shalt  }
0x6c: {  	_ =	shalt  }
0x6d: {  	_ =	shalt  }
0x6e: {  	_ =	shalt  }
0x6f: {  	_ =	shalt  }
0x70: {  	_ =	shalt  }
0x71: {  	_ =	shalt  }
0x72: {  	_ =	shalt  }
0x73: {  	_ =	shalt  }
0x74: {  	_ =	shalt  }
0x75: {  	_ =	shalt  }
0x76: {  	_ =	shalt  }
0x77: {  	_ =	shalt  }
0x78: {  	_ =	shalt  }
0x79: {  	_ =	shalt  }
0x7a: {  	_ =	shalt  }
0x7b: {  	_ =	shalt  }
0x7c: {  	_ =	shalt  }
0x7d: {  	_ =	shalt  }
0x7e: {  	_ =	shalt  }
0x7f: {  	_ =	shalt  }
0x80: {  	_ =	shalt  }
0x81: {  	_ =	shalt  }
0x82: {  	_ =	shalt  }
0x83: {  	_ =	shalt  }
0x84: {  	_ =	shalt  }
0x85: {  	_ =	shalt  }
0x86: {  	_ =	shalt  }
0x87: {  	_ =	shalt  }
.Lfunc_end0:
.L_simem_size_0:
called_computation_lowered:
.L_overlay_start_0:
0x88: {  	s2 =	sld [smem:$0x3FD9]  }
0x89: {  	s3 =	sld [smem:$0x3FFE];
	_ =	sdelay $0x1  }
0x8a: {  	s1 =	srdreg.scid  }
0x8b: {  	s0 =	sand.u32 $0x1, s1  }
0x8c: {  	s14 =	sshll.u32 s0, $0xA;
	s2 =	sadd.s32 s3, s2  }
0x8d: {  	s2 =	sadd.s32 s2, s14  }
0x8e: {  	[smem:$0x3FBF] =	sst s2  }
0x8f: {  	_ = 	snop  }
0x90: {  	s2 =	sld [smem:$0x3FD0];
	_ =	sdelay $0x2  }
0x91: {  	s15 =	simm.s32 $0xA;
	s4 =	simm.s32 $0x10  }
0x92: {  	[smem:s4], [sflag:s15] =	dma.local [hbm:s2], $0x1  }
0x93: {  	_ =	swait.eq [sflag:s15], $0x1  }
0x94: {  	[sflag:s15] =	ssyncset.done $0x0  }
0x95: {  	s16 =	sld [smem:$0x11];
	[sflag:s15] =	ssyncadd.s32 $0xFFFFFFFF  }
0x96: {  	s17 =	sld [smem:$0x12];
	(tm) =	ssettm $0x1  }
0x97: {  	s18 =	sld [smem:$0x3FFB];
	_ =	sdelay $0x3  }
0x98: {  	_ =	strace s18  }
0x99: {  	s4 =	sld [smem:$0x3FFC];
	_ =	sdelay $0x3  }
0x9a: {  	_ =	strace s4  }
0x9b: {  	s4 =	sld [smem:$0x3FFD];
	_ =	sdelay $0x3  }
0x9c: {  	_ =	strace s4  }
0x9d: {  	_ =	strace $0x8FFFFFFF  }
0x9e: {  	s19 =	sld [smem:$0x3FDB];
	_ =	sdelay $0x1  }
0x9f: {  	s5 =	simm.s32 $_scs_section_size  }
0xa0: {  	s6 =	simm.s32 $_size__tile_overlayer_lowered;
	s7 =	simm.s32 $_tile_overlayer_lowered  }
0xa1: {  	s22 =	simm.s32 $0x1BFF;
	s21 =	sshll.u32 s7, $0x1;
	s4 =	sadd.s32 s5, s19  }
0xa2: {  	s8 =	simm.s32 $0x0;
	s20 =	sshll.u32 s6, $0x1;
	s6 =	sadd.s32 s21, s4  }
0xa3: {  	[timem:s8], [sflag:s22] =	dma.local [hbm:s6], s20  }
0xa4: {  	_ =	swait.ge [sflag:s22], s20  }
0xa5: {  	s5 =	ssub.s32 $0x0, s20;
	[sflag:s22] =	ssyncset.done $0x0  }
0xa6: {  	[sflag:s22] =	ssyncadd.s32 s5;
	_ =	sdelay $0x1  }
0xa7: {  	s23 =	simm.s32 $0x1B8B  }
0xa8: {  	_ =	swait.ge [sflag:s23], $0x1  }
0xa9: {  	[sflag:s23] =	ssyncset.done $0x0  }
0xaa: {  	s25 =	simm.s32 $0x1B8E;
	s24 =	sld [smem:$0x3FFE];
	[sflag:s23] =	ssyncadd.s32 $0xFFFFFFFF  }
0xab: {  	s26 =	simm.s32 $execute0_lowered;
	[smem:$0x3FD2] =	sst s25  }
0xac: {  	s6 =	sshll.u32 s26, $0x1;
	_ =	strace $0x80000046;
	[dreg:$0x1] =	wrdreg $0xFFFFFFFF  }
0xad: {  	s28 =	simm.s32 $_size_execute0_lowered;
	s4 =	sadd.s32 s4, s6;
	[dreg:$0x0] =	wrdreg $0x0  }
0xae: {  	s6 =	sshll.u32 s28, $0x1;
	[dreg:$0x2] =	wrdreg s4  }
0xaf: {  	[dreg:$0x3] =	wrdreg s6  }
0xb0: {  	[dreg:$0x4] =	wrdreg $0xC0  }
0xb1: {  	_ =	task [dreg:s8], $0x5FFFF  }
0xb2: {  	[dreg:$0x1] =	wrdreg $0xFFFFFFFF  }
0xb3: {  	[dreg:$0x0] =	wrdreg $0x60  }
0xb4: {  	[dreg:$0x2] =	wrdreg s16  }
0xb5: {  	[dreg:$0x3] =	wrdreg s24  }
0xb6: {  	[dreg:$0x4] =	wrdreg s17  }
0xb7: {  	[dreg:$0x5] =	wrdreg $0x9  }
0xb8: {  	_ =	task.clear_ibuf [dreg:s8], $0x6FFFF;
	_ =	strace $0x90000046  }
0xb9: {  	s29 =	simm.s32 $0x9;
	_ =	strace $0x80000048  }
0xba: {  	_ =	swait.ge [sflag:s29], $0x1  }
0xbb: {  	[sflag:s29] =	ssyncadd.s32 $0xFFFFFFFF  }
0xbc: {  	_ =	strace $0x90000048  }
0xbd: {  	_ =	sfence  }
0xbe: {  	s30 =	sld [smem:$0x0];
	_ =	sdelay $0x2  }
0xbf: {  	s31 =	sshll.u32 s1, $0xD;
	s1 =	sshrl.u32 s1, $0x2  }
0xc0: {  	s3 =	sand.u32 $0x4000, s31;
	s1 =	sadd.s32 s1, s30  }
0xc1: {  	s0 =	sor.u32 s3, s0;
	s1 =	sshll.u32 s1, $0x11  }
0xc2: {  	s0 =	sor.u32 s1, s0  }
0xc3: {  	s0 =	sadd.s32 $0x8F2B, s0  }
0xc4: {  	[sflag:s0] =	ssyncadd.remote.s32 $0x1  }
0xc5: {  	_ =	sfence.sel $0xFFFF  }
0xc6: {  	[dreg:$0x0] =	wrdreg $0xFFFFFFFF;
	(pc) =	sbr.abs _section_cstart, $3  }
0xc7: {  	[dreg:$0x1] =	wrdreg $0xFFFFFFFF  }
0xc8: {  	_ =	task.clear_ibuf [dreg:s8], $0x2FFFF;
	_ =	strace $0x9FFFFFFF  }
0xc9: {  	(tm) =	ssettm $0x7FFFFFFF  }
tec
execute0_lowered:
.L_overlay_start_1:
0x0: {  	(tag) =	ssettag $0x1  }
0x1: {  	s0 =	rddreg [dreg:$0x1]  }
0x2: {  	s1 =	srdreg.scid;
	s3 =	stileid.u32  }
0x3: {  	s2 =	rddreg [dreg:$0x2];
	s9 =	simm.s32 $0x0;
	s13 =	simm.s32 $0x9300  }
0x4: {  	s14 =	simm.s32 $0x1;
	s15 =	simm.s32 $0x9500;
	s16 =	simm.s32 $0x9700  }
0x5: {  	s19 =	simm.s32 $0x19900;
	s1 =	sand.u32 $0x1, s1;
	s3 =	sshll.u32 s3, $0x1  }
0x6: {  	s20 =	simm.s32 $0x9900;
	s21 =	simm.s32 $0x11900;
	s3 =	sor.u32 s1, s3  }
0x7: {  	[smem:$0x7FF] =	sst s9;
	s1 =	ssub.s32 $0x2, s1;
	s4 =	smul.u32 $0x188, s3  }
0x8: {  	s5 =	sadd.s32 $0x2400, s0;
	s6 =	sadd.s32 $0xA00, s0;
	s8 =	sshrl.u32 s1, $0x1  }
0x9: {  	s7 =	sadd.s32 $0x5E00, s0;
	s1 =	ssub.s32 s1, s8;
	s3 =	sshrl.u32 s4, $0x3  }
0xa: {  	_ =	strace $0x80000047;
	s31 =	smax.u32 s1, $0x1;
	s0 =	sadd.s32 s3, s0  }
.Ltmp0:
0xb: {  	s2 =	sadd.s32 s2, s3;
	[dreg:$0x8] =	wrdreg s31;
	(pc) =	sbr.rel .LBB2_1-.Ltmp0, $4  }
0xc: {  	s22 =	simm.s32 $0x19980;
	[dreg:$0x4] =	wrdreg s2;
	s29 =	sadd.s32 $0x4E00, s0  }
0xd: {  	s23 =	simm.s32 $0x1A380;
	s30 =	sadd.s32 $0x4600, s0;
	[dreg:$0x5] =	wrdreg s29  }
0xe: {  	s24 =	simm.s32 $0x19B80;
	s0 =	sadd.s32 $0x5600, s0;
	[dreg:$0x6] =	wrdreg s30  }
0xf: {  	v0 =	vimm.s32 $0x0;
	v1 =	vlaneseq.u32;
	s25 =	simm.s32 $0x19F80;
	s1 =	simm.s32 $0x0;
	[dreg:$0x7] =	wrdreg s0  }
.LBB2_59:
0x10: {  	s9 =	simm.s32 $0x0;
	s0 =	rddreg [dreg:$0x7];
	s1 =	simm.s32 $0x1A400  }
0x11: {  	[hbm4b:s0+s9] =	stream.linear.scatter [tilespmem:s1], [sflag:$0x1], $0x188, $0x38;
	[tilespmem:$0x1A600] =	vst v63  }
0x12: {  	_ =	swait.ge [sflag:s14], $0x188  }
0x13: {  	s30 =	rddreg [dreg:$0x9]  }
0x14: {  	s31 =	rddreg [dreg:$0x8];
	s1 =	sadd.s32 $0x1, s30  }
0x15: {  	p0 =	sne.s32 s1, s31  }
.Ltmp1:
0x16: {  	_ = 	snop;
	(pc) =	sbr.rel @!p0 .LBB2_60-.Ltmp1, $3  }
0x17: {  	_ =	sdelay $0x1  }
0x18: {  	[sflag:s14] =	ssyncset.done $0x0  }
0x19: {  	[sflag:s14] =	ssyncadd.s32 $0xFFFFFE78  }
.LBB2_1:
0x1a: {  	[dreg:$0x9] =	wrdreg s1  }
0x1b: {  	s0 =	rddreg [dreg:$0x4]  }
0x1c: {  	[tilespmem:s13], [sflag:$0x1] =	stream.linear.gather [hbm4b:s0+s9], $0x188, $0x38;
	[tilespmem:$0x1A600] =	vst v63  }
0x1d: {  	_ =	swait.ge [sflag:s14], $0x188  }
0x1e: {  	[sflag:s14] =	ssyncset.done $0x0  }
0x1f: {  	s30 =	rddreg [dreg:$0x5];
	[sflag:s14] =	ssyncadd.s32 $0xFFFFFE78  }
0x20: {  	[tilespmem:s15], [sflag:$0x1] =	stream.linear.gather [hbm4b:s30+s9], $0x188, $0x38;
	[tilespmem:$0x1A600] =	vst v63  }
0x21: {  	_ =	swait.ge [sflag:s14], $0x188  }
0x22: {  	[sflag:s14] =	ssyncset.done $0x0  }
.Ltmp2:
0x23: {  	s31 =	rddreg [dreg:$0x6];
	[sflag:s14] =	ssyncadd.s32 $0xFFFFFE78;
	(pc) =	sbr.rel .LBB2_2-.Ltmp2, $4  }
0x24: {  	[tilespmem:s16], [sflag:$0x1] =	stream.linear.gather [hbm4b:s31+s9], $0x188, $0x38;
	[tilespmem:$0x1A600] =	vst v63  }
0x25: {  	_ =	swait.ge [sflag:s14], $0x188  }
0x26: {  	[sflag:s14] =	ssyncset.done $0x0  }
0x27: {  	s0 =	simm.s32 $0x0;
	[sflag:s14] =	ssyncadd.s32 $0xFFFFFE78  }
.LBB2_58:
0x28: {  	s0 =	rddreg [dreg:$0xa]  }
0x29: {  	s0 =	sadd.s32 $0x1, s0  }
0x2a: {  	p0 =	sne.s32 s0, $0x31  }
.Ltmp3:
0x2b: {  	_ = 	snop;
	(pc) =	sbr.rel @!p0 .LBB2_59-.Ltmp3, $1  }
0x2c: {  	_ =	sdelay $0x3  }
.LBB2_2:
0x2d: {  	[dreg:$0xa] =	wrdreg s0;
	s30 =	sshll.u32 s0, $0x3  }
0x2e: {  	[tilespmem:$0x19900] =	vst v0;
	s0 =	simm.s32 $0x0;
	s2 =	simm.s32 $0x0;
	s31 =	simm.s32 $0x0  }
.LBB2_3:
0x2f: {  	s1 =	smul.u32 $0x3100, s31;
	_ =	sdelay $0x1  }
0x30: {  	s3 =	rddreg [dreg:$0x0];
	s1 =	sshrl.u32 s1, $0x3  }
0x31: {  	s3 =	sadd.s32 s3, s1  }
0x32: {  	[tilespmem:s0], [sflag:$0x1] =	stream.linear.gather [hbm4b:s3+s0], $0x3100, $0x38;
	[tilespmem:$0x1A600] =	vst v63  }
0x33: {  	_ =	swait.ge [sflag:s14], $0x3100  }
0x34: {  	[sflag:s14] =	ssyncset.done $0x0  }
0x35: {  	s8 =	simm.s32 $0x3100;
	s28 =	sadd.s32 s5, s1;
	[sflag:s14] =	ssyncadd.s32 $0xFFFFCF00  }
0x36: {  	[tilespmem:s8], [sflag:$0x1] =	stream.linear.gather [hbm4b:s28+s0], $0x3100, $0x38;
	[tilespmem:$0x1A600] =	vst v63  }
0x37: {  	_ =	swait.ge [sflag:s14], $0x3100  }
0x38: {  	[sflag:s14] =	ssyncset.done $0x0  }
0x39: {  	s29 =	simm.s32 $0x6200;
	s1 =	sadd.s32 s6, s1;
	[sflag:s14] =	ssyncadd.s32 $0xFFFFCF00  }
0x3a: {  	[tilespmem:s29], [sflag:$0x1] =	stream.linear.gather [hbm4b:s1+s0], $0x3100, $0x38;
	[tilespmem:$0x1A600] =	vst v63  }
0x3b: {  	_ =	swait.ge [sflag:s14], $0x3100  }
0x3c: {  	[sflag:s14] =	ssyncset.done $0x0  }
0x3d: {  	s8 =	simm.s32 $0x0;
	[sflag:s14] =	ssyncadd.s32 $0xFFFFCF00  }
.LBB2_4:
0x3e: {  	s1 =	sadd.s32 s30, s8;
	v2 =	vmov s8  }
0x3f: {  	v5 =	vmov s1;
	_ =	sdelay $0x3  }
0x40: {  	v20 =	vld.idx.msk [tilespmem:v2+s19+$0x0], $0xffff  }
0x41: {  	v3 =	vld.idx.msk [tilespmem:v5+s13+$0x0], $0xffff  }
0x42: {  	s29 =	sshll.u32 s8, $0xC;
	s9 =	simm.s32 $0x0;
	v4 =	vld.idx.msk [tilespmem:v5+s15+$0x0], $0xffff  }
0x43: {  	s10 =	simm.s32 $0x6280;
	s11 =	simm.s32 $0x3180;
	s12 =	simm.s32 $0x80;
	v6 =	vmov s29;
	v5 =	vld.idx.msk [tilespmem:v5+s16+$0x0], $0xffff  }
.LBB2_5:
0x44: {  	v7 =	vld [tilespmem:s12+$0xFFFFFF80]  }
0x45: {  	v8 =	vld [tilespmem:s10+$0xFFFFFF80]  }
0x46: {  	v9 =	vld [tilespmem:s12+$0xFFFFFF90]  }
0x47: {  	v10 =	vld [tilespmem:s10+$0xFFFFFF90]  }
0x48: {  	v11 =	vld [tilespmem:s11+$0xFFFFFF80]  }
0x49: {  	v12 =	vld [tilespmem:s11+$0xFFFFFF90]  }
0x4a: {  	v13 =	vld [tilespmem:s12+$0xFFFFFFA0]  }
0x4b: {  	v14 =	vld [tilespmem:s10+$0xFFFFFFA0]  }
0x4c: {  	v15 =	vld [tilespmem:s11+$0xFFFFFFA0]  }
0x4d: {  	v16 =	vld [tilespmem:s12+$0xFFFFFFB0]  }
0x4e: {  	v17 =	vld [tilespmem:s10+$0xFFFFFFB0]  }
0x4f: {  	v18 =	vld [tilespmem:s12+$0xFFFFFFC0]  }
0x50: {  	v39 =	vld [tilespmem:s12+$0xFFFFFFD0]  }
0x51: {  	v40 =	vld [tilespmem:s10+$0xFFFFFFD0]  }
0x52: {  	v44 =	vld [tilespmem:s11+$0xFFFFFFC0]  }
0x53: {  	v22 =	vld [tilespmem:s12+$0xFFFFFFE0];
	v7 =	vsub.f32 v7, v3;
	v8 =	vsub.f32 v8, v5  }
0x54: {  	v23 =	vld [tilespmem:s10+$0xFFFFFFE0];
	v9 =	vsub.f32 v9, v3;
	v10 =	vsub.f32 v10, v5  }
0x55: {  	v25 =	vld [tilespmem:s12+$0xFFFFFFF0];
	v11 =	vsub.f32 v11, v4;
	v12 =	vsub.f32 v12, v4  }
0x56: {  	v50 =	vld [tilespmem:s11+$0xFFFFFFF0];
	v13 =	vsub.f32 v13, v3;
	v14 =	vsub.f32 v14, v5  }
0x57: {  	v27 =	vld [tilespmem:s10+$0x10];
	v36 =	vsub.f32 v15, v4;
	v41 =	vsub.f32 v16, v3  }
0x58: {  	v28 =	vld [tilespmem:s11+$0x10];
	v43 =	vsub.f32 v17, v5;
	v18 =	vsub.f32 v18, v3  }
0x59: {  	v30 =	vld [tilespmem:s12+$0x20];
	v24 =	vsub.f32 v44, v4;
	v22 =	vsub.f32 v22, v3  }
0x5a: {  	v51 =	vld [tilespmem:s12+$0x0];
	v23 =	vsub.f32 v23, v5;
	v7 =	vmul.f32 v7, v7;
	v8 =	vmul.f32 v8, v8  }
0x5b: {  	v53 =	vld [tilespmem:s11+$0x0];
	v54 =	vsub.f32 v50, v4;
	v9 =	vmul.f32 v9, v9;
	v10 =	vmul.f32 v10, v10  }
0x5c: {  	v34 =	vld [tilespmem:s12+$0x40];
	v58 =	vsub.f32 v27, v5;
	v11 =	vmul.f32 v11, v11;
	v35 =	vmul.f32 v12, v12  }
0x5d: {  	v63 =	vld [tilespmem:s10+$0x40];
	v28 =	vsub.f32 v28, v4;
	v37 =	vmul.f32 v13, v13;
	v38 =	vmul.f32 v14, v14  }
0x5e: {  	v30 =	vsub.f32 v30, v3;
	v45 =	vmul.f32 v41, v41;
	v15 =	vmul.f32 v43, v43  }
0x5f: {  	v13 =	vsub.f32 v39, v3;
	v14 =	vsub.f32 v40, v5;
	v47 =	vmul.f32 v18, v18  }
0x60: {  	v48 =	vld [tilespmem:s10+$0xFFFFFFF0];
	v49 =	vmul.f32 v24, v24;
	v52 =	vmul.f32 v23, v23;
	v23 =	vsub.f32 v25, v3  }
0x61: {  	v59 =	vld [tilespmem:s12+$0x30];
	s28 =	sadd.s32 s9, s2;
	v24 =	vsub.f32 v51, v3;
	v25 =	vsub.f32 v53, v4;
	v62 =	vmul.f32 v28, v28  }
0x62: {  	v60 =	vld [tilespmem:s10+$0x30];
	s29 =	sadd.s32 $0x50, s28;
	v30 =	vmul.f32 v30, v30;
	v43 =	vsub.f32 v34, v3;
	v28 =	vsub.f32 v63, v5  }
0x63: {  	v18 =	vld [tilespmem:s11+$0xFFFFFFE0];
	v34 =	vor.u32 s29, v1;
	v7 =	vadd.f32 v8, v7;
	v9 =	vadd.f32 v10, v9  }
0x64: {  	v8 =	vld [tilespmem:s11+$0xFFFFFFB0];
	v10 =	vadd.f32 v38, v37;
	v13 =	vmul.f32 v13, v13;
	v14 =	vmul.f32 v14, v14  }
0x65: {  	v55 =	vmul.f32 v23, v23;
	v24 =	vmul.f32 v24, v24;
	v19 =	vadd.f32 v7, v11;
	v7 =	vld [tilespmem:s10+$0xFFFFFFC0]  }
0x66: {  	v56 =	vmul.f32 v25, v25;
	v25 =	vsub.f32 v59, v3;
	v12 =	vadd.f32 v9, v35  }
0x67: {  	v9 =	vmul.f32 v36, v36;
	v13 =	vadd.f32 v14, v13;
	v11 =	vsub.f32 v48, v5  }
0x68: {  	v46 =	vld [tilespmem:s11+$0xFFFFFFD0];
	v36 =	vsub.f32 v60, v5;
	v40 =	vmul.f32 v25, v25;
	v18 =	vsub.f32 v18, v4  }
0x69: {  	v23 =	vld [tilespmem:s12+$0x10];
	vm10 =	vle.f32 v19, $4.000000280e-02;
	vm3 =	vle.f32 v12, $4.000000280e-02;
	v8 =	vsub.f32 v8, v4  }
0x6a: {  	v9 =	vadd.f32 v10, v9;
	v11 =	vmul.f32 v11, v11;
	v7 =	vsub.f32 v7, v5  }
0x6b: {  	v10 =	vadd.f32 v15, v45;
	v41 =	vmul.f32 v36, v36;
	v8 =	vmul.f32 v8, v8  }
0x6c: {  	v42 =	vsel vm10, $0x1, v0;
	v21 =	vsel vm3, $0x1, v0;
	v7 =	vmul.f32 v7, v7  }
0x6d: {  	v37 =	vld [tilespmem:s11+$0x40];
	v18 =	vmul.f32 v18, v18;
	v17 =	vadd.f32 v10, v8;
	v8 =	vsub.f32 v46, v4  }
0x6e: {  	v23 =	vsub.f32 v23, v3;
	v48 =	vmpcnt.ones.xlane vm10;
	v7 =	vadd.f32 v7, v47  }
0x6f: {  	v44 =	vld [tilespmem:s10+$0x50];
	v50 =	vmpcnt.ones.xlane vm3;
	v14 =	vadd.f32 v11, v55;
	v8 =	vmul.f32 v8, v8  }
0x70: {  	vm9 =	vle.f32 v9, $4.000000280e-02;
	(xrf0) =	vadd.scan.msk.s32 $0xffff, v42;
	v45 =	vadd.f32 v41, v40;
	v15 =	vadd.f32 v7, v49;
	v7 =	vld [tilespmem:s10+$0x0]  }
0x71: {  	v60 =	vld [tilespmem:s12+$0x70];
	v26 =	vsel vm9, $0x1, v0;
	v10 =	vadd.f32 v13, v8;
	v8 =	vmul.f32 v22, v22  }
0x72: {  	v23 =	vmul.f32 v23, v23;
	(xrf0) =	vadd.scan.msk.s32 $0xffff, v21;
	v21 =	vsub.f32 v37, v4;
	v51 =	vmpcnt.ones.xlane vm9  }
0x73: {  	v46 =	vmul.f32 v28, v28;
	vm11 =	vle.f32 v17, $4.000000280e-02;
	v8 =	vadd.f32 v52, v8  }
0x74: {  	v21 =	vmul.f32 v21, v21;
	v22 =	vsel vm11, $0x1, v0;
	v13 =	vmul.f32 v54, v54  }
0x75: {  	s26 =	sadd.s32 $0x40, s28;
	(xrf0) =	vadd.scan.msk.s32 $0xffff, v26;
	v54 =	vmpcnt.ones.xlane vm11;
	v11 =	vadd.f32 v8, v18;
	v18 =	vld [tilespmem:s10+$0x20];
	v7 =	vsub.f32 v7, v5  }
0x76: {  	v57 =	vld [tilespmem:s11+$0x20];
	v47, _, _ =	vpop (xrf0);
	(xrf0) =	vadd.scan.msk.s32 $0xffff, v22;
	v22 =	vsub.f32 v44, v5;
	v44 =	vsub.f32 v60, v3;
	v60 =	vor.u32 s26, v1  }
0x77: {  	vm7 =	vle.f32 v15, $4.000000280e-02;
	vm4 =	vle.f32 v10, $4.000000280e-02;
	v29 =	vmul.f32 v7, v7  }
0x78: {  	v61 =	vld [tilespmem:s11+$0x30];
	v31 =	vsel vm7, $0x1, v0;
	v32 =	vsel vm4, $0x1, v0;
	v22 =	vmul.f32 v22, v22  }
0x79: {  	v53 =	vld [tilespmem:s11+$0x50];
	vm2 =	vle.f32 v11, $4.000000280e-02;
	v8 =	vadd.f32 v29, v24;
	v24 =	vmul.f32 v58, v58  }
0x7a: {  	v7 =	vadd.f32 v14, v13;
	v27 =	vsel vm2, $0x1, v0;
	v18 =	vsub.f32 v18, v5;
	v58 =	vld [tilespmem:s10+$0x60]  }
0x7b: {  	v14 =	vsub.f32 v57, v4;
	v40 =	vmpcnt.ones.xlane vm2;
	v23 =	vadd.f32 v24, v23  }
0x7c: {  	v59 =	vld [tilespmem:s11+$0x60];
	vm0 =	vle.f32 v7, $4.000000280e-02;
	v8 =	vadd.f32 v8, v56;
	v18 =	vmul.f32 v18, v18  }
0x7d: {  	v14 =	vmul.f32 v14, v14;
	v33 =	vsel vm0, $0x1, v0;
	v56 =	vld [tilespmem:s12+$0x60];
	v13 =	vadd.f32 v23, v62  }
0x7e: {  	vm1 =	vle.f32 v8, $4.000000280e-02;
	v18 =	vadd.f32 v18, v30;
	v23 =	vsub.f32 v61, v4  }
0x7f: {  	s18 =	sadd.s32 $0x30, s28;
	v42 =	vld [tilespmem:s12+$0x50];
	v30 =	vsub.f32 v53, v4;
	v35 =	vsel vm1, $0x1, v0;
	v62 =	vsub.f32 v58, v5  }
0x80: {  	v58 =	vor.u32 s18, v1;
	vm5 =	vle.f32 v13, $4.000000280e-02;
	v16 =	vadd.f32 v18, v14  }
0x81: {  	v18 =	vmul.f32 v23, v23;
	v23 =	vmul.f32 v43, v43;
	v43 =	vsub.f32 v59, v4  }
0x82: {  	s17 =	sadd.s32 $0x20, s28;
	v59 =	vmpcnt.ones.xlane vm0;
	v25 =	vsel vm5, $0x1, v0;
	v61 =	vsub.f32 v56, v3  }
0x83: {  	v56 =	vor.u32 s17, v1;
	vm8 =	vle.f32 v16, $4.000000280e-02;
	v14 =	vadd.f32 v45, v18  }
0x84: {  	v18 =	vadd.f32 v46, v23;
	v23 =	vsub.f32 v42, v3;
	v42 =	vmul.f32 v62, v62  }
0x85: {  	v45 =	vmpcnt.ones.xlane vm7;
	v63 =	vsel vm8, $0x1, v0;
	vm6 =	vle.f32 v14, $4.000000280e-02  }
0x86: {  	(xrf0) =	vadd.scan.msk.s32 $0xffff, v31;
	v18 =	vadd.f32 v18, v21;
	v21 =	vmul.f32 v23, v23;
	v23 =	vadd.s32 v47, v20  }
0x87: {  	v49, _, _ =	vpop (xrf0);
	v20 =	vadd.s32 v20, v48;
	v47 =	vmpcnt.ones.xlane vm4;
	v23 =	vadd.s32 $0xFFFFFFFF, v23  }
0x88: {  	s1 =	sadd.s32 $0x10, s28;
	v24 =	vadd.s32 v20, v49;
	v20 =	vadd.s32 v20, v50;
	v36 =	vsel vm6, $0x1, v0  }
0x89: {  	v52, _, _ =	vpop (xrf0);
	(xrf0) =	vadd.scan.msk.s32 $0xffff, v32;
	v49 =	vor.u32 s28, v1;
	v50 =	vor.u32 s1, v1;
	vm12 =	vlt.s32 v23, $0xFFF  }
0x8a: {  	v24 =	vadd.s32 $0xFFFFFFFF, v24;
	v29 =	vadd.s32 v20, v52;
	v20 =	vadd.s32 v20, v51  }
0x8b: {  	v55, _, _ =	vpop (xrf0);
	v23 =	vnsel vm12, $0xFFF, v23;
	vm12 =	vlt.s32 v24, $0xFFF;
	v29 =	vadd.s32 $0xFFFFFFFF, v29  }
0x8c: {  	v57, _, _ =	vpop (xrf0);
	v48 =	vld [tilespmem:s11+$0x70];
	v31 =	vadd.s32 v20, v55;
	v26 =	vadd.s32 v20, v54;
	v24 =	vnsel vm12, $0xFFF, v24  }
0x8d: {  	vm12 =	vlt.s32 v29, $0xFFF;
	v20 =	vadd.s32 $0xFFFFFFFF, v31;
	v28 =	vadd.s32 v26, v57  }
0x8e: {  	s17 =	sadd.s32 $0x70, s28;
	v23 =	vadd.s32 v6, v23;
	v31 =	vmul.f32 v44, v44;
	v26 =	vadd.s32 v26, v45  }
0x8f: {  	v46, _, _ =	vpop (xrf0);
	v44 =	vor.u32 s17, v1;
	v29 =	vnsel vm12, $0xFFF, v29;
	vm12 =	vlt.s32 v20, $0xFFF  }
0x90: {  	v28 =	vadd.s32 $0xFFFFFFFF, v28;
	v24 =	vadd.s32 v6, v24;
	v32 =	vadd.s32 v26, v46  }
0x91: {  	s26 =	sadd.s32 $0x90, s28;
	(xrf0) =	vadd.scan.msk.s32 $0xffff, v27;
	v26 =	vadd.s32 v26, v47;
	v54 =	vsub.f32 v48, v4;
	v46 =	vmpcnt.ones.xlane vm6  }
0x92: {  	v47 =	vor.u32 s26, v1;
	v38 =	vnsel vm12, $0xFFF, v20;
	vm12 =	vlt.s32 v28, $0xFFF  }
0x93: {  	(xrf0) =	vadd.scan.msk.s32 $0xffff, v33;
	v20 =	vadd.f32 v22, v21;
	v22 =	vmul.f32 v30, v30;
	v30 =	vmul.f32 v43, v43  }
0x94: {  	v21 =	vld [tilespmem:s10+$0x70];
	v29 =	vadd.s32 v6, v29;
	v32 =	vadd.s32 $0xFFFFFFFF, v32;
	v43 =	vmpcnt.ones.xlane vm8  }
0x95: {  	v28 =	vnsel vm12, $0xFFF, v28;
	v20 =	vadd.f32 v20, v22;
	v22 =	vmul.f32 v61, v61  }
0x96: {  	(xrf0) =	vadd.scan.msk.s32 $0xffff, v35;
	vm12 =	vle.f32 v18, $4.000000280e-02;
	vm14 =	vlt.s32 v32, $0xFFF;
	v52 =	vadd.s32 v6, v38  }
0x97: {  	v39 =	vsel vm12, $0x1, v0;
	v57 =	vadd.s32 v6, v28;
	[tilespmem:v23+s20+$0x0] =	vst.idx.msk vm10, v19;
	v19, _, _ =	vpop (xrf0);
	v22 =	vadd.f32 v42, v22  }
0x98: {  	s3 =	sadd.s32 $0x60, s28;
	(xrf0) =	vadd.scan.msk.s32 $0xffff, v25;
	[tilespmem:v23+s21+$0x0] =	vst.idx.msk vm10, v49;
	v19 =	vadd.s32 v26, v19;
	v26 =	vadd.s32 v26, v40  }
0x99: {  	v23, _, _ =	vpop (xrf0);
	(xrf0) =	vadd.scan.msk.s32 $0xffff, v63;
	v63 =	vmpcnt.ones.xlane vm5;
	v42 =	vor.u32 s3, v1;
	v21 =	vsub.f32 v21, v5  }
0x9a: {  	v51 =	vadd.s32 $0xFFFFFFFF, v19;
	v19 =	vadd.s32 v26, v23;
	v23 =	vnsel vm14, $0xFFF, v32  }
0x9b: {  	[tilespmem:v24+s20+$0x0] =	vst.idx.msk vm3, v12;
	v62 =	vadd.s32 v26, v59;
	vm15 =	vlt.s32 v51, $0xFFF;
	v19 =	vadd.s32 $0xFFFFFFFF, v19  }
0x9c: {  	v61, _, _ =	vpop (xrf0);
	[tilespmem:v24+s21+$0x0] =	vst.idx.msk vm3, v50;
	vm3 =	vle.f32 v20, $4.000000280e-02;
	v12 =	vadd.f32 v22, v30;
	v22 =	vmul.f32 v54, v54  }
0x9d: {  	(xrf0) =	vadd.scan.msk.s32 $0xffff, v36;
	v23 =	vadd.s32 v6, v23;
	v24 =	vadd.s32 v62, v61;
	v21 =	vmul.f32 v21, v21  }
0x9e: {  	v50 =	vmpcnt.ones.xlane vm12;
	v53 =	vnsel vm15, $0xFFF, v51;
	vm10 =	vlt.s32 v19, $0xFFF;
	[tilespmem:v29+s20+$0x0] =	vst.idx.msk vm9, v9  }
0x9f: {  	v55 =	vsel vm3, $0x1, v0;
	v36 =	vadd.s32 $0xFFFFFFFF, v24;
	[tilespmem:v29+s21+$0x0] =	vst.idx.msk vm9, v56;
	v21 =	vadd.f32 v21, v31  }
0xa0: {  	v19 =	vnsel vm10, $0xFFF, v19;
	vm9 =	vle.f32 v12, $4.000000280e-02;
	vm13 =	vlt.s32 v36, $0xFFF;
	[tilespmem:v52+s20+$0x0] =	vst.idx.msk vm11, v17  }
0xa1: {  	v41 =	vadd.s32 v6, v53;
	[tilespmem:v52+s21+$0x0] =	vst.idx.msk vm11, v58;
	v21 =	vadd.f32 v21, v22;
	v22 =	vmpcnt.ones.xlane vm1  }
0xa2: {  	v33, _, _ =	vpop (xrf0);
	(xrf0) =	vadd.scan.msk.s32 $0xffff, v39;
	v19 =	vadd.s32 v6, v19;
	[tilespmem:v57+s20+$0x0] =	vst.idx.msk vm7, v15;
	v15 =	vnsel vm13, $0xFFF, v36  }
0xa3: {  	s29 =	sadd.s32 $0xA0, s28;
	v35, _, _ =	vpop (xrf0);
	(xrf0) =	vadd.scan.msk.s32 $0xffff, v55;
	[tilespmem:v57+s21+$0x0] =	vst.idx.msk vm7, v60;
	v15 =	vadd.s32 v6, v15;
	v22 =	vadd.s32 v62, v22  }
0xa4: {  	v58 =	vor.u32 s29, v1;
	[tilespmem:v23+s20+$0x0] =	vst.idx.msk vm4, v10;
	v37 =	vadd.s32 v22, v33;
	v22 =	vadd.s32 v22, v63  }
0xa5: {  	[tilespmem:v23+s21+$0x0] =	vst.idx.msk vm4, v34;
	v23 =	vsel vm9, $0x1, v0;
	vm4 =	vle.f32 v21, $4.000000280e-02;
	v38 =	vadd.s32 $0xFFFFFFFF, v37  }
0xa6: {  	s18 =	sadd.s32 $0x80, s28;
	v40 =	vadd.s32 v22, v35;
	(xrf0) =	vadd.scan.msk.s32 $0xffff, v23;
	v23 =	vsel vm4, $0x1, v0;
	v22 =	vadd.s32 v22, v43  }
0xa7: {  	v45, _, _ =	vpop (xrf0);
	vm14 =	vlt.s32 v38, $0xFFF;
	v17 =	vadd.s32 $0xFFFFFFFF, v40;
	(xrf0) =	vadd.scan.msk.s32 $0xffff, v23;
	v23 =	vor.u32 s18, v1  }
0xa8: {  	[tilespmem:v41+s20+$0x0] =	vst.idx.msk vm2, v11;
	v27 =	vadd.s32 v22, v45;
	v22 =	vadd.s32 v22, v46;
	v9 =	vnsel vm14, $0xFFF, v38  }
0xa9: {  	v48, _, _ =	vpop (xrf0);
	[tilespmem:v41+s21+$0x0] =	vst.idx.msk vm2, v42;
	vm15 =	vlt.s32 v17, $0xFFF;
	v49 =	vadd.s32 $0xFFFFFFFF, v27;
	v9 =	vadd.s32 v6, v9  }
0xaa: {  	[tilespmem:v19+s20+$0x0] =	vst.idx.msk vm0, v7;
	v51 =	vadd.s32 v22, v48;
	v17 =	vnsel vm15, $0xFFF, v17;
	vm10 =	vlt.s32 v49, $0xFFF  }
0xab: {  	v22 =	vadd.s32 v22, v50;
	[tilespmem:v19+s21+$0x0] =	vst.idx.msk vm0, v44;
	v19, _, _ =	vpop (xrf0);
	v7 =	vadd.s32 v6, v17;
	v10 =	vnsel vm10, $0xFFF, v49  }
0xac: {  	v17 =	vadd.s32 $0xFFFFFFFF, v51;
	[tilespmem:v15+s20+$0x0] =	vst.idx.msk vm1, v8;
	v8 =	vadd.s32 v22, v19;
	v19 =	vmpcnt.ones.xlane vm3  }
0xad: {  	vm11 =	vlt.s32 v17, $0xFFF;
	[tilespmem:v15+s21+$0x0] =	vst.idx.msk vm1, v23;
	v10 =	vadd.s32 v6, v10;
	v8 =	vadd.s32 $0xFFFFFFFF, v8  }
0xae: {  	v52 =	vnsel vm11, $0xFFF, v17;
	v53, _, _ =	vpop (xrf0);
	v54 =	vadd.s32 v22, v19;
	v19 =	vmpcnt.ones.xlane vm9;
	[tilespmem:v9+s20+$0x0] =	vst.idx.msk vm5, v13  }
0xaf: {  	vm13 =	vlt.s32 v8, $0xFFF;
	v55 =	vadd.s32 v6, v52;
	v56 =	vadd.s32 v54, v53;
	[tilespmem:v9+s21+$0x0] =	vst.idx.msk vm5, v47  }
0xb0: {  	v8 =	vnsel vm13, $0xFFF, v8;
	v57, _, _ =	vpop (xrf0);
	v11 =	vadd.s32 $0xFFFFFFFF, v56;
	v13 =	vadd.s32 v54, v19;
	[tilespmem:v7+s20+$0x0] =	vst.idx.msk vm8, v16  }
0xb1: {  	s3 =	sadd.s32 $0xB0, s28;
	vm14 =	vlt.s32 v11, $0xFFF;
	[tilespmem:v7+s21+$0x0] =	vst.idx.msk vm8, v58;
	v7 =	vadd.s32 v6, v8;
	v8 =	vadd.s32 v13, v57  }
0xb2: {  	v59 =	vor.u32 s3, v1;
	v11 =	vnsel vm14, $0xFFF, v11;
	[tilespmem:v10+s20+$0x0] =	vst.idx.msk vm6, v14;
	v8 =	vadd.s32 $0xFFFFFFFF, v8  }
0xb3: {  	s17 =	sadd.s32 $0xC0, s28;
	v60 =	vadd.s32 v6, v11;
	[tilespmem:v10+s21+$0x0] =	vst.idx.msk vm6, v59;
	vm15 =	vlt.s32 v8, $0xFFF  }
0xb4: {  	v61 =	vor.u32 s17, v1;
	v8 =	vnsel vm15, $0xFFF, v8;
	[tilespmem:v55+s20+$0x0] =	vst.idx.msk vm12, v18  }
0xb5: {  	s18 =	sadd.s32 $0xD0, s28;
	[tilespmem:v55+s21+$0x0] =	vst.idx.msk vm12, v61;
	v8 =	vadd.s32 v6, v8  }
0xb6: {  	p0 =	sne.s32 s9, $0x3000;
	v62 =	vor.u32 s18, v1;
	[tilespmem:v7+s20+$0x0] =	vst.idx.msk vm3, v20  }
.Ltmp4:
0xb7: {  	s26 =	sadd.s32 $0xE0, s28;
	[tilespmem:v7+s21+$0x0] =	vst.idx.msk vm3, v62;
	(pc) =	sbr.rel @p0 .LBB2_5-.Ltmp4, $4  }
0xb8: {  	v7 =	vor.u32 s26, v1;
	[tilespmem:v60+s20+$0x0] =	vst.idx.msk vm9, v12  }
0xb9: {  	s29 =	sadd.s32 $0xF0, s28;
	[tilespmem:v60+s21+$0x0] =	vst.idx.msk vm9, v7;
	v7 =	vmpcnt.ones.xlane vm4  }
0xba: {  	s9 =	sadd.s32 $0x100, s9;
	v63 =	vor.u32 s29, v1;
	[tilespmem:v8+s20+$0x0] =	vst.idx.msk vm4, v21  }
0xbb: {  	s12 =	sadd.s32 $0x100, s12;
	s11 =	sadd.s32 $0x100, s11;
	s10 =	sadd.s32 $0x100, s10;
	[tilespmem:v8+s21+$0x0] =	vst.idx.msk vm4, v63;
	v20 =	vadd.s32 v13, v7  }
0xbc: {  	s8 =	sadd.s32 $0x1, s8  }
0xbd: {  	p0 =	sne.s32 s8, $0x8  }
.Ltmp5:
0xbe: {  	_ = 	snop;
	(pc) =	sbr.rel @p0 .LBB2_4-.Ltmp5, $2  }
0xbf: {  	_ =	sdelay $0x2  }
0xc0: {  	[tilespmem:v2+s19+$0x0] =	vst.idx.msk $0x1, v20  }
0xc1: {  	s31 =	sadd.s32 $0x1, s31  }
0xc2: {  	p0 =	sne.s32 s31, $0x4  }
.Ltmp6:
0xc3: {  	_ = 	snop;
	(pc) =	sbr.rel @p0 .LBB2_3-.Ltmp6, $2  }
0xc4: {  	_ =	sdelay $0x2  }
0xc5: {  	s2 =	sadd.s32 $0x3100, s2  }
.Ltmp7:
0xc6: {  	(pc) =	sbr.rel .LBB2_9-.Ltmp7, $2  }
0xc7: {  	_ =	sdelay $0x2  }
0xc8: {  	s31 =	simm.s32 $0x0;
	s2 =	simm.s32 $0x0  }
.LBB2_29:
0xc9: {  	v3 =	vpsel p0, v3, v3  }
.LBB2_57:
0xca: {  	s1 =	sadd.s32 s4, s0  }
0xcb: {  	s2 =	sadd.s32 $0x1, s2;
	s1 =	sshll.u32 s1, $0x3  }
0xcc: {  	s28 =	simm.s32 $0x0;
	p0 =	sne.s32 s2, $0x8;
	s1 =	sadd.s32 s7, s1  }
0xcd: {  	v2 =	vmov s0;
	[hbm4b:s1+s28] =	stream.linear.scatter [tilespmem:s23], [sflag:$0x1], $0x40, $0x38;
	[tilespmem:$0x1A600] =	vst v63  }
.Ltmp8:
0xce: {  	_ = 	snop;
	(pc) =	sbr.rel @!p0 .LBB2_58-.Ltmp8, $4  }
0xcf: {  	_ =	swait.ge [sflag:s14], $0x40  }
0xd0: {  	vm0 =	vlt.s32 v3, $0x40;
	[sflag:s14] =	ssyncset.done $0x0  }
0xd1: {  	s29 =	simm.s32 $0x1A400;
	v3 =	vnsel vm0, $0x40, v3;
	[sflag:s14] =	ssyncadd.s32 $0xFFFFFFC0  }
0xd2: {  	s31 =	sadd.s32 $0x1000, s31;
	[tilespmem:v2+s29+$0x0] =	vst.idx.msk $0x1, v3  }
.LBB2_9:
0xd3: {  	v2 =	vmov s2;
	_ =	sdelay $0x4  }
0xd4: {  	v2 =	vld.idx.msk [tilespmem:v2+s19+$0x0], $0xffff;
	_ =	sdelay $0x4  }
0xd5: {  	v2 =	vxor.u32 $0x80000000, v2  }
0xd6: {  	(xrf0) =	vmax.scan.msk.u32 $0xffff, v2;
	_ =	sdelay $0x5  }
0xd7: {  	v2, _, _ =	vpop (xrf0)  }
0xd8: {  	(v2sf) =	vpush v2, $0xF;
	_ =	sdelay $0xe  }
0xd9: {  	s0 =	spop (v2sf)  }
0xda: {  	[tilespmem:$0x19980] =	vst v0;
	s0 =	sxor.u32 $0x80000000, s0  }
0xdb: {  	[tilespmem:$0x19990] =	vst v0;
	p0 =	slt.s32 s0, $0x1000  }
0xdc: {  	[tilespmem:$0x199A0] =	vst v0;
	p1 =	slt.s32 s0, $0xFFFFFFF2;
	s0 =	simm.s32 @!p0 $0x1000  }
0xdd: {  	[tilespmem:$0x199B0] =	vst v0;
	s1 =	sadd.s32 $0xF, s0  }
0xde: {  	[tilespmem:$0x199C0] =	vst v0;
	s3 =	sand.u32 $0xF, s1  }
0xdf: {  	[tilespmem:$0x199D0] =	vst v0;
	s29 =	sshra.s32 s1, $0x1F;
	p6 =	sne.s32 s3, $0x0  }
0xe0: {  	[tilespmem:$0x199E0] =	vst v0;
	s3 =	sshrl.u32 s29, $0x1C;
	p0 =	por !p1, !p6  }
0xe1: {  	[tilespmem:$0x199F0] =	vst v0;
	s1 =	sadd.s32 s3, s1;
	s3 =	simm.s32 $0x1;
	p0 =	por !p0, !p0  }
0xe2: {  	[tilespmem:$0x19A00] =	vst v0;
	s1 =	sshra.s32 s1, $0x4;
	s3 =	simm.s32 @!p0 $0x0  }
0xe3: {  	[tilespmem:$0x19A10] =	vst v0;
	s1 =	ssub.s32 s1, s3  }
0xe4: {  	[tilespmem:$0x19A20] =	vst v0;
	p1 =	slt.s32 s1, $0x1  }
.Ltmp9:
0xe5: {  	[tilespmem:$0x19A30] =	vst v0;
	(pc) =	sbr.rel @p1 .LBB2_15-.Ltmp9, $4  }
0xe6: {  	[tilespmem:$0x19A40] =	vst v0  }
0xe7: {  	[tilespmem:$0x19A50] =	vst v0  }
0xe8: {  	[tilespmem:$0x19A60] =	vst v0  }
0xe9: {  	[tilespmem:$0x19A70] =	vst v0;
	v2 =	vmov s0;
	p0 =	sne.s32 s1, $0x1;
	s8 =	sadd.s32 $0xFFFFFFFF, s1  }
.Ltmp10:
0xea: {  	(pc) =	sbr.rel @!p0 .LBB2_11-.Ltmp10, $2  }
0xeb: {  	_ =	sdelay $0x2  }
0xec: {  	s0 =	simm.s32 $0x0;
	s3 =	sadd.s32 $0x0, s31;
	p2 =	por $0x0, $0x0  }
0xed: {  	s1 =	sand.u32 $0xFFFFFF80, s3;
	s29 =	sand.u32 $0x70, s0  }
0xee: {  	s1 =	sor.u32 s29, s1  }
0xef: {  	v3 =	vld [tilespmem:s1+$0x9900];
	_ =	sdelay $0x4  }
0xf0: {  	v3 =	vmul.f32 $6.400000000e+03, v3;
	_ =	sdelay $0x1  }
0xf1: {  	v3 =	vtrunc.f32 v3  }
0xf2: {  	v3 =	vcvt.f32.s32 v3;
	_ =	sdelay $0x1  }
0xf3: {  	v4 =	vor.u32 s0, v1;
	p3 =	sne.s32 s8, $0x1;
	vm1 =	vlt.s32 v3, $0xFF  }
.Ltmp11:
0xf4: {  	vm0 =	vlt.s32 v4, v2;
	v3 =	vnsel vm1, $0xFF, v3;
	(pc) =	sbr.rel @!p3 .LBB2_14-.Ltmp11, $3  }
0xf5: {  	v3 =	vnsel vm0, $0x0, v3;
	_ =	sdelay $0x1  }
0xf6: {  	s0 =	simm.s32 $0x10  }
0xf7: {  	s3 =	sadd.s32 $0x10, s31;
	p2 =	por $0x1, $0x1;
	s1 =	sadd.s32 $0xFFFFFFFF, s8  }
.LBB2_13:
0xf8: {  	p3 =	sne.s32 s1, $0x1;
	s3 =	sand.u32 $0xFFFFFF80, s3;
	s9 =	sand.u32 $0x70, s0;
	v4 =	vsel vm0, $0x1, v0  }
0xf9: {  	s3 =	sor.u32 s9, s3;
	[tilespmem:v3+s22+$0x0] =	vst.idx.add.s32.msk vm0, v4  }
0xfa: {  	v3 =	vld [tilespmem:s3+$0x9900];
	_ =	sdelay $0x4  }
0xfb: {  	v3 =	vmul.f32 $6.400000000e+03, v3;
	_ =	sdelay $0x1  }
0xfc: {  	v3 =	vtrunc.f32 v3  }
0xfd: {  	v3 =	vcvt.f32.s32 v3;
	_ =	sdelay $0x1  }
0xfe: {  	v4 =	vor.u32 s0, v1;
	vm1 =	vlt.s32 v3, $0xFF  }
.Ltmp12:
0xff: {  	vm0 =	vlt.s32 v4, v2;
	v3 =	vnsel vm1, $0xFF, v3;
	(pc) =	sbr.rel @p3 .LBB2_13-.Ltmp12, $3  }
0x100: {  	v3 =	vnsel vm0, $0x0, v3;
	_ =	sdelay $0x1  }
0x101: {  	s0 =	sadd.s32 $0x10, s0  }
0x102: {  	s1 =	sadd.s32 $0xFFFFFFFF, s1;
	s3 =	sadd.s32 s0, s31  }
.LBB2_14:
0x103: {  	_ =	sdelay $0x3  }
0x104: {  	s1 =	sand.u32 $0xFFFFFF80, s3;
	s29 =	sand.u32 $0x70, s0;
	v4 =	vsel @p2 vm0, $0x1, v0  }
0x105: {  	s1 =	sor.u32 s29, s1;
	[tilespmem:v3+s22+$0x0] =	vst.idx.add.s32.msk @p2 vm0, v4  }
0x106: {  	v3 =	vld [tilespmem:s1+$0x9900];
	_ =	sdelay $0x4  }
0x107: {  	v3 =	vmul.f32 $6.400000000e+03, v3;
	_ =	sdelay $0x1  }
0x108: {  	v3 =	vtrunc.f32 v3  }
0x109: {  	v3 =	vcvt.f32.s32 v3;
	_ =	sdelay $0x1  }
0x10a: {  	v63 =	vor.u32 s0, v1;
	vm15 =	vlt.s32 v3, $0xFF  }
0x10b: {  	vm1 =	vlt.s32 v63, v2;
	v3 =	vnsel vm15, $0xFF, v3  }
0x10c: {  	v3 =	vnsel vm1, $0x0, v3;
	_ =	sdelay $0x3  }
0x10d: {  	v4 =	vsel vm1, $0x1, v0  }
0x10e: {  	[tilespmem:v3+s22+$0x0] =	vst.idx.add.s32.msk vm1, v4  }
.LBB2_15:
0x10f: {  	s1 =	simm.s32 $0x0  }
0x110: {  	v3 =	vld [tilespmem:s1+$0x19980];
	_ =	sdelay $0x4  }
0x111: {  	(xrf0) =	vadd.scan.msk.s32 $0xffff, v3;
	_ =	sdelay $0x5  }
0x112: {  	s9 =	simm.s32 $0x0;
	v3, _, _ =	vpop (xrf0)  }
0x113: {  	v3 =	vadd.s32 s9, v3  }
0x114: {  	v4 =	vxor.u32 $0x80000000, v3  }
0x115: {  	(xrf0) =	vmax.scan.msk.u32 $0xffff, v4;
	_ =	sdelay $0x5  }
0x116: {  	v4, _, _ =	vpop (xrf0)  }
0x117: {  	(v2sf) =	vpush v4, $0xF;
	_ =	sdelay $0x3  }
0x118: {  	s0 =	sadd.s32 s30, s2;
	s3 =	simm.s32 $0x10;
	[tilespmem:s1+$0x19A80] =	vst v3;
	s1 =	simm.s32 $0x80  }
.LBB2_16:
0x119: {  	p2 =	sne.s32 s1, $0x3C0;
	v3 =	vld [tilespmem:s3+$0x19980];
	_ =	sdelay $0x4  }
0x11a: {  	(xrf0) =	vadd.scan.msk.s32 $0xffff, v3;
	_ =	sdelay $0x4  }
0x11b: {  	s10 =	spop (v2sf)  }
0x11c: {  	v3, _, _ =	vpop (xrf0);
	s10 =	sxor.u32 $0x80000000, s10  }
0x11d: {  	v3 =	vadd.s32 s10, v3  }
0x11e: {  	[tilespmem:s3+$0x19A80] =	vst v3;
	v3 =	vxor.u32 $0x80000000, v3  }
0x11f: {  	(xrf0) =	vmax.scan.msk.u32 $0xffff, v3;
	_ =	sdelay $0x5  }
0x120: {  	v3, _, _ =	vpop (xrf0)  }
.Ltmp13:
0x121: {  	(v2sf) =	vpush v3, $0xF;
	(pc) =	sbr.rel @p2 .LBB2_16-.Ltmp13, $2  }
0x122: {  	_ =	sdelay $0x2  }
0x123: {  	s3 =	sshra.s32 s1, $0x2;
	s1 =	sadd.s32 $0x40, s1  }
0x124: {  	v3 =	vld [tilespmem:s3+$0x19980];
	_ =	sdelay $0x4  }
0x125: {  	(xrf0) =	vadd.scan.msk.s32 $0xffff, v3;
	_ =	sdelay $0x4  }
0x126: {  	s1 =	spop (v2sf)  }
0x127: {  	v3, _, _ =	vpop (xrf0);
	s1 =	sxor.u32 $0x80000000, s1  }
0x128: {  	v4 =	vadd.s32 s1, v3  }
0x129: {  	[tilespmem:s3+$0x19A80] =	vst v4;
	s3 =	simm.s32 $0x19A80  }
0x12a: {  	v5 =	vld [tilespmem:s3+$0x0];
	_ =	sdelay $0x3  }
0x12b: {  	v3 =	vor.u32 $0x80000000, v1  }
0x12c: {  	v4 =	vxor.u32 $0x80000000, v4;
	v6 =	vor.u32 s9, v3;
	vm0 =	vgt.s32 v5, $0x3F  }
0x12d: {  	(xrf0) =	vmax.scan.msk.u32 $0xffff, v4;
	v4 =	vnsel vm0, $0x80000400, v6  }
0x12e: {  	(xrf0) =	vmin.scan.msk.u32 $0xffff, v4  }
0x12f: {  	s10 =	simm.s32 $0x19A90  }
0x130: {  	v4 =	vld [tilespmem:s10+$0x0];
	_ =	sdelay $0x1  }
0x131: {  	s11 =	simm.s32 $0x19AA0  }
0x132: {  	v7 =	vld [tilespmem:s11+$0x0];
	v6, _, _ =	vpop (xrf0);
	vm0 =	vlt.s32 v5, $0x40;
	v5 =	vxor.u32 $0x80000000, v5  }
0x133: {  	s12 =	simm.s32 $0x10;
	(v2sf) =	vpush v6, $0xF;
	v5 =	vnsel vm0, $0x80000000, v5;
	v6, _, _ =	vpop (xrf0)  }
0x134: {  	vm0 =	vgt.s32 v4, $0x3F;
	(v2sf) =	vpush v6, $0xF;
	v6 =	vor.u32 s12, v3  }
0x135: {  	(xrf0) =	vmax.scan.msk.u32 $0xffff, v5;
	v5 =	vnsel vm0, $0x80000400, v6;
	vm0 =	vlt.s32 v4, $0x40;
	v4 =	vxor.u32 $0x80000000, v4  }
0x136: {  	s17 =	simm.s32 $0x20;
	v4 =	vnsel vm0, $0x80000000, v4;
	(xrf0) =	vmin.scan.msk.u32 $0xffff, v5  }
0x137: {  	vm0 =	vgt.s32 v7, $0x3F;
	(xrf0) =	vmax.scan.msk.u32 $0xffff, v4;
	v4 =	vor.u32 s17, v3  }
0x138: {  	s18 =	simm.s32 $0x19AB0;
	v5 =	vxor.u32 $0x80000000, v7;
	v4 =	vnsel vm0, $0x80000400, v4;
	vm0 =	vlt.s32 v7, $0x40  }
0x139: {  	v6 =	vld [tilespmem:s18+$0x0];
	v5 =	vnsel vm0, $0x80000000, v5;
	_ =	sdelay $0x1  }
0x13a: {  	(xrf0) =	vmin.scan.msk.u32 $0xffff, v4;
	v4, _, _ =	vpop (xrf0)  }
0x13b: {  	(xrf0) =	vmax.scan.msk.u32 $0xffff, v5;
	v5, _, _ =	vpop (xrf0);
	(v2sf) =	vpush v4, $0xF  }
0x13c: {  	s28 =	simm.s32 $0x30;
	(v2sf) =	vpush v5, $0xF;
	v5, _, _ =	vpop (xrf0)  }
0x13d: {  	vm0 =	vgt.s32 v6, $0x3F;
	(v2sf) =	vpush v5, $0xF;
	v5 =	vor.u32 s28, v3  }
0x13e: {  	v5 =	vnsel vm0, $0x80000400, v5;
	vm0 =	vlt.s32 v6, $0x40;
	v6 =	vxor.u32 $0x80000000, v6;
	_ =	sdelay $0x1  }
0x13f: {  	v7, _, _ =	vpop (xrf0)  }
0x140: {  	(xrf0) =	vmin.scan.msk.u32 $0xffff, v5;
	v5 =	vnsel vm0, $0x80000000, v6;
	(v2sf) =	vpush v7, $0xF;
	v6, _, _ =	vpop (xrf0)  }
0x141: {  	s29 =	spop (v2sf);
	(v2sf) =	vpush v6, $0xF;
	_ =	sdelay $0x1  }
0x142: {  	s26 =	simm.s32 $0x19AC0  }
0x143: {  	v4 =	vld [tilespmem:s26+$0x0];
	_ =	sdelay $0x2  }
0x144: {  	(xrf0) =	vmax.scan.msk.u32 $0xffff, v5  }
0x145: {  	s1 =	simm.s32 $0x40;
	s11 =	simm.s32 $0x50  }
0x146: {  	s10 =	simm.s32 $0x400;
	vm0 =	vgt.s32 v4, $0x3F;
	v5 =	vor.u32 s1, v3;
	s1 =	simm.s32 $0x19AD0;
	s3 =	spop (v2sf)  }
.LBB2_18:
0x147: {  	s12 =	smov.u32 s9;
	s17 =	smov.u32 s10;
	s10 =	sxor.u32 $0x80000000, s3  }
0x148: {  	v7 =	vnsel vm0, $0x80000400, v5;
	vm0 =	vlt.s32 v4, $0x40;
	v6 =	vxor.u32 $0x80000000, v4;
	s18 =	smov.u32 s11;
	p2 =	sne.s32 s11, $0xF0;
	v4 =	vld [tilespmem:s1+$0x0];
	s3 =	spop (v2sf)  }
.Ltmp14:
0x149: {  	s11 =	sadd.s32 $0x10, s11;
	v6 =	vnsel vm0, $0x80000000, v6;
	(xrf0) =	vmin.scan.msk.u32 $0xffff, v7;
	v5, _, _ =	vpop (xrf0);
	s9 =	sxor.u32 $0x80000000, s3;
	(pc) =	sbr.rel @p2 .LBB2_18-.Ltmp14, $3  }
0x14a: {  	p3 =	slt.s32 s17, s10;
	(xrf0) =	vmax.scan.msk.u32 $0xffff, v6;
	(v2sf) =	vpush v5, $0xF;
	v5, _, _ =	vpop (xrf0);
	p4 =	sgt.s32 s12, s9  }
0x14b: {  	s10 =	smov.u32 @p3 s17;
	(v2sf) =	vpush v5, $0xF;
	s9 =	smov.u32 @p4 s12;
	_ =	sdelay $0x1  }
0x14c: {  	s1 =	sadd.s32 $0x10, s1;
	v5 =	vor.u32 s18, v3;
	vm0 =	vgt.s32 v4, $0x3F;
	s3 =	spop (v2sf)  }
0x14d: {  	v3 =	vnsel vm0, $0x80000400, v5;
	vm15 =	vlt.s32 v4, $0x40;
	v4 =	vxor.u32 $0x80000000, v4  }
0x14e: {  	v4 =	vnsel vm15, $0x80000000, v4;
	(xrf0) =	vmin.scan.msk.u32 $0xffff, v3  }
0x14f: {  	(xrf0) =	vmax.scan.msk.u32 $0xffff, v4;
	_ =	sdelay $0x1  }
0x150: {  	v3, _, _ =	vpop (xrf0)  }
0x151: {  	(v2sf) =	vpush v3, $0xF;
	v3, _, _ =	vpop (xrf0)  }
0x152: {  	(v2sf) =	vpush v3, $0xF  }
0x153: {  	v3, _, _ =	vpop (xrf0)  }
0x154: {  	(v2sf) =	vpush v3, $0xF;
	v3, _, _ =	vpop (xrf0)  }
0x155: {  	(v2sf) =	vpush v3, $0xF;
	_ =	sdelay $0x3  }
0x156: {  	s1 =	spop (v2sf);
	s3 =	sxor.u32 $0x80000000, s3  }
0x157: {  	s1 =	sxor.u32 $0x80000000, s1;
	p2 =	slt.s32 s10, s3  }
0x158: {  	s11 =	spop (v2sf);
	s3 =	smov.u32 @p2 s10;
	p2 =	sgt.s32 s9, s1  }
0x159: {  	s29 =	spop (v2sf);
	s1 =	smov.u32 @p2 s9;
	s9 =	sxor.u32 $0x80000000, s11  }
0x15a: {  	s10 =	sxor.u32 $0x80000000, s29;
	p2 =	slt.s32 s3, s9  }
0x15b: {  	p3 =	sgt.s32 s1, s10;
	s9 =	smov.u32 @p2 s3;
	s12 =	spop (v2sf)  }
0x15c: {  	s10 =	smov.u32 @p3 s1;
	s3 =	sxor.u32 $0x80000000, s12;
	s17 =	spop (v2sf)  }
0x15d: {  	s1 =	sxor.u32 $0x80000000, s17;
	p2 =	slt.s32 s9, s3;
	s18 =	spop (v2sf)  }
0x15e: {  	p3 =	sgt.s32 s10, s1;
	s3 =	smov.u32 @p2 s9;
	s26 =	spop (v2sf)  }
0x15f: {  	s1 =	smov.u32 @p3 s10;
	s11 =	sxor.u32 $0x80000000, s18;
	s12 =	sxor.u32 $0x80000000, s26  }
.Ltmp15:
0x160: {  	v3 =	vimm.s32 $0x0;
	p2 =	slt.s32 s3, s11;
	s28 =	spop (v2sf);
	(pc) =	sbr.rel @p1 .LBB2_20-.Ltmp15, $4  }
0x161: {  	[tilespmem:$0x1A380] =	vst v3;
	p3 =	sgt.s32 s1, s12;
	s11 =	smov.u32 @p2 s3;
	s29 =	spop (v2sf)  }
0x162: {  	[tilespmem:$0x1A390] =	vst v3;
	s12 =	smov.u32 @p3 s1;
	s10 =	sxor.u32 $0x80000000, s28;
	s9 =	sxor.u32 $0x80000000, s29  }
0x163: {  	[tilespmem:$0x1A3A0] =	vst v3;
	p2 =	slt.s32 s11, s10;
	p3 =	sgt.s32 s12, s9  }
0x164: {  	[tilespmem:$0x1A3B0] =	vst v3;
	s10 =	smov.u32 @p2 s11;
	s9 =	smov.u32 @p3 s12  }
.Ltmp16:
0x165: {  	(pc) =	sbr.rel @!p0 .LBB2_22-.Ltmp16, $3  }
0x166: {  	_ =	sdelay $0x1  }
0x167: {  	s11 =	simm.s32 $0x0;
	s1 =	sadd.s32 $0x0, s31  }
0x168: {  	v3 =	vmov s10;
	v8 =	vimm.s32 $0x0;
	p1 =	por $0x0, $0x0;
	s1 =	sand.u32 $0xFFFFFF80, s1;
	s3 =	sand.u32 $0x70, s11  }
0x169: {  	s1 =	sor.u32 s3, s1  }
0x16a: {  	v4 =	vld [tilespmem:s1+$0x9900];
	_ =	sdelay $0x2  }
0x16b: {  	v5 =	vor.u32 s11, v1  }
0x16c: {  	vm0 =	vlt.s32 v5, v2  }
0x16d: {  	v5 =	vnsel vm0, $0x7F800000, v4  }
0x16e: {  	v4 =	vmul.f32 $6.400000000e+03, v5;
	_ =	sdelay $0x1  }
0x16f: {  	v4 =	vtrunc.f32 v4  }
0x170: {  	v4 =	vcvt.f32.s32 v4;
	_ =	sdelay $0x1  }
0x171: {  	vm1 =	vlt.s32 v4, $0xFF  }
0x172: {  	v4 =	vnsel vm1, $0xFF, v4  }
0x173: {  	vm1 =	vlt.s32 v4, v3  }
0x174: {  	vm2 =	veq.s32 v4, v3;
	vm1 =	vmand vm0, vm1  }
0x175: {  	vm0 =	vmand vm0, vm2;
	v4 =	vsel vm1, $0x1, v0  }
0x176: {  	v6 =	vsel vm0, $0x1, v0;
	(xrf0) =	vadd.scan.msk.s32 $0xffff, v4  }
0x177: {  	(xrf0) =	vadd.scan.msk.s32 $0xffff, v6;
	_ =	sdelay $0x4  }
0x178: {  	v4, _, _ =	vpop (xrf0)  }
0x179: {  	v4 =	vadd.s32 v4, v8;
	v6, _, _ =	vpop (xrf0)  }
0x17a: {  	v4 =	vadd.s32 $0xFFFFFFFF, v4;
	v6 =	vadd.s32 v6, v8  }
0x17b: {  	vm2 =	vlt.s32 v4, $0x3F;
	v6 =	vadd.s32 $0xFFFFFFFF, v6  }
0x17c: {  	v9 =	vld [tilespmem:s1+$0x11900];
	v11 =	vnsel vm2, $0x3F, v4;
	vm2 =	vlt.s32 v6, $0x3FF  }
0x17d: {  	p0 =	sne.s32 s8, $0x1;
	v10 =	vnsel vm2, $0x3FF, v6  }
.Ltmp17:
0x17e: {  	v6 =	vmpcnt.ones.xlane vm0;
	(pc) =	sbr.rel @!p0 .LBB2_24-.Ltmp17, $3  }
0x17f: {  	v4 =	vmpcnt.ones.xlane vm1;
	_ =	sdelay $0x1  }
0x180: {  	s8 =	sadd.s32 $0xFFFFFFFF, s8;
	s11 =	simm.s32 $0x10;
	s29 =	sadd.s32 $0x10, s31;
	v7 =	vadd.s32 v8, v4;
	v4 =	vadd.s32 v8, v6;
	[tilespmem:v11+s23+$0x0] =	vst.idx.msk vm1, v9  }
0x181: {  	p1 =	por $0x1, $0x1;
	s1 =	sand.u32 $0xFFFFFF80, s29;
	s3 =	sand.u32 $0x70, s11;
	v6 =	vmov v7;
	[tilespmem:v10+s24+$0x0] =	vst.idx.msk vm0, v5;
	v5 =	vmov v4  }
.LBB2_25:
0x182: {  	p0 =	sne.s32 s8, $0x1;
	s8 =	sadd.s32 $0xFFFFFFFF, s8;
	s1 =	sor.u32 s3, s1;
	[tilespmem:v10+s25+$0x0] =	vst.idx.msk vm0, v9  }
0x183: {  	v8 =	vld [tilespmem:s1+$0x9900];
	_ =	sdelay $0x2  }
0x184: {  	v9 =	vor.u32 s11, v1  }
0x185: {  	vm0 =	vlt.s32 v9, v2  }
0x186: {  	v8 =	vnsel vm0, $0x7F800000, v8  }
0x187: {  	v9 =	vmul.f32 $6.400000000e+03, v8;
	_ =	sdelay $0x1  }
0x188: {  	v9 =	vtrunc.f32 v9  }
0x189: {  	v9 =	vcvt.f32.s32 v9;
	_ =	sdelay $0x1  }
0x18a: {  	vm1 =	vlt.s32 v9, $0xFF  }
0x18b: {  	v9 =	vnsel vm1, $0xFF, v9  }
0x18c: {  	vm1 =	vlt.s32 v9, v3;
	vm2 =	veq.s32 v9, v3  }
0x18d: {  	vm1 =	vmand vm0, vm1  }
0x18e: {  	vm0 =	vmand vm0, vm2;
	v9 =	vsel vm1, $0x1, v0;
	v10 =	vmpcnt.ones.xlane vm1  }
0x18f: {  	v11 =	vsel vm0, $0x1, v0;
	v12 =	vmpcnt.ones.xlane vm0;
	(xrf0) =	vadd.scan.msk.s32 $0xffff, v9  }
0x190: {  	v7 =	vadd.s32 v7, v10;
	(xrf0) =	vadd.scan.msk.s32 $0xffff, v11  }
0x191: {  	v4 =	vadd.s32 v4, v12;
	_ =	sdelay $0x3  }
0x192: {  	v9, _, _ =	vpop (xrf0)  }
0x193: {  	v9 =	vadd.s32 v9, v6;
	v10, _, _ =	vpop (xrf0);
	v6 =	vmov v7  }
0x194: {  	v11 =	vadd.s32 $0xFFFFFFFF, v9;
	v9 =	vadd.s32 v10, v5;
	v5 =	vmov v4  }
0x195: {  	vm2 =	vlt.s32 v11, $0x3F;
	v10 =	vadd.s32 $0xFFFFFFFF, v9  }
0x196: {  	v9 =	vld [tilespmem:s1+$0x11900];
	v11 =	vnsel vm2, $0x3F, v11;
	vm2 =	vlt.s32 v10, $0x3FF  }
0x197: {  	v10 =	vnsel vm2, $0x3FF, v10  }
.Ltmp18:
0x198: {  	(pc) =	sbr.rel @p0 .LBB2_25-.Ltmp18, $4  }
0x199: {  	_ = 	snop  }
0x19a: {  	s11 =	sadd.s32 $0x10, s11  }
0x19b: {  	s1 =	sadd.s32 s11, s31;
	[tilespmem:v11+s23+$0x0] =	vst.idx.msk vm1, v9  }
0x19c: {  	s3 =	sand.u32 $0x70, s11;
	s1 =	sand.u32 $0xFFFFFF80, s1;
	[tilespmem:v10+s24+$0x0] =	vst.idx.msk vm0, v8  }
0x19d: {  	v8 =	vmov v7  }
.LBB2_27:
0x19e: {  	_ =	sdelay $0x4  }
0x19f: {  	s1 =	sor.u32 s3, s1;
	[tilespmem:v10+s25+$0x0] =	vst.idx.msk @p1 vm0, v9  }
0x1a0: {  	v7 =	vld [tilespmem:s1+$0x9900];
	_ =	sdelay $0x2  }
0x1a1: {  	v58 =	vor.u32 s11, v1  }
0x1a2: {  	vm13 =	vlt.s32 v58, v2  }
0x1a3: {  	v2 =	vnsel vm13, $0x7F800000, v7  }
0x1a4: {  	v7 =	vmul.f32 $6.400000000e+03, v2;
	_ =	sdelay $0x1  }
0x1a5: {  	v7 =	vtrunc.f32 v7  }
0x1a6: {  	v7 =	vcvt.f32.s32 v7;
	_ =	sdelay $0x1  }
0x1a7: {  	vm1 =	vlt.s32 v7, $0xFF  }
0x1a8: {  	v7 =	vnsel vm1, $0xFF, v7  }
0x1a9: {  	vm1 =	vlt.s32 v7, v3  }
0x1aa: {  	vm2 =	veq.s32 v7, v3;
	vm1 =	vmand vm13, vm1  }
0x1ab: {  	vm0 =	vmand vm13, vm2;
	v3 =	vsel vm1, $0x1, v0  }
0x1ac: {  	v59 =	vsel vm0, $0x1, v0;
	(xrf0) =	vadd.scan.msk.s32 $0xffff, v3  }
0x1ad: {  	(xrf0) =	vadd.scan.msk.s32 $0xffff, v59;
	_ =	sdelay $0x4  }
0x1ae: {  	v3, _, _ =	vpop (xrf0)  }
0x1af: {  	v3 =	vadd.s32 v3, v6;
	v60, _, _ =	vpop (xrf0)  }
0x1b0: {  	v3 =	vadd.s32 $0xFFFFFFFF, v3;
	v5 =	vadd.s32 v60, v5  }
0x1b1: {  	vm14 =	vlt.s32 v3, $0x3F;
	v5 =	vadd.s32 $0xFFFFFFFF, v5  }
0x1b2: {  	v61 =	vld [tilespmem:s1+$0x11900];
	v3 =	vnsel vm14, $0x3F, v3;
	vm15 =	vlt.s32 v5, $0x3FF  }
0x1b3: {  	v5 =	vnsel vm15, $0x3FF, v5;
	_ =	sdelay $0x1  }
.Ltmp19:
0x1b4: {  	_ = 	snop;
	(pc) =	sbr.rel .LBB2_28-.Ltmp19, $4  }
0x1b5: {  	v62 =	vmpcnt.ones.xlane vm0  }
0x1b6: {  	v63 =	vmpcnt.ones.xlane vm1;
	[tilespmem:v3+s23+$0x0] =	vst.idx.msk vm1, v61  }
0x1b7: {  	v4 =	vadd.s32 v4, v62;
	[tilespmem:v5+s24+$0x0] =	vst.idx.msk vm0, v2  }
0x1b8: {  	v3 =	vadd.s32 v8, v63;
	v2 =	vxor.u32 $0x80000000, v4;
	[tilespmem:v5+s25+$0x0] =	vst.idx.msk vm0, v61  }
.LBB2_20:
0x1b9: {  	v2 =	vimm.s32 $0x80000000  }
.LBB2_28:
0x1ba: {  	(xrf0) =	vmax.scan.msk.u32 $0xffff, v2;
	_ =	sdelay $0x5  }
0x1bb: {  	v2, _, _ =	vpop (xrf0)  }
0x1bc: {  	(v2sf) =	vpush v2, $0xF;
	_ =	sdelay $0x7  }
0x1bd: {  	p0 =	sgt.s32 s10, $0x3FF  }
0x1be: {  	p1 =	sgt.s32 @!p0 s9, $0x3F  }
0x1bf: {  	p1 =	por p0, p1  }
.Ltmp20:
0x1c0: {  	_ = 	snop;
	(pc) =	sbr.rel @p1 .LBB2_29-.Ltmp20, $2  }
0x1c1: {  	_ =	sdelay $0x2  }
0x1c2: {  	s1 =	spop (v2sf)  }
0x1c3: {  	s1 =	sxor.u32 $0x80000000, s1  }
0x1c4: {  	p0 =	slt.s32 s1, $0x400  }
0x1c5: {  	p1 =	slt.s32 s1, $0xFFFFFFF2;
	s1 =	simm.s32 @!p0 $0x400  }
0x1c6: {  	s3 =	sadd.s32 $0xF, s1  }
0x1c7: {  	s8 =	sand.u32 $0xF, s3  }
0x1c8: {  	s29 =	sshra.s32 s3, $0x1F;
	p6 =	sne.s32 s8, $0x0  }
.Ltmp21:
0x1c9: {  	s8 =	sshrl.u32 s29, $0x1C;
	p0 =	por !p1, !p6;
	(pc) =	sbr.rel .LBB2_31-.Ltmp21, $4  }
0x1ca: {  	s10 =	simm.s32 $0x1;
	s3 =	sadd.s32 s8, s3;
	p0 =	por !p0, !p0  }
0x1cb: {  	s3 =	sshra.s32 s3, $0x4;
	s10 =	simm.s32 @!p0 $0x0  }
0x1cc: {  	s8 =	ssub.s32 $0x40, s9;
	s9 =	ssub.s32 s3, s10  }
0x1cd: {  	s11 =	simm.s32 $0x0;
	v2 =	vmov s1;
	s10 =	simm.s32 $0x0;
	p0 =	sgt.s32 s9, $0x0  }
.LBB2_32:
0x1ce: {  	v5 =	vimm.s32 $0x40000000  }
.LBB2_56:
0x1cf: {  	vm0 =	vlt.s32 v3, $0x3F;
	s11 =	sadd.s32 $0x1, s11  }
0x1d0: {  	v4 =	vnsel vm0, $0x3F, v3;
	p1 =	sgt.s32 s8, s11  }
.Ltmp22:
0x1d1: {  	_ = 	snop;
	(pc) =	sbr.rel @!p1 .LBB2_57-.Ltmp22, $2  }
0x1d2: {  	_ =	sdelay $0x2  }
0x1d3: {  	v3 =	vadd.s32 $0x1, v3;
	[tilespmem:v4+s23+$0x0] =	vst.idx.msk $0x1, v5  }
.LBB2_31:
.Ltmp23:
0x1d4: {  	(pc) =	sbr.rel @!p0 .LBB2_32-.Ltmp23, $1  }
0x1d5: {  	_ =	sdelay $0x3  }
0x1d6: {  	s1 =	simm.s32 $0x19B80  }
0x1d7: {  	p5 =	seq.s32 s9, $0x1;
	v4 =	vld [tilespmem:s1+$0x0]  }
.Ltmp24:
0x1d8: {  	_ = 	snop;
	(pc) =	sbr.rel @p5 .LBB2_34-.Ltmp24, $4  }
0x1d9: {  	_ = 	snop  }
0x1da: {  	v5 =	vor.u32 s10, v1  }
0x1db: {  	s28 =	simm.f32 $+Inf;
	s12 =	sadd.s32 $0xFFFFFFFF, s9;
	p1 =	por $0x0, $0x0;
	vm0 =	vlt.s32 v5, v2  }
0x1dc: {  	p2 =	por $0x0, $0x0;
	p3 =	por $0x0, $0x0;
	s1 =	simm.s32 $0x19B90;
	v4 =	vnsel vm0, $0x7F800000, v4  }
0x1dd: {  	v5 =	vld [tilespmem:s1+$0x0];
	p4 =	seq.s32 s12, $0x1  }
.Ltmp25:
0x1de: {  	_ = 	snop;
	(pc) =	sbr.rel @p4 .LBB2_36-.Ltmp25, $4  }
0x1df: {  	s29 =	simm.s32 $0x10  }
0x1e0: {  	v6 =	vor.u32 s29, v1  }
0x1e1: {  	vm0 =	vlt.s32 v6, v2  }
0x1e2: {  	(xrf0) =	vmin.scan.msk.f32 $0xffff, v4;
	s1 =	sadd.s32 $0xFFFFFFFF, s12;
	s3 =	simm.s32 $0x19BA0;
	p1 =	por $0x1, $0x1;
	v4 =	vnsel vm0, $0x7F800000, v5  }
0x1e3: {  	_ =	sdelay $0x4  }
0x1e4: {  	(xrf0) =	vmin.scan.msk.f32 $0xffff, v4;
	v4, _, _ =	vpop (xrf0)  }
0x1e5: {  	(v2sf) =	vpush v4, $0xF;
	_ =	sdelay $0x4  }
0x1e6: {  	v5 =	vld [tilespmem:s3+$0x0];
	p4 =	seq.s32 s1, $0x1  }
.Ltmp26:
0x1e7: {  	_ = 	snop;
	(pc) =	sbr.rel @p4 .LBB2_38-.Ltmp26, $4  }
0x1e8: {  	s29 =	simm.s32 $0x20  }
0x1e9: {  	v6 =	vor.u32 s29, v1  }
0x1ea: {  	vm0 =	vlt.s32 v6, v2  }
0x1eb: {  	s1 =	sadd.s32 $0xFFFFFFFF, s1;
	s3 =	simm.s32 $0x19BB0;
	p2 =	por $0x1, $0x1;
	v4 =	vnsel vm0, $0x7F800000, v5  }
0x1ec: {  	(xrf0) =	vmin.scan.msk.f32 $0xffff, v4;
	v4, _, _ =	vpop (xrf0)  }
0x1ed: {  	(v2sf) =	vpush v4, $0xF;
	_ =	sdelay $0x3  }
0x1ee: {  	v5 =	vld [tilespmem:s3+$0x0];
	p4 =	seq.s32 s1, $0x1  }
.Ltmp27:
0x1ef: {  	_ = 	snop;
	(pc) =	sbr.rel @p4 .LBB2_40-.Ltmp27, $4  }
0x1f0: {  	s3 =	simm.s32 $0x30  }
0x1f1: {  	v6 =	vor.u32 s3, v1  }
0x1f2: {  	s17 =	sadd.s32 $0xFFFFFFFF, s1;
	vm0 =	vlt.s32 v6, v2  }
0x1f3: {  	s18 =	simm.s32 $0x19BC0;
	p3 =	por $0x1, $0x1;
	s1 =	simm.f32 $+Inf;
	v4 =	vnsel vm0, $0x7F800000, v5  }
.LBB2_41:
0x1f4: {  	v5 =	vld [tilespmem:s18+$0x0];
	p4 =	seq.s32 s17, $0x1;
	s17 =	sadd.s32 $0xFFFFFFFF, s17;
	(xrf0) =	vmin.scan.msk.f32 $0xffff, v4;
	v4, _, _ =	vpop (xrf0)  }
.Ltmp28:
0x1f5: {  	(v2sf) =	vpush v4, $0xF;
	(pc) =	sbr.rel @!p4 .LBB2_41-.Ltmp28, $4  }
0x1f6: {  	s3 =	sadd.s32 $0x10, s3  }
0x1f7: {  	v4 =	vor.u32 s3, v1  }
0x1f8: {  	vm0 =	vlt.s32 v4, v2;
	s29 =	spop (v2sf)  }
0x1f9: {  	s18 =	sadd.s32 $0x10, s18;
	v4 =	vnsel vm0, $0x7F800000, v5;
	s1 =	smin.f32 s1, s29  }
.LBB2_42:
0x1fa: {  	(xrf0) =	vmin.scan.msk.f32 $0xffff, v4;
	_ =	sdelay $0x3  }
0x1fb: {  	v4, _, _ =	vpop @p1 (xrf0)  }
0x1fc: {  	(v2sf) =	vpush @p1 v4, $0xF  }
0x1fd: {  	v4, _, _ =	vpop (xrf0)  }
0x1fe: {  	(v2sf) =	vpush v4, $0xF;
	_ =	sdelay $0x8  }
0x1ff: {  	s3 =	spop @p3 (v2sf)  }
0x200: {  	s1 =	smin.f32 @p3 s1, s3;
	s3 =	simm.f32 $+Inf  }
0x201: {  	s3 =	smov.u32 @p3 s1;
	s1 =	spop @p2 (v2sf)  }
0x202: {  	s26 =	simm.s32 $0x19B80;
	s1 =	smin.f32 @p2 s3, s1;
	s3 =	simm.f32 $+Inf  }
0x203: {  	v6 =	vld [tilespmem:s26+$0x0];
	s3 =	smov.u32 @p2 s1;
	s1 =	spop @p1 (v2sf)  }
.Ltmp29:
0x204: {  	s1 =	smin.f32 @p1 s3, s1;
	(pc) =	sbr.rel @p5 .LBB2_43-.Ltmp29, $4  }
0x205: {  	s17 =	simm.s32 $0x19F80;
	s28 =	smov.u32 @p1 s1;
	s18 =	spop (v2sf)  }
0x206: {  	s29 =	simm.s32 $0x0;
	p4 =	por $0x0, $0x0;
	s1 =	smin.f32 s28, s18  }
0x207: {  	v7 =	vor.u32 s29, v1;
	p3 =	por $0x0, $0x0;
	p2 =	por $0x0, $0x0;
	s3 =	simm.s32 $0x19B90;
	v4 =	vmov s1  }
0x208: {  	v5 =	vld [tilespmem:s17+$0x0];
	vm0 =	vlt.s32 v7, v2;
	p1 =	por $0x0, $0x0;
	s28 =	simm.s32 $0x40000000;
	s1 =	simm.s32 $0x19F90;
	vm1 =	veq.f32 v6, v4  }
0x209: {  	_ = 	snop  }
0x20a: {  	v6 =	vld [tilespmem:s3+$0x0];
	p5 =	seq.s32 s12, $0x1  }
.Ltmp30:
0x20b: {  	_ = 	snop;
	(pc) =	sbr.rel @p5 .LBB2_45-.Ltmp30, $4  }
0x20c: {  	_ = 	snop  }
0x20d: {  	vm0 =	vmand vm0, vm1;
	s17 =	simm.s32 $0x10;
	v5 =	vxor.u32 $0x80000000, v5  }
0x20e: {  	s3 =	sadd.s32 $0xFFFFFFFF, s12;
	v8 =	vor.u32 s17, v1;
	v7 =	vnsel vm0, $0xC0000000, v5  }
0x20f: {  	p1 =	por $0x1, $0x1;
	s17 =	simm.s32 $0x19FA0;
	v5 =	vld [tilespmem:s1+$0x0];
	vm0 =	vlt.s32 v8, v2;
	vm1 =	veq.f32 v6, v4;
	s1 =	simm.s32 $0x19BA0;
	(xrf0) =	vmin.scan.msk.u32 $0xffff, v7  }
0x210: {  	_ =	sdelay $0x4  }
0x211: {  	v7, _, _ =	vpop (xrf0)  }
0x212: {  	(v2sf) =	vpush v7, $0xF;
	_ =	sdelay $0x7  }
0x213: {  	v6 =	vld [tilespmem:s1+$0x0];
	p5 =	seq.s32 s3, $0x1  }
.Ltmp31:
0x214: {  	_ = 	snop;
	(pc) =	sbr.rel @p5 .LBB2_47-.Ltmp31, $4  }
0x215: {  	_ = 	snop  }
0x216: {  	vm0 =	vmand vm0, vm1;
	s18 =	simm.s32 $0x20;
	v5 =	vxor.u32 $0x80000000, v5  }
0x217: {  	s1 =	sadd.s32 $0xFFFFFFFF, s3;
	v8 =	vor.u32 s18, v1;
	v5 =	vnsel vm0, $0xC0000000, v5  }
0x218: {  	s3 =	simm.s32 $0x19FB0;
	p2 =	por $0x1, $0x1;
	vm0 =	vlt.s32 v8, v2;
	vm1 =	veq.f32 v6, v4;
	(xrf0) =	vmin.scan.msk.u32 $0xffff, v5;
	v5 =	vld [tilespmem:s17+$0x0];
	s17 =	simm.s32 $0x19BB0  }
0x219: {  	_ =	sdelay $0x4  }
0x21a: {  	v7, _, _ =	vpop (xrf0)  }
0x21b: {  	(v2sf) =	vpush v7, $0xF;
	_ =	sdelay $0x2  }
0x21c: {  	v6 =	vld [tilespmem:s17+$0x0];
	p5 =	seq.s32 s1, $0x1  }
.Ltmp32:
0x21d: {  	_ = 	snop;
	(pc) =	sbr.rel @p5 .LBB2_49-.Ltmp32, $4  }
0x21e: {  	_ = 	snop  }
0x21f: {  	vm0 =	vmand vm0, vm1;
	s29 =	simm.s32 $0x30;
	v5 =	vxor.u32 $0x80000000, v5  }
0x220: {  	s1 =	sadd.s32 $0xFFFFFFFF, s1;
	v8 =	vor.u32 s29, v1;
	v5 =	vnsel vm0, $0xC0000000, v5  }
0x221: {  	s18 =	simm.s32 $0x19FC0;
	p3 =	por $0x1, $0x1;
	vm0 =	vlt.s32 v8, v2;
	vm1 =	veq.f32 v6, v4;
	(xrf0) =	vmin.scan.msk.u32 $0xffff, v5;
	v5 =	vld [tilespmem:s3+$0x0];
	s3 =	simm.s32 $0x19BC0  }
0x222: {  	_ =	sdelay $0x4  }
0x223: {  	v7, _, _ =	vpop (xrf0)  }
0x224: {  	(v2sf) =	vpush v7, $0xF;
	_ =	sdelay $0x2  }
0x225: {  	v6 =	vld [tilespmem:s3+$0x0];
	vm0 =	vmand vm0, vm1;
	p5 =	seq.s32 s1, $0x1;
	v5 =	vxor.u32 $0x80000000, v5  }
.Ltmp33:
0x226: {  	v5 =	vnsel vm0, $0xC0000000, v5;
	(pc) =	sbr.rel @p5 .LBB2_51-.Ltmp33, $4  }
0x227: {  	(xrf0) =	vmin.scan.msk.u32 $0xffff, v5;
	v5 =	vld [tilespmem:s18+$0x0]  }
0x228: {  	s29 =	simm.s32 $0x40  }
0x229: {  	s3 =	sadd.s32 $0xFFFFFFFF, s1;
	s17 =	simm.s32 $0x19BD0;
	v8 =	vor.u32 s29, v1  }
0x22a: {  	p4 =	por $0x1, $0x1;
	s1 =	simm.s32 $0x40000000;
	vm0 =	vlt.s32 v8, v2;
	vm1 =	veq.f32 v6, v4;
	s18 =	simm.s32 $0x19FD0  }
.LBB2_52:
0x22b: {  	s26 =	smov.u32 s1  }
0x22c: {  	p5 =	seq.s32 s3, $0x1;
	s3 =	sadd.s32 $0xFFFFFFFF, s3;
	vm0 =	vmand vm0, vm1;
	v9 =	vxor.u32 $0x80000000, v5;
	v6 =	vld [tilespmem:s17+$0x0];
	s1 =	spop (v2sf)  }
.Ltmp34:
0x22d: {  	v8 =	vnsel vm0, $0xC0000000, v9;
	v5 =	vld [tilespmem:s18+$0x0];
	s1 =	sxor.u32 $0x80000000, s1;
	(pc) =	sbr.rel @!p5 .LBB2_52-.Ltmp34, $4  }
0x22e: {  	(xrf0) =	vmin.scan.msk.u32 $0xffff, v8;
	v7, _, _ =	vpop (xrf0);
	p6 =	slt.s32 s26, s1  }
0x22f: {  	s29 =	sadd.s32 $0x10, s29;
	(v2sf) =	vpush v7, $0xF;
	s1 =	smov.u32 @p6 s26  }
0x230: {  	v7 =	vor.u32 s29, v1  }
0x231: {  	s17 =	sadd.s32 $0x10, s17;
	s18 =	sadd.s32 $0x10, s18;
	vm0 =	vlt.s32 v7, v2;
	vm1 =	veq.f32 v6, v4  }
.LBB2_53:
0x232: {  	vm0 =	vmand vm0, vm1;
	v5 =	vxor.u32 $0x80000000, v5  }
0x233: {  	v5 =	vnsel vm0, $0xC0000000, v5  }
0x234: {  	(xrf0) =	vmin.scan.msk.u32 $0xffff, v5;
	_ =	sdelay $0x1  }
0x235: {  	v5, _, _ =	vpop @p1 (xrf0)  }
0x236: {  	(v2sf) =	vpush @p1 v5, $0xF;
	_ =	sdelay $0x2  }
0x237: {  	s3 =	spop @p4 (v2sf);
	v5, _, _ =	vpop (xrf0)  }
0x238: {  	s3 =	sxor.u32 @p4 $0x80000000, s3;
	(v2sf) =	vpush v5, $0xF  }
0x239: {  	p5 =	slt.s32 @p4 s1, s3  }
0x23a: {  	p5 =	por !p5, !p4  }
0x23b: {  	s17 =	spop @p3 (v2sf);
	s1 =	smov.u32 @p5 s3;
	s3 =	simm.s32 $0x40000000  }
0x23c: {  	s3 =	smov.u32 @p4 s1;
	s1 =	sxor.u32 @p3 $0x80000000, s17  }
0x23d: {  	p4 =	slt.s32 @p3 s3, s1  }
0x23e: {  	p4 =	por !p4, !p3  }
0x23f: {  	s3 =	smov.u32 @p4 s1;
	s1 =	simm.s32 $0x40000000;
	s17 =	spop @p2 (v2sf)  }
0x240: {  	s1 =	smov.u32 @p3 s3;
	s3 =	sxor.u32 @p2 $0x80000000, s17  }
0x241: {  	p3 =	slt.s32 @p2 s1, s3  }
0x242: {  	p3 =	por !p3, !p2  }
0x243: {  	s1 =	smov.u32 @p3 s3;
	s3 =	simm.s32 $0x40000000;
	s17 =	spop @p1 (v2sf)  }
0x244: {  	s3 =	smov.u32 @p2 s1;
	s1 =	sxor.u32 @p1 $0x80000000, s17  }
0x245: {  	p2 =	slt.s32 @p1 s3, s1  }
0x246: {  	p2 =	por !p2, !p1  }
0x247: {  	s3 =	smov.u32 @p2 s1;
	s29 =	spop (v2sf)  }
0x248: {  	s28 =	smov.u32 @p1 s3;
	s1 =	sxor.u32 $0x80000000, s29  }
0x249: {  	p1 =	slt.s32 s28, s1  }
0x24a: {  	s1 =	smov.u32 @p1 s28;
	p1 =	sne.s32 s9, $0x1  }
.Ltmp35:
0x24b: {  	_ = 	snop;
	(pc) =	sbr.rel @!p1 .LBB2_55-.Ltmp35, $4  }
0x24c: {  	_ = 	snop  }
0x24d: {  	s3 =	simm.s32 $0x19F80  }
0x24e: {  	v7 =	vld [tilespmem:s3+$0x0];
	v5 =	vmov s1;
	s1 =	simm.s32 $0x19B80  }
0x24f: {  	v6 =	vld [tilespmem:s1+$0x0]  }
.LBB2_54:
0x250: {  	p1 =	sne.s32 s12, $0x1;
	_ =	sdelay $0x3  }
0x251: {  	vm0 =	veq.f32 v6, v4;
	vm1 =	veq.s32 v7, v5  }
.Ltmp36:
0x252: {  	vm0 =	vmand vm0, vm1;
	(pc) =	sbr.rel @p1 .LBB2_54-.Ltmp36, $4  }
0x253: {  	v6 =	vsel vm0, $0x7F800000, v6  }
0x254: {  	[tilespmem:s1+$0x0] =	vst v6;
	s1 =	sadd.s32 $0x10, s1  }
0x255: {  	s3 =	sadd.s32 $0x10, s3;
	v6 =	vld [tilespmem:s1+$0x0]  }
0x256: {  	s12 =	sadd.s32 $0xFFFFFFFF, s12;
	v7 =	vld [tilespmem:s3+$0x0]  }
.LBB2_55:
0x257: {  	_ =	sdelay $0x2  }
.Ltmp37:
0x258: {  	_ = 	snop;
	(pc) =	sbr.rel .LBB2_56-.Ltmp37, $4  }
0x259: {  	vm0 =	veq.f32 v6, v4;
	vm1 =	veq.s32 v7, v5  }
0x25a: {  	vm0 =	vmand vm0, vm1  }
0x25b: {  	v4 =	vsel vm0, $0x7F800000, v6  }
0x25c: {  	[tilespmem:s1+$0x0] =	vst v4  }
.LBB2_34:
.Ltmp38:
0x25d: {  	(pc) =	sbr.rel .LBB2_42-.Ltmp38, $2  }
0x25e: {  	_ =	sdelay $0x2  }
0x25f: {  	s1 =	simm.f32 $+Inf  }
.LBB2_43:
.Ltmp39:
0x260: {  	(pc) =	sbr.rel .LBB2_53-.Ltmp39, $2  }
0x261: {  	_ =	sdelay $0x2  }
0x262: {  	s1 =	simm.s32 $0x40000000  }
.LBB2_36:
.Ltmp40:
0x263: {  	(pc) =	sbr.rel .LBB2_42-.Ltmp40, $2  }
0x264: {  	_ =	sdelay $0x2  }
0x265: {  	s1 =	simm.f32 $+Inf  }
.LBB2_45:
.Ltmp41:
0x266: {  	(pc) =	sbr.rel .LBB2_53-.Ltmp41, $2  }
0x267: {  	_ =	sdelay $0x2  }
0x268: {  	s1 =	simm.s32 $0x40000000  }
.LBB2_38:
.Ltmp42:
0x269: {  	(pc) =	sbr.rel .LBB2_42-.Ltmp42, $2  }
0x26a: {  	_ =	sdelay $0x2  }
0x26b: {  	s1 =	simm.f32 $+Inf  }
.LBB2_47:
.Ltmp43:
0x26c: {  	(pc) =	sbr.rel .LBB2_53-.Ltmp43, $2  }
0x26d: {  	_ =	sdelay $0x2  }
0x26e: {  	s1 =	simm.s32 $0x40000000  }
.LBB2_40:
.Ltmp44:
0x26f: {  	(pc) =	sbr.rel .LBB2_42-.Ltmp44, $2  }
0x270: {  	_ =	sdelay $0x2  }
0x271: {  	s1 =	simm.f32 $+Inf  }
.LBB2_49:
.Ltmp45:
0x272: {  	(pc) =	sbr.rel .LBB2_53-.Ltmp45, $2  }
0x273: {  	_ =	sdelay $0x3  }
0x274: {  	s1 =	simm.s32 $0x40000000  }
.LBB2_51:
.Ltmp46:
0x275: {  	(pc) =	sbr.rel .LBB2_53-.Ltmp46, $2  }
0x276: {  	_ =	sdelay $0x2  }
0x277: {  	s1 =	simm.s32 $0x40000000  }
.LBB2_11:
.Ltmp47:
0x278: {  	(pc) =	sbr.rel .LBB2_14-.Ltmp47, $2  }
0x279: {  	_ =	sdelay $0x2  }
0x27a: {  	_ = 	snop  }
.LBB2_22:
.Ltmp48:
0x27b: {  	(pc) =	sbr.rel .LBB2_27-.Ltmp48, $2  }
0x27c: {  	_ =	sdelay $0x2  }
0x27d: {  	v4 =	vimm.s32 $0x0;
	v6 =	vimm.s32 $0x0;
	v5 =	vimm.s32 $0x0  }
.LBB2_24:
.Ltmp49:
0x27e: {  	(pc) =	sbr.rel .LBB2_27-.Ltmp49, $2  }
0x27f: {  	_ =	sdelay $0x2  }
0x280: {  	v8 =	vmov v7;
	v6 =	vmov v7;
	v5 =	vmov v4  }
.LBB2_60:
0x281: {  	_ =	sfence.sel $0x180000  }
0x282: {  	[bflag:$0x0] =	sbarrier.arrive $0xFFFF  }
0x283: {  	_ =	strace $0x90000047  }
0x284: {  	s0 =	stileid.u32;
	[bflag:$0x2] =	sbarrier.arrive $0xFFFF  }
0x285: {  	p0 =	sne.s32 s0, $0x0;
	s0 =	rddreg [dreg:$0x3]  }
0x286: {  	s0 =	sadd.s32 @!p0 $0x100000, s0  }
0x287: {  	[sflag:s0] =	ssyncadd.tile.s32 @!p0 $0x1;
	_ =	shalt  }
.Lfunc_end2:
_tile_overlayer_lowered:
.L_overlay_start_2:
0x288: {  	(tag) =	ssettag $0x2  }
0x289: {  	s0 =	rddreg [dreg:$0x0];
	s2 =	stileid.u32  }
0x28a: {  	s1 =	rddreg [dreg:$0x1];
	p0 =	sne.s32 s2, $0x0  }
0x28b: {  	s3 =	rddreg [dreg:$0x2];
	[bflag:$0x3] =	sbarrier.arrive $0xFFFF;
	s2 =	simm.s32 @!p0 $0x1C01  }
0x28c: {  	[timem:s3], [sflag:s2] =	dma.local @!p0 [hbm:s0], s1  }
0x28d: {  	s0 =	simm.s32 @!p0 $0x1  }
0x28e: {  	_ =	swait.ge @!p0 [sflag:s0], s1  }
0x28f: {  	s1 =	ssub.s32 @!p0 $0x0, s1;
	[sflag:s0] =	ssyncset.done @!p0 $0x0  }
0x290: {  	[sflag:s0] =	ssyncadd.s32 @!p0 s1  }
0x291: {  	[bflag:$0x3] =	sbarrier.arrive $0xFFFF  }
0x292: {  	_ =	shalt  }

</sc_bundles>
